<compile_context>
chip_gen: v7x
topology: tpu7x:2x2x1
jax: 0.10.2.dev20260603
libtpu: 0.0.44.dev20260713+nightly
codegen_flags: <defaults>
</compile_context>

<pallas_src>
import functools

import jax
import jax.numpy as jnp
import numpy as np
from jax import lax
from jax.experimental import pallas as pl
from jax.experimental.pallas import tpu as pltpu
from jax.experimental.pallas import tpu_sc as plsc

_PI = np.empty(128, np.int32)
for _g in range(4):
    for _i in range(16):
        _PI[32 * _g + _i] = 16 * _g + _i
        _PI[32 * _g + 16 + _i] = 64 + 16 * _g + _i

_N = 10000
_E = 320000
_D = 128
_H = 128
_ED = 16

_NC = 2
_NS = 16
_NW = _NC * _NS
_EPW = _E // _NW
_EK = 16
_NCHUNK = _EPW // _EK
_NBUF = 5
_NGRP = _NCHUNK // _NBUF
_LOOK = 4
_RPT = 624
_RTAIL = _N - _NS * _RPT



def _lin_body(x_ref, w_ref, b_ref, o_ref, *, act):
    y = jnp.dot(x_ref[...], w_ref[...], preferred_element_type=jnp.float32)
    y = y + b_ref[...]
    if act == "relu":
        y = jnp.maximum(y, 0.0)
    if act == "pack_i32":
        bu = lax.bitcast_convert_type(y, jnp.uint32)
        r = (bu + jnp.uint32(0x7FFF)
             + ((bu >> jnp.uint32(16)) & jnp.uint32(1))) >> jnp.uint32(16)
        w = (r[:, :_H // 2] & jnp.uint32(0xFFFF)) | (r[:, _H // 2:]
                                                     << jnp.uint32(16))
        y = lax.bitcast_convert_type(w, jnp.int32)
    o_ref[...] = y


def _linear(x, w, b, act, block_rows):
    rows, din = x.shape
    dout = w.shape[1]
    grid = rows // block_rows
    odt = jnp.int32 if act == "pack_i32" else jnp.float32
    odout = dout // 2 if act == "pack_i32" else dout
    return pl.pallas_call(
        functools.partial(_lin_body, act=act),
        grid=(grid,),
        in_specs=[
            pl.BlockSpec((block_rows, din), lambda i: (i, 0)),
            pl.BlockSpec((din, dout), lambda i: (0, 0)),
            pl.BlockSpec((1, dout), lambda i: (0, 0)),
        ],
        out_specs=pl.BlockSpec((block_rows, odout), lambda i: (i, 0)),
        out_shape=jax.ShapeDtypeStruct((rows, odout), odt),
    )(x, w, b.reshape(1, dout))


def _mlp_body(s_ref, h_ref, a_ref, w1_ref, b1_ref, w2_ref, b2_ref, o_ref):
    h = s_ref[0, 0] * h_ref[...] + a_ref[0] + a_ref[1]
    t = jnp.dot(h, w1_ref[...], preferred_element_type=jnp.float32) + b1_ref[...]
    t = jnp.maximum(t, 0.0)
    y = jnp.dot(t, w2_ref[...], preferred_element_type=jnp.float32) + b2_ref[...]
    o_ref[...] = jnp.where(y >= 0.0, y, 0.01 * y)


def _gine_mlp_leaky(scale, h, agg, w1, b1, w2, b2, block_rows=2000):
    grid = _N // block_rows
    return pl.pallas_call(
        _mlp_body,
        grid=(grid,),
        in_specs=[
            pl.BlockSpec(memory_space=pltpu.SMEM),
            pl.BlockSpec((block_rows, _H), lambda i: (i, 0)),
            pl.BlockSpec((_NC, block_rows, _H), lambda i: (0, i, 0)),
            pl.BlockSpec((_H, _H), lambda i: (0, 0)),
            pl.BlockSpec((1, _H), lambda i: (0, 0)),
            pl.BlockSpec((_H, _H), lambda i: (0, 0)),
            pl.BlockSpec((1, _H), lambda i: (0, 0)),
        ],
        out_specs=pl.BlockSpec((block_rows, _H), lambda i: (i, 0)),
        out_shape=jax.ShapeDtypeStruct((_N, _H), jnp.float32),
    )(scale, h, agg, w1, b1.reshape(1, _H), w2, b2.reshape(1, _H))


def _final_body(s_ref, h_ref, a_ref, w1_ref, b1_ref, w2_ref, b2_ref,
                pw1_ref, pb1_ref, pw2_ref, pb2_ref, o1_ref, o2_ref):
    h = s_ref[0, 0] * h_ref[...] + a_ref[0] + a_ref[1]
    t = jnp.dot(h, w1_ref[...], preferred_element_type=jnp.float32) + b1_ref[...]
    t = jnp.maximum(t, 0.0)
    oc = jnp.dot(t, w2_ref[...], preferred_element_type=jnp.float32) + b2_ref[...]
    o1_ref[...] = oc
    t2 = jnp.dot(oc, pw1_ref[...], preferred_element_type=jnp.float32) + pb1_ref[...]
    t2 = jnp.maximum(t2, 0.0)
    o2_ref[...] = jnp.dot(t2, pw2_ref[...], preferred_element_type=jnp.float32) + pb2_ref[...]


def _final_stage(scale, h, agg, w1, b1, w2, b2, pw1, pb1, pw2, pb2,
                 block_rows=2000):
    grid = _N // block_rows
    wspec = pl.BlockSpec((_H, _H), lambda i: (0, 0))
    bspec = pl.BlockSpec((1, _H), lambda i: (0, 0))
    return pl.pallas_call(
        _final_body,
        grid=(grid,),
        in_specs=[
            pl.BlockSpec(memory_space=pltpu.SMEM),
            pl.BlockSpec((block_rows, _H), lambda i: (i, 0)),
            pl.BlockSpec((_NC, block_rows, _H), lambda i: (0, i, 0)),
            wspec, bspec, wspec, bspec, wspec, bspec, wspec, bspec,
        ],
        out_specs=[
            pl.BlockSpec((block_rows, _H), lambda i: (i, 0)),
            pl.BlockSpec((block_rows, _H), lambda i: (i, 0)),
        ],
        out_shape=[
            jax.ShapeDtypeStruct((_N, _H), jnp.float32),
            jax.ShapeDtypeStruct((_N, _H), jnp.float32),
        ],
    )(scale, h, agg, w1, b1.reshape(1, _H), w2, b2.reshape(1, _H),
      pw1, pb1.reshape(1, _H), pw2, pb2.reshape(1, _H))



def _sc_agg_body(h_hbm, emb_hbm, src_hbm, dst_hbm, z_hbm, out_hbm,
                 src_all, dst_all, rows_v, emb_v, accum, *sems):
    gsems = sems[0:_NBUF]
    esems = sems[_NBUF:2 * _NBUF]
    ssems = sems[2 * _NBUF:3 * _NBUF]
    cid = lax.axis_index("c")
    sid = lax.axis_index("s")
    wid = sid * _NC + cid

    row0 = pl.multiple_of(sid * _RPT, 8)
    ebase = pl.multiple_of(wid * _EPW, 8)

    pltpu.sync_copy(z_hbm.at[pl.ds(row0, _RPT)], accum.at[pl.ds(row0, _RPT)])

    @pl.when(sid == _NS - 1)
    def _zero_tail():
        pltpu.sync_copy(z_hbm.at[pl.ds(_NS * _RPT, _RTAIL)],
                        accum.at[pl.ds(_NS * _RPT, _RTAIL)])

    pltpu.sync_copy(src_hbm.at[pl.ds(ebase, _EPW)], src_all)
    pltpu.sync_copy(dst_hbm.at[pl.ds(ebase, _EPW)], dst_all)
    plsc.subcore_barrier()

    def issue(i, b):
        idx = src_all.at[pl.ds(pl.multiple_of(i * _EK, 8), _EK)]
        pltpu.async_copy(h_hbm.at[idx], rows_v.at[b], gsems[b])
        eoff = pl.multiple_of(wid * _EPW + i * _EK, 8)
        pltpu.async_copy(emb_hbm.at[pl.ds(eoff, _EK)], emb_v[b], esems[b])

    def wait_in(b):
        pltpu.make_async_copy(h_hbm.at[src_all.at[pl.ds(0, _EK)]],
                              rows_v.at[b], gsems[b]).wait()
        pltpu.make_async_copy(emb_hbm.at[pl.ds(0, _EK)], emb_v[b],
                              esems[b]).wait()

    def didx(i):
        return dst_all.at[pl.ds(pl.multiple_of(i * _EK, 8), _EK)]

    def wait_s(b):
        pltpu.make_async_copy(rows_v.at[b], accum.at[didx(0)],
                              ssems[b]).wait()

    for b in range(_LOOK):
        issue(b, b)

    def group(k, carry):
        for b in range(_NBUF):
            i = k * _NBUF + b
            wait_in(b)

            def edge(j, c, _b=b):
                for g in range(_H // 32):
                    ei = emb_v[_b][j, pl.ds(g * 16, 16)]
                    lof = plsc.bitcast(ei << 16, jnp.float32)
                    hif = plsc.bitcast(ei & jnp.int32(-65536), jnp.float32)
                    sl_lo = pl.ds(g * 32, 16)
                    sl_hi = pl.ds(g * 32 + 16, 16)
                    rows_v[_b, j, sl_lo] = jnp.maximum(
                        rows_v[_b, j, sl_lo] + lof, 0.0)
                    rows_v[_b, j, sl_hi] = jnp.maximum(
                        rows_v[_b, j, sl_hi] + hif, 0.0)
                return c

            lax.fori_loop(0, _EK, edge, 0)
            pltpu.async_copy(rows_v.at[b], accum.at[didx(i)],
                             ssems[b], add=True)

            bj = (b + _LOOK) % _NBUF
            if b < _NBUF - _LOOK:
                @pl.when(k > 0)
                def _drain(_bj=bj):
                    wait_s(_bj)

                issue(i + _LOOK, bj)
            else:
                wait_s(bj)

                @pl.when(k < _NGRP - 1)
                def _refill(_i=i, _bj=bj):
                    issue(_i + _LOOK, _bj)
        return carry

    lax.fori_loop(0, _NGRP, group, 0)
    for b in range(_LOOK, _NBUF):
        wait_s(b)
    plsc.subcore_barrier()

    pltpu.sync_copy(accum.at[pl.ds(row0, _RPT)],
                    out_hbm.at[cid, pl.ds(row0, _RPT)])

    @pl.when(sid == _NS - 1)
    def _out_tail():
        pltpu.sync_copy(accum.at[pl.ds(_NS * _RPT, _RTAIL)],
                        out_hbm.at[cid, pl.ds(_NS * _RPT, _RTAIL)])


def _sc_agg(h, emb, src, dst):
    mesh = plsc.VectorSubcoreMesh(core_axis_name="c", subcore_axis_name="s",
                                  num_cores=_NC, num_subcores=_NS)
    zeros = jnp.zeros((_N, _H), jnp.float32)
    run = pl.kernel(
        _sc_agg_body,
        out_type=jax.ShapeDtypeStruct((_NC, _N, _H), jnp.float32),
        mesh=mesh,
        compiler_params=pltpu.CompilerParams(needs_layout_passes=False),
        scratch_types=[
            pltpu.VMEM((_EPW,), jnp.int32),
            pltpu.VMEM((_EPW,), jnp.int32),
            pltpu.VMEM((_NBUF, _EK, _H), jnp.float32),
            [pltpu.VMEM((_EK, _H // 2), jnp.int32) for _ in range(_NBUF)],
            pltpu.VMEM_SHARED((_N, _H), jnp.float32),
        ] + [pltpu.SemaphoreType.DMA] * (3 * _NBUF),
    )
    return run(h, emb, src, dst, zeros)



def kernel(x_customer, x_article, edge_attr_buys, edge_attr_rev, params,
           edge_index_buys, edge_index_rev):
    p = params
    g1 = p["c1_buys"]
    g2 = p["c2_rev"]

    src1 = edge_index_buys[0].astype(jnp.int32)
    dst1 = edge_index_buys[1].astype(jnp.int32)
    src2 = edge_index_rev[0].astype(jnp.int32)
    dst2 = edge_index_rev[1].astype(jnp.int32)

    pi = jnp.asarray(_PI)
    h_c = _linear(x_customer, p["lin_c_W"][:, pi], p["lin_c_b"][pi],
                  "relu", 2000)
    emb1 = _linear(edge_attr_buys, g1["We"], g1["be"], "pack_i32", 4000)
    emb2 = _linear(edge_attr_rev, g2["We"], g2["be"], "pack_i32", 4000)

    agg1 = _sc_agg(h_c, emb1, src1, dst1)
    s1 = (1.0 + g1["eps"]).reshape(1, 1)
    h_a = _gine_mlp_leaky(s1, h_c, agg1, g1["W1"][pi, :], g1["b1"],
                          g1["W2"][:, pi], g1["b2"][pi])

    agg2 = _sc_agg(h_a, emb2, src2, dst2)
    s2 = (1.0 + g2["eps"]).reshape(1, 1)
    out_c2, proj_c = _final_stage(
        s2, h_a, agg2, g2["W1"][pi, :], g2["b1"], g2["W2"], g2["b2"],
        p["proj_c_W1"], p["proj_c_b1"], p["proj_c_W2"], p["proj_c_b2"])
    return out_c2, proj_c

# --- scband reference (transcript-rebuilt; emitter-appended) ---
"""Pipeline reference for scband-gnnencoder-83056077570937 (READ-ONLY COPY).

The authoritative reference and input builder live on the scoring server;
editing this copy changes nothing except your own understanding.
"""

import jax, jax.numpy as jnp
import numpy as np

N = 10000
E = 320000
D_FEAT = 128
H = 128
EDGE_DIM = 16

def _lin_params(key, din, dout):
    k1, k2 = jax.random.split(key)
    s = 1.0 / np.sqrt(din)
    W = jax.random.uniform(k1, (din, dout), minval=-s, maxval=s, dtype=jnp.float32)
    b = jax.random.uniform(k2, (dout,), minval=-s, maxval=s, dtype=jnp.float32)
    return W, b

def _gine_params(key, din, dout, edge_dim):
    ks = jax.random.split(key, 3)
    We, be = _lin_params(ks[0], edge_dim, dout)
    W1, b1 = _lin_params(ks[1], din, dout)
    W2, b2 = _lin_params(ks[2], dout, dout)
    return {"We": We, "be": be, "W1": W1, "b1": b1, "W2": W2, "b2": b2, "eps": jnp.zeros((), dtype=jnp.float32)}

def _make_params(key):
    ks = jax.random.split(key, 10)
    p = {}
    p["lin_c_W"], p["lin_c_b"] = _lin_params(ks[0], D_FEAT, H)
    p["lin_a_W"], p["lin_a_b"] = _lin_params(ks[1], D_FEAT, H)
    p["c1_buys"] = _gine_params(ks[2], H, H, EDGE_DIM)
    p["c1_rev"] = _gine_params(ks[3], H, H, EDGE_DIM)
    p["c2_buys"] = _gine_params(ks[4], H, H, EDGE_DIM)
    p["c2_rev"] = _gine_params(ks[5], H, H, EDGE_DIM)
    p["proj_c_W1"], p["proj_c_b1"] = _lin_params(ks[6], H, H)
    p["proj_c_W2"], p["proj_c_b2"] = _lin_params(ks[7], H, H)
    p["proj_a_W1"], p["proj_a_b1"] = _lin_params(ks[8], H, H)
    p["proj_a_W2"], p["proj_a_b2"] = _lin_params(ks[9], H, H)
    return p

def setup_inputs(seed: int = 0):
    key = jax.random.key(seed)
    ks = jax.random.split(key, 8)
    x_customer = jax.random.normal(ks[0], (N, D_FEAT), dtype=jnp.float32)
    x_article = jax.random.normal(ks[1], (N, D_FEAT), dtype=jnp.float32)
    edge_index_buys = jax.random.randint(ks[2], (2, E), 0, N)
    edge_attr_buys = jax.random.normal(ks[3], (E, EDGE_DIM), dtype=jnp.float32)
    edge_index_rev = jax.random.randint(ks[4], (2, E), 0, N)
    edge_attr_rev = jax.random.normal(ks[5], (E, EDGE_DIM), dtype=jnp.float32)
    params = _make_params(ks[6])
    return {"x_customer": x_customer, "x_article": x_article, "edge_attr_buys": edge_attr_buys, "edge_attr_rev": edge_attr_rev, "params": params, "edge_index_buys": edge_index_buys, "edge_index_rev": edge_index_rev}

def _gine(x, edge_index, edge_attr, p):
    # GINEConv: out = mlp((1+eps)*x + sum_j relu(x_j + edge_emb_j))
    edge_emb = edge_attr @ p["We"] + p["be"]
    msg = jax.nn.relu(x[edge_index[0]] + edge_emb)
    aggr = jax.ops.segment_sum(msg, edge_index[1], num_segments=x.shape[0])
    h = (1.0 + p["eps"]) * x + aggr
    h = jax.nn.relu(h @ p["W1"] + p["b1"])
    return h @ p["W2"] + p["b2"]

def _proj(x, W1, b1, W2, b2):
    return jax.nn.relu(x @ W1 + b1) @ W2 + b2

def _forward(x_customer, x_article, edge_attr_buys, edge_attr_rev, params, edge_index_buys, edge_index_rev):
    p = params
    h_c = jax.nn.relu(x_customer @ p["lin_c_W"] + p["lin_c_b"])
    h_a = jax.nn.relu(x_article @ p["lin_a_W"] + p["lin_a_b"])
    # conv1: buys (customer -> article), rev_buys (article -> customer); mean over single contribution = identity
    out_a = _gine(h_c, edge_index_buys, edge_attr_buys, p["c1_buys"])
    out_c = _gine(h_a, edge_index_rev, edge_attr_rev, p["c1_rev"])
    h_c = jax.nn.leaky_relu(out_c, negative_slope=0.01)
    h_a = jax.nn.leaky_relu(out_a, negative_slope=0.01)
    # conv2
    out_a2 = _gine(h_c, edge_index_buys, edge_attr_buys, p["c2_buys"])
    out_c2 = _gine(h_a, edge_index_rev, edge_attr_rev, p["c2_rev"])
    proj_c = _proj(out_c2, p["proj_c_W1"], p["proj_c_b1"], p["proj_c_W2"], p["proj_c_b2"])
    proj_a = _proj(out_a2, p["proj_a_W1"], p["proj_a_b1"], p["proj_a_W2"], p["proj_a_b2"])
    return (out_c2, proj_c)

def reference(x_customer, x_article, edge_attr_buys, edge_attr_rev, params, edge_index_buys, edge_index_rev):
    return _forward(x_customer, x_article, edge_attr_buys, edge_attr_rev, params, edge_index_buys, edge_index_rev)

if __name__ == "__main__":
    import jax
    _d = setup_inputs()
    print(jax.jit(kernel)(*tuple(_d.values())))

</pallas_src>

<mosaic_0001>
#map = affine_map<(d0, d1) -> (0, 0)>
#map1 = affine_map<(d0, d1) -> (0)>
#map2 = affine_map<(d0, d1) -> (0, 0, 0)>
module attributes {stable_mosaic.version = 14 : i64} {
  func.func @_sc_agg_body(%arg0: i32, %arg1: i32, %arg2: memref<10000x128xf32, #tpu.memory_space<hbm>>, %arg3: memref<320000x64xi32, #tpu.memory_space<hbm>>, %arg4: memref<320000xi32, #tpu.memory_space<hbm>>, %arg5: memref<320000xi32, #tpu.memory_space<hbm>>, %arg6: memref<10000x128xf32, #tpu.memory_space<hbm>>, %arg7: memref<2x10000x128xf32, #tpu.memory_space<hbm>>, %arg8: memref<10000xi32, #tpu.memory_space<vmem>>, %arg9: memref<10000xi32, #tpu.memory_space<vmem>>, %arg10: memref<5x16x128xf32, #tpu.memory_space<vmem>>, %arg11: memref<16x64xi32, #tpu.memory_space<vmem>>, %arg12: memref<16x64xi32, #tpu.memory_space<vmem>>, %arg13: memref<16x64xi32, #tpu.memory_space<vmem>>, %arg14: memref<16x64xi32, #tpu.memory_space<vmem>>, %arg15: memref<16x64xi32, #tpu.memory_space<vmem>>, %arg16: memref<10000x128xf32, #tpu.memory_space<vmem_shared>>, %arg17: memref<!tpu.dma_semaphore, #tpu.memory_space<semaphore_mem>>, %arg18: memref<!tpu.dma_semaphore, #tpu.memory_space<semaphore_mem>>, %arg19: memref<!tpu.dma_semaphore, #tpu.memory_space<semaphore_mem>>, %arg20: memref<!tpu.dma_semaphore, #tpu.memory_space<semaphore_mem>>, %arg21: memref<!tpu.dma_semaphore, #tpu.memory_space<semaphore_mem>>, %arg22: memref<!tpu.dma_semaphore, #tpu.memory_space<semaphore_mem>>, %arg23: memref<!tpu.dma_semaphore, #tpu.memory_space<semaphore_mem>>, %arg24: memref<!tpu.dma_semaphore, #tpu.memory_space<semaphore_mem>>, %arg25: memref<!tpu.dma_semaphore, #tpu.memory_space<semaphore_mem>>, %arg26: memref<!tpu.dma_semaphore, #tpu.memory_space<semaphore_mem>>, %arg27: memref<!tpu.dma_semaphore, #tpu.memory_space<semaphore_mem>>, %arg28: memref<!tpu.dma_semaphore, #tpu.memory_space<semaphore_mem>>, %arg29: memref<!tpu.dma_semaphore, #tpu.memory_space<semaphore_mem>>, %arg30: memref<!tpu.dma_semaphore, #tpu.memory_space<semaphore_mem>>, %arg31: memref<!tpu.dma_semaphore, #tpu.memory_space<semaphore_mem>>) attributes {dimension_semantics = [#tpu.dimension_semantics<core_parallel>, #tpu.dimension_semantics<subcore_parallel>], iteration_bounds = array<i64: 2, 16>, scalar_prefetch = 0 : i64, scratch_operands = 24 : i64, tpu.core_type = #tpu.core_type<sc_vector_subcore>, window_params = [{transform_indices = #map}, {transform_indices = #map}, {transform_indices = #map1}, {transform_indices = #map1}, {transform_indices = #map}, {transform_indices = #map2}]} {
    %mul3A = arith.constant 2 : i32
    %mul3A_0 = arith.muli %arg1, %mul3A : i32
    %add3A = arith.addi %mul3A_0, %arg0 : i32
    %mul3A_1 = arith.constant 624 : i32
    %mul3A_2 = arith.muli %arg1, %mul3A_1 : i32
    %multiple_of3A = tpu.assume_multiple %mul3A_2, 8 : i32
    %mul3A_3 = arith.constant 10000 : i32
    %mul3A_4 = arith.muli %add3A, %mul3A_3 : i32
    %multiple_of3A_5 = tpu.assume_multiple %mul3A_4, 8 : i32
    "tpu.region"() ({
      %run_scoped3A = tpu.sem_alloc : memref<!tpu.dma_semaphore, #tpu.memory_space<semaphore_mem>>
      %dma_start3A_108 = arith.constant 0 : i32
      %dma_start3A_109 = tpu.memref_slice %arg16[%multiple_of3A, %dma_start3A_108] : memref<10000x128xf32, #tpu.memory_space<vmem_shared>> -> memref<624x128xf32, #tpu.memory_space<vmem_shared>>
      %dma_start3A_110 = arith.constant 0 : i32
      %dma_start3A_111 = tpu.memref_slice %arg6[%multiple_of3A, %dma_start3A_110] : memref<10000x128xf32, #tpu.memory_space<hbm>> -> memref<624x128xf32, #tpu.memory_space<hbm>>
      tpu.enqueue_dma source(%dma_start3A_111 : memref<624x128xf32, #tpu.memory_space<hbm>>) target(%dma_start3A_109 : memref<624x128xf32, #tpu.memory_space<vmem_shared>>) target_semaphore(%run_scoped3A : memref<!tpu.dma_semaphore, #tpu.memory_space<semaphore_mem>>)
      %dma_wait3A_112 = arith.constant 0 : i32
      %dma_wait3A_113 = tpu.memref_slice %arg16[%multiple_of3A, %dma_wait3A_112] : memref<10000x128xf32, #tpu.memory_space<vmem_shared>> -> memref<624x128xf32, #tpu.memory_space<vmem_shared>>
      %dma_wait3A_114 = arith.constant 0 : i32
      %dma_wait3A_115 = tpu.memref_slice %arg6[%multiple_of3A, %dma_wait3A_114] : memref<10000x128xf32, #tpu.memory_space<hbm>> -> memref<624x128xf32, #tpu.memory_space<hbm>>
      tpu.wait_dma2 semaphore(%run_scoped3A : memref<!tpu.dma_semaphore, #tpu.memory_space<semaphore_mem>>) src(%dma_wait3A_115 : memref<624x128xf32, #tpu.memory_space<hbm>>) dst(%dma_wait3A_113 : memref<624x128xf32, #tpu.memory_space<vmem_shared>>)
      tpu.yield
    }) : () -> ()
    %eq3A = arith.constant 15 : i32
    %eq3A_6 = arith.cmpi eq, %arg1, %eq3A : i32
    %convert_element_type3A = arith.extui %eq3A_6 : i1 to i32
    %cond3A = arith.constant 0 : i32
    %cond3A_7 = arith.cmpi ne, %convert_element_type3A, %cond3A : i32
    scf.if %cond3A_7 {
      "tpu.region"() ({
        %run_scoped3A = tpu.sem_alloc : memref<!tpu.dma_semaphore, #tpu.memory_space<semaphore_mem>>
        %dma_start3A_108 = arith.constant 9984 : i32
        %dma_start3A_109 = arith.constant 0 : i32
        %dma_start3A_110 = tpu.memref_slice %arg16[%dma_start3A_108, %dma_start3A_109] : memref<10000x128xf32, #tpu.memory_space<vmem_shared>> -> memref<16x128xf32, #tpu.memory_space<vmem_shared>>
        %dma_start3A_111 = arith.constant 9984 : i32
        %dma_start3A_112 = arith.constant 0 : i32
        %dma_start3A_113 = tpu.memref_slice %arg6[%dma_start3A_111, %dma_start3A_112] : memref<10000x128xf32, #tpu.memory_space<hbm>> -> memref<16x128xf32, #tpu.memory_space<hbm>>
        tpu.enqueue_dma source(%dma_start3A_113 : memref<16x128xf32, #tpu.memory_space<hbm>>) target(%dma_start3A_110 : memref<16x128xf32, #tpu.memory_space<vmem_shared>>) target_semaphore(%run_scoped3A : memref<!tpu.dma_semaphore, #tpu.memory_space<semaphore_mem>>)
        %dma_wait3A_114 = arith.constant 9984 : i32
        %dma_wait3A_115 = arith.constant 0 : i32
        %dma_wait3A_116 = tpu.memref_slice %arg16[%dma_wait3A_114, %dma_wait3A_115] : memref<10000x128xf32, #tpu.memory_space<vmem_shared>> -> memref<16x128xf32, #tpu.memory_space<vmem_shared>>
        %dma_wait3A_117 = arith.constant 9984 : i32
        %dma_wait3A_118 = arith.constant 0 : i32
        %dma_wait3A_119 = tpu.memref_slice %arg6[%dma_wait3A_117, %dma_wait3A_118] : memref<10000x128xf32, #tpu.memory_space<hbm>> -> memref<16x128xf32, #tpu.memory_space<hbm>>
        tpu.wait_dma2 semaphore(%run_scoped3A : memref<!tpu.dma_semaphore, #tpu.memory_space<semaphore_mem>>) src(%dma_wait3A_119 : memref<16x128xf32, #tpu.memory_space<hbm>>) dst(%dma_wait3A_116 : memref<16x128xf32, #tpu.memory_space<vmem_shared>>)
        tpu.yield
      }) : () -> ()
    } else {
    }
    "tpu.region"() ({
      %run_scoped3A = tpu.sem_alloc : memref<!tpu.dma_semaphore, #tpu.memory_space<semaphore_mem>>
      %dma_start3A_108 = tpu.memref_slice %arg4[%multiple_of3A_5] : memref<320000xi32, #tpu.memory_space<hbm>> -> memref<10000xi32, #tpu.memory_space<hbm>>
      %dma_start3A_109 = tpu.memref_slice %arg4[%multiple_of3A_5] : memref<320000xi32, #tpu.memory_space<hbm>> -> memref<10000xi32, #tpu.memory_space<hbm>>
      tpu.enqueue_dma source(%dma_start3A_109 : memref<10000xi32, #tpu.memory_space<hbm>>) target(%arg8 : memref<10000xi32, #tpu.memory_space<vmem>>) target_semaphore(%run_scoped3A : memref<!tpu.dma_semaphore, #tpu.memory_space<semaphore_mem>>)
      %dma_wait3A_110 = tpu.memref_slice %arg4[%multiple_of3A_5] : memref<320000xi32, #tpu.memory_space<hbm>> -> memref<10000xi32, #tpu.memory_space<hbm>>
      %dma_wait3A_111 = tpu.memref_slice %arg4[%multiple_of3A_5] : memref<320000xi32, #tpu.memory_space<hbm>> -> memref<10000xi32, #tpu.memory_space<hbm>>
      tpu.wait_dma2 semaphore(%run_scoped3A : memref<!tpu.dma_semaphore, #tpu.memory_space<semaphore_mem>>) src(%dma_wait3A_111 : memref<10000xi32, #tpu.memory_space<hbm>>) dst(%arg8 : memref<10000xi32, #tpu.memory_space<vmem>>)
      tpu.yield
    }) : () -> ()
    "tpu.region"() ({
      %run_scoped3A = tpu.sem_alloc : memref<!tpu.dma_semaphore, #tpu.memory_space<semaphore_mem>>
      %dma_start3A_108 = tpu.memref_slice %arg5[%multiple_of3A_5] : memref<320000xi32, #tpu.memory_space<hbm>> -> memref<10000xi32, #tpu.memory_space<hbm>>
      %dma_start3A_109 = tpu.memref_slice %arg5[%multiple_of3A_5] : memref<320000xi32, #tpu.memory_space<hbm>> -> memref<10000xi32, #tpu.memory_space<hbm>>
      tpu.enqueue_dma source(%dma_start3A_109 : memref<10000xi32, #tpu.memory_space<hbm>>) target(%arg9 : memref<10000xi32, #tpu.memory_space<vmem>>) target_semaphore(%run_scoped3A : memref<!tpu.dma_semaphore, #tpu.memory_space<semaphore_mem>>)
      %dma_wait3A_110 = tpu.memref_slice %arg5[%multiple_of3A_5] : memref<320000xi32, #tpu.memory_space<hbm>> -> memref<10000xi32, #tpu.memory_space<hbm>>
      %dma_wait3A_111 = tpu.memref_slice %arg5[%multiple_of3A_5] : memref<320000xi32, #tpu.memory_space<hbm>> -> memref<10000xi32, #tpu.memory_space<hbm>>
      tpu.wait_dma2 semaphore(%run_scoped3A : memref<!tpu.dma_semaphore, #tpu.memory_space<semaphore_mem>>) src(%dma_wait3A_111 : memref<10000xi32, #tpu.memory_space<hbm>>) dst(%arg9 : memref<10000xi32, #tpu.memory_space<vmem>>)
      tpu.yield
    }) : () -> ()
    %barrier3A = arith.constant 0 : index
    tpu.barrier barrier_id(%barrier3A)
    %multiple_of3A_8 = arith.constant 0 : i32
    %multiple_of3A_9 = tpu.assume_multiple %multiple_of3A_8, 8 : i32
    %dma_start3A = arith.constant 0 : i32
    %dma_start3A_10 = arith.constant 0 : i32
    %dma_start3A_11 = arith.constant 0 : i32
    %dma_start3A_12 = tpu.memref_slice %arg10[%dma_start3A, %dma_start3A_10, %dma_start3A_11] : memref<5x16x128xf32, #tpu.memory_space<vmem>> -> memref<1x16x128xf32, #tpu.memory_space<vmem>>
    %dma_start3A_13 = tpu.memref_squeeze %dma_start3A_12 : memref<1x16x128xf32, #tpu.memory_space<vmem>> -> memref<16x128xf32, #tpu.memory_space<vmem>>
    %dma_start3A_14 = tpu.memref_slice %arg8[%multiple_of3A_9] : memref<10000xi32, #tpu.memory_space<vmem>> -> memref<16xi32, #tpu.memory_space<vmem>>
    %dma_start3A_15 = arith.constant 0 : i32
    %dma_start3A_16 = arith.constant 0 : i32
    %dma_start3A_17 = tpu.memref_slice %arg2[%dma_start3A_15, %dma_start3A_16] : memref<10000x128xf32, #tpu.memory_space<hbm>> -> memref<10000x128xf32, #tpu.memory_space<hbm>>
    tpu.enqueue_indirect_dma source(%dma_start3A_17 : memref<10000x128xf32, #tpu.memory_space<hbm>>) target(%dma_start3A_13 : memref<16x128xf32, #tpu.memory_space<vmem>>) offsets(%dma_start3A_14 : memref<16xi32, #tpu.memory_space<vmem>>) semaphore(%arg17 : memref<!tpu.dma_semaphore, #tpu.memory_space<semaphore_mem>>)
    %mul3A_18 = arith.constant 10000 : i32
    %mul3A_19 = arith.muli %add3A, %mul3A_18 : i32
    %add3A_20 = arith.constant 0 : i32
    %add3A_21 = arith.addi %mul3A_19, %add3A_20 : i32
    %multiple_of3A_22 = tpu.assume_multiple %add3A_21, 8 : i32
    %dma_start3A_23 = arith.constant 0 : i32
    %dma_start3A_24 = tpu.memref_slice %arg3[%multiple_of3A_22, %dma_start3A_23] : memref<320000x64xi32, #tpu.memory_space<hbm>> -> memref<16x64xi32, #tpu.memory_space<hbm>>
    %dma_start3A_25 = arith.constant 0 : i32
    %dma_start3A_26 = tpu.memref_slice %arg3[%multiple_of3A_22, %dma_start3A_25] : memref<320000x64xi32, #tpu.memory_space<hbm>> -> memref<16x64xi32, #tpu.memory_space<hbm>>
    tpu.enqueue_dma source(%dma_start3A_26 : memref<16x64xi32, #tpu.memory_space<hbm>>) target(%arg11 : memref<16x64xi32, #tpu.memory_space<vmem>>) target_semaphore(%arg22 : memref<!tpu.dma_semaphore, #tpu.memory_space<semaphore_mem>>)
    %multiple_of3A_27 = arith.constant 16 : i32
    %multiple_of3A_28 = tpu.assume_multiple %multiple_of3A_27, 8 : i32
    %dma_start3A_29 = arith.constant 1 : i32
    %dma_start3A_30 = arith.constant 0 : i32
    %dma_start3A_31 = arith.constant 0 : i32
    %dma_start3A_32 = tpu.memref_slice %arg10[%dma_start3A_29, %dma_start3A_30, %dma_start3A_31] : memref<5x16x128xf32, #tpu.memory_space<vmem>> -> memref<1x16x128xf32, #tpu.memory_space<vmem>>
    %dma_start3A_33 = tpu.memref_squeeze %dma_start3A_32 : memref<1x16x128xf32, #tpu.memory_space<vmem>> -> memref<16x128xf32, #tpu.memory_space<vmem>>
    %dma_start3A_34 = tpu.memref_slice %arg8[%multiple_of3A_28] : memref<10000xi32, #tpu.memory_space<vmem>> -> memref<16xi32, #tpu.memory_space<vmem>>
    %dma_start3A_35 = arith.constant 0 : i32
    %dma_start3A_36 = arith.constant 0 : i32
    %dma_start3A_37 = tpu.memref_slice %arg2[%dma_start3A_35, %dma_start3A_36] : memref<10000x128xf32, #tpu.memory_space<hbm>> -> memref<10000x128xf32, #tpu.memory_space<hbm>>
    tpu.enqueue_indirect_dma source(%dma_start3A_37 : memref<10000x128xf32, #tpu.memory_space<hbm>>) target(%dma_start3A_33 : memref<16x128xf32, #tpu.memory_space<vmem>>) offsets(%dma_start3A_34 : memref<16xi32, #tpu.memory_space<vmem>>) semaphore(%arg18 : memref<!tpu.dma_semaphore, #tpu.memory_space<semaphore_mem>>)
    %mul3A_38 = arith.constant 10000 : i32
    %mul3A_39 = arith.muli %add3A, %mul3A_38 : i32
    %add3A_40 = arith.constant 16 : i32
    %add3A_41 = arith.addi %mul3A_39, %add3A_40 : i32
    %multiple_of3A_42 = tpu.assume_multiple %add3A_41, 8 : i32
    %dma_start3A_43 = arith.constant 0 : i32
    %dma_start3A_44 = tpu.memref_slice %arg3[%multiple_of3A_42, %dma_start3A_43] : memref<320000x64xi32, #tpu.memory_space<hbm>> -> memref<16x64xi32, #tpu.memory_space<hbm>>
    %dma_start3A_45 = arith.constant 0 : i32
    %dma_start3A_46 = tpu.memref_slice %arg3[%multiple_of3A_42, %dma_start3A_45] : memref<320000x64xi32, #tpu.memory_space<hbm>> -> memref<16x64xi32, #tpu.memory_space<hbm>>
    tpu.enqueue_dma source(%dma_start3A_46 : memref<16x64xi32, #tpu.memory_space<hbm>>) target(%arg12 : memref<16x64xi32, #tpu.memory_space<vmem>>) target_semaphore(%arg23 : memref<!tpu.dma_semaphore, #tpu.memory_space<semaphore_mem>>)
    %multiple_of3A_47 = arith.constant 32 : i32
    %multiple_of3A_48 = tpu.assume_multiple %multiple_of3A_47, 8 : i32
    %dma_start3A_49 = arith.constant 2 : i32
    %dma_start3A_50 = arith.constant 0 : i32
    %dma_start3A_51 = arith.constant 0 : i32
    %dma_start3A_52 = tpu.memref_slice %arg10[%dma_start3A_49, %dma_start3A_50, %dma_start3A_51] : memref<5x16x128xf32, #tpu.memory_space<vmem>> -> memref<1x16x128xf32, #tpu.memory_space<vmem>>
    %dma_start3A_53 = tpu.memref_squeeze %dma_start3A_52 : memref<1x16x128xf32, #tpu.memory_space<vmem>> -> memref<16x128xf32, #tpu.memory_space<vmem>>
    %dma_start3A_54 = tpu.memref_slice %arg8[%multiple_of3A_48] : memref<10000xi32, #tpu.memory_space<vmem>> -> memref<16xi32, #tpu.memory_space<vmem>>
    %dma_start3A_55 = arith.constant 0 : i32
    %dma_start3A_56 = arith.constant 0 : i32
    %dma_start3A_57 = tpu.memref_slice %arg2[%dma_start3A_55, %dma_start3A_56] : memref<10000x128xf32, #tpu.memory_space<hbm>> -> memref<10000x128xf32, #tpu.memory_space<hbm>>
    tpu.enqueue_indirect_dma source(%dma_start3A_57 : memref<10000x128xf32, #tpu.memory_space<hbm>>) target(%dma_start3A_53 : memref<16x128xf32, #tpu.memory_space<vmem>>) offsets(%dma_start3A_54 : memref<16xi32, #tpu.memory_space<vmem>>) semaphore(%arg19 : memref<!tpu.dma_semaphore, #tpu.memory_space<semaphore_mem>>)
    %mul3A_58 = arith.constant 10000 : i32
    %mul3A_59 = arith.muli %add3A, %mul3A_58 : i32
    %add3A_60 = arith.constant 32 : i32
    %add3A_61 = arith.addi %mul3A_59, %add3A_60 : i32
    %multiple_of3A_62 = tpu.assume_multiple %add3A_61, 8 : i32
    %dma_start3A_63 = arith.constant 0 : i32
    %dma_start3A_64 = tpu.memref_slice %arg3[%multiple_of3A_62, %dma_start3A_63] : memref<320000x64xi32, #tpu.memory_space<hbm>> -> memref<16x64xi32, #tpu.memory_space<hbm>>
    %dma_start3A_65 = arith.constant 0 : i32
    %dma_start3A_66 = tpu.memref_slice %arg3[%multiple_of3A_62, %dma_start3A_65] : memref<320000x64xi32, #tpu.memory_space<hbm>> -> memref<16x64xi32, #tpu.memory_space<hbm>>
    tpu.enqueue_dma source(%dma_start3A_66 : memref<16x64xi32, #tpu.memory_space<hbm>>) target(%arg13 : memref<16x64xi32, #tpu.memory_space<vmem>>) target_semaphore(%arg24 : memref<!tpu.dma_semaphore, #tpu.memory_space<semaphore_mem>>)
    %multiple_of3A_67 = arith.constant 48 : i32
    %multiple_of3A_68 = tpu.assume_multiple %multiple_of3A_67, 8 : i32
    %dma_start3A_69 = arith.constant 3 : i32
    %dma_start3A_70 = arith.constant 0 : i32
    %dma_start3A_71 = arith.constant 0 : i32
    %dma_start3A_72 = tpu.memref_slice %arg10[%dma_start3A_69, %dma_start3A_70, %dma_start3A_71] : memref<5x16x128xf32, #tpu.memory_space<vmem>> -> memref<1x16x128xf32, #tpu.memory_space<vmem>>
    %dma_start3A_73 = tpu.memref_squeeze %dma_start3A_72 : memref<1x16x128xf32, #tpu.memory_space<vmem>> -> memref<16x128xf32, #tpu.memory_space<vmem>>
    %dma_start3A_74 = tpu.memref_slice %arg8[%multiple_of3A_68] : memref<10000xi32, #tpu.memory_space<vmem>> -> memref<16xi32, #tpu.memory_space<vmem>>
    %dma_start3A_75 = arith.constant 0 : i32
    %dma_start3A_76 = arith.constant 0 : i32
    %dma_start3A_77 = tpu.memref_slice %arg2[%dma_start3A_75, %dma_start3A_76] : memref<10000x128xf32, #tpu.memory_space<hbm>> -> memref<10000x128xf32, #tpu.memory_space<hbm>>
    tpu.enqueue_indirect_dma source(%dma_start3A_77 : memref<10000x128xf32, #tpu.memory_space<hbm>>) target(%dma_start3A_73 : memref<16x128xf32, #tpu.memory_space<vmem>>) offsets(%dma_start3A_74 : memref<16xi32, #tpu.memory_space<vmem>>) semaphore(%arg20 : memref<!tpu.dma_semaphore, #tpu.memory_space<semaphore_mem>>)
    %mul3A_78 = arith.constant 10000 : i32
    %mul3A_79 = arith.muli %add3A, %mul3A_78 : i32
    %add3A_80 = arith.constant 48 : i32
    %add3A_81 = arith.addi %mul3A_79, %add3A_80 : i32
    %multiple_of3A_82 = tpu.assume_multiple %add3A_81, 8 : i32
    %dma_start3A_83 = arith.constant 0 : i32
    %dma_start3A_84 = tpu.memref_slice %arg3[%multiple_of3A_82, %dma_start3A_83] : memref<320000x64xi32, #tpu.memory_space<hbm>> -> memref<16x64xi32, #tpu.memory_space<hbm>>
    %dma_start3A_85 = arith.constant 0 : i32
    %dma_start3A_86 = tpu.memref_slice %arg3[%multiple_of3A_82, %dma_start3A_85] : memref<320000x64xi32, #tpu.memory_space<hbm>> -> memref<16x64xi32, #tpu.memory_space<hbm>>
    tpu.enqueue_dma source(%dma_start3A_86 : memref<16x64xi32, #tpu.memory_space<hbm>>) target(%arg14 : memref<16x64xi32, #tpu.memory_space<vmem>>) target_semaphore(%arg25 : memref<!tpu.dma_semaphore, #tpu.memory_space<semaphore_mem>>)
    %scan3A = arith.constant 0 : i32
    %scan3A_87 = arith.constant 0 : i32
    %scan3A_88 = arith.constant 125 : i32
    %scan3A_89 = arith.addi %scan3A_87, %scan3A_88 : i32
    %scan3A_90 = arith.constant 1 : i32
    scf.for %scan3A_108 = %scan3A_87 to %scan3A_89 step %scan3A_90  : i32 {
      %mul3A_109 = arith.constant 5 : i32
      %mul3A_110 = arith.muli %scan3A_108, %mul3A_109 : i32
      %add3A_111 = arith.constant 0 : i32
      %add3A_112 = arith.addi %mul3A_110, %add3A_111 : i32
      %dma_wait3A_113 = arith.constant 0 : i32
      %dma_wait3A_114 = arith.constant 0 : i32
      %dma_wait3A_115 = arith.constant 0 : i32
      %dma_wait3A_116 = tpu.memref_slice %arg10[%dma_wait3A_113, %dma_wait3A_114, %dma_wait3A_115] : memref<5x16x128xf32, #tpu.memory_space<vmem>> -> memref<1x16x128xf32, #tpu.memory_space<vmem>>
      %dma_wait3A_117 = tpu.memref_squeeze %dma_wait3A_116 : memref<1x16x128xf32, #tpu.memory_space<vmem>> -> memref<16x128xf32, #tpu.memory_space<vmem>>
      %dma_wait3A_118 = arith.constant 0 : i32
      %dma_wait3A_119 = tpu.memref_slice %arg8[%dma_wait3A_118] : memref<10000xi32, #tpu.memory_space<vmem>> -> memref<16xi32, #tpu.memory_space<vmem>>
      %dma_wait3A_120 = arith.constant 0 : i32
      %dma_wait3A_121 = arith.constant 0 : i32
      %dma_wait3A_122 = tpu.memref_slice %arg2[%dma_wait3A_120, %dma_wait3A_121] : memref<10000x128xf32, #tpu.memory_space<hbm>> -> memref<10000x128xf32, #tpu.memory_space<hbm>>
      tpu.wait_indirect_dma semaphore(%arg17 : memref<!tpu.dma_semaphore, #tpu.memory_space<semaphore_mem>>) src(%dma_wait3A_122 : memref<10000x128xf32, #tpu.memory_space<hbm>>) dst(%dma_wait3A_117 : memref<16x128xf32, #tpu.memory_space<vmem>>)
      %dma_wait3A_123 = arith.constant 0 : i32
      %dma_wait3A_124 = arith.constant 0 : i32
      %dma_wait3A_125 = tpu.memref_slice %arg3[%dma_wait3A_123, %dma_wait3A_124] : memref<320000x64xi32, #tpu.memory_space<hbm>> -> memref<16x64xi32, #tpu.memory_space<hbm>>
      %dma_wait3A_126 = arith.constant 0 : i32
      %dma_wait3A_127 = arith.constant 0 : i32
      %dma_wait3A_128 = tpu.memref_slice %arg3[%dma_wait3A_126, %dma_wait3A_127] : memref<320000x64xi32, #tpu.memory_space<hbm>> -> memref<16x64xi32, #tpu.memory_space<hbm>>
      tpu.wait_dma2 semaphore(%arg22 : memref<!tpu.dma_semaphore, #tpu.memory_space<semaphore_mem>>) src(%dma_wait3A_128 : memref<16x64xi32, #tpu.memory_space<hbm>>) dst(%arg11 : memref<16x64xi32, #tpu.memory_space<vmem>>)
      %scan3A_129 = arith.constant 0 : i32
      %scan3A_130 = arith.constant 0 : i32
      %scan3A_131 = arith.constant 16 : i32
      %scan3A_132 = arith.addi %scan3A_130, %scan3A_131 : i32
      %scan3A_133 = arith.constant 1 : i32
      scf.for %scan3A_390 = %scan3A_130 to %scan3A_132 step %scan3A_133  : i32 {
        %get3A = arith.index_cast %scan3A_390 : i32 to index
        %get3A_391 = arith.constant 0 : index
        %get3A_392 = tpu.vector_load %arg11[%get3A, %get3A_391] {strides = array<i32>} : memref<16x64xi32, #tpu.memory_space<vmem>>, vector<16xi32>,
        %shift_left3A = arith.constant 16 : i32
        %shift_left3A_393 = vector.broadcast %shift_left3A : i32 to vector<16xi32>
        %shift_left3A_394 = arith.shli %get3A_392, %shift_left3A_393 : vector<16xi32>
        %bitcast3A = vector.bitcast %shift_left3A_394 : vector<16xi32> to vector<16xf32>
        %and3A = arith.constant -65536 : i32
        %and3A_395 = vector.broadcast %and3A : i32 to vector<16xi32>
        %and3A_396 = arith.andi %get3A_392, %and3A_395 : vector<16xi32>
        %bitcast3A_397 = vector.bitcast %and3A_396 : vector<16xi32> to vector<16xf32>
        %get3A_398 = arith.constant 0 : i32
        %get3A_399 = arith.index_cast %get3A_398 : i32 to index
        %get3A_400 = arith.index_cast %scan3A_390 : i32 to index
        %get3A_401 = arith.constant 0 : index
        %get3A_402 = tpu.vector_load %arg10[%get3A_399, %get3A_400, %get3A_401] {strides = array<i32>} : memref<5x16x128xf32, #tpu.memory_space<vmem>>, vector<16xf32>,
        %add3A_403 = arith.addf %get3A_402, %bitcast3A : vector<16xf32>
        %max3A = arith.constant 0.000000e+00 : f32
        %max3A_404 = vector.broadcast %max3A : f32 to vector<16xf32>
        %max3A_405 = arith.maximumf %add3A_403, %max3A_404 : vector<16xf32>
        %swap3A = arith.constant 0 : i32
        %swap3A_406 = arith.index_cast %swap3A : i32 to index
        %swap3A_407 = arith.index_cast %scan3A_390 : i32 to index
        %swap3A_408 = arith.constant 0 : index
        %swap3A_409 = tpu.vector_load %arg10[%swap3A_406, %swap3A_407, %swap3A_408] {strides = array<i32>} : memref<5x16x128xf32, #tpu.memory_space<vmem>>, vector<16xf32>,
        tpu.vector_store %arg10[%swap3A_406, %swap3A_407, %swap3A_408], %max3A_405 {strides = array<i32>} : memref<5x16x128xf32, #tpu.memory_space<vmem>>, vector<16xf32>,
        %get3A_410 = arith.constant 0 : i32
        %get3A_411 = arith.index_cast %get3A_410 : i32 to index
        %get3A_412 = arith.index_cast %scan3A_390 : i32 to index
        %get3A_413 = arith.constant 16 : index
        %get3A_414 = tpu.vector_load %arg10[%get3A_411, %get3A_412, %get3A_413] {strides = array<i32>} : memref<5x16x128xf32, #tpu.memory_space<vmem>>, vector<16xf32>,
        %add3A_415 = arith.addf %get3A_414, %bitcast3A_397 : vector<16xf32>
        %max3A_416 = arith.constant 0.000000e+00 : f32
        %max3A_417 = vector.broadcast %max3A_416 : f32 to vector<16xf32>
        %max3A_418 = arith.maximumf %add3A_415, %max3A_417 : vector<16xf32>
        %swap3A_419 = arith.constant 0 : i32
        %swap3A_420 = arith.index_cast %swap3A_419 : i32 to index
        %swap3A_421 = arith.index_cast %scan3A_390 : i32 to index
        %swap3A_422 = arith.constant 16 : index
        %swap3A_423 = tpu.vector_load %arg10[%swap3A_420, %swap3A_421, %swap3A_422] {strides = array<i32>} : memref<5x16x128xf32, #tpu.memory_space<vmem>>, vector<16xf32>,
        tpu.vector_store %arg10[%swap3A_420, %swap3A_421, %swap3A_422], %max3A_418 {strides = array<i32>} : memref<5x16x128xf32, #tpu.memory_space<vmem>>, vector<16xf32>,
        %get3A_424 = arith.index_cast %scan3A_390 : i32 to index
        %get3A_425 = arith.constant 16 : index
        %get3A_426 = tpu.vector_load %arg11[%get3A_424, %get3A_425] {strides = array<i32>} : memref<16x64xi32, #tpu.memory_space<vmem>>, vector<16xi32>,
        %shift_left3A_427 = arith.constant 16 : i32
        %shift_left3A_428 = vector.broadcast %shift_left3A_427 : i32 to vector<16xi32>
        %shift_left3A_429 = arith.shli %get3A_426, %shift_left3A_428 : vector<16xi32>
        %bitcast3A_430 = vector.bitcast %shift_left3A_429 : vector<16xi32> to vector<16xf32>
        %and3A_431 = arith.constant -65536 : i32
        %and3A_432 = vector.broadcast %and3A_431 : i32 to vector<16xi32>
        %and3A_433 = arith.andi %get3A_426, %and3A_432 : vector<16xi32>
        %bitcast3A_434 = vector.bitcast %and3A_433 : vector<16xi32> to vector<16xf32>
        %get3A_435 = arith.constant 0 : i32
        %get3A_436 = arith.index_cast %get3A_435 : i32 to index
        %get3A_437 = arith.index_cast %scan3A_390 : i32 to index
        %get3A_438 = arith.constant 32 : index
        %get3A_439 = tpu.vector_load %arg10[%get3A_436, %get3A_437, %get3A_438] {strides = array<i32>} : memref<5x16x128xf32, #tpu.memory_space<vmem>>, vector<16xf32>,
        %add3A_440 = arith.addf %get3A_439, %bitcast3A_430 : vector<16xf32>
        %max3A_441 = arith.constant 0.000000e+00 : f32
        %max3A_442 = vector.broadcast %max3A_441 : f32 to vector<16xf32>
        %max3A_443 = arith.maximumf %add3A_440, %max3A_442 : vector<16xf32>
        %swap3A_444 = arith.constant 0 : i32
        %swap3A_445 = arith.index_cast %swap3A_444 : i32 to index
        %swap3A_446 = arith.index_cast %scan3A_390 : i32 to index
        %swap3A_447 = arith.constant 32 : index
        %swap3A_448 = tpu.vector_load %arg10[%swap3A_445, %swap3A_446, %swap3A_447] {strides = array<i32>} : memref<5x16x128xf32, #tpu.memory_space<vmem>>, vector<16xf32>,
        tpu.vector_store %arg10[%swap3A_445, %swap3A_446, %swap3A_447], %max3A_443 {strides = array<i32>} : memref<5x16x128xf32, #tpu.memory_space<vmem>>, vector<16xf32>,
        %get3A_449 = arith.constant 0 : i32
        %get3A_450 = arith.index_cast %get3A_449 : i32 to index
        %get3A_451 = arith.index_cast %scan3A_390 : i32 to index
        %get3A_452 = arith.constant 48 : index
        %get3A_453 = tpu.vector_load %arg10[%get3A_450, %get3A_451, %get3A_452] {strides = array<i32>} : memref<5x16x128xf32, #tpu.memory_space<vmem>>, vector<16xf32>,
        %add3A_454 = arith.addf %get3A_453, %bitcast3A_434 : vector<16xf32>
        %max3A_455 = arith.constant 0.000000e+00 : f32
        %max3A_456 = vector.broadcast %max3A_455 : f32 to vector<16xf32>
        %max3A_457 = arith.maximumf %add3A_454, %max3A_456 : vector<16xf32>
        %swap3A_458 = arith.constant 0 : i32
        %swap3A_459 = arith.index_cast %swap3A_458 : i32 to index
        %swap3A_460 = arith.index_cast %scan3A_390 : i32 to index
        %swap3A_461 = arith.constant 48 : index
        %swap3A_462 = tpu.vector_load %arg10[%swap3A_459, %swap3A_460, %swap3A_461] {strides = array<i32>} : memref<5x16x128xf32, #tpu.memory_space<vmem>>, vector<16xf32>,
        tpu.vector_store %arg10[%swap3A_459, %swap3A_460, %swap3A_461], %max3A_457 {strides = array<i32>} : memref<5x16x128xf32, #tpu.memory_space<vmem>>, vector<16xf32>,
        %get3A_463 = arith.index_cast %scan3A_390 : i32 to index
        %get3A_464 = arith.constant 32 : index
        %get3A_465 = tpu.vector_load %arg11[%get3A_463, %get3A_464] {strides = array<i32>} : memref<16x64xi32, #tpu.memory_space<vmem>>, vector<16xi32>,
        %shift_left3A_466 = arith.constant 16 : i32
        %shift_left3A_467 = vector.broadcast %shift_left3A_466 : i32 to vector<16xi32>
        %shift_left3A_468 = arith.shli %get3A_465, %shift_left3A_467 : vector<16xi32>
        %bitcast3A_469 = vector.bitcast %shift_left3A_468 : vector<16xi32> to vector<16xf32>
        %and3A_470 = arith.constant -65536 : i32
        %and3A_471 = vector.broadcast %and3A_470 : i32 to vector<16xi32>
        %and3A_472 = arith.andi %get3A_465, %and3A_471 : vector<16xi32>
        %bitcast3A_473 = vector.bitcast %and3A_472 : vector<16xi32> to vector<16xf32>
        %get3A_474 = arith.constant 0 : i32
        %get3A_475 = arith.index_cast %get3A_474 : i32 to index
        %get3A_476 = arith.index_cast %scan3A_390 : i32 to index
        %get3A_477 = arith.constant 64 : index
        %get3A_478 = tpu.vector_load %arg10[%get3A_475, %get3A_476, %get3A_477] {strides = array<i32>} : memref<5x16x128xf32, #tpu.memory_space<vmem>>, vector<16xf32>,
        %add3A_479 = arith.addf %get3A_478, %bitcast3A_469 : vector<16xf32>
        %max3A_480 = arith.constant 0.000000e+00 : f32
        %max3A_481 = vector.broadcast %max3A_480 : f32 to vector<16xf32>
        %max3A_482 = arith.maximumf %add3A_479, %max3A_481 : vector<16xf32>
        %swap3A_483 = arith.constant 0 : i32
        %swap3A_484 = arith.index_cast %swap3A_483 : i32 to index
        %swap3A_485 = arith.index_cast %scan3A_390 : i32 to index
        %swap3A_486 = arith.constant 64 : index
        %swap3A_487 = tpu.vector_load %arg10[%swap3A_484, %swap3A_485, %swap3A_486] {strides = array<i32>} : memref<5x16x128xf32, #tpu.memory_space<vmem>>, vector<16xf32>,
        tpu.vector_store %arg10[%swap3A_484, %swap3A_485, %swap3A_486], %max3A_482 {strides = array<i32>} : memref<5x16x128xf32, #tpu.memory_space<vmem>>, vector<16xf32>,
        %get3A_488 = arith.constant 0 : i32
        %get3A_489 = arith.index_cast %get3A_488 : i32 to index
        %get3A_490 = arith.index_cast %scan3A_390 : i32 to index
        %get3A_491 = arith.constant 80 : index
        %get3A_492 = tpu.vector_load %arg10[%get3A_489, %get3A_490, %get3A_491] {strides = array<i32>} : memref<5x16x128xf32, #tpu.memory_space<vmem>>, vector<16xf32>,
        %add3A_493 = arith.addf %get3A_492, %bitcast3A_473 : vector<16xf32>
        %max3A_494 = arith.constant 0.000000e+00 : f32
        %max3A_495 = vector.broadcast %max3A_494 : f32 to vector<16xf32>
        %max3A_496 = arith.maximumf %add3A_493, %max3A_495 : vector<16xf32>
        %swap3A_497 = arith.constant 0 : i32
        %swap3A_498 = arith.index_cast %swap3A_497 : i32 to index
        %swap3A_499 = arith.index_cast %scan3A_390 : i32 to index
        %swap3A_500 = arith.constant 80 : index
        %swap3A_501 = tpu.vector_load %arg10[%swap3A_498, %swap3A_499, %swap3A_500] {strides = array<i32>} : memref<5x16x128xf32, #tpu.memory_space<vmem>>, vector<16xf32>,
        tpu.vector_store %arg10[%swap3A_498, %swap3A_499, %swap3A_500], %max3A_496 {strides = array<i32>} : memref<5x16x128xf32, #tpu.memory_space<vmem>>, vector<16xf32>,
        %get3A_502 = arith.index_cast %scan3A_390 : i32 to index
        %get3A_503 = arith.constant 48 : index
        %get3A_504 = tpu.vector_load %arg11[%get3A_502, %get3A_503] {strides = array<i32>} : memref<16x64xi32, #tpu.memory_space<vmem>>, vector<16xi32>,
        %shift_left3A_505 = arith.constant 16 : i32
        %shift_left3A_506 = vector.broadcast %shift_left3A_505 : i32 to vector<16xi32>
        %shift_left3A_507 = arith.shli %get3A_504, %shift_left3A_506 : vector<16xi32>
        %bitcast3A_508 = vector.bitcast %shift_left3A_507 : vector<16xi32> to vector<16xf32>
        %and3A_509 = arith.constant -65536 : i32
        %and3A_510 = vector.broadcast %and3A_509 : i32 to vector<16xi32>
        %and3A_511 = arith.andi %get3A_504, %and3A_510 : vector<16xi32>
        %bitcast3A_512 = vector.bitcast %and3A_511 : vector<16xi32> to vector<16xf32>
        %get3A_513 = arith.constant 0 : i32
        %get3A_514 = arith.index_cast %get3A_513 : i32 to index
        %get3A_515 = arith.index_cast %scan3A_390 : i32 to index
        %get3A_516 = arith.constant 96 : index
        %get3A_517 = tpu.vector_load %arg10[%get3A_514, %get3A_515, %get3A_516] {strides = array<i32>} : memref<5x16x128xf32, #tpu.memory_space<vmem>>, vector<16xf32>,
        %add3A_518 = arith.addf %get3A_517, %bitcast3A_508 : vector<16xf32>
        %max3A_519 = arith.constant 0.000000e+00 : f32
        %max3A_520 = vector.broadcast %max3A_519 : f32 to vector<16xf32>
        %max3A_521 = arith.maximumf %add3A_518, %max3A_520 : vector<16xf32>
        %swap3A_522 = arith.constant 0 : i32
        %swap3A_523 = arith.index_cast %swap3A_522 : i32 to index
        %swap3A_524 = arith.index_cast %scan3A_390 : i32 to index
        %swap3A_525 = arith.constant 96 : index
        %swap3A_526 = tpu.vector_load %arg10[%swap3A_523, %swap3A_524, %swap3A_525] {strides = array<i32>} : memref<5x16x128xf32, #tpu.memory_space<vmem>>, vector<16xf32>,
        tpu.vector_store %arg10[%swap3A_523, %swap3A_524, %swap3A_525], %max3A_521 {strides = array<i32>} : memref<5x16x128xf32, #tpu.memory_space<vmem>>, vector<16xf32>,
        %get3A_527 = arith.constant 0 : i32
        %get3A_528 = arith.index_cast %get3A_527 : i32 to index
        %get3A_529 = arith.index_cast %scan3A_390 : i32 to index
        %get3A_530 = arith.constant 112 : index
        %get3A_531 = tpu.vector_load %arg10[%get3A_528, %get3A_529, %get3A_530] {strides = array<i32>} : memref<5x16x128xf32, #tpu.memory_space<vmem>>, vector<16xf32>,
        %add3A_532 = arith.addf %get3A_531, %bitcast3A_512 : vector<16xf32>
        %max3A_533 = arith.constant 0.000000e+00 : f32
        %max3A_534 = vector.broadcast %max3A_533 : f32 to vector<16xf32>
        %max3A_535 = arith.maximumf %add3A_532, %max3A_534 : vector<16xf32>
        %swap3A_536 = arith.constant 0 : i32
        %swap3A_537 = arith.index_cast %swap3A_536 : i32 to index
        %swap3A_538 = arith.index_cast %scan3A_390 : i32 to index
        %swap3A_539 = arith.constant 112 : index
        %swap3A_540 = tpu.vector_load %arg10[%swap3A_537, %swap3A_538, %swap3A_539] {strides = array<i32>} : memref<5x16x128xf32, #tpu.memory_space<vmem>>, vector<16xf32>,
        tpu.vector_store %arg10[%swap3A_537, %swap3A_538, %swap3A_539], %max3A_535 {strides = array<i32>} : memref<5x16x128xf32, #tpu.memory_space<vmem>>, vector<16xf32>,
      }
      %scan3A_134 = arith.constant 16 : i32
      %mul3A_135 = arith.constant 16 : i32
      %mul3A_136 = arith.muli %add3A_112, %mul3A_135 : i32
      %multiple_of3A_137 = tpu.assume_multiple %mul3A_136, 8 : i32
      %dma_start3A_138 = arith.constant 0 : i32
      %dma_start3A_139 = arith.constant 0 : i32
      %dma_start3A_140 = arith.constant 0 : i32
      %dma_start3A_141 = tpu.memref_slice %arg10[%dma_start3A_138, %dma_start3A_139, %dma_start3A_140] : memref<5x16x128xf32, #tpu.memory_space<vmem>> -> memref<1x16x128xf32, #tpu.memory_space<vmem>>
      %dma_start3A_142 = tpu.memref_squeeze %dma_start3A_141 : memref<1x16x128xf32, #tpu.memory_space<vmem>> -> memref<16x128xf32, #tpu.memory_space<vmem>>
      %dma_start3A_143 = tpu.memref_slice %arg9[%multiple_of3A_137] : memref<10000xi32, #tpu.memory_space<vmem>> -> memref<16xi32, #tpu.memory_space<vmem>>
      %dma_start3A_144 = arith.constant 0 : i32
      %dma_start3A_145 = arith.constant 0 : i32
      %dma_start3A_146 = tpu.memref_slice %arg16[%dma_start3A_144, %dma_start3A_145] : memref<10000x128xf32, #tpu.memory_space<vmem_shared>> -> memref<10000x128xf32, #tpu.memory_space<vmem_shared>>
      tpu.enqueue_indirect_dma source(%dma_start3A_142 : memref<16x128xf32, #tpu.memory_space<vmem>>) target(%dma_start3A_146 : memref<10000x128xf32, #tpu.memory_space<vmem_shared>>) offsets(%dma_start3A_143 : memref<16xi32, #tpu.memory_space<vmem>>) semaphore(%arg27 : memref<!tpu.dma_semaphore, #tpu.memory_space<semaphore_mem>>) {add = true}
      %gt3A = arith.constant 0 : i32
      %gt3A_147 = arith.cmpi sgt, %scan3A_108, %gt3A : i32
      %convert_element_type3A_148 = arith.extui %gt3A_147 : i1 to i32
      %cond3A_149 = arith.constant 0 : i32
      %cond3A_150 = arith.cmpi ne, %convert_element_type3A_148, %cond3A_149 : i32
      scf.if %cond3A_150 {
        %multiple_of3A_390 = arith.constant 0 : i32
        %multiple_of3A_391 = tpu.assume_multiple %multiple_of3A_390, 8 : i32
        %dma_wait3A_392 = arith.constant 4 : i32
        %dma_wait3A_393 = arith.constant 0 : i32
        %dma_wait3A_394 = arith.constant 0 : i32
        %dma_wait3A_395 = tpu.memref_slice %arg10[%dma_wait3A_392, %dma_wait3A_393, %dma_wait3A_394] : memref<5x16x128xf32, #tpu.memory_space<vmem>> -> memref<1x16x128xf32, #tpu.memory_space<vmem>>
        %dma_wait3A_396 = tpu.memref_squeeze %dma_wait3A_395 : memref<1x16x128xf32, #tpu.memory_space<vmem>> -> memref<16x128xf32, #tpu.memory_space<vmem>>
        %dma_wait3A_397 = tpu.memref_slice %arg9[%multiple_of3A_391] : memref<10000xi32, #tpu.memory_space<vmem>> -> memref<16xi32, #tpu.memory_space<vmem>>
        %dma_wait3A_398 = arith.constant 0 : i32
        %dma_wait3A_399 = arith.constant 0 : i32
        %dma_wait3A_400 = tpu.memref_slice %arg16[%dma_wait3A_398, %dma_wait3A_399] : memref<10000x128xf32, #tpu.memory_space<vmem_shared>> -> memref<10000x128xf32, #tpu.memory_space<vmem_shared>>
        tpu.wait_indirect_dma semaphore(%arg31 : memref<!tpu.dma_semaphore, #tpu.memory_space<semaphore_mem>>) src(%dma_wait3A_396 : memref<16x128xf32, #tpu.memory_space<vmem>>) dst(%dma_wait3A_400 : memref<10000x128xf32, #tpu.memory_space<vmem_shared>>)
      } else {
      }
      %add3A_151 = arith.constant 4 : i32
      %add3A_152 = arith.addi %add3A_112, %add3A_151 : i32
      %mul3A_153 = arith.constant 16 : i32
      %mul3A_154 = arith.muli %add3A_152, %mul3A_153 : i32
      %multiple_of3A_155 = tpu.assume_multiple %mul3A_154, 8 : i32
      %dma_start3A_156 = arith.constant 4 : i32
      %dma_start3A_157 = arith.constant 0 : i32
      %dma_start3A_158 = arith.constant 0 : i32
      %dma_start3A_159 = tpu.memref_slice %arg10[%dma_start3A_156, %dma_start3A_157, %dma_start3A_158] : memref<5x16x128xf32, #tpu.memory_space<vmem>> -> memref<1x16x128xf32, #tpu.memory_space<vmem>>
      %dma_start3A_160 = tpu.memref_squeeze %dma_start3A_159 : memref<1x16x128xf32, #tpu.memory_space<vmem>> -> memref<16x128xf32, #tpu.memory_space<vmem>>
      %dma_start3A_161 = tpu.memref_slice %arg8[%multiple_of3A_155] : memref<10000xi32, #tpu.memory_space<vmem>> -> memref<16xi32, #tpu.memory_space<vmem>>
      %dma_start3A_162 = arith.constant 0 : i32
      %dma_start3A_163 = arith.constant 0 : i32
      %dma_start3A_164 = tpu.memref_slice %arg2[%dma_start3A_162, %dma_start3A_163] : memref<10000x128xf32, #tpu.memory_space<hbm>> -> memref<10000x128xf32, #tpu.memory_space<hbm>>
      tpu.enqueue_indirect_dma source(%dma_start3A_164 : memref<10000x128xf32, #tpu.memory_space<hbm>>) target(%dma_start3A_160 : memref<16x128xf32, #tpu.memory_space<vmem>>) offsets(%dma_start3A_161 : memref<16xi32, #tpu.memory_space<vmem>>) semaphore(%arg21 : memref<!tpu.dma_semaphore, #tpu.memory_space<semaphore_mem>>)
      %mul3A_165 = arith.constant 10000 : i32
      %mul3A_166 = arith.muli %add3A, %mul3A_165 : i32
      %mul3A_167 = arith.constant 16 : i32
      %mul3A_168 = arith.muli %add3A_152, %mul3A_167 : i32
      %add3A_169 = arith.addi %mul3A_166, %mul3A_168 : i32
      %multiple_of3A_170 = tpu.assume_multiple %add3A_169, 8 : i32
      %dma_start3A_171 = arith.constant 0 : i32
      %dma_start3A_172 = tpu.memref_slice %arg3[%multiple_of3A_170, %dma_start3A_171] : memref<320000x64xi32, #tpu.memory_space<hbm>> -> memref<16x64xi32, #tpu.memory_space<hbm>>
      %dma_start3A_173 = arith.constant 0 : i32
      %dma_start3A_174 = tpu.memref_slice %arg3[%multiple_of3A_170, %dma_start3A_173] : memref<320000x64xi32, #tpu.memory_space<hbm>> -> memref<16x64xi32, #tpu.memory_space<hbm>>
      tpu.enqueue_dma source(%dma_start3A_174 : memref<16x64xi32, #tpu.memory_space<hbm>>) target(%arg15 : memref<16x64xi32, #tpu.memory_space<vmem>>) target_semaphore(%arg26 : memref<!tpu.dma_semaphore, #tpu.memory_space<semaphore_mem>>)
      %mul3A_175 = arith.constant 5 : i32
      %mul3A_176 = arith.muli %scan3A_108, %mul3A_175 : i32
      %add3A_177 = arith.constant 1 : i32
      %add3A_178 = arith.addi %mul3A_176, %add3A_177 : i32
      %dma_wait3A_179 = arith.constant 1 : i32
      %dma_wait3A_180 = arith.constant 0 : i32
      %dma_wait3A_181 = arith.constant 0 : i32
      %dma_wait3A_182 = tpu.memref_slice %arg10[%dma_wait3A_179, %dma_wait3A_180, %dma_wait3A_181] : memref<5x16x128xf32, #tpu.memory_space<vmem>> -> memref<1x16x128xf32, #tpu.memory_space<vmem>>
      %dma_wait3A_183 = tpu.memref_squeeze %dma_wait3A_182 : memref<1x16x128xf32, #tpu.memory_space<vmem>> -> memref<16x128xf32, #tpu.memory_space<vmem>>
      %dma_wait3A_184 = arith.constant 0 : i32
      %dma_wait3A_185 = tpu.memref_slice %arg8[%dma_wait3A_184] : memref<10000xi32, #tpu.memory_space<vmem>> -> memref<16xi32, #tpu.memory_space<vmem>>
      %dma_wait3A_186 = arith.constant 0 : i32
      %dma_wait3A_187 = arith.constant 0 : i32
      %dma_wait3A_188 = tpu.memref_slice %arg2[%dma_wait3A_186, %dma_wait3A_187] : memref<10000x128xf32, #tpu.memory_space<hbm>> -> memref<10000x128xf32, #tpu.memory_space<hbm>>
      tpu.wait_indirect_dma semaphore(%arg18 : memref<!tpu.dma_semaphore, #tpu.memory_space<semaphore_mem>>) src(%dma_wait3A_188 : memref<10000x128xf32, #tpu.memory_space<hbm>>) dst(%dma_wait3A_183 : memref<16x128xf32, #tpu.memory_space<vmem>>)
      %dma_wait3A_189 = arith.constant 0 : i32
      %dma_wait3A_190 = arith.constant 0 : i32
      %dma_wait3A_191 = tpu.memref_slice %arg3[%dma_wait3A_189, %dma_wait3A_190] : memref<320000x64xi32, #tpu.memory_space<hbm>> -> memref<16x64xi32, #tpu.memory_space<hbm>>
      %dma_wait3A_192 = arith.constant 0 : i32
      %dma_wait3A_193 = arith.constant 0 : i32
      %dma_wait3A_194 = tpu.memref_slice %arg3[%dma_wait3A_192, %dma_wait3A_193] : memref<320000x64xi32, #tpu.memory_space<hbm>> -> memref<16x64xi32, #tpu.memory_space<hbm>>
      tpu.wait_dma2 semaphore(%arg23 : memref<!tpu.dma_semaphore, #tpu.memory_space<semaphore_mem>>) src(%dma_wait3A_194 : memref<16x64xi32, #tpu.memory_space<hbm>>) dst(%arg12 : memref<16x64xi32, #tpu.memory_space<vmem>>)
      %scan3A_195 = arith.constant 0 : i32
      %scan3A_196 = arith.constant 0 : i32
      %scan3A_197 = arith.constant 16 : i32
      %scan3A_198 = arith.addi %scan3A_196, %scan3A_197 : i32
      %scan3A_199 = arith.constant 1 : i32
      scf.for %scan3A_390 = %scan3A_196 to %scan3A_198 step %scan3A_199  : i32 {
        %get3A = arith.index_cast %scan3A_390 : i32 to index
        %get3A_391 = arith.constant 0 : index
        %get3A_392 = tpu.vector_load %arg12[%get3A, %get3A_391] {strides = array<i32>} : memref<16x64xi32, #tpu.memory_space<vmem>>, vector<16xi32>,
        %shift_left3A = arith.constant 16 : i32
        %shift_left3A_393 = vector.broadcast %shift_left3A : i32 to vector<16xi32>
        %shift_left3A_394 = arith.shli %get3A_392, %shift_left3A_393 : vector<16xi32>
        %bitcast3A = vector.bitcast %shift_left3A_394 : vector<16xi32> to vector<16xf32>
        %and3A = arith.constant -65536 : i32
        %and3A_395 = vector.broadcast %and3A : i32 to vector<16xi32>
        %and3A_396 = arith.andi %get3A_392, %and3A_395 : vector<16xi32>
        %bitcast3A_397 = vector.bitcast %and3A_396 : vector<16xi32> to vector<16xf32>
        %get3A_398 = arith.constant 1 : i32
        %get3A_399 = arith.index_cast %get3A_398 : i32 to index
        %get3A_400 = arith.index_cast %scan3A_390 : i32 to index
        %get3A_401 = arith.constant 0 : index
        %get3A_402 = tpu.vector_load %arg10[%get3A_399, %get3A_400, %get3A_401] {strides = array<i32>} : memref<5x16x128xf32, #tpu.memory_space<vmem>>, vector<16xf32>,
        %add3A_403 = arith.addf %get3A_402, %bitcast3A : vector<16xf32>
        %max3A = arith.constant 0.000000e+00 : f32
        %max3A_404 = vector.broadcast %max3A : f32 to vector<16xf32>
        %max3A_405 = arith.maximumf %add3A_403, %max3A_404 : vector<16xf32>
        %swap3A = arith.constant 1 : i32
        %swap3A_406 = arith.index_cast %swap3A : i32 to index
        %swap3A_407 = arith.index_cast %scan3A_390 : i32 to index
        %swap3A_408 = arith.constant 0 : index
        %swap3A_409 = tpu.vector_load %arg10[%swap3A_406, %swap3A_407, %swap3A_408] {strides = array<i32>} : memref<5x16x128xf32, #tpu.memory_space<vmem>>, vector<16xf32>,
        tpu.vector_store %arg10[%swap3A_406, %swap3A_407, %swap3A_408], %max3A_405 {strides = array<i32>} : memref<5x16x128xf32, #tpu.memory_space<vmem>>, vector<16xf32>,
        %get3A_410 = arith.constant 1 : i32
        %get3A_411 = arith.index_cast %get3A_410 : i32 to index
        %get3A_412 = arith.index_cast %scan3A_390 : i32 to index
        %get3A_413 = arith.constant 16 : index
        %get3A_414 = tpu.vector_load %arg10[%get3A_411, %get3A_412, %get3A_413] {strides = array<i32>} : memref<5x16x128xf32, #tpu.memory_space<vmem>>, vector<16xf32>,
        %add3A_415 = arith.addf %get3A_414, %bitcast3A_397 : vector<16xf32>
        %max3A_416 = arith.constant 0.000000e+00 : f32
        %max3A_417 = vector.broadcast %max3A_416 : f32 to vector<16xf32>
        %max3A_418 = arith.maximumf %add3A_415, %max3A_417 : vector<16xf32>
        %swap3A_419 = arith.constant 1 : i32
        %swap3A_420 = arith.index_cast %swap3A_419 : i32 to index
        %swap3A_421 = arith.index_cast %scan3A_390 : i32 to index
        %swap3A_422 = arith.constant 16 : index
        %swap3A_423 = tpu.vector_load %arg10[%swap3A_420, %swap3A_421, %swap3A_422] {strides = array<i32>} : memref<5x16x128xf32, #tpu.memory_space<vmem>>, vector<16xf32>,
        tpu.vector_store %arg10[%swap3A_420, %swap3A_421, %swap3A_422], %max3A_418 {strides = array<i32>} : memref<5x16x128xf32, #tpu.memory_space<vmem>>, vector<16xf32>,
        %get3A_424 = arith.index_cast %scan3A_390 : i32 to index
        %get3A_425 = arith.constant 16 : index
        %get3A_426 = tpu.vector_load %arg12[%get3A_424, %get3A_425] {strides = array<i32>} : memref<16x64xi32, #tpu.memory_space<vmem>>, vector<16xi32>,
        %shift_left3A_427 = arith.constant 16 : i32
        %shift_left3A_428 = vector.broadcast %shift_left3A_427 : i32 to vector<16xi32>
        %shift_left3A_429 = arith.shli %get3A_426, %shift_left3A_428 : vector<16xi32>
        %bitcast3A_430 = vector.bitcast %shift_left3A_429 : vector<16xi32> to vector<16xf32>
        %and3A_431 = arith.constant -65536 : i32
        %and3A_432 = vector.broadcast %and3A_431 : i32 to vector<16xi32>
        %and3A_433 = arith.andi %get3A_426, %and3A_432 : vector<16xi32>
        %bitcast3A_434 = vector.bitcast %and3A_433 : vector<16xi32> to vector<16xf32>
        %get3A_435 = arith.constant 1 : i32
        %get3A_436 = arith.index_cast %get3A_435 : i32 to index
        %get3A_437 = arith.index_cast %scan3A_390 : i32 to index
        %get3A_438 = arith.constant 32 : index
        %get3A_439 = tpu.vector_load %arg10[%get3A_436, %get3A_437, %get3A_438] {strides = array<i32>} : memref<5x16x128xf32, #tpu.memory_space<vmem>>, vector<16xf32>,
        %add3A_440 = arith.addf %get3A_439, %bitcast3A_430 : vector<16xf32>
        %max3A_441 = arith.constant 0.000000e+00 : f32
        %max3A_442 = vector.broadcast %max3A_441 : f32 to vector<16xf32>
        %max3A_443 = arith.maximumf %add3A_440, %max3A_442 : vector<16xf32>
        %swap3A_444 = arith.constant 1 : i32
        %swap3A_445 = arith.index_cast %swap3A_444 : i32 to index
        %swap3A_446 = arith.index_cast %scan3A_390 : i32 to index
        %swap3A_447 = arith.constant 32 : index
        %swap3A_448 = tpu.vector_load %arg10[%swap3A_445, %swap3A_446, %swap3A_447] {strides = array<i32>} : memref<5x16x128xf32, #tpu.memory_space<vmem>>, vector<16xf32>,
        tpu.vector_store %arg10[%swap3A_445, %swap3A_446, %swap3A_447], %max3A_443 {strides = array<i32>} : memref<5x16x128xf32, #tpu.memory_space<vmem>>, vector<16xf32>,
        %get3A_449 = arith.constant 1 : i32
        %get3A_450 = arith.index_cast %get3A_449 : i32 to index
        %get3A_451 = arith.index_cast %scan3A_390 : i32 to index
        %get3A_452 = arith.constant 48 : index
        %get3A_453 = tpu.vector_load %arg10[%get3A_450, %get3A_451, %get3A_452] {strides = array<i32>} : memref<5x16x128xf32, #tpu.memory_space<vmem>>, vector<16xf32>,
        %add3A_454 = arith.addf %get3A_453, %bitcast3A_434 : vector<16xf32>
        %max3A_455 = arith.constant 0.000000e+00 : f32
        %max3A_456 = vector.broadcast %max3A_455 : f32 to vector<16xf32>
        %max3A_457 = arith.maximumf %add3A_454, %max3A_456 : vector<16xf32>
        %swap3A_458 = arith.constant 1 : i32
        %swap3A_459 = arith.index_cast %swap3A_458 : i32 to index
        %swap3A_460 = arith.index_cast %scan3A_390 : i32 to index
        %swap3A_461 = arith.constant 48 : index
        %swap3A_462 = tpu.vector_load %arg10[%swap3A_459, %swap3A_460, %swap3A_461] {strides = array<i32>} : memref<5x16x128xf32, #tpu.memory_space<vmem>>, vector<16xf32>,
        tpu.vector_store %arg10[%swap3A_459, %swap3A_460, %swap3A_461], %max3A_457 {strides = array<i32>} : memref<5x16x128xf32, #tpu.memory_space<vmem>>, vector<16xf32>,
        %get3A_463 = arith.index_cast %scan3A_390 : i32 to index
        %get3A_464 = arith.constant 32 : index
        %get3A_465 = tpu.vector_load %arg12[%get3A_463, %get3A_464] {strides = array<i32>} : memref<16x64xi32, #tpu.memory_space<vmem>>, vector<16xi32>,
        %shift_left3A_466 = arith.constant 16 : i32
        %shift_left3A_467 = vector.broadcast %shift_left3A_466 : i32 to vector<16xi32>
        %shift_left3A_468 = arith.shli %get3A_465, %shift_left3A_467 : vector<16xi32>
        %bitcast3A_469 = vector.bitcast %shift_left3A_468 : vector<16xi32> to vector<16xf32>
        %and3A_470 = arith.constant -65536 : i32
        %and3A_471 = vector.broadcast %and3A_470 : i32 to vector<16xi32>
        %and3A_472 = arith.andi %get3A_465, %and3A_471 : vector<16xi32>
        %bitcast3A_473 = vector.bitcast %and3A_472 : vector<16xi32> to vector<16xf32>
        %get3A_474 = arith.constant 1 : i32
        %get3A_475 = arith.index_cast %get3A_474 : i32 to index
        %get3A_476 = arith.index_cast %scan3A_390 : i32 to index
        %get3A_477 = arith.constant 64 : index
        %get3A_478 = tpu.vector_load %arg10[%get3A_475, %get3A_476, %get3A_477] {strides = array<i32>} : memref<5x16x128xf32, #tpu.memory_space<vmem>>, vector<16xf32>,
        %add3A_479 = arith.addf %get3A_478, %bitcast3A_469 : vector<16xf32>
        %max3A_480 = arith.constant 0.000000e+00 : f32
        %max3A_481 = vector.broadcast %max3A_480 : f32 to vector<16xf32>
        %max3A_482 = arith.maximumf %add3A_479, %max3A_481 : vector<16xf32>
        %swap3A_483 = arith.constant 1 : i32
        %swap3A_484 = arith.index_cast %swap3A_483 : i32 to index
        %swap3A_485 = arith.index_cast %scan3A_390 : i32 to index
        %swap3A_486 = arith.constant 64 : index
        %swap3A_487 = tpu.vector_load %arg10[%swap3A_484, %swap3A_485, %swap3A_486] {strides = array<i32>} : memref<5x16x128xf32, #tpu.memory_space<vmem>>, vector<16xf32>,
        tpu.vector_store %arg10[%swap3A_484, %swap3A_485, %swap3A_486], %max3A_482 {strides = array<i32>} : memref<5x16x128xf32, #tpu.memory_space<vmem>>, vector<16xf32>,
        %get3A_488 = arith.constant 1 : i32
        %get3A_489 = arith.index_cast %get3A_488 : i32 to index
        %get3A_490 = arith.index_cast %scan3A_390 : i32 to index
        %get3A_491 = arith.constant 80 : index
        %get3A_492 = tpu.vector_load %arg10[%get3A_489, %get3A_490, %get3A_491] {strides = array<i32>} : memref<5x16x128xf32, #tpu.memory_space<vmem>>, vector<16xf32>,
        %add3A_493 = arith.addf %get3A_492, %bitcast3A_473 : vector<16xf32>
        %max3A_494 = arith.constant 0.000000e+00 : f32
        %max3A_495 = vector.broadcast %max3A_494 : f32 to vector<16xf32>
        %max3A_496 = arith.maximumf %add3A_493, %max3A_495 : vector<16xf32>
        %swap3A_497 = arith.constant 1 : i32
        %swap3A_498 = arith.index_cast %swap3A_497 : i32 to index
        %swap3A_499 = arith.index_cast %scan3A_390 : i32 to index
        %swap3A_500 = arith.constant 80 : index
        %swap3A_501 = tpu.vector_load %arg10[%swap3A_498, %swap3A_499, %swap3A_500] {strides = array<i32>} : memref<5x16x128xf32, #tpu.memory_space<vmem>>, vector<16xf32>,
        tpu.vector_store %arg10[%swap3A_498, %swap3A_499, %swap3A_500], %max3A_496 {strides = array<i32>} : memref<5x16x128xf32, #tpu.memory_space<vmem>>, vector<16xf32>,
        %get3A_502 = arith.index_cast %scan3A_390 : i32 to index
        %get3A_503 = arith.constant 48 : index
        %get3A_504 = tpu.vector_load %arg12[%get3A_502, %get3A_503] {strides = array<i32>} : memref<16x64xi32, #tpu.memory_space<vmem>>, vector<16xi32>,
        %shift_left3A_505 = arith.constant 16 : i32
        %shift_left3A_506 = vector.broadcast %shift_left3A_505 : i32 to vector<16xi32>
        %shift_left3A_507 = arith.shli %get3A_504, %shift_left3A_506 : vector<16xi32>
        %bitcast3A_508 = vector.bitcast %shift_left3A_507 : vector<16xi32> to vector<16xf32>
        %and3A_509 = arith.constant -65536 : i32
        %and3A_510 = vector.broadcast %and3A_509 : i32 to vector<16xi32>
        %and3A_511 = arith.andi %get3A_504, %and3A_510 : vector<16xi32>
        %bitcast3A_512 = vector.bitcast %and3A_511 : vector<16xi32> to vector<16xf32>
        %get3A_513 = arith.constant 1 : i32
        %get3A_514 = arith.index_cast %get3A_513 : i32 to index
        %get3A_515 = arith.index_cast %scan3A_390 : i32 to index
        %get3A_516 = arith.constant 96 : index
        %get3A_517 = tpu.vector_load %arg10[%get3A_514, %get3A_515, %get3A_516] {strides = array<i32>} : memref<5x16x128xf32, #tpu.memory_space<vmem>>, vector<16xf32>,
        %add3A_518 = arith.addf %get3A_517, %bitcast3A_508 : vector<16xf32>
        %max3A_519 = arith.constant 0.000000e+00 : f32
        %max3A_520 = vector.broadcast %max3A_519 : f32 to vector<16xf32>
        %max3A_521 = arith.maximumf %add3A_518, %max3A_520 : vector<16xf32>
        %swap3A_522 = arith.constant 1 : i32
        %swap3A_523 = arith.index_cast %swap3A_522 : i32 to index
        %swap3A_524 = arith.index_cast %scan3A_390 : i32 to index
        %swap3A_525 = arith.constant 96 : index
        %swap3A_526 = tpu.vector_load %arg10[%swap3A_523, %swap3A_524, %swap3A_525] {strides = array<i32>} : memref<5x16x128xf32, #tpu.memory_space<vmem>>, vector<16xf32>,
        tpu.vector_store %arg10[%swap3A_523, %swap3A_524, %swap3A_525], %max3A_521 {strides = array<i32>} : memref<5x16x128xf32, #tpu.memory_space<vmem>>, vector<16xf32>,
        %get3A_527 = arith.constant 1 : i32
        %get3A_528 = arith.index_cast %get3A_527 : i32 to index
        %get3A_529 = arith.index_cast %scan3A_390 : i32 to index
        %get3A_530 = arith.constant 112 : index
        %get3A_531 = tpu.vector_load %arg10[%get3A_528, %get3A_529, %get3A_530] {strides = array<i32>} : memref<5x16x128xf32, #tpu.memory_space<vmem>>, vector<16xf32>,
        %add3A_532 = arith.addf %get3A_531, %bitcast3A_512 : vector<16xf32>
        %max3A_533 = arith.constant 0.000000e+00 : f32
        %max3A_534 = vector.broadcast %max3A_533 : f32 to vector<16xf32>
        %max3A_535 = arith.maximumf %add3A_532, %max3A_534 : vector<16xf32>
        %swap3A_536 = arith.constant 1 : i32
        %swap3A_537 = arith.index_cast %swap3A_536 : i32 to index
        %swap3A_538 = arith.index_cast %scan3A_390 : i32 to index
        %swap3A_539 = arith.constant 112 : index
        %swap3A_540 = tpu.vector_load %arg10[%swap3A_537, %swap3A_538, %swap3A_539] {strides = array<i32>} : memref<5x16x128xf32, #tpu.memory_space<vmem>>, vector<16xf32>,
        tpu.vector_store %arg10[%swap3A_537, %swap3A_538, %swap3A_539], %max3A_535 {strides = array<i32>} : memref<5x16x128xf32, #tpu.memory_space<vmem>>, vector<16xf32>,
      }
      %scan3A_200 = arith.constant 16 : i32
      %mul3A_201 = arith.constant 16 : i32
      %mul3A_202 = arith.muli %add3A_178, %mul3A_201 : i32
      %multiple_of3A_203 = tpu.assume_multiple %mul3A_202, 8 : i32
      %dma_start3A_204 = arith.constant 1 : i32
      %dma_start3A_205 = arith.constant 0 : i32
      %dma_start3A_206 = arith.constant 0 : i32
      %dma_start3A_207 = tpu.memref_slice %arg10[%dma_start3A_204, %dma_start3A_205, %dma_start3A_206] : memref<5x16x128xf32, #tpu.memory_space<vmem>> -> memref<1x16x128xf32, #tpu.memory_space<vmem>>
      %dma_start3A_208 = tpu.memref_squeeze %dma_start3A_207 : memref<1x16x128xf32, #tpu.memory_space<vmem>> -> memref<16x128xf32, #tpu.memory_space<vmem>>
      %dma_start3A_209 = tpu.memref_slice %arg9[%multiple_of3A_203] : memref<10000xi32, #tpu.memory_space<vmem>> -> memref<16xi32, #tpu.memory_space<vmem>>
      %dma_start3A_210 = arith.constant 0 : i32
      %dma_start3A_211 = arith.constant 0 : i32
      %dma_start3A_212 = tpu.memref_slice %arg16[%dma_start3A_210, %dma_start3A_211] : memref<10000x128xf32, #tpu.memory_space<vmem_shared>> -> memref<10000x128xf32, #tpu.memory_space<vmem_shared>>
      tpu.enqueue_indirect_dma source(%dma_start3A_208 : memref<16x128xf32, #tpu.memory_space<vmem>>) target(%dma_start3A_212 : memref<10000x128xf32, #tpu.memory_space<vmem_shared>>) offsets(%dma_start3A_209 : memref<16xi32, #tpu.memory_space<vmem>>) semaphore(%arg28 : memref<!tpu.dma_semaphore, #tpu.memory_space<semaphore_mem>>) {add = true}
      %multiple_of3A_213 = arith.constant 0 : i32
      %multiple_of3A_214 = tpu.assume_multiple %multiple_of3A_213, 8 : i32
      %dma_wait3A_215 = arith.constant 0 : i32
      %dma_wait3A_216 = arith.constant 0 : i32
      %dma_wait3A_217 = arith.constant 0 : i32
      %dma_wait3A_218 = tpu.memref_slice %arg10[%dma_wait3A_215, %dma_wait3A_216, %dma_wait3A_217] : memref<5x16x128xf32, #tpu.memory_space<vmem>> -> memref<1x16x128xf32, #tpu.memory_space<vmem>>
      %dma_wait3A_219 = tpu.memref_squeeze %dma_wait3A_218 : memref<1x16x128xf32, #tpu.memory_space<vmem>> -> memref<16x128xf32, #tpu.memory_space<vmem>>
      %dma_wait3A_220 = tpu.memref_slice %arg9[%multiple_of3A_214] : memref<10000xi32, #tpu.memory_space<vmem>> -> memref<16xi32, #tpu.memory_space<vmem>>
      %dma_wait3A_221 = arith.constant 0 : i32
      %dma_wait3A_222 = arith.constant 0 : i32
      %dma_wait3A_223 = tpu.memref_slice %arg16[%dma_wait3A_221, %dma_wait3A_222] : memref<10000x128xf32, #tpu.memory_space<vmem_shared>> -> memref<10000x128xf32, #tpu.memory_space<vmem_shared>>
      tpu.wait_indirect_dma semaphore(%arg27 : memref<!tpu.dma_semaphore, #tpu.memory_space<semaphore_mem>>) src(%dma_wait3A_219 : memref<16x128xf32, #tpu.memory_space<vmem>>) dst(%dma_wait3A_223 : memref<10000x128xf32, #tpu.memory_space<vmem_shared>>)
      %lt3A = arith.constant 124 : i32
      %lt3A_224 = arith.cmpi slt, %scan3A_108, %lt3A : i32
      %convert_element_type3A_225 = arith.extui %lt3A_224 : i1 to i32
      %cond3A_226 = arith.constant 0 : i32
      %cond3A_227 = arith.cmpi ne, %convert_element_type3A_225, %cond3A_226 : i32
      scf.if %cond3A_227 {
        %add3A_390 = arith.constant 4 : i32
        %add3A_391 = arith.addi %add3A_178, %add3A_390 : i32
        %mul3A_392 = arith.constant 16 : i32
        %mul3A_393 = arith.muli %add3A_391, %mul3A_392 : i32
        %multiple_of3A_394 = tpu.assume_multiple %mul3A_393, 8 : i32
        %dma_start3A_395 = arith.constant 0 : i32
        %dma_start3A_396 = arith.constant 0 : i32
        %dma_start3A_397 = arith.constant 0 : i32
        %dma_start3A_398 = tpu.memref_slice %arg10[%dma_start3A_395, %dma_start3A_396, %dma_start3A_397] : memref<5x16x128xf32, #tpu.memory_space<vmem>> -> memref<1x16x128xf32, #tpu.memory_space<vmem>>
        %dma_start3A_399 = tpu.memref_squeeze %dma_start3A_398 : memref<1x16x128xf32, #tpu.memory_space<vmem>> -> memref<16x128xf32, #tpu.memory_space<vmem>>
        %dma_start3A_400 = tpu.memref_slice %arg8[%multiple_of3A_394] : memref<10000xi32, #tpu.memory_space<vmem>> -> memref<16xi32, #tpu.memory_space<vmem>>
        %dma_start3A_401 = arith.constant 0 : i32
        %dma_start3A_402 = arith.constant 0 : i32
        %dma_start3A_403 = tpu.memref_slice %arg2[%dma_start3A_401, %dma_start3A_402] : memref<10000x128xf32, #tpu.memory_space<hbm>> -> memref<10000x128xf32, #tpu.memory_space<hbm>>
        tpu.enqueue_indirect_dma source(%dma_start3A_403 : memref<10000x128xf32, #tpu.memory_space<hbm>>) target(%dma_start3A_399 : memref<16x128xf32, #tpu.memory_space<vmem>>) offsets(%dma_start3A_400 : memref<16xi32, #tpu.memory_space<vmem>>) semaphore(%arg17 : memref<!tpu.dma_semaphore, #tpu.memory_space<semaphore_mem>>)
        %mul3A_404 = arith.constant 10000 : i32
        %mul3A_405 = arith.muli %add3A, %mul3A_404 : i32
        %mul3A_406 = arith.constant 16 : i32
        %mul3A_407 = arith.muli %add3A_391, %mul3A_406 : i32
        %add3A_408 = arith.addi %mul3A_405, %mul3A_407 : i32
        %multiple_of3A_409 = tpu.assume_multiple %add3A_408, 8 : i32
        %dma_start3A_410 = arith.constant 0 : i32
        %dma_start3A_411 = tpu.memref_slice %arg3[%multiple_of3A_409, %dma_start3A_410] : memref<320000x64xi32, #tpu.memory_space<hbm>> -> memref<16x64xi32, #tpu.memory_space<hbm>>
        %dma_start3A_412 = arith.constant 0 : i32
        %dma_start3A_413 = tpu.memref_slice %arg3[%multiple_of3A_409, %dma_start3A_412] : memref<320000x64xi32, #tpu.memory_space<hbm>> -> memref<16x64xi32, #tpu.memory_space<hbm>>
        tpu.enqueue_dma source(%dma_start3A_413 : memref<16x64xi32, #tpu.memory_space<hbm>>) target(%arg11 : memref<16x64xi32, #tpu.memory_space<vmem>>) target_semaphore(%arg22 : memref<!tpu.dma_semaphore, #tpu.memory_space<semaphore_mem>>)
      } else {
      }
      %mul3A_228 = arith.constant 5 : i32
      %mul3A_229 = arith.muli %scan3A_108, %mul3A_228 : i32
      %add3A_230 = arith.constant 2 : i32
      %add3A_231 = arith.addi %mul3A_229, %add3A_230 : i32
      %dma_wait3A_232 = arith.constant 2 : i32
      %dma_wait3A_233 = arith.constant 0 : i32
      %dma_wait3A_234 = arith.constant 0 : i32
      %dma_wait3A_235 = tpu.memref_slice %arg10[%dma_wait3A_232, %dma_wait3A_233, %dma_wait3A_234] : memref<5x16x128xf32, #tpu.memory_space<vmem>> -> memref<1x16x128xf32, #tpu.memory_space<vmem>>
      %dma_wait3A_236 = tpu.memref_squeeze %dma_wait3A_235 : memref<1x16x128xf32, #tpu.memory_space<vmem>> -> memref<16x128xf32, #tpu.memory_space<vmem>>
      %dma_wait3A_237 = arith.constant 0 : i32
      %dma_wait3A_238 = tpu.memref_slice %arg8[%dma_wait3A_237] : memref<10000xi32, #tpu.memory_space<vmem>> -> memref<16xi32, #tpu.memory_space<vmem>>
      %dma_wait3A_239 = arith.constant 0 : i32
      %dma_wait3A_240 = arith.constant 0 : i32
      %dma_wait3A_241 = tpu.memref_slice %arg2[%dma_wait3A_239, %dma_wait3A_240] : memref<10000x128xf32, #tpu.memory_space<hbm>> -> memref<10000x128xf32, #tpu.memory_space<hbm>>
      tpu.wait_indirect_dma semaphore(%arg19 : memref<!tpu.dma_semaphore, #tpu.memory_space<semaphore_mem>>) src(%dma_wait3A_241 : memref<10000x128xf32, #tpu.memory_space<hbm>>) dst(%dma_wait3A_236 : memref<16x128xf32, #tpu.memory_space<vmem>>)
      %dma_wait3A_242 = arith.constant 0 : i32
      %dma_wait3A_243 = arith.constant 0 : i32
      %dma_wait3A_244 = tpu.memref_slice %arg3[%dma_wait3A_242, %dma_wait3A_243] : memref<320000x64xi32, #tpu.memory_space<hbm>> -> memref<16x64xi32, #tpu.memory_space<hbm>>
      %dma_wait3A_245 = arith.constant 0 : i32
      %dma_wait3A_246 = arith.constant 0 : i32
      %dma_wait3A_247 = tpu.memref_slice %arg3[%dma_wait3A_245, %dma_wait3A_246] : memref<320000x64xi32, #tpu.memory_space<hbm>> -> memref<16x64xi32, #tpu.memory_space<hbm>>
      tpu.wait_dma2 semaphore(%arg24 : memref<!tpu.dma_semaphore, #tpu.memory_space<semaphore_mem>>) src(%dma_wait3A_247 : memref<16x64xi32, #tpu.memory_space<hbm>>) dst(%arg13 : memref<16x64xi32, #tpu.memory_space<vmem>>)
      %scan3A_248 = arith.constant 0 : i32
      %scan3A_249 = arith.constant 0 : i32
      %scan3A_250 = arith.constant 16 : i32
      %scan3A_251 = arith.addi %scan3A_249, %scan3A_250 : i32
      %scan3A_252 = arith.constant 1 : i32
      scf.for %scan3A_390 = %scan3A_249 to %scan3A_251 step %scan3A_252  : i32 {
        %get3A = arith.index_cast %scan3A_390 : i32 to index
        %get3A_391 = arith.constant 0 : index
        %get3A_392 = tpu.vector_load %arg13[%get3A, %get3A_391] {strides = array<i32>} : memref<16x64xi32, #tpu.memory_space<vmem>>, vector<16xi32>,
        %shift_left3A = arith.constant 16 : i32
        %shift_left3A_393 = vector.broadcast %shift_left3A : i32 to vector<16xi32>
        %shift_left3A_394 = arith.shli %get3A_392, %shift_left3A_393 : vector<16xi32>
        %bitcast3A = vector.bitcast %shift_left3A_394 : vector<16xi32> to vector<16xf32>
        %and3A = arith.constant -65536 : i32
        %and3A_395 = vector.broadcast %and3A : i32 to vector<16xi32>
        %and3A_396 = arith.andi %get3A_392, %and3A_395 : vector<16xi32>
        %bitcast3A_397 = vector.bitcast %and3A_396 : vector<16xi32> to vector<16xf32>
        %get3A_398 = arith.constant 2 : i32
        %get3A_399 = arith.index_cast %get3A_398 : i32 to index
        %get3A_400 = arith.index_cast %scan3A_390 : i32 to index
        %get3A_401 = arith.constant 0 : index
        %get3A_402 = tpu.vector_load %arg10[%get3A_399, %get3A_400, %get3A_401] {strides = array<i32>} : memref<5x16x128xf32, #tpu.memory_space<vmem>>, vector<16xf32>,
        %add3A_403 = arith.addf %get3A_402, %bitcast3A : vector<16xf32>
        %max3A = arith.constant 0.000000e+00 : f32
        %max3A_404 = vector.broadcast %max3A : f32 to vector<16xf32>
        %max3A_405 = arith.maximumf %add3A_403, %max3A_404 : vector<16xf32>
        %swap3A = arith.constant 2 : i32
        %swap3A_406 = arith.index_cast %swap3A : i32 to index
        %swap3A_407 = arith.index_cast %scan3A_390 : i32 to index
        %swap3A_408 = arith.constant 0 : index
        %swap3A_409 = tpu.vector_load %arg10[%swap3A_406, %swap3A_407, %swap3A_408] {strides = array<i32>} : memref<5x16x128xf32, #tpu.memory_space<vmem>>, vector<16xf32>,
        tpu.vector_store %arg10[%swap3A_406, %swap3A_407, %swap3A_408], %max3A_405 {strides = array<i32>} : memref<5x16x128xf32, #tpu.memory_space<vmem>>, vector<16xf32>,
        %get3A_410 = arith.constant 2 : i32
        %get3A_411 = arith.index_cast %get3A_410 : i32 to index
        %get3A_412 = arith.index_cast %scan3A_390 : i32 to index
        %get3A_413 = arith.constant 16 : index
        %get3A_414 = tpu.vector_load %arg10[%get3A_411, %get3A_412, %get3A_413] {strides = array<i32>} : memref<5x16x128xf32, #tpu.memory_space<vmem>>, vector<16xf32>,
        %add3A_415 = arith.addf %get3A_414, %bitcast3A_397 : vector<16xf32>
        %max3A_416 = arith.constant 0.000000e+00 : f32
        %max3A_417 = vector.broadcast %max3A_416 : f32 to vector<16xf32>
        %max3A_418 = arith.maximumf %add3A_415, %max3A_417 : vector<16xf32>
        %swap3A_419 = arith.constant 2 : i32
        %swap3A_420 = arith.index_cast %swap3A_419 : i32 to index
        %swap3A_421 = arith.index_cast %scan3A_390 : i32 to index
        %swap3A_422 = arith.constant 16 : index
        %swap3A_423 = tpu.vector_load %arg10[%swap3A_420, %swap3A_421, %swap3A_422] {strides = array<i32>} : memref<5x16x128xf32, #tpu.memory_space<vmem>>, vector<16xf32>,
        tpu.vector_store %arg10[%swap3A_420, %swap3A_421, %swap3A_422], %max3A_418 {strides = array<i32>} : memref<5x16x128xf32, #tpu.memory_space<vmem>>, vector<16xf32>,
        %get3A_424 = arith.index_cast %scan3A_390 : i32 to index
        %get3A_425 = arith.constant 16 : index
        %get3A_426 = tpu.vector_load %arg13[%get3A_424, %get3A_425] {strides = array<i32>} : memref<16x64xi32, #tpu.memory_space<vmem>>, vector<16xi32>,
        %shift_left3A_427 = arith.constant 16 : i32
        %shift_left3A_428 = vector.broadcast %shift_left3A_427 : i32 to vector<16xi32>
        %shift_left3A_429 = arith.shli %get3A_426, %shift_left3A_428 : vector<16xi32>
        %bitcast3A_430 = vector.bitcast %shift_left3A_429 : vector<16xi32> to vector<16xf32>
        %and3A_431 = arith.constant -65536 : i32
        %and3A_432 = vector.broadcast %and3A_431 : i32 to vector<16xi32>
        %and3A_433 = arith.andi %get3A_426, %and3A_432 : vector<16xi32>
        %bitcast3A_434 = vector.bitcast %and3A_433 : vector<16xi32> to vector<16xf32>
        %get3A_435 = arith.constant 2 : i32
        %get3A_436 = arith.index_cast %get3A_435 : i32 to index
        %get3A_437 = arith.index_cast %scan3A_390 : i32 to index
        %get3A_438 = arith.constant 32 : index
        %get3A_439 = tpu.vector_load %arg10[%get3A_436, %get3A_437, %get3A_438] {strides = array<i32>} : memref<5x16x128xf32, #tpu.memory_space<vmem>>, vector<16xf32>,
        %add3A_440 = arith.addf %get3A_439, %bitcast3A_430 : vector<16xf32>
        %max3A_441 = arith.constant 0.000000e+00 : f32
        %max3A_442 = vector.broadcast %max3A_441 : f32 to vector<16xf32>
        %max3A_443 = arith.maximumf %add3A_440, %max3A_442 : vector<16xf32>
        %swap3A_444 = arith.constant 2 : i32
        %swap3A_445 = arith.index_cast %swap3A_444 : i32 to index
        %swap3A_446 = arith.index_cast %scan3A_390 : i32 to index
        %swap3A_447 = arith.constant 32 : index
        %swap3A_448 = tpu.vector_load %arg10[%swap3A_445, %swap3A_446, %swap3A_447] {strides = array<i32>} : memref<5x16x128xf32, #tpu.memory_space<vmem>>, vector<16xf32>,
        tpu.vector_store %arg10[%swap3A_445, %swap3A_446, %swap3A_447], %max3A_443 {strides = array<i32>} : memref<5x16x128xf32, #tpu.memory_space<vmem>>, vector<16xf32>,
        %get3A_449 = arith.constant 2 : i32
        %get3A_450 = arith.index_cast %get3A_449 : i32 to index
        %get3A_451 = arith.index_cast %scan3A_390 : i32 to index
        %get3A_452 = arith.constant 48 : index
        %get3A_453 = tpu.vector_load %arg10[%get3A_450, %get3A_451, %get3A_452] {strides = array<i32>} : memref<5x16x128xf32, #tpu.memory_space<vmem>>, vector<16xf32>,
        %add3A_454 = arith.addf %get3A_453, %bitcast3A_434 : vector<16xf32>
        %max3A_455 = arith.constant 0.000000e+00 : f32
        %max3A_456 = vector.broadcast %max3A_455 : f32 to vector<16xf32>
        %max3A_457 = arith.maximumf %add3A_454, %max3A_456 : vector<16xf32>
        %swap3A_458 = arith.constant 2 : i32
        %swap3A_459 = arith.index_cast %swap3A_458 : i32 to index
        %swap3A_460 = arith.index_cast %scan3A_390 : i32 to index
        %swap3A_461 = arith.constant 48 : index
        %swap3A_462 = tpu.vector_load %arg10[%swap3A_459, %swap3A_460, %swap3A_461] {strides = array<i32>} : memref<5x16x128xf32, #tpu.memory_space<vmem>>, vector<16xf32>,
        tpu.vector_store %arg10[%swap3A_459, %swap3A_460, %swap3A_461], %max3A_457 {strides = array<i32>} : memref<5x16x128xf32, #tpu.memory_space<vmem>>, vector<16xf32>,
        %get3A_463 = arith.index_cast %scan3A_390 : i32 to index
        %get3A_464 = arith.constant 32 : index
        %get3A_465 = tpu.vector_load %arg13[%get3A_463, %get3A_464] {strides = array<i32>} : memref<16x64xi32, #tpu.memory_space<vmem>>, vector<16xi32>,
        %shift_left3A_466 = arith.constant 16 : i32
        %shift_left3A_467 = vector.broadcast %shift_left3A_466 : i32 to vector<16xi32>
        %shift_left3A_468 = arith.shli %get3A_465, %shift_left3A_467 : vector<16xi32>
        %bitcast3A_469 = vector.bitcast %shift_left3A_468 : vector<16xi32> to vector<16xf32>
        %and3A_470 = arith.constant -65536 : i32
        %and3A_471 = vector.broadcast %and3A_470 : i32 to vector<16xi32>
        %and3A_472 = arith.andi %get3A_465, %and3A_471 : vector<16xi32>
        %bitcast3A_473 = vector.bitcast %and3A_472 : vector<16xi32> to vector<16xf32>
        %get3A_474 = arith.constant 2 : i32
        %get3A_475 = arith.index_cast %get3A_474 : i32 to index
        %get3A_476 = arith.index_cast %scan3A_390 : i32 to index
        %get3A_477 = arith.constant 64 : index
        %get3A_478 = tpu.vector_load %arg10[%get3A_475, %get3A_476, %get3A_477] {strides = array<i32>} : memref<5x16x128xf32, #tpu.memory_space<vmem>>, vector<16xf32>,
        %add3A_479 = arith.addf %get3A_478, %bitcast3A_469 : vector<16xf32>
        %max3A_480 = arith.constant 0.000000e+00 : f32
        %max3A_481 = vector.broadcast %max3A_480 : f32 to vector<16xf32>
        %max3A_482 = arith.maximumf %add3A_479, %max3A_481 : vector<16xf32>
        %swap3A_483 = arith.constant 2 : i32
        %swap3A_484 = arith.index_cast %swap3A_483 : i32 to index
        %swap3A_485 = arith.index_cast %scan3A_390 : i32 to index
        %swap3A_486 = arith.constant 64 : index
        %swap3A_487 = tpu.vector_load %arg10[%swap3A_484, %swap3A_485, %swap3A_486] {strides = array<i32>} : memref<5x16x128xf32, #tpu.memory_space<vmem>>, vector<16xf32>,
        tpu.vector_store %arg10[%swap3A_484, %swap3A_485, %swap3A_486], %max3A_482 {strides = array<i32>} : memref<5x16x128xf32, #tpu.memory_space<vmem>>, vector<16xf32>,
        %get3A_488 = arith.constant 2 : i32
        %get3A_489 = arith.index_cast %get3A_488 : i32 to index
        %get3A_490 = arith.index_cast %scan3A_390 : i32 to index
        %get3A_491 = arith.constant 80 : index
        %get3A_492 = tpu.vector_load %arg10[%get3A_489, %get3A_490, %get3A_491] {strides = array<i32>} : memref<5x16x128xf32, #tpu.memory_space<vmem>>, vector<16xf32>,
        %add3A_493 = arith.addf %get3A_492, %bitcast3A_473 : vector<16xf32>
        %max3A_494 = arith.constant 0.000000e+00 : f32
        %max3A_495 = vector.broadcast %max3A_494 : f32 to vector<16xf32>
        %max3A_496 = arith.maximumf %add3A_493, %max3A_495 : vector<16xf32>
        %swap3A_497 = arith.constant 2 : i32
        %swap3A_498 = arith.index_cast %swap3A_497 : i32 to index
        %swap3A_499 = arith.index_cast %scan3A_390 : i32 to index
        %swap3A_500 = arith.constant 80 : index
        %swap3A_501 = tpu.vector_load %arg10[%swap3A_498, %swap3A_499, %swap3A_500] {strides = array<i32>} : memref<5x16x128xf32, #tpu.memory_space<vmem>>, vector<16xf32>,
        tpu.vector_store %arg10[%swap3A_498, %swap3A_499, %swap3A_500], %max3A_496 {strides = array<i32>} : memref<5x16x128xf32, #tpu.memory_space<vmem>>, vector<16xf32>,
        %get3A_502 = arith.index_cast %scan3A_390 : i32 to index
        %get3A_503 = arith.constant 48 : index
        %get3A_504 = tpu.vector_load %arg13[%get3A_502, %get3A_503] {strides = array<i32>} : memref<16x64xi32, #tpu.memory_space<vmem>>, vector<16xi32>,
        %shift_left3A_505 = arith.constant 16 : i32
        %shift_left3A_506 = vector.broadcast %shift_left3A_505 : i32 to vector<16xi32>
        %shift_left3A_507 = arith.shli %get3A_504, %shift_left3A_506 : vector<16xi32>
        %bitcast3A_508 = vector.bitcast %shift_left3A_507 : vector<16xi32> to vector<16xf32>
        %and3A_509 = arith.constant -65536 : i32
        %and3A_510 = vector.broadcast %and3A_509 : i32 to vector<16xi32>
        %and3A_511 = arith.andi %get3A_504, %and3A_510 : vector<16xi32>
        %bitcast3A_512 = vector.bitcast %and3A_511 : vector<16xi32> to vector<16xf32>
        %get3A_513 = arith.constant 2 : i32
        %get3A_514 = arith.index_cast %get3A_513 : i32 to index
        %get3A_515 = arith.index_cast %scan3A_390 : i32 to index
        %get3A_516 = arith.constant 96 : index
        %get3A_517 = tpu.vector_load %arg10[%get3A_514, %get3A_515, %get3A_516] {strides = array<i32>} : memref<5x16x128xf32, #tpu.memory_space<vmem>>, vector<16xf32>,
        %add3A_518 = arith.addf %get3A_517, %bitcast3A_508 : vector<16xf32>
        %max3A_519 = arith.constant 0.000000e+00 : f32
        %max3A_520 = vector.broadcast %max3A_519 : f32 to vector<16xf32>
        %max3A_521 = arith.maximumf %add3A_518, %max3A_520 : vector<16xf32>
        %swap3A_522 = arith.constant 2 : i32
        %swap3A_523 = arith.index_cast %swap3A_522 : i32 to index
        %swap3A_524 = arith.index_cast %scan3A_390 : i32 to index
        %swap3A_525 = arith.constant 96 : index
        %swap3A_526 = tpu.vector_load %arg10[%swap3A_523, %swap3A_524, %swap3A_525] {strides = array<i32>} : memref<5x16x128xf32, #tpu.memory_space<vmem>>, vector<16xf32>,
        tpu.vector_store %arg10[%swap3A_523, %swap3A_524, %swap3A_525], %max3A_521 {strides = array<i32>} : memref<5x16x128xf32, #tpu.memory_space<vmem>>, vector<16xf32>,
        %get3A_527 = arith.constant 2 : i32
        %get3A_528 = arith.index_cast %get3A_527 : i32 to index
        %get3A_529 = arith.index_cast %scan3A_390 : i32 to index
        %get3A_530 = arith.constant 112 : index
        %get3A_531 = tpu.vector_load %arg10[%get3A_528, %get3A_529, %get3A_530] {strides = array<i32>} : memref<5x16x128xf32, #tpu.memory_space<vmem>>, vector<16xf32>,
        %add3A_532 = arith.addf %get3A_531, %bitcast3A_512 : vector<16xf32>
        %max3A_533 = arith.constant 0.000000e+00 : f32
        %max3A_534 = vector.broadcast %max3A_533 : f32 to vector<16xf32>
        %max3A_535 = arith.maximumf %add3A_532, %max3A_534 : vector<16xf32>
        %swap3A_536 = arith.constant 2 : i32
        %swap3A_537 = arith.index_cast %swap3A_536 : i32 to index
        %swap3A_538 = arith.index_cast %scan3A_390 : i32 to index
        %swap3A_539 = arith.constant 112 : index
        %swap3A_540 = tpu.vector_load %arg10[%swap3A_537, %swap3A_538, %swap3A_539] {strides = array<i32>} : memref<5x16x128xf32, #tpu.memory_space<vmem>>, vector<16xf32>,
        tpu.vector_store %arg10[%swap3A_537, %swap3A_538, %swap3A_539], %max3A_535 {strides = array<i32>} : memref<5x16x128xf32, #tpu.memory_space<vmem>>, vector<16xf32>,
      }
      %scan3A_253 = arith.constant 16 : i32
      %mul3A_254 = arith.constant 16 : i32
      %mul3A_255 = arith.muli %add3A_231, %mul3A_254 : i32
      %multiple_of3A_256 = tpu.assume_multiple %mul3A_255, 8 : i32
      %dma_start3A_257 = arith.constant 2 : i32
      %dma_start3A_258 = arith.constant 0 : i32
      %dma_start3A_259 = arith.constant 0 : i32
      %dma_start3A_260 = tpu.memref_slice %arg10[%dma_start3A_257, %dma_start3A_258, %dma_start3A_259] : memref<5x16x128xf32, #tpu.memory_space<vmem>> -> memref<1x16x128xf32, #tpu.memory_space<vmem>>
      %dma_start3A_261 = tpu.memref_squeeze %dma_start3A_260 : memref<1x16x128xf32, #tpu.memory_space<vmem>> -> memref<16x128xf32, #tpu.memory_space<vmem>>
      %dma_start3A_262 = tpu.memref_slice %arg9[%multiple_of3A_256] : memref<10000xi32, #tpu.memory_space<vmem>> -> memref<16xi32, #tpu.memory_space<vmem>>
      %dma_start3A_263 = arith.constant 0 : i32
      %dma_start3A_264 = arith.constant 0 : i32
      %dma_start3A_265 = tpu.memref_slice %arg16[%dma_start3A_263, %dma_start3A_264] : memref<10000x128xf32, #tpu.memory_space<vmem_shared>> -> memref<10000x128xf32, #tpu.memory_space<vmem_shared>>
      tpu.enqueue_indirect_dma source(%dma_start3A_261 : memref<16x128xf32, #tpu.memory_space<vmem>>) target(%dma_start3A_265 : memref<10000x128xf32, #tpu.memory_space<vmem_shared>>) offsets(%dma_start3A_262 : memref<16xi32, #tpu.memory_space<vmem>>) semaphore(%arg29 : memref<!tpu.dma_semaphore, #tpu.memory_space<semaphore_mem>>) {add = true}
      %multiple_of3A_266 = arith.constant 0 : i32
      %multiple_of3A_267 = tpu.assume_multiple %multiple_of3A_266, 8 : i32
      %dma_wait3A_268 = arith.constant 1 : i32
      %dma_wait3A_269 = arith.constant 0 : i32
      %dma_wait3A_270 = arith.constant 0 : i32
      %dma_wait3A_271 = tpu.memref_slice %arg10[%dma_wait3A_268, %dma_wait3A_269, %dma_wait3A_270] : memref<5x16x128xf32, #tpu.memory_space<vmem>> -> memref<1x16x128xf32, #tpu.memory_space<vmem>>
      %dma_wait3A_272 = tpu.memref_squeeze %dma_wait3A_271 : memref<1x16x128xf32, #tpu.memory_space<vmem>> -> memref<16x128xf32, #tpu.memory_space<vmem>>
      %dma_wait3A_273 = tpu.memref_slice %arg9[%multiple_of3A_267] : memref<10000xi32, #tpu.memory_space<vmem>> -> memref<16xi32, #tpu.memory_space<vmem>>
      %dma_wait3A_274 = arith.constant 0 : i32
      %dma_wait3A_275 = arith.constant 0 : i32
      %dma_wait3A_276 = tpu.memref_slice %arg16[%dma_wait3A_274, %dma_wait3A_275] : memref<10000x128xf32, #tpu.memory_space<vmem_shared>> -> memref<10000x128xf32, #tpu.memory_space<vmem_shared>>
      tpu.wait_indirect_dma semaphore(%arg28 : memref<!tpu.dma_semaphore, #tpu.memory_space<semaphore_mem>>) src(%dma_wait3A_272 : memref<16x128xf32, #tpu.memory_space<vmem>>) dst(%dma_wait3A_276 : memref<10000x128xf32, #tpu.memory_space<vmem_shared>>)
      %lt3A_277 = arith.constant 124 : i32
      %lt3A_278 = arith.cmpi slt, %scan3A_108, %lt3A_277 : i32
      %convert_element_type3A_279 = arith.extui %lt3A_278 : i1 to i32
      %cond3A_280 = arith.constant 0 : i32
      %cond3A_281 = arith.cmpi ne, %convert_element_type3A_279, %cond3A_280 : i32
      scf.if %cond3A_281 {
        %add3A_390 = arith.constant 4 : i32
        %add3A_391 = arith.addi %add3A_231, %add3A_390 : i32
        %mul3A_392 = arith.constant 16 : i32
        %mul3A_393 = arith.muli %add3A_391, %mul3A_392 : i32
        %multiple_of3A_394 = tpu.assume_multiple %mul3A_393, 8 : i32
        %dma_start3A_395 = arith.constant 1 : i32
        %dma_start3A_396 = arith.constant 0 : i32
        %dma_start3A_397 = arith.constant 0 : i32
        %dma_start3A_398 = tpu.memref_slice %arg10[%dma_start3A_395, %dma_start3A_396, %dma_start3A_397] : memref<5x16x128xf32, #tpu.memory_space<vmem>> -> memref<1x16x128xf32, #tpu.memory_space<vmem>>
        %dma_start3A_399 = tpu.memref_squeeze %dma_start3A_398 : memref<1x16x128xf32, #tpu.memory_space<vmem>> -> memref<16x128xf32, #tpu.memory_space<vmem>>
        %dma_start3A_400 = tpu.memref_slice %arg8[%multiple_of3A_394] : memref<10000xi32, #tpu.memory_space<vmem>> -> memref<16xi32, #tpu.memory_space<vmem>>
        %dma_start3A_401 = arith.constant 0 : i32
        %dma_start3A_402 = arith.constant 0 : i32
        %dma_start3A_403 = tpu.memref_slice %arg2[%dma_start3A_401, %dma_start3A_402] : memref<10000x128xf32, #tpu.memory_space<hbm>> -> memref<10000x128xf32, #tpu.memory_space<hbm>>
        tpu.enqueue_indirect_dma source(%dma_start3A_403 : memref<10000x128xf32, #tpu.memory_space<hbm>>) target(%dma_start3A_399 : memref<16x128xf32, #tpu.memory_space<vmem>>) offsets(%dma_start3A_400 : memref<16xi32, #tpu.memory_space<vmem>>) semaphore(%arg18 : memref<!tpu.dma_semaphore, #tpu.memory_space<semaphore_mem>>)
        %mul3A_404 = arith.constant 10000 : i32
        %mul3A_405 = arith.muli %add3A, %mul3A_404 : i32
        %mul3A_406 = arith.constant 16 : i32
        %mul3A_407 = arith.muli %add3A_391, %mul3A_406 : i32
        %add3A_408 = arith.addi %mul3A_405, %mul3A_407 : i32
        %multiple_of3A_409 = tpu.assume_multiple %add3A_408, 8 : i32
        %dma_start3A_410 = arith.constant 0 : i32
        %dma_start3A_411 = tpu.memref_slice %arg3[%multiple_of3A_409, %dma_start3A_410] : memref<320000x64xi32, #tpu.memory_space<hbm>> -> memref<16x64xi32, #tpu.memory_space<hbm>>
        %dma_start3A_412 = arith.constant 0 : i32
        %dma_start3A_413 = tpu.memref_slice %arg3[%multiple_of3A_409, %dma_start3A_412] : memref<320000x64xi32, #tpu.memory_space<hbm>> -> memref<16x64xi32, #tpu.memory_space<hbm>>
        tpu.enqueue_dma source(%dma_start3A_413 : memref<16x64xi32, #tpu.memory_space<hbm>>) target(%arg12 : memref<16x64xi32, #tpu.memory_space<vmem>>) target_semaphore(%arg23 : memref<!tpu.dma_semaphore, #tpu.memory_space<semaphore_mem>>)
      } else {
      }
      %mul3A_282 = arith.constant 5 : i32
      %mul3A_283 = arith.muli %scan3A_108, %mul3A_282 : i32
      %add3A_284 = arith.constant 3 : i32
      %add3A_285 = arith.addi %mul3A_283, %add3A_284 : i32
      %dma_wait3A_286 = arith.constant 3 : i32
      %dma_wait3A_287 = arith.constant 0 : i32
      %dma_wait3A_288 = arith.constant 0 : i32
      %dma_wait3A_289 = tpu.memref_slice %arg10[%dma_wait3A_286, %dma_wait3A_287, %dma_wait3A_288] : memref<5x16x128xf32, #tpu.memory_space<vmem>> -> memref<1x16x128xf32, #tpu.memory_space<vmem>>
      %dma_wait3A_290 = tpu.memref_squeeze %dma_wait3A_289 : memref<1x16x128xf32, #tpu.memory_space<vmem>> -> memref<16x128xf32, #tpu.memory_space<vmem>>
      %dma_wait3A_291 = arith.constant 0 : i32
      %dma_wait3A_292 = tpu.memref_slice %arg8[%dma_wait3A_291] : memref<10000xi32, #tpu.memory_space<vmem>> -> memref<16xi32, #tpu.memory_space<vmem>>
      %dma_wait3A_293 = arith.constant 0 : i32
      %dma_wait3A_294 = arith.constant 0 : i32
      %dma_wait3A_295 = tpu.memref_slice %arg2[%dma_wait3A_293, %dma_wait3A_294] : memref<10000x128xf32, #tpu.memory_space<hbm>> -> memref<10000x128xf32, #tpu.memory_space<hbm>>
      tpu.wait_indirect_dma semaphore(%arg20 : memref<!tpu.dma_semaphore, #tpu.memory_space<semaphore_mem>>) src(%dma_wait3A_295 : memref<10000x128xf32, #tpu.memory_space<hbm>>) dst(%dma_wait3A_290 : memref<16x128xf32, #tpu.memory_space<vmem>>)
      %dma_wait3A_296 = arith.constant 0 : i32
      %dma_wait3A_297 = arith.constant 0 : i32
      %dma_wait3A_298 = tpu.memref_slice %arg3[%dma_wait3A_296, %dma_wait3A_297] : memref<320000x64xi32, #tpu.memory_space<hbm>> -> memref<16x64xi32, #tpu.memory_space<hbm>>
      %dma_wait3A_299 = arith.constant 0 : i32
      %dma_wait3A_300 = arith.constant 0 : i32
      %dma_wait3A_301 = tpu.memref_slice %arg3[%dma_wait3A_299, %dma_wait3A_300] : memref<320000x64xi32, #tpu.memory_space<hbm>> -> memref<16x64xi32, #tpu.memory_space<hbm>>
      tpu.wait_dma2 semaphore(%arg25 : memref<!tpu.dma_semaphore, #tpu.memory_space<semaphore_mem>>) src(%dma_wait3A_301 : memref<16x64xi32, #tpu.memory_space<hbm>>) dst(%arg14 : memref<16x64xi32, #tpu.memory_space<vmem>>)
      %scan3A_302 = arith.constant 0 : i32
      %scan3A_303 = arith.constant 0 : i32
      %scan3A_304 = arith.constant 16 : i32
      %scan3A_305 = arith.addi %scan3A_303, %scan3A_304 : i32
      %scan3A_306 = arith.constant 1 : i32
      scf.for %scan3A_390 = %scan3A_303 to %scan3A_305 step %scan3A_306  : i32 {
        %get3A = arith.index_cast %scan3A_390 : i32 to index
        %get3A_391 = arith.constant 0 : index
        %get3A_392 = tpu.vector_load %arg14[%get3A, %get3A_391] {strides = array<i32>} : memref<16x64xi32, #tpu.memory_space<vmem>>, vector<16xi32>,
        %shift_left3A = arith.constant 16 : i32
        %shift_left3A_393 = vector.broadcast %shift_left3A : i32 to vector<16xi32>
        %shift_left3A_394 = arith.shli %get3A_392, %shift_left3A_393 : vector<16xi32>
        %bitcast3A = vector.bitcast %shift_left3A_394 : vector<16xi32> to vector<16xf32>
        %and3A = arith.constant -65536 : i32
        %and3A_395 = vector.broadcast %and3A : i32 to vector<16xi32>
        %and3A_396 = arith.andi %get3A_392, %and3A_395 : vector<16xi32>
        %bitcast3A_397 = vector.bitcast %and3A_396 : vector<16xi32> to vector<16xf32>
        %get3A_398 = arith.constant 3 : i32
        %get3A_399 = arith.index_cast %get3A_398 : i32 to index
        %get3A_400 = arith.index_cast %scan3A_390 : i32 to index
        %get3A_401 = arith.constant 0 : index
        %get3A_402 = tpu.vector_load %arg10[%get3A_399, %get3A_400, %get3A_401] {strides = array<i32>} : memref<5x16x128xf32, #tpu.memory_space<vmem>>, vector<16xf32>,
        %add3A_403 = arith.addf %get3A_402, %bitcast3A : vector<16xf32>
        %max3A = arith.constant 0.000000e+00 : f32
        %max3A_404 = vector.broadcast %max3A : f32 to vector<16xf32>
        %max3A_405 = arith.maximumf %add3A_403, %max3A_404 : vector<16xf32>
        %swap3A = arith.constant 3 : i32
        %swap3A_406 = arith.index_cast %swap3A : i32 to index
        %swap3A_407 = arith.index_cast %scan3A_390 : i32 to index
        %swap3A_408 = arith.constant 0 : index
        %swap3A_409 = tpu.vector_load %arg10[%swap3A_406, %swap3A_407, %swap3A_408] {strides = array<i32>} : memref<5x16x128xf32, #tpu.memory_space<vmem>>, vector<16xf32>,
        tpu.vector_store %arg10[%swap3A_406, %swap3A_407, %swap3A_408], %max3A_405 {strides = array<i32>} : memref<5x16x128xf32, #tpu.memory_space<vmem>>, vector<16xf32>,
        %get3A_410 = arith.constant 3 : i32
        %get3A_411 = arith.index_cast %get3A_410 : i32 to index
        %get3A_412 = arith.index_cast %scan3A_390 : i32 to index
        %get3A_413 = arith.constant 16 : index
        %get3A_414 = tpu.vector_load %arg10[%get3A_411, %get3A_412, %get3A_413] {strides = array<i32>} : memref<5x16x128xf32, #tpu.memory_space<vmem>>, vector<16xf32>,
        %add3A_415 = arith.addf %get3A_414, %bitcast3A_397 : vector<16xf32>
        %max3A_416 = arith.constant 0.000000e+00 : f32
        %max3A_417 = vector.broadcast %max3A_416 : f32 to vector<16xf32>
        %max3A_418 = arith.maximumf %add3A_415, %max3A_417 : vector<16xf32>
        %swap3A_419 = arith.constant 3 : i32
        %swap3A_420 = arith.index_cast %swap3A_419 : i32 to index
        %swap3A_421 = arith.index_cast %scan3A_390 : i32 to index
        %swap3A_422 = arith.constant 16 : index
        %swap3A_423 = tpu.vector_load %arg10[%swap3A_420, %swap3A_421, %swap3A_422] {strides = array<i32>} : memref<5x16x128xf32, #tpu.memory_space<vmem>>, vector<16xf32>,
        tpu.vector_store %arg10[%swap3A_420, %swap3A_421, %swap3A_422], %max3A_418 {strides = array<i32>} : memref<5x16x128xf32, #tpu.memory_space<vmem>>, vector<16xf32>,
        %get3A_424 = arith.index_cast %scan3A_390 : i32 to index
        %get3A_425 = arith.constant 16 : index
        %get3A_426 = tpu.vector_load %arg14[%get3A_424, %get3A_425] {strides = array<i32>} : memref<16x64xi32, #tpu.memory_space<vmem>>, vector<16xi32>,
        %shift_left3A_427 = arith.constant 16 : i32
        %shift_left3A_428 = vector.broadcast %shift_left3A_427 : i32 to vector<16xi32>
        %shift_left3A_429 = arith.shli %get3A_426, %shift_left3A_428 : vector<16xi32>
        %bitcast3A_430 = vector.bitcast %shift_left3A_429 : vector<16xi32> to vector<16xf32>
        %and3A_431 = arith.constant -65536 : i32
        %and3A_432 = vector.broadcast %and3A_431 : i32 to vector<16xi32>
        %and3A_433 = arith.andi %get3A_426, %and3A_432 : vector<16xi32>
        %bitcast3A_434 = vector.bitcast %and3A_433 : vector<16xi32> to vector<16xf32>
        %get3A_435 = arith.constant 3 : i32
        %get3A_436 = arith.index_cast %get3A_435 : i32 to index
        %get3A_437 = arith.index_cast %scan3A_390 : i32 to index
        %get3A_438 = arith.constant 32 : index
        %get3A_439 = tpu.vector_load %arg10[%get3A_436, %get3A_437, %get3A_438] {strides = array<i32>} : memref<5x16x128xf32, #tpu.memory_space<vmem>>, vector<16xf32>,
        %add3A_440 = arith.addf %get3A_439, %bitcast3A_430 : vector<16xf32>
        %max3A_441 = arith.constant 0.000000e+00 : f32
        %max3A_442 = vector.broadcast %max3A_441 : f32 to vector<16xf32>
        %max3A_443 = arith.maximumf %add3A_440, %max3A_442 : vector<16xf32>
        %swap3A_444 = arith.constant 3 : i32
        %swap3A_445 = arith.index_cast %swap3A_444 : i32 to index
        %swap3A_446 = arith.index_cast %scan3A_390 : i32 to index
        %swap3A_447 = arith.constant 32 : index
        %swap3A_448 = tpu.vector_load %arg10[%swap3A_445, %swap3A_446, %swap3A_447] {strides = array<i32>} : memref<5x16x128xf32, #tpu.memory_space<vmem>>, vector<16xf32>,
        tpu.vector_store %arg10[%swap3A_445, %swap3A_446, %swap3A_447], %max3A_443 {strides = array<i32>} : memref<5x16x128xf32, #tpu.memory_space<vmem>>, vector<16xf32>,
        %get3A_449 = arith.constant 3 : i32
        %get3A_450 = arith.index_cast %get3A_449 : i32 to index
        %get3A_451 = arith.index_cast %scan3A_390 : i32 to index
        %get3A_452 = arith.constant 48 : index
        %get3A_453 = tpu.vector_load %arg10[%get3A_450, %get3A_451, %get3A_452] {strides = array<i32>} : memref<5x16x128xf32, #tpu.memory_space<vmem>>, vector<16xf32>,
        %add3A_454 = arith.addf %get3A_453, %bitcast3A_434 : vector<16xf32>
        %max3A_455 = arith.constant 0.000000e+00 : f32
        %max3A_456 = vector.broadcast %max3A_455 : f32 to vector<16xf32>
        %max3A_457 = arith.maximumf %add3A_454, %max3A_456 : vector<16xf32>
        %swap3A_458 = arith.constant 3 : i32
        %swap3A_459 = arith.index_cast %swap3A_458 : i32 to index
        %swap3A_460 = arith.index_cast %scan3A_390 : i32 to index
        %swap3A_461 = arith.constant 48 : index
        %swap3A_462 = tpu.vector_load %arg10[%swap3A_459, %swap3A_460, %swap3A_461] {strides = array<i32>} : memref<5x16x128xf32, #tpu.memory_space<vmem>>, vector<16xf32>,
        tpu.vector_store %arg10[%swap3A_459, %swap3A_460, %swap3A_461], %max3A_457 {strides = array<i32>} : memref<5x16x128xf32, #tpu.memory_space<vmem>>, vector<16xf32>,
        %get3A_463 = arith.index_cast %scan3A_390 : i32 to index
        %get3A_464 = arith.constant 32 : index
        %get3A_465 = tpu.vector_load %arg14[%get3A_463, %get3A_464] {strides = array<i32>} : memref<16x64xi32, #tpu.memory_space<vmem>>, vector<16xi32>,
        %shift_left3A_466 = arith.constant 16 : i32
        %shift_left3A_467 = vector.broadcast %shift_left3A_466 : i32 to vector<16xi32>
        %shift_left3A_468 = arith.shli %get3A_465, %shift_left3A_467 : vector<16xi32>
        %bitcast3A_469 = vector.bitcast %shift_left3A_468 : vector<16xi32> to vector<16xf32>
        %and3A_470 = arith.constant -65536 : i32
        %and3A_471 = vector.broadcast %and3A_470 : i32 to vector<16xi32>
        %and3A_472 = arith.andi %get3A_465, %and3A_471 : vector<16xi32>
        %bitcast3A_473 = vector.bitcast %and3A_472 : vector<16xi32> to vector<16xf32>
        %get3A_474 = arith.constant 3 : i32
        %get3A_475 = arith.index_cast %get3A_474 : i32 to index
        %get3A_476 = arith.index_cast %scan3A_390 : i32 to index
        %get3A_477 = arith.constant 64 : index
        %get3A_478 = tpu.vector_load %arg10[%get3A_475, %get3A_476, %get3A_477] {strides = array<i32>} : memref<5x16x128xf32, #tpu.memory_space<vmem>>, vector<16xf32>,
        %add3A_479 = arith.addf %get3A_478, %bitcast3A_469 : vector<16xf32>
        %max3A_480 = arith.constant 0.000000e+00 : f32
        %max3A_481 = vector.broadcast %max3A_480 : f32 to vector<16xf32>
        %max3A_482 = arith.maximumf %add3A_479, %max3A_481 : vector<16xf32>
        %swap3A_483 = arith.constant 3 : i32
        %swap3A_484 = arith.index_cast %swap3A_483 : i32 to index
        %swap3A_485 = arith.index_cast %scan3A_390 : i32 to index
        %swap3A_486 = arith.constant 64 : index
        %swap3A_487 = tpu.vector_load %arg10[%swap3A_484, %swap3A_485, %swap3A_486] {strides = array<i32>} : memref<5x16x128xf32, #tpu.memory_space<vmem>>, vector<16xf32>,
        tpu.vector_store %arg10[%swap3A_484, %swap3A_485, %swap3A_486], %max3A_482 {strides = array<i32>} : memref<5x16x128xf32, #tpu.memory_space<vmem>>, vector<16xf32>,
        %get3A_488 = arith.constant 3 : i32
        %get3A_489 = arith.index_cast %get3A_488 : i32 to index
        %get3A_490 = arith.index_cast %scan3A_390 : i32 to index
        %get3A_491 = arith.constant 80 : index
        %get3A_492 = tpu.vector_load %arg10[%get3A_489, %get3A_490, %get3A_491] {strides = array<i32>} : memref<5x16x128xf32, #tpu.memory_space<vmem>>, vector<16xf32>,
        %add3A_493 = arith.addf %get3A_492, %bitcast3A_473 : vector<16xf32>
        %max3A_494 = arith.constant 0.000000e+00 : f32
        %max3A_495 = vector.broadcast %max3A_494 : f32 to vector<16xf32>
        %max3A_496 = arith.maximumf %add3A_493, %max3A_495 : vector<16xf32>
        %swap3A_497 = arith.constant 3 : i32
        %swap3A_498 = arith.index_cast %swap3A_497 : i32 to index
        %swap3A_499 = arith.index_cast %scan3A_390 : i32 to index
        %swap3A_500 = arith.constant 80 : index
        %swap3A_501 = tpu.vector_load %arg10[%swap3A_498, %swap3A_499, %swap3A_500] {strides = array<i32>} : memref<5x16x128xf32, #tpu.memory_space<vmem>>, vector<16xf32>,
        tpu.vector_store %arg10[%swap3A_498, %swap3A_499, %swap3A_500], %max3A_496 {strides = array<i32>} : memref<5x16x128xf32, #tpu.memory_space<vmem>>, vector<16xf32>,
        %get3A_502 = arith.index_cast %scan3A_390 : i32 to index
        %get3A_503 = arith.constant 48 : index
        %get3A_504 = tpu.vector_load %arg14[%get3A_502, %get3A_503] {strides = array<i32>} : memref<16x64xi32, #tpu.memory_space<vmem>>, vector<16xi32>,
        %shift_left3A_505 = arith.constant 16 : i32
        %shift_left3A_506 = vector.broadcast %shift_left3A_505 : i32 to vector<16xi32>
        %shift_left3A_507 = arith.shli %get3A_504, %shift_left3A_506 : vector<16xi32>
        %bitcast3A_508 = vector.bitcast %shift_left3A_507 : vector<16xi32> to vector<16xf32>
        %and3A_509 = arith.constant -65536 : i32
        %and3A_510 = vector.broadcast %and3A_509 : i32 to vector<16xi32>
        %and3A_511 = arith.andi %get3A_504, %and3A_510 : vector<16xi32>
        %bitcast3A_512 = vector.bitcast %and3A_511 : vector<16xi32> to vector<16xf32>
        %get3A_513 = arith.constant 3 : i32
        %get3A_514 = arith.index_cast %get3A_513 : i32 to index
        %get3A_515 = arith.index_cast %scan3A_390 : i32 to index
        %get3A_516 = arith.constant 96 : index
        %get3A_517 = tpu.vector_load %arg10[%get3A_514, %get3A_515, %get3A_516] {strides = array<i32>} : memref<5x16x128xf32, #tpu.memory_space<vmem>>, vector<16xf32>,
        %add3A_518 = arith.addf %get3A_517, %bitcast3A_508 : vector<16xf32>
        %max3A_519 = arith.constant 0.000000e+00 : f32
        %max3A_520 = vector.broadcast %max3A_519 : f32 to vector<16xf32>
        %max3A_521 = arith.maximumf %add3A_518, %max3A_520 : vector<16xf32>
        %swap3A_522 = arith.constant 3 : i32
        %swap3A_523 = arith.index_cast %swap3A_522 : i32 to index
        %swap3A_524 = arith.index_cast %scan3A_390 : i32 to index
        %swap3A_525 = arith.constant 96 : index
        %swap3A_526 = tpu.vector_load %arg10[%swap3A_523, %swap3A_524, %swap3A_525] {strides = array<i32>} : memref<5x16x128xf32, #tpu.memory_space<vmem>>, vector<16xf32>,
        tpu.vector_store %arg10[%swap3A_523, %swap3A_524, %swap3A_525], %max3A_521 {strides = array<i32>} : memref<5x16x128xf32, #tpu.memory_space<vmem>>, vector<16xf32>,
        %get3A_527 = arith.constant 3 : i32
        %get3A_528 = arith.index_cast %get3A_527 : i32 to index
        %get3A_529 = arith.index_cast %scan3A_390 : i32 to index
        %get3A_530 = arith.constant 112 : index
        %get3A_531 = tpu.vector_load %arg10[%get3A_528, %get3A_529, %get3A_530] {strides = array<i32>} : memref<5x16x128xf32, #tpu.memory_space<vmem>>, vector<16xf32>,
        %add3A_532 = arith.addf %get3A_531, %bitcast3A_512 : vector<16xf32>
        %max3A_533 = arith.constant 0.000000e+00 : f32
        %max3A_534 = vector.broadcast %max3A_533 : f32 to vector<16xf32>
        %max3A_535 = arith.maximumf %add3A_532, %max3A_534 : vector<16xf32>
        %swap3A_536 = arith.constant 3 : i32
        %swap3A_537 = arith.index_cast %swap3A_536 : i32 to index
        %swap3A_538 = arith.index_cast %scan3A_390 : i32 to index
        %swap3A_539 = arith.constant 112 : index
        %swap3A_540 = tpu.vector_load %arg10[%swap3A_537, %swap3A_538, %swap3A_539] {strides = array<i32>} : memref<5x16x128xf32, #tpu.memory_space<vmem>>, vector<16xf32>,
        tpu.vector_store %arg10[%swap3A_537, %swap3A_538, %swap3A_539], %max3A_535 {strides = array<i32>} : memref<5x16x128xf32, #tpu.memory_space<vmem>>, vector<16xf32>,
      }
      %scan3A_307 = arith.constant 16 : i32
      %mul3A_308 = arith.constant 16 : i32
      %mul3A_309 = arith.muli %add3A_285, %mul3A_308 : i32
      %multiple_of3A_310 = tpu.assume_multiple %mul3A_309, 8 : i32
      %dma_start3A_311 = arith.constant 3 : i32
      %dma_start3A_312 = arith.constant 0 : i32
      %dma_start3A_313 = arith.constant 0 : i32
      %dma_start3A_314 = tpu.memref_slice %arg10[%dma_start3A_311, %dma_start3A_312, %dma_start3A_313] : memref<5x16x128xf32, #tpu.memory_space<vmem>> -> memref<1x16x128xf32, #tpu.memory_space<vmem>>
      %dma_start3A_315 = tpu.memref_squeeze %dma_start3A_314 : memref<1x16x128xf32, #tpu.memory_space<vmem>> -> memref<16x128xf32, #tpu.memory_space<vmem>>
      %dma_start3A_316 = tpu.memref_slice %arg9[%multiple_of3A_310] : memref<10000xi32, #tpu.memory_space<vmem>> -> memref<16xi32, #tpu.memory_space<vmem>>
      %dma_start3A_317 = arith.constant 0 : i32
      %dma_start3A_318 = arith.constant 0 : i32
      %dma_start3A_319 = tpu.memref_slice %arg16[%dma_start3A_317, %dma_start3A_318] : memref<10000x128xf32, #tpu.memory_space<vmem_shared>> -> memref<10000x128xf32, #tpu.memory_space<vmem_shared>>
      tpu.enqueue_indirect_dma source(%dma_start3A_315 : memref<16x128xf32, #tpu.memory_space<vmem>>) target(%dma_start3A_319 : memref<10000x128xf32, #tpu.memory_space<vmem_shared>>) offsets(%dma_start3A_316 : memref<16xi32, #tpu.memory_space<vmem>>) semaphore(%arg30 : memref<!tpu.dma_semaphore, #tpu.memory_space<semaphore_mem>>) {add = true}
      %multiple_of3A_320 = arith.constant 0 : i32
      %multiple_of3A_321 = tpu.assume_multiple %multiple_of3A_320, 8 : i32
      %dma_wait3A_322 = arith.constant 2 : i32
      %dma_wait3A_323 = arith.constant 0 : i32
      %dma_wait3A_324 = arith.constant 0 : i32
      %dma_wait3A_325 = tpu.memref_slice %arg10[%dma_wait3A_322, %dma_wait3A_323, %dma_wait3A_324] : memref<5x16x128xf32, #tpu.memory_space<vmem>> -> memref<1x16x128xf32, #tpu.memory_space<vmem>>
      %dma_wait3A_326 = tpu.memref_squeeze %dma_wait3A_325 : memref<1x16x128xf32, #tpu.memory_space<vmem>> -> memref<16x128xf32, #tpu.memory_space<vmem>>
      %dma_wait3A_327 = tpu.memref_slice %arg9[%multiple_of3A_321] : memref<10000xi32, #tpu.memory_space<vmem>> -> memref<16xi32, #tpu.memory_space<vmem>>
      %dma_wait3A_328 = arith.constant 0 : i32
      %dma_wait3A_329 = arith.constant 0 : i32
      %dma_wait3A_330 = tpu.memref_slice %arg16[%dma_wait3A_328, %dma_wait3A_329] : memref<10000x128xf32, #tpu.memory_space<vmem_shared>> -> memref<10000x128xf32, #tpu.memory_space<vmem_shared>>
      tpu.wait_indirect_dma semaphore(%arg29 : memref<!tpu.dma_semaphore, #tpu.memory_space<semaphore_mem>>) src(%dma_wait3A_326 : memref<16x128xf32, #tpu.memory_space<vmem>>) dst(%dma_wait3A_330 : memref<10000x128xf32, #tpu.memory_space<vmem_shared>>)
      %lt3A_331 = arith.constant 124 : i32
      %lt3A_332 = arith.cmpi slt, %scan3A_108, %lt3A_331 : i32
      %convert_element_type3A_333 = arith.extui %lt3A_332 : i1 to i32
      %cond3A_334 = arith.constant 0 : i32
      %cond3A_335 = arith.cmpi ne, %convert_element_type3A_333, %cond3A_334 : i32
      scf.if %cond3A_335 {
        %add3A_390 = arith.constant 4 : i32
        %add3A_391 = arith.addi %add3A_285, %add3A_390 : i32
        %mul3A_392 = arith.constant 16 : i32
        %mul3A_393 = arith.muli %add3A_391, %mul3A_392 : i32
        %multiple_of3A_394 = tpu.assume_multiple %mul3A_393, 8 : i32
        %dma_start3A_395 = arith.constant 2 : i32
        %dma_start3A_396 = arith.constant 0 : i32
        %dma_start3A_397 = arith.constant 0 : i32
        %dma_start3A_398 = tpu.memref_slice %arg10[%dma_start3A_395, %dma_start3A_396, %dma_start3A_397] : memref<5x16x128xf32, #tpu.memory_space<vmem>> -> memref<1x16x128xf32, #tpu.memory_space<vmem>>
        %dma_start3A_399 = tpu.memref_squeeze %dma_start3A_398 : memref<1x16x128xf32, #tpu.memory_space<vmem>> -> memref<16x128xf32, #tpu.memory_space<vmem>>
        %dma_start3A_400 = tpu.memref_slice %arg8[%multiple_of3A_394] : memref<10000xi32, #tpu.memory_space<vmem>> -> memref<16xi32, #tpu.memory_space<vmem>>
        %dma_start3A_401 = arith.constant 0 : i32
        %dma_start3A_402 = arith.constant 0 : i32
        %dma_start3A_403 = tpu.memref_slice %arg2[%dma_start3A_401, %dma_start3A_402] : memref<10000x128xf32, #tpu.memory_space<hbm>> -> memref<10000x128xf32, #tpu.memory_space<hbm>>
        tpu.enqueue_indirect_dma source(%dma_start3A_403 : memref<10000x128xf32, #tpu.memory_space<hbm>>) target(%dma_start3A_399 : memref<16x128xf32, #tpu.memory_space<vmem>>) offsets(%dma_start3A_400 : memref<16xi32, #tpu.memory_space<vmem>>) semaphore(%arg19 : memref<!tpu.dma_semaphore, #tpu.memory_space<semaphore_mem>>)
        %mul3A_404 = arith.constant 10000 : i32
        %mul3A_405 = arith.muli %add3A, %mul3A_404 : i32
        %mul3A_406 = arith.constant 16 : i32
        %mul3A_407 = arith.muli %add3A_391, %mul3A_406 : i32
        %add3A_408 = arith.addi %mul3A_405, %mul3A_407 : i32
        %multiple_of3A_409 = tpu.assume_multiple %add3A_408, 8 : i32
        %dma_start3A_410 = arith.constant 0 : i32
        %dma_start3A_411 = tpu.memref_slice %arg3[%multiple_of3A_409, %dma_start3A_410] : memref<320000x64xi32, #tpu.memory_space<hbm>> -> memref<16x64xi32, #tpu.memory_space<hbm>>
        %dma_start3A_412 = arith.constant 0 : i32
        %dma_start3A_413 = tpu.memref_slice %arg3[%multiple_of3A_409, %dma_start3A_412] : memref<320000x64xi32, #tpu.memory_space<hbm>> -> memref<16x64xi32, #tpu.memory_space<hbm>>
        tpu.enqueue_dma source(%dma_start3A_413 : memref<16x64xi32, #tpu.memory_space<hbm>>) target(%arg13 : memref<16x64xi32, #tpu.memory_space<vmem>>) target_semaphore(%arg24 : memref<!tpu.dma_semaphore, #tpu.memory_space<semaphore_mem>>)
      } else {
      }
      %mul3A_336 = arith.constant 5 : i32
      %mul3A_337 = arith.muli %scan3A_108, %mul3A_336 : i32
      %add3A_338 = arith.constant 4 : i32
      %add3A_339 = arith.addi %mul3A_337, %add3A_338 : i32
      %dma_wait3A_340 = arith.constant 4 : i32
      %dma_wait3A_341 = arith.constant 0 : i32
      %dma_wait3A_342 = arith.constant 0 : i32
      %dma_wait3A_343 = tpu.memref_slice %arg10[%dma_wait3A_340, %dma_wait3A_341, %dma_wait3A_342] : memref<5x16x128xf32, #tpu.memory_space<vmem>> -> memref<1x16x128xf32, #tpu.memory_space<vmem>>
      %dma_wait3A_344 = tpu.memref_squeeze %dma_wait3A_343 : memref<1x16x128xf32, #tpu.memory_space<vmem>> -> memref<16x128xf32, #tpu.memory_space<vmem>>
      %dma_wait3A_345 = arith.constant 0 : i32
      %dma_wait3A_346 = tpu.memref_slice %arg8[%dma_wait3A_345] : memref<10000xi32, #tpu.memory_space<vmem>> -> memref<16xi32, #tpu.memory_space<vmem>>
      %dma_wait3A_347 = arith.constant 0 : i32
      %dma_wait3A_348 = arith.constant 0 : i32
      %dma_wait3A_349 = tpu.memref_slice %arg2[%dma_wait3A_347, %dma_wait3A_348] : memref<10000x128xf32, #tpu.memory_space<hbm>> -> memref<10000x128xf32, #tpu.memory_space<hbm>>
      tpu.wait_indirect_dma semaphore(%arg21 : memref<!tpu.dma_semaphore, #tpu.memory_space<semaphore_mem>>) src(%dma_wait3A_349 : memref<10000x128xf32, #tpu.memory_space<hbm>>) dst(%dma_wait3A_344 : memref<16x128xf32, #tpu.memory_space<vmem>>)
      %dma_wait3A_350 = arith.constant 0 : i32
      %dma_wait3A_351 = arith.constant 0 : i32
      %dma_wait3A_352 = tpu.memref_slice %arg3[%dma_wait3A_350, %dma_wait3A_351] : memref<320000x64xi32, #tpu.memory_space<hbm>> -> memref<16x64xi32, #tpu.memory_space<hbm>>
      %dma_wait3A_353 = arith.constant 0 : i32
      %dma_wait3A_354 = arith.constant 0 : i32
      %dma_wait3A_355 = tpu.memref_slice %arg3[%dma_wait3A_353, %dma_wait3A_354] : memref<320000x64xi32, #tpu.memory_space<hbm>> -> memref<16x64xi32, #tpu.memory_space<hbm>>
      tpu.wait_dma2 semaphore(%arg26 : memref<!tpu.dma_semaphore, #tpu.memory_space<semaphore_mem>>) src(%dma_wait3A_355 : memref<16x64xi32, #tpu.memory_space<hbm>>) dst(%arg15 : memref<16x64xi32, #tpu.memory_space<vmem>>)
      %scan3A_356 = arith.constant 0 : i32
      %scan3A_357 = arith.constant 0 : i32
      %scan3A_358 = arith.constant 16 : i32
      %scan3A_359 = arith.addi %scan3A_357, %scan3A_358 : i32
      %scan3A_360 = arith.constant 1 : i32
      scf.for %scan3A_390 = %scan3A_357 to %scan3A_359 step %scan3A_360  : i32 {
        %get3A = arith.index_cast %scan3A_390 : i32 to index
        %get3A_391 = arith.constant 0 : index
        %get3A_392 = tpu.vector_load %arg15[%get3A, %get3A_391] {strides = array<i32>} : memref<16x64xi32, #tpu.memory_space<vmem>>, vector<16xi32>,
        %shift_left3A = arith.constant 16 : i32
        %shift_left3A_393 = vector.broadcast %shift_left3A : i32 to vector<16xi32>
        %shift_left3A_394 = arith.shli %get3A_392, %shift_left3A_393 : vector<16xi32>
        %bitcast3A = vector.bitcast %shift_left3A_394 : vector<16xi32> to vector<16xf32>
        %and3A = arith.constant -65536 : i32
        %and3A_395 = vector.broadcast %and3A : i32 to vector<16xi32>
        %and3A_396 = arith.andi %get3A_392, %and3A_395 : vector<16xi32>
        %bitcast3A_397 = vector.bitcast %and3A_396 : vector<16xi32> to vector<16xf32>
        %get3A_398 = arith.constant 4 : i32
        %get3A_399 = arith.index_cast %get3A_398 : i32 to index
        %get3A_400 = arith.index_cast %scan3A_390 : i32 to index
        %get3A_401 = arith.constant 0 : index
        %get3A_402 = tpu.vector_load %arg10[%get3A_399, %get3A_400, %get3A_401] {strides = array<i32>} : memref<5x16x128xf32, #tpu.memory_space<vmem>>, vector<16xf32>,
        %add3A_403 = arith.addf %get3A_402, %bitcast3A : vector<16xf32>
        %max3A = arith.constant 0.000000e+00 : f32
        %max3A_404 = vector.broadcast %max3A : f32 to vector<16xf32>
        %max3A_405 = arith.maximumf %add3A_403, %max3A_404 : vector<16xf32>
        %swap3A = arith.constant 4 : i32
        %swap3A_406 = arith.index_cast %swap3A : i32 to index
        %swap3A_407 = arith.index_cast %scan3A_390 : i32 to index
        %swap3A_408 = arith.constant 0 : index
        %swap3A_409 = tpu.vector_load %arg10[%swap3A_406, %swap3A_407, %swap3A_408] {strides = array<i32>} : memref<5x16x128xf32, #tpu.memory_space<vmem>>, vector<16xf32>,
        tpu.vector_store %arg10[%swap3A_406, %swap3A_407, %swap3A_408], %max3A_405 {strides = array<i32>} : memref<5x16x128xf32, #tpu.memory_space<vmem>>, vector<16xf32>,
        %get3A_410 = arith.constant 4 : i32
        %get3A_411 = arith.index_cast %get3A_410 : i32 to index
        %get3A_412 = arith.index_cast %scan3A_390 : i32 to index
        %get3A_413 = arith.constant 16 : index
        %get3A_414 = tpu.vector_load %arg10[%get3A_411, %get3A_412, %get3A_413] {strides = array<i32>} : memref<5x16x128xf32, #tpu.memory_space<vmem>>, vector<16xf32>,
        %add3A_415 = arith.addf %get3A_414, %bitcast3A_397 : vector<16xf32>
        %max3A_416 = arith.constant 0.000000e+00 : f32
        %max3A_417 = vector.broadcast %max3A_416 : f32 to vector<16xf32>
        %max3A_418 = arith.maximumf %add3A_415, %max3A_417 : vector<16xf32>
        %swap3A_419 = arith.constant 4 : i32
        %swap3A_420 = arith.index_cast %swap3A_419 : i32 to index
        %swap3A_421 = arith.index_cast %scan3A_390 : i32 to index
        %swap3A_422 = arith.constant 16 : index
        %swap3A_423 = tpu.vector_load %arg10[%swap3A_420, %swap3A_421, %swap3A_422] {strides = array<i32>} : memref<5x16x128xf32, #tpu.memory_space<vmem>>, vector<16xf32>,
        tpu.vector_store %arg10[%swap3A_420, %swap3A_421, %swap3A_422], %max3A_418 {strides = array<i32>} : memref<5x16x128xf32, #tpu.memory_space<vmem>>, vector<16xf32>,
        %get3A_424 = arith.index_cast %scan3A_390 : i32 to index
        %get3A_425 = arith.constant 16 : index
        %get3A_426 = tpu.vector_load %arg15[%get3A_424, %get3A_425] {strides = array<i32>} : memref<16x64xi32, #tpu.memory_space<vmem>>, vector<16xi32>,
        %shift_left3A_427 = arith.constant 16 : i32
        %shift_left3A_428 = vector.broadcast %shift_left3A_427 : i32 to vector<16xi32>
        %shift_left3A_429 = arith.shli %get3A_426, %shift_left3A_428 : vector<16xi32>
        %bitcast3A_430 = vector.bitcast %shift_left3A_429 : vector<16xi32> to vector<16xf32>
        %and3A_431 = arith.constant -65536 : i32
        %and3A_432 = vector.broadcast %and3A_431 : i32 to vector<16xi32>
        %and3A_433 = arith.andi %get3A_426, %and3A_432 : vector<16xi32>
        %bitcast3A_434 = vector.bitcast %and3A_433 : vector<16xi32> to vector<16xf32>
        %get3A_435 = arith.constant 4 : i32
        %get3A_436 = arith.index_cast %get3A_435 : i32 to index
        %get3A_437 = arith.index_cast %scan3A_390 : i32 to index
        %get3A_438 = arith.constant 32 : index
        %get3A_439 = tpu.vector_load %arg10[%get3A_436, %get3A_437, %get3A_438] {strides = array<i32>} : memref<5x16x128xf32, #tpu.memory_space<vmem>>, vector<16xf32>,
        %add3A_440 = arith.addf %get3A_439, %bitcast3A_430 : vector<16xf32>
        %max3A_441 = arith.constant 0.000000e+00 : f32
        %max3A_442 = vector.broadcast %max3A_441 : f32 to vector<16xf32>
        %max3A_443 = arith.maximumf %add3A_440, %max3A_442 : vector<16xf32>
        %swap3A_444 = arith.constant 4 : i32
        %swap3A_445 = arith.index_cast %swap3A_444 : i32 to index
        %swap3A_446 = arith.index_cast %scan3A_390 : i32 to index
        %swap3A_447 = arith.constant 32 : index
        %swap3A_448 = tpu.vector_load %arg10[%swap3A_445, %swap3A_446, %swap3A_447] {strides = array<i32>} : memref<5x16x128xf32, #tpu.memory_space<vmem>>, vector<16xf32>,
        tpu.vector_store %arg10[%swap3A_445, %swap3A_446, %swap3A_447], %max3A_443 {strides = array<i32>} : memref<5x16x128xf32, #tpu.memory_space<vmem>>, vector<16xf32>,
        %get3A_449 = arith.constant 4 : i32
        %get3A_450 = arith.index_cast %get3A_449 : i32 to index
        %get3A_451 = arith.index_cast %scan3A_390 : i32 to index
        %get3A_452 = arith.constant 48 : index
        %get3A_453 = tpu.vector_load %arg10[%get3A_450, %get3A_451, %get3A_452] {strides = array<i32>} : memref<5x16x128xf32, #tpu.memory_space<vmem>>, vector<16xf32>,
        %add3A_454 = arith.addf %get3A_453, %bitcast3A_434 : vector<16xf32>
        %max3A_455 = arith.constant 0.000000e+00 : f32
        %max3A_456 = vector.broadcast %max3A_455 : f32 to vector<16xf32>
        %max3A_457 = arith.maximumf %add3A_454, %max3A_456 : vector<16xf32>
        %swap3A_458 = arith.constant 4 : i32
        %swap3A_459 = arith.index_cast %swap3A_458 : i32 to index
        %swap3A_460 = arith.index_cast %scan3A_390 : i32 to index
        %swap3A_461 = arith.constant 48 : index
        %swap3A_462 = tpu.vector_load %arg10[%swap3A_459, %swap3A_460, %swap3A_461] {strides = array<i32>} : memref<5x16x128xf32, #tpu.memory_space<vmem>>, vector<16xf32>,
        tpu.vector_store %arg10[%swap3A_459, %swap3A_460, %swap3A_461], %max3A_457 {strides = array<i32>} : memref<5x16x128xf32, #tpu.memory_space<vmem>>, vector<16xf32>,
        %get3A_463 = arith.index_cast %scan3A_390 : i32 to index
        %get3A_464 = arith.constant 32 : index
        %get3A_465 = tpu.vector_load %arg15[%get3A_463, %get3A_464] {strides = array<i32>} : memref<16x64xi32, #tpu.memory_space<vmem>>, vector<16xi32>,
        %shift_left3A_466 = arith.constant 16 : i32
        %shift_left3A_467 = vector.broadcast %shift_left3A_466 : i32 to vector<16xi32>
        %shift_left3A_468 = arith.shli %get3A_465, %shift_left3A_467 : vector<16xi32>
        %bitcast3A_469 = vector.bitcast %shift_left3A_468 : vector<16xi32> to vector<16xf32>
        %and3A_470 = arith.constant -65536 : i32
        %and3A_471 = vector.broadcast %and3A_470 : i32 to vector<16xi32>
        %and3A_472 = arith.andi %get3A_465, %and3A_471 : vector<16xi32>
        %bitcast3A_473 = vector.bitcast %and3A_472 : vector<16xi32> to vector<16xf32>
        %get3A_474 = arith.constant 4 : i32
        %get3A_475 = arith.index_cast %get3A_474 : i32 to index
        %get3A_476 = arith.index_cast %scan3A_390 : i32 to index
        %get3A_477 = arith.constant 64 : index
        %get3A_478 = tpu.vector_load %arg10[%get3A_475, %get3A_476, %get3A_477] {strides = array<i32>} : memref<5x16x128xf32, #tpu.memory_space<vmem>>, vector<16xf32>,
        %add3A_479 = arith.addf %get3A_478, %bitcast3A_469 : vector<16xf32>
        %max3A_480 = arith.constant 0.000000e+00 : f32
        %max3A_481 = vector.broadcast %max3A_480 : f32 to vector<16xf32>
        %max3A_482 = arith.maximumf %add3A_479, %max3A_481 : vector<16xf32>
        %swap3A_483 = arith.constant 4 : i32
        %swap3A_484 = arith.index_cast %swap3A_483 : i32 to index
        %swap3A_485 = arith.index_cast %scan3A_390 : i32 to index
        %swap3A_486 = arith.constant 64 : index
        %swap3A_487 = tpu.vector_load %arg10[%swap3A_484, %swap3A_485, %swap3A_486] {strides = array<i32>} : memref<5x16x128xf32, #tpu.memory_space<vmem>>, vector<16xf32>,
        tpu.vector_store %arg10[%swap3A_484, %swap3A_485, %swap3A_486], %max3A_482 {strides = array<i32>} : memref<5x16x128xf32, #tpu.memory_space<vmem>>, vector<16xf32>,
        %get3A_488 = arith.constant 4 : i32
        %get3A_489 = arith.index_cast %get3A_488 : i32 to index
        %get3A_490 = arith.index_cast %scan3A_390 : i32 to index
        %get3A_491 = arith.constant 80 : index
        %get3A_492 = tpu.vector_load %arg10[%get3A_489, %get3A_490, %get3A_491] {strides = array<i32>} : memref<5x16x128xf32, #tpu.memory_space<vmem>>, vector<16xf32>,
        %add3A_493 = arith.addf %get3A_492, %bitcast3A_473 : vector<16xf32>
        %max3A_494 = arith.constant 0.000000e+00 : f32
        %max3A_495 = vector.broadcast %max3A_494 : f32 to vector<16xf32>
        %max3A_496 = arith.maximumf %add3A_493, %max3A_495 : vector<16xf32>
        %swap3A_497 = arith.constant 4 : i32
        %swap3A_498 = arith.index_cast %swap3A_497 : i32 to index
        %swap3A_499 = arith.index_cast %scan3A_390 : i32 to index
        %swap3A_500 = arith.constant 80 : index
        %swap3A_501 = tpu.vector_load %arg10[%swap3A_498, %swap3A_499, %swap3A_500] {strides = array<i32>} : memref<5x16x128xf32, #tpu.memory_space<vmem>>, vector<16xf32>,
        tpu.vector_store %arg10[%swap3A_498, %swap3A_499, %swap3A_500], %max3A_496 {strides = array<i32>} : memref<5x16x128xf32, #tpu.memory_space<vmem>>, vector<16xf32>,
        %get3A_502 = arith.index_cast %scan3A_390 : i32 to index
        %get3A_503 = arith.constant 48 : index
        %get3A_504 = tpu.vector_load %arg15[%get3A_502, %get3A_503] {strides = array<i32>} : memref<16x64xi32, #tpu.memory_space<vmem>>, vector<16xi32>,
        %shift_left3A_505 = arith.constant 16 : i32
        %shift_left3A_506 = vector.broadcast %shift_left3A_505 : i32 to vector<16xi32>
        %shift_left3A_507 = arith.shli %get3A_504, %shift_left3A_506 : vector<16xi32>
        %bitcast3A_508 = vector.bitcast %shift_left3A_507 : vector<16xi32> to vector<16xf32>
        %and3A_509 = arith.constant -65536 : i32
        %and3A_510 = vector.broadcast %and3A_509 : i32 to vector<16xi32>
        %and3A_511 = arith.andi %get3A_504, %and3A_510 : vector<16xi32>
        %bitcast3A_512 = vector.bitcast %and3A_511 : vector<16xi32> to vector<16xf32>
        %get3A_513 = arith.constant 4 : i32
        %get3A_514 = arith.index_cast %get3A_513 : i32 to index
        %get3A_515 = arith.index_cast %scan3A_390 : i32 to index
        %get3A_516 = arith.constant 96 : index
        %get3A_517 = tpu.vector_load %arg10[%get3A_514, %get3A_515, %get3A_516] {strides = array<i32>} : memref<5x16x128xf32, #tpu.memory_space<vmem>>, vector<16xf32>,
        %add3A_518 = arith.addf %get3A_517, %bitcast3A_508 : vector<16xf32>
        %max3A_519 = arith.constant 0.000000e+00 : f32
        %max3A_520 = vector.broadcast %max3A_519 : f32 to vector<16xf32>
        %max3A_521 = arith.maximumf %add3A_518, %max3A_520 : vector<16xf32>
        %swap3A_522 = arith.constant 4 : i32
        %swap3A_523 = arith.index_cast %swap3A_522 : i32 to index
        %swap3A_524 = arith.index_cast %scan3A_390 : i32 to index
        %swap3A_525 = arith.constant 96 : index
        %swap3A_526 = tpu.vector_load %arg10[%swap3A_523, %swap3A_524, %swap3A_525] {strides = array<i32>} : memref<5x16x128xf32, #tpu.memory_space<vmem>>, vector<16xf32>,
        tpu.vector_store %arg10[%swap3A_523, %swap3A_524, %swap3A_525], %max3A_521 {strides = array<i32>} : memref<5x16x128xf32, #tpu.memory_space<vmem>>, vector<16xf32>,
        %get3A_527 = arith.constant 4 : i32
        %get3A_528 = arith.index_cast %get3A_527 : i32 to index
        %get3A_529 = arith.index_cast %scan3A_390 : i32 to index
        %get3A_530 = arith.constant 112 : index
        %get3A_531 = tpu.vector_load %arg10[%get3A_528, %get3A_529, %get3A_530] {strides = array<i32>} : memref<5x16x128xf32, #tpu.memory_space<vmem>>, vector<16xf32>,
        %add3A_532 = arith.addf %get3A_531, %bitcast3A_512 : vector<16xf32>
        %max3A_533 = arith.constant 0.000000e+00 : f32
        %max3A_534 = vector.broadcast %max3A_533 : f32 to vector<16xf32>
        %max3A_535 = arith.maximumf %add3A_532, %max3A_534 : vector<16xf32>
        %swap3A_536 = arith.constant 4 : i32
        %swap3A_537 = arith.index_cast %swap3A_536 : i32 to index
        %swap3A_538 = arith.index_cast %scan3A_390 : i32 to index
        %swap3A_539 = arith.constant 112 : index
        %swap3A_540 = tpu.vector_load %arg10[%swap3A_537, %swap3A_538, %swap3A_539] {strides = array<i32>} : memref<5x16x128xf32, #tpu.memory_space<vmem>>, vector<16xf32>,
        tpu.vector_store %arg10[%swap3A_537, %swap3A_538, %swap3A_539], %max3A_535 {strides = array<i32>} : memref<5x16x128xf32, #tpu.memory_space<vmem>>, vector<16xf32>,
      }
      %scan3A_361 = arith.constant 16 : i32
      %mul3A_362 = arith.constant 16 : i32
      %mul3A_363 = arith.muli %add3A_339, %mul3A_362 : i32
      %multiple_of3A_364 = tpu.assume_multiple %mul3A_363, 8 : i32
      %dma_start3A_365 = arith.constant 4 : i32
      %dma_start3A_366 = arith.constant 0 : i32
      %dma_start3A_367 = arith.constant 0 : i32
      %dma_start3A_368 = tpu.memref_slice %arg10[%dma_start3A_365, %dma_start3A_366, %dma_start3A_367] : memref<5x16x128xf32, #tpu.memory_space<vmem>> -> memref<1x16x128xf32, #tpu.memory_space<vmem>>
      %dma_start3A_369 = tpu.memref_squeeze %dma_start3A_368 : memref<1x16x128xf32, #tpu.memory_space<vmem>> -> memref<16x128xf32, #tpu.memory_space<vmem>>
      %dma_start3A_370 = tpu.memref_slice %arg9[%multiple_of3A_364] : memref<10000xi32, #tpu.memory_space<vmem>> -> memref<16xi32, #tpu.memory_space<vmem>>
      %dma_start3A_371 = arith.constant 0 : i32
      %dma_start3A_372 = arith.constant 0 : i32
      %dma_start3A_373 = tpu.memref_slice %arg16[%dma_start3A_371, %dma_start3A_372] : memref<10000x128xf32, #tpu.memory_space<vmem_shared>> -> memref<10000x128xf32, #tpu.memory_space<vmem_shared>>
      tpu.enqueue_indirect_dma source(%dma_start3A_369 : memref<16x128xf32, #tpu.memory_space<vmem>>) target(%dma_start3A_373 : memref<10000x128xf32, #tpu.memory_space<vmem_shared>>) offsets(%dma_start3A_370 : memref<16xi32, #tpu.memory_space<vmem>>) semaphore(%arg31 : memref<!tpu.dma_semaphore, #tpu.memory_space<semaphore_mem>>) {add = true}
      %multiple_of3A_374 = arith.constant 0 : i32
      %multiple_of3A_375 = tpu.assume_multiple %multiple_of3A_374, 8 : i32
      %dma_wait3A_376 = arith.constant 3 : i32
      %dma_wait3A_377 = arith.constant 0 : i32
      %dma_wait3A_378 = arith.constant 0 : i32
      %dma_wait3A_379 = tpu.memref_slice %arg10[%dma_wait3A_376, %dma_wait3A_377, %dma_wait3A_378] : memref<5x16x128xf32, #tpu.memory_space<vmem>> -> memref<1x16x128xf32, #tpu.memory_space<vmem>>
      %dma_wait3A_380 = tpu.memref_squeeze %dma_wait3A_379 : memref<1x16x128xf32, #tpu.memory_space<vmem>> -> memref<16x128xf32, #tpu.memory_space<vmem>>
      %dma_wait3A_381 = tpu.memref_slice %arg9[%multiple_of3A_375] : memref<10000xi32, #tpu.memory_space<vmem>> -> memref<16xi32, #tpu.memory_space<vmem>>
      %dma_wait3A_382 = arith.constant 0 : i32
      %dma_wait3A_383 = arith.constant 0 : i32
      %dma_wait3A_384 = tpu.memref_slice %arg16[%dma_wait3A_382, %dma_wait3A_383] : memref<10000x128xf32, #tpu.memory_space<vmem_shared>> -> memref<10000x128xf32, #tpu.memory_space<vmem_shared>>
      tpu.wait_indirect_dma semaphore(%arg30 : memref<!tpu.dma_semaphore, #tpu.memory_space<semaphore_mem>>) src(%dma_wait3A_380 : memref<16x128xf32, #tpu.memory_space<vmem>>) dst(%dma_wait3A_384 : memref<10000x128xf32, #tpu.memory_space<vmem_shared>>)
      %lt3A_385 = arith.constant 124 : i32
      %lt3A_386 = arith.cmpi slt, %scan3A_108, %lt3A_385 : i32
      %convert_element_type3A_387 = arith.extui %lt3A_386 : i1 to i32
      %cond3A_388 = arith.constant 0 : i32
      %cond3A_389 = arith.cmpi ne, %convert_element_type3A_387, %cond3A_388 : i32
      scf.if %cond3A_389 {
        %add3A_390 = arith.constant 4 : i32
        %add3A_391 = arith.addi %add3A_339, %add3A_390 : i32
        %mul3A_392 = arith.constant 16 : i32
        %mul3A_393 = arith.muli %add3A_391, %mul3A_392 : i32
        %multiple_of3A_394 = tpu.assume_multiple %mul3A_393, 8 : i32
        %dma_start3A_395 = arith.constant 3 : i32
        %dma_start3A_396 = arith.constant 0 : i32
        %dma_start3A_397 = arith.constant 0 : i32
        %dma_start3A_398 = tpu.memref_slice %arg10[%dma_start3A_395, %dma_start3A_396, %dma_start3A_397] : memref<5x16x128xf32, #tpu.memory_space<vmem>> -> memref<1x16x128xf32, #tpu.memory_space<vmem>>
        %dma_start3A_399 = tpu.memref_squeeze %dma_start3A_398 : memref<1x16x128xf32, #tpu.memory_space<vmem>> -> memref<16x128xf32, #tpu.memory_space<vmem>>
        %dma_start3A_400 = tpu.memref_slice %arg8[%multiple_of3A_394] : memref<10000xi32, #tpu.memory_space<vmem>> -> memref<16xi32, #tpu.memory_space<vmem>>
        %dma_start3A_401 = arith.constant 0 : i32
        %dma_start3A_402 = arith.constant 0 : i32
        %dma_start3A_403 = tpu.memref_slice %arg2[%dma_start3A_401, %dma_start3A_402] : memref<10000x128xf32, #tpu.memory_space<hbm>> -> memref<10000x128xf32, #tpu.memory_space<hbm>>
        tpu.enqueue_indirect_dma source(%dma_start3A_403 : memref<10000x128xf32, #tpu.memory_space<hbm>>) target(%dma_start3A_399 : memref<16x128xf32, #tpu.memory_space<vmem>>) offsets(%dma_start3A_400 : memref<16xi32, #tpu.memory_space<vmem>>) semaphore(%arg20 : memref<!tpu.dma_semaphore, #tpu.memory_space<semaphore_mem>>)
        %mul3A_404 = arith.constant 10000 : i32
        %mul3A_405 = arith.muli %add3A, %mul3A_404 : i32
        %mul3A_406 = arith.constant 16 : i32
        %mul3A_407 = arith.muli %add3A_391, %mul3A_406 : i32
        %add3A_408 = arith.addi %mul3A_405, %mul3A_407 : i32
        %multiple_of3A_409 = tpu.assume_multiple %add3A_408, 8 : i32
        %dma_start3A_410 = arith.constant 0 : i32
        %dma_start3A_411 = tpu.memref_slice %arg3[%multiple_of3A_409, %dma_start3A_410] : memref<320000x64xi32, #tpu.memory_space<hbm>> -> memref<16x64xi32, #tpu.memory_space<hbm>>
        %dma_start3A_412 = arith.constant 0 : i32
        %dma_start3A_413 = tpu.memref_slice %arg3[%multiple_of3A_409, %dma_start3A_412] : memref<320000x64xi32, #tpu.memory_space<hbm>> -> memref<16x64xi32, #tpu.memory_space<hbm>>
        tpu.enqueue_dma source(%dma_start3A_413 : memref<16x64xi32, #tpu.memory_space<hbm>>) target(%arg14 : memref<16x64xi32, #tpu.memory_space<vmem>>) target_semaphore(%arg25 : memref<!tpu.dma_semaphore, #tpu.memory_space<semaphore_mem>>)
      } else {
      }
    }
    %scan3A_91 = arith.constant 125 : i32
    %multiple_of3A_92 = arith.constant 0 : i32
    %multiple_of3A_93 = tpu.assume_multiple %multiple_of3A_92, 8 : i32
    %dma_wait3A = arith.constant 4 : i32
    %dma_wait3A_94 = arith.constant 0 : i32
    %dma_wait3A_95 = arith.constant 0 : i32
    %dma_wait3A_96 = tpu.memref_slice %arg10[%dma_wait3A, %dma_wait3A_94, %dma_wait3A_95] : memref<5x16x128xf32, #tpu.memory_space<vmem>> -> memref<1x16x128xf32, #tpu.memory_space<vmem>>
    %dma_wait3A_97 = tpu.memref_squeeze %dma_wait3A_96 : memref<1x16x128xf32, #tpu.memory_space<vmem>> -> memref<16x128xf32, #tpu.memory_space<vmem>>
    %dma_wait3A_98 = tpu.memref_slice %arg9[%multiple_of3A_93] : memref<10000xi32, #tpu.memory_space<vmem>> -> memref<16xi32, #tpu.memory_space<vmem>>
    %dma_wait3A_99 = arith.constant 0 : i32
    %dma_wait3A_100 = arith.constant 0 : i32
    %dma_wait3A_101 = tpu.memref_slice %arg16[%dma_wait3A_99, %dma_wait3A_100] : memref<10000x128xf32, #tpu.memory_space<vmem_shared>> -> memref<10000x128xf32, #tpu.memory_space<vmem_shared>>
    tpu.wait_indirect_dma semaphore(%arg31 : memref<!tpu.dma_semaphore, #tpu.memory_space<semaphore_mem>>) src(%dma_wait3A_97 : memref<16x128xf32, #tpu.memory_space<vmem>>) dst(%dma_wait3A_101 : memref<10000x128xf32, #tpu.memory_space<vmem_shared>>)
    %barrier3A_102 = arith.constant 0 : index
    tpu.barrier barrier_id(%barrier3A_102)
    "tpu.region"() ({
      %run_scoped3A = tpu.sem_alloc : memref<!tpu.dma_semaphore, #tpu.memory_space<semaphore_mem>>
      %dma_start3A_108 = arith.constant 0 : i32
      %dma_start3A_109 = tpu.memref_slice %arg7[%arg0, %multiple_of3A, %dma_start3A_108] : memref<2x10000x128xf32, #tpu.memory_space<hbm>> -> memref<1x624x128xf32, #tpu.memory_space<hbm>>
      %dma_start3A_110 = tpu.memref_squeeze %dma_start3A_109 : memref<1x624x128xf32, #tpu.memory_space<hbm>> -> memref<624x128xf32, #tpu.memory_space<hbm>>
      %dma_start3A_111 = arith.constant 0 : i32
      %dma_start3A_112 = tpu.memref_slice %arg16[%multiple_of3A, %dma_start3A_111] : memref<10000x128xf32, #tpu.memory_space<vmem_shared>> -> memref<624x128xf32, #tpu.memory_space<vmem_shared>>
      tpu.enqueue_dma source(%dma_start3A_112 : memref<624x128xf32, #tpu.memory_space<vmem_shared>>) target(%dma_start3A_110 : memref<624x128xf32, #tpu.memory_space<hbm>>) target_semaphore(%run_scoped3A : memref<!tpu.dma_semaphore, #tpu.memory_space<semaphore_mem>>)
      %dma_wait3A_113 = arith.constant 0 : i32
      %dma_wait3A_114 = tpu.memref_slice %arg7[%arg0, %multiple_of3A, %dma_wait3A_113] : memref<2x10000x128xf32, #tpu.memory_space<hbm>> -> memref<1x624x128xf32, #tpu.memory_space<hbm>>
      %dma_wait3A_115 = tpu.memref_squeeze %dma_wait3A_114 : memref<1x624x128xf32, #tpu.memory_space<hbm>> -> memref<624x128xf32, #tpu.memory_space<hbm>>
      %dma_wait3A_116 = arith.constant 0 : i32
      %dma_wait3A_117 = tpu.memref_slice %arg16[%multiple_of3A, %dma_wait3A_116] : memref<10000x128xf32, #tpu.memory_space<vmem_shared>> -> memref<624x128xf32, #tpu.memory_space<vmem_shared>>
      tpu.wait_dma2 semaphore(%run_scoped3A : memref<!tpu.dma_semaphore, #tpu.memory_space<semaphore_mem>>) src(%dma_wait3A_117 : memref<624x128xf32, #tpu.memory_space<vmem_shared>>) dst(%dma_wait3A_115 : memref<624x128xf32, #tpu.memory_space<hbm>>)
      tpu.yield
    }) : () -> ()
    %eq3A_103 = arith.constant 15 : i32
    %eq3A_104 = arith.cmpi eq, %arg1, %eq3A_103 : i32
    %convert_element_type3A_105 = arith.extui %eq3A_104 : i1 to i32
    %cond3A_106 = arith.constant 0 : i32
    %cond3A_107 = arith.cmpi ne, %convert_element_type3A_105, %cond3A_106 : i32
    scf.if %cond3A_107 {
      "tpu.region"() ({
        %run_scoped3A = tpu.sem_alloc : memref<!tpu.dma_semaphore, #tpu.memory_space<semaphore_mem>>
        %dma_start3A_108 = arith.constant 9984 : i32
        %dma_start3A_109 = arith.constant 0 : i32
        %dma_start3A_110 = tpu.memref_slice %arg7[%arg0, %dma_start3A_108, %dma_start3A_109] : memref<2x10000x128xf32, #tpu.memory_space<hbm>> -> memref<1x16x128xf32, #tpu.memory_space<hbm>>
        %dma_start3A_111 = tpu.memref_squeeze %dma_start3A_110 : memref<1x16x128xf32, #tpu.memory_space<hbm>> -> memref<16x128xf32, #tpu.memory_space<hbm>>
        %dma_start3A_112 = arith.constant 9984 : i32
        %dma_start3A_113 = arith.constant 0 : i32
        %dma_start3A_114 = tpu.memref_slice %arg16[%dma_start3A_112, %dma_start3A_113] : memref<10000x128xf32, #tpu.memory_space<vmem_shared>> -> memref<16x128xf32, #tpu.memory_space<vmem_shared>>
        tpu.enqueue_dma source(%dma_start3A_114 : memref<16x128xf32, #tpu.memory_space<vmem_shared>>) target(%dma_start3A_111 : memref<16x128xf32, #tpu.memory_space<hbm>>) target_semaphore(%run_scoped3A : memref<!tpu.dma_semaphore, #tpu.memory_space<semaphore_mem>>)
        %dma_wait3A_115 = arith.constant 9984 : i32
        %dma_wait3A_116 = arith.constant 0 : i32
        %dma_wait3A_117 = tpu.memref_slice %arg7[%arg0, %dma_wait3A_115, %dma_wait3A_116] : memref<2x10000x128xf32, #tpu.memory_space<hbm>> -> memref<1x16x128xf32, #tpu.memory_space<hbm>>
        %dma_wait3A_118 = tpu.memref_squeeze %dma_wait3A_117 : memref<1x16x128xf32, #tpu.memory_space<hbm>> -> memref<16x128xf32, #tpu.memory_space<hbm>>
        %dma_wait3A_119 = arith.constant 9984 : i32
        %dma_wait3A_120 = arith.constant 0 : i32
        %dma_wait3A_121 = tpu.memref_slice %arg16[%dma_wait3A_119, %dma_wait3A_120] : memref<10000x128xf32, #tpu.memory_space<vmem_shared>> -> memref<16x128xf32, #tpu.memory_space<vmem_shared>>
        tpu.wait_dma2 semaphore(%run_scoped3A : memref<!tpu.dma_semaphore, #tpu.memory_space<semaphore_mem>>) src(%dma_wait3A_121 : memref<16x128xf32, #tpu.memory_space<vmem_shared>>) dst(%dma_wait3A_118 : memref<16x128xf32, #tpu.memory_space<hbm>>)
        tpu.yield
      }) : () -> ()
    } else {
    }
    return
  }
}

#map = affine_map<(d0, d1) -> (0, 0)>
#map1 = affine_map<(d0, d1) -> (0)>
#map2 = affine_map<(d0, d1) -> (0, 0, 0)>
module attributes {stable_mosaic.version = 14 : i64} {
  func.func @_sc_agg_body(%arg0: i32, %arg1: i32, %arg2: memref<10000x128xf32, #tpu.memory_space<hbm>>, %arg3: memref<320000x64xi32, #tpu.memory_space<hbm>>, %arg4: memref<320000xi32, #tpu.memory_space<hbm>>, %arg5: memref<320000xi32, #tpu.memory_space<hbm>>, %arg6: memref<10000x128xf32, #tpu.memory_space<hbm>>, %arg7: memref<2x10000x128xf32, #tpu.memory_space<hbm>>, %arg8: memref<10000xi32, #tpu.memory_space<vmem>>, %arg9: memref<10000xi32, #tpu.memory_space<vmem>>, %arg10: memref<5x16x128xf32, #tpu.memory_space<vmem>>, %arg11: memref<16x64xi32, #tpu.memory_space<vmem>>, %arg12: memref<16x64xi32, #tpu.memory_space<vmem>>, %arg13: memref<16x64xi32, #tpu.memory_space<vmem>>, %arg14: memref<16x64xi32, #tpu.memory_space<vmem>>, %arg15: memref<16x64xi32, #tpu.memory_space<vmem>>, %arg16: memref<10000x128xf32, #tpu.memory_space<vmem_shared>>, %arg17: memref<!tpu.dma_semaphore, #tpu.memory_space<semaphore_mem>>, %arg18: memref<!tpu.dma_semaphore, #tpu.memory_space<semaphore_mem>>, %arg19: memref<!tpu.dma_semaphore, #tpu.memory_space<semaphore_mem>>, %arg20: memref<!tpu.dma_semaphore, #tpu.memory_space<semaphore_mem>>, %arg21: memref<!tpu.dma_semaphore, #tpu.memory_space<semaphore_mem>>, %arg22: memref<!tpu.dma_semaphore, #tpu.memory_space<semaphore_mem>>, %arg23: memref<!tpu.dma_semaphore, #tpu.memory_space<semaphore_mem>>, %arg24: memref<!tpu.dma_semaphore, #tpu.memory_space<semaphore_mem>>, %arg25: memref<!tpu.dma_semaphore, #tpu.memory_space<semaphore_mem>>, %arg26: memref<!tpu.dma_semaphore, #tpu.memory_space<semaphore_mem>>, %arg27: memref<!tpu.dma_semaphore, #tpu.memory_space<semaphore_mem>>, %arg28: memref<!tpu.dma_semaphore, #tpu.memory_space<semaphore_mem>>, %arg29: memref<!tpu.dma_semaphore, #tpu.memory_space<semaphore_mem>>, %arg30: memref<!tpu.dma_semaphore, #tpu.memory_space<semaphore_mem>>, %arg31: memref<!tpu.dma_semaphore, #tpu.memory_space<semaphore_mem>>) attributes {dimension_semantics = [#tpu.dimension_semantics<core_parallel>, #tpu.dimension_semantics<subcore_parallel>], iteration_bounds = array<i64: 2, 16>, scalar_prefetch = 0 : i64, scratch_operands = 24 : i64, tpu.core_type = #tpu.core_type<sc_vector_subcore>, window_params = [{transform_indices = #map}, {transform_indices = #map}, {transform_indices = #map1}, {transform_indices = #map1}, {transform_indices = #map}, {transform_indices = #map2}]} {
    %mul3A = arith.constant 2 : i32
    %mul3A_0 = arith.muli %arg1, %mul3A : i32
    %add3A = arith.addi %mul3A_0, %arg0 : i32
    %mul3A_1 = arith.constant 624 : i32
    %mul3A_2 = arith.muli %arg1, %mul3A_1 : i32
    %multiple_of3A = tpu.assume_multiple %mul3A_2, 8 : i32
    %mul3A_3 = arith.constant 10000 : i32
    %mul3A_4 = arith.muli %add3A, %mul3A_3 : i32
    %multiple_of3A_5 = tpu.assume_multiple %mul3A_4, 8 : i32
    "tpu.region"() ({
      %run_scoped3A = tpu.sem_alloc : memref<!tpu.dma_semaphore, #tpu.memory_space<semaphore_mem>>
      %dma_start3A_108 = arith.constant 0 : i32
      %dma_start3A_109 = tpu.memref_slice %arg16[%multiple_of3A, %dma_start3A_108] : memref<10000x128xf32, #tpu.memory_space<vmem_shared>> -> memref<624x128xf32, #tpu.memory_space<vmem_shared>>
      %dma_start3A_110 = arith.constant 0 : i32
      %dma_start3A_111 = tpu.memref_slice %arg6[%multiple_of3A, %dma_start3A_110] : memref<10000x128xf32, #tpu.memory_space<hbm>> -> memref<624x128xf32, #tpu.memory_space<hbm>>
      tpu.enqueue_dma source(%dma_start3A_111 : memref<624x128xf32, #tpu.memory_space<hbm>>) target(%dma_start3A_109 : memref<624x128xf32, #tpu.memory_space<vmem_shared>>) target_semaphore(%run_scoped3A : memref<!tpu.dma_semaphore, #tpu.memory_space<semaphore_mem>>)
      %dma_wait3A_112 = arith.constant 0 : i32
      %dma_wait3A_113 = tpu.memref_slice %arg16[%multiple_of3A, %dma_wait3A_112] : memref<10000x128xf32, #tpu.memory_space<vmem_shared>> -> memref<624x128xf32, #tpu.memory_space<vmem_shared>>
      %dma_wait3A_114 = arith.constant 0 : i32
      %dma_wait3A_115 = tpu.memref_slice %arg6[%multiple_of3A, %dma_wait3A_114] : memref<10000x128xf32, #tpu.memory_space<hbm>> -> memref<624x128xf32, #tpu.memory_space<hbm>>
      tpu.wait_dma2 semaphore(%run_scoped3A : memref<!tpu.dma_semaphore, #tpu.memory_space<semaphore_mem>>) src(%dma_wait3A_115 : memref<624x128xf32, #tpu.memory_space<hbm>>) dst(%dma_wait3A_113 : memref<624x128xf32, #tpu.memory_space<vmem_shared>>)
      tpu.yield
    }) : () -> ()
    %eq3A = arith.constant 15 : i32
    %eq3A_6 = arith.cmpi eq, %arg1, %eq3A : i32
    %convert_element_type3A = arith.extui %eq3A_6 : i1 to i32
    %cond3A = arith.constant 0 : i32
    %cond3A_7 = arith.cmpi ne, %convert_element_type3A, %cond3A : i32
    scf.if %cond3A_7 {
      "tpu.region"() ({
        %run_scoped3A = tpu.sem_alloc : memref<!tpu.dma_semaphore, #tpu.memory_space<semaphore_mem>>
        %dma_start3A_108 = arith.constant 9984 : i32
        %dma_start3A_109 = arith.constant 0 : i32
        %dma_start3A_110 = tpu.memref_slice %arg16[%dma_start3A_108, %dma_start3A_109] : memref<10000x128xf32, #tpu.memory_space<vmem_shared>> -> memref<16x128xf32, #tpu.memory_space<vmem_shared>>
        %dma_start3A_111 = arith.constant 9984 : i32
        %dma_start3A_112 = arith.constant 0 : i32
        %dma_start3A_113 = tpu.memref_slice %arg6[%dma_start3A_111, %dma_start3A_112] : memref<10000x128xf32, #tpu.memory_space<hbm>> -> memref<16x128xf32, #tpu.memory_space<hbm>>
        tpu.enqueue_dma source(%dma_start3A_113 : memref<16x128xf32, #tpu.memory_space<hbm>>) target(%dma_start3A_110 : memref<16x128xf32, #tpu.memory_space<vmem_shared>>) target_semaphore(%run_scoped3A : memref<!tpu.dma_semaphore, #tpu.memory_space<semaphore_mem>>)
        %dma_wait3A_114 = arith.constant 9984 : i32
        %dma_wait3A_115 = arith.constant 0 : i32
        %dma_wait3A_116 = tpu.memref_slice %arg16[%dma_wait3A_114, %dma_wait3A_115] : memref<10000x128xf32, #tpu.memory_space<vmem_shared>> -> memref<16x128xf32, #tpu.memory_space<vmem_shared>>
        %dma_wait3A_117 = arith.constant 9984 : i32
        %dma_wait3A_118 = arith.constant 0 : i32
        %dma_wait3A_119 = tpu.memref_slice %arg6[%dma_wait3A_117, %dma_wait3A_118] : memref<10000x128xf32, #tpu.memory_space<hbm>> -> memref<16x128xf32, #tpu.memory_space<hbm>>
        tpu.wait_dma2 semaphore(%run_scoped3A : memref<!tpu.dma_semaphore, #tpu.memory_space<semaphore_mem>>) src(%dma_wait3A_119 : memref<16x128xf32, #tpu.memory_space<hbm>>) dst(%dma_wait3A_116 : memref<16x128xf32, #tpu.memory_space<vmem_shared>>)
        tpu.yield
      }) : () -> ()
    } else {
    }
    "tpu.region"() ({
      %run_scoped3A = tpu.sem_alloc : memref<!tpu.dma_semaphore, #tpu.memory_space<semaphore_mem>>
      %dma_start3A_108 = tpu.memref_slice %arg4[%multiple_of3A_5] : memref<320000xi32, #tpu.memory_space<hbm>> -> memref<10000xi32, #tpu.memory_space<hbm>>
      %dma_start3A_109 = tpu.memref_slice %arg4[%multiple_of3A_5] : memref<320000xi32, #tpu.memory_space<hbm>> -> memref<10000xi32, #tpu.memory_space<hbm>>
      tpu.enqueue_dma source(%dma_start3A_109 : memref<10000xi32, #tpu.memory_space<hbm>>) target(%arg8 : memref<10000xi32, #tpu.memory_space<vmem>>) target_semaphore(%run_scoped3A : memref<!tpu.dma_semaphore, #tpu.memory_space<semaphore_mem>>)
      %dma_wait3A_110 = tpu.memref_slice %arg4[%multiple_of3A_5] : memref<320000xi32, #tpu.memory_space<hbm>> -> memref<10000xi32, #tpu.memory_space<hbm>>
      %dma_wait3A_111 = tpu.memref_slice %arg4[%multiple_of3A_5] : memref<320000xi32, #tpu.memory_space<hbm>> -> memref<10000xi32, #tpu.memory_space<hbm>>
      tpu.wait_dma2 semaphore(%run_scoped3A : memref<!tpu.dma_semaphore, #tpu.memory_space<semaphore_mem>>) src(%dma_wait3A_111 : memref<10000xi32, #tpu.memory_space<hbm>>) dst(%arg8 : memref<10000xi32, #tpu.memory_space<vmem>>)
      tpu.yield
    }) : () -> ()
    "tpu.region"() ({
      %run_scoped3A = tpu.sem_alloc : memref<!tpu.dma_semaphore, #tpu.memory_space<semaphore_mem>>
      %dma_start3A_108 = tpu.memref_slice %arg5[%multiple_of3A_5] : memref<320000xi32, #tpu.memory_space<hbm>> -> memref<10000xi32, #tpu.memory_space<hbm>>
      %dma_start3A_109 = tpu.memref_slice %arg5[%multiple_of3A_5] : memref<320000xi32, #tpu.memory_space<hbm>> -> memref<10000xi32, #tpu.memory_space<hbm>>
      tpu.enqueue_dma source(%dma_start3A_109 : memref<10000xi32, #tpu.memory_space<hbm>>) target(%arg9 : memref<10000xi32, #tpu.memory_space<vmem>>) target_semaphore(%run_scoped3A : memref<!tpu.dma_semaphore, #tpu.memory_space<semaphore_mem>>)
      %dma_wait3A_110 = tpu.memref_slice %arg5[%multiple_of3A_5] : memref<320000xi32, #tpu.memory_space<hbm>> -> memref<10000xi32, #tpu.memory_space<hbm>>
      %dma_wait3A_111 = tpu.memref_slice %arg5[%multiple_of3A_5] : memref<320000xi32, #tpu.memory_space<hbm>> -> memref<10000xi32, #tpu.memory_space<hbm>>
      tpu.wait_dma2 semaphore(%run_scoped3A : memref<!tpu.dma_semaphore, #tpu.memory_space<semaphore_mem>>) src(%dma_wait3A_111 : memref<10000xi32, #tpu.memory_space<hbm>>) dst(%arg9 : memref<10000xi32, #tpu.memory_space<vmem>>)
      tpu.yield
    }) : () -> ()
    %barrier3A = arith.constant 0 : index
    tpu.barrier barrier_id(%barrier3A)
    %multiple_of3A_8 = arith.constant 0 : i32
    %multiple_of3A_9 = tpu.assume_multiple %multiple_of3A_8, 8 : i32
    %dma_start3A = arith.constant 0 : i32
    %dma_start3A_10 = arith.constant 0 : i32
    %dma_start3A_11 = arith.constant 0 : i32
    %dma_start3A_12 = tpu.memref_slice %arg10[%dma_start3A, %dma_start3A_10, %dma_start3A_11] : memref<5x16x128xf32, #tpu.memory_space<vmem>> -> memref<1x16x128xf32, #tpu.memory_space<vmem>>
    %dma_start3A_13 = tpu.memref_squeeze %dma_start3A_12 : memref<1x16x128xf32, #tpu.memory_space<vmem>> -> memref<16x128xf32, #tpu.memory_space<vmem>>
    %dma_start3A_14 = tpu.memref_slice %arg8[%multiple_of3A_9] : memref<10000xi32, #tpu.memory_space<vmem>> -> memref<16xi32, #tpu.memory_space<vmem>>
    %dma_start3A_15 = arith.constant 0 : i32
    %dma_start3A_16 = arith.constant 0 : i32
    %dma_start3A_17 = tpu.memref_slice %arg2[%dma_start3A_15, %dma_start3A_16] : memref<10000x128xf32, #tpu.memory_space<hbm>> -> memref<10000x128xf32, #tpu.memory_space<hbm>>
    tpu.enqueue_indirect_dma source(%dma_start3A_17 : memref<10000x128xf32, #tpu.memory_space<hbm>>) target(%dma_start3A_13 : memref<16x128xf32, #tpu.memory_space<vmem>>) offsets(%dma_start3A_14 : memref<16xi32, #tpu.memory_space<vmem>>) semaphore(%arg17 : memref<!tpu.dma_semaphore, #tpu.memory_space<semaphore_mem>>)
    %mul3A_18 = arith.constant 10000 : i32
    %mul3A_19 = arith.muli %add3A, %mul3A_18 : i32
    %add3A_20 = arith.constant 0 : i32
    %add3A_21 = arith.addi %mul3A_19, %add3A_20 : i32
    %multiple_of3A_22 = tpu.assume_multiple %add3A_21, 8 : i32
    %dma_start3A_23 = arith.constant 0 : i32
    %dma_start3A_24 = tpu.memref_slice %arg3[%multiple_of3A_22, %dma_start3A_23] : memref<320000x64xi32, #tpu.memory_space<hbm>> -> memref<16x64xi32, #tpu.memory_space<hbm>>
    %dma_start3A_25 = arith.constant 0 : i32
    %dma_start3A_26 = tpu.memref_slice %arg3[%multiple_of3A_22, %dma_start3A_25] : memref<320000x64xi32, #tpu.memory_space<hbm>> -> memref<16x64xi32, #tpu.memory_space<hbm>>
    tpu.enqueue_dma source(%dma_start3A_26 : memref<16x64xi32, #tpu.memory_space<hbm>>) target(%arg11 : memref<16x64xi32, #tpu.memory_space<vmem>>) target_semaphore(%arg22 : memref<!tpu.dma_semaphore, #tpu.memory_space<semaphore_mem>>)
    %multiple_of3A_27 = arith.constant 16 : i32
    %multiple_of3A_28 = tpu.assume_multiple %multiple_of3A_27, 8 : i32
    %dma_start3A_29 = arith.constant 1 : i32
    %dma_start3A_30 = arith.constant 0 : i32
    %dma_start3A_31 = arith.constant 0 : i32
    %dma_start3A_32 = tpu.memref_slice %arg10[%dma_start3A_29, %dma_start3A_30, %dma_start3A_31] : memref<5x16x128xf32, #tpu.memory_space<vmem>> -> memref<1x16x128xf32, #tpu.memory_space<vmem>>
    %dma_start3A_33 = tpu.memref_squeeze %dma_start3A_32 : memref<1x16x128xf32, #tpu.memory_space<vmem>> -> memref<16x128xf32, #tpu.memory_space<vmem>>
    %dma_start3A_34 = tpu.memref_slice %arg8[%multiple_of3A_28] : memref<10000xi32, #tpu.memory_space<vmem>> -> memref<16xi32, #tpu.memory_space<vmem>>
    %dma_start3A_35 = arith.constant 0 : i32
    %dma_start3A_36 = arith.constant 0 : i32
    %dma_start3A_37 = tpu.memref_slice %arg2[%dma_start3A_35, %dma_start3A_36] : memref<10000x128xf32, #tpu.memory_space<hbm>> -> memref<10000x128xf32, #tpu.memory_space<hbm>>
    tpu.enqueue_indirect_dma source(%dma_start3A_37 : memref<10000x128xf32, #tpu.memory_space<hbm>>) target(%dma_start3A_33 : memref<16x128xf32, #tpu.memory_space<vmem>>) offsets(%dma_start3A_34 : memref<16xi32, #tpu.memory_space<vmem>>) semaphore(%arg18 : memref<!tpu.dma_semaphore, #tpu.memory_space<semaphore_mem>>)
    %mul3A_38 = arith.constant 10000 : i32
    %mul3A_39 = arith.muli %add3A, %mul3A_38 : i32
    %add3A_40 = arith.constant 16 : i32
    %add3A_41 = arith.addi %mul3A_39, %add3A_40 : i32
    %multiple_of3A_42 = tpu.assume_multiple %add3A_41, 8 : i32
    %dma_start3A_43 = arith.constant 0 : i32
    %dma_start3A_44 = tpu.memref_slice %arg3[%multiple_of3A_42, %dma_start3A_43] : memref<320000x64xi32, #tpu.memory_space<hbm>> -> memref<16x64xi32, #tpu.memory_space<hbm>>
    %dma_start3A_45 = arith.constant 0 : i32
    %dma_start3A_46 = tpu.memref_slice %arg3[%multiple_of3A_42, %dma_start3A_45] : memref<320000x64xi32, #tpu.memory_space<hbm>> -> memref<16x64xi32, #tpu.memory_space<hbm>>
    tpu.enqueue_dma source(%dma_start3A_46 : memref<16x64xi32, #tpu.memory_space<hbm>>) target(%arg12 : memref<16x64xi32, #tpu.memory_space<vmem>>) target_semaphore(%arg23 : memref<!tpu.dma_semaphore, #tpu.memory_space<semaphore_mem>>)
    %multiple_of3A_47 = arith.constant 32 : i32
    %multiple_of3A_48 = tpu.assume_multiple %multiple_of3A_47, 8 : i32
    %dma_start3A_49 = arith.constant 2 : i32
    %dma_start3A_50 = arith.constant 0 : i32
    %dma_start3A_51 = arith.constant 0 : i32
    %dma_start3A_52 = tpu.memref_slice %arg10[%dma_start3A_49, %dma_start3A_50, %dma_start3A_51] : memref<5x16x128xf32, #tpu.memory_space<vmem>> -> memref<1x16x128xf32, #tpu.memory_space<vmem>>
    %dma_start3A_53 = tpu.memref_squeeze %dma_start3A_52 : memref<1x16x128xf32, #tpu.memory_space<vmem>> -> memref<16x128xf32, #tpu.memory_space<vmem>>
    %dma_start3A_54 = tpu.memref_slice %arg8[%multiple_of3A_48] : memref<10000xi32, #tpu.memory_space<vmem>> -> memref<16xi32, #tpu.memory_space<vmem>>
    %dma_start3A_55 = arith.constant 0 : i32
    %dma_start3A_56 = arith.constant 0 : i32
    %dma_start3A_57 = tpu.memref_slice %arg2[%dma_start3A_55, %dma_start3A_56] : memref<10000x128xf32, #tpu.memory_space<hbm>> -> memref<10000x128xf32, #tpu.memory_space<hbm>>
    tpu.enqueue_indirect_dma source(%dma_start3A_57 : memref<10000x128xf32, #tpu.memory_space<hbm>>) target(%dma_start3A_53 : memref<16x128xf32, #tpu.memory_space<vmem>>) offsets(%dma_start3A_54 : memref<16xi32, #tpu.memory_space<vmem>>) semaphore(%arg19 : memref<!tpu.dma_semaphore, #tpu.memory_space<semaphore_mem>>)
    %mul3A_58 = arith.constant 10000 : i32
    %mul3A_59 = arith.muli %add3A, %mul3A_58 : i32
    %add3A_60 = arith.constant 32 : i32
    %add3A_61 = arith.addi %mul3A_59, %add3A_60 : i32
    %multiple_of3A_62 = tpu.assume_multiple %add3A_61, 8 : i32
    %dma_start3A_63 = arith.constant 0 : i32
    %dma_start3A_64 = tpu.memref_slice %arg3[%multiple_of3A_62, %dma_start3A_63] : memref<320000x64xi32, #tpu.memory_space<hbm>> -> memref<16x64xi32, #tpu.memory_space<hbm>>
    %dma_start3A_65 = arith.constant 0 : i32
    %dma_start3A_66 = tpu.memref_slice %arg3[%multiple_of3A_62, %dma_start3A_65] : memref<320000x64xi32, #tpu.memory_space<hbm>> -> memref<16x64xi32, #tpu.memory_space<hbm>>
    tpu.enqueue_dma source(%dma_start3A_66 : memref<16x64xi32, #tpu.memory_space<hbm>>) target(%arg13 : memref<16x64xi32, #tpu.memory_space<vmem>>) target_semaphore(%arg24 : memref<!tpu.dma_semaphore, #tpu.memory_space<semaphore_mem>>)
    %multiple_of3A_67 = arith.constant 48 : i32
    %multiple_of3A_68 = tpu.assume_multiple %multiple_of3A_67, 8 : i32
    %dma_start3A_69 = arith.constant 3 : i32
    %dma_start3A_70 = arith.constant 0 : i32
    %dma_start3A_71 = arith.constant 0 : i32
    %dma_start3A_72 = tpu.memref_slice %arg10[%dma_start3A_69, %dma_start3A_70, %dma_start3A_71] : memref<5x16x128xf32, #tpu.memory_space<vmem>> -> memref<1x16x128xf32, #tpu.memory_space<vmem>>
    %dma_start3A_73 = tpu.memref_squeeze %dma_start3A_72 : memref<1x16x128xf32, #tpu.memory_space<vmem>> -> memref<16x128xf32, #tpu.memory_space<vmem>>
    %dma_start3A_74 = tpu.memref_slice %arg8[%multiple_of3A_68] : memref<10000xi32, #tpu.memory_space<vmem>> -> memref<16xi32, #tpu.memory_space<vmem>>
    %dma_start3A_75 = arith.constant 0 : i32
    %dma_start3A_76 = arith.constant 0 : i32
    %dma_start3A_77 = tpu.memref_slice %arg2[%dma_start3A_75, %dma_start3A_76] : memref<10000x128xf32, #tpu.memory_space<hbm>> -> memref<10000x128xf32, #tpu.memory_space<hbm>>
    tpu.enqueue_indirect_dma source(%dma_start3A_77 : memref<10000x128xf32, #tpu.memory_space<hbm>>) target(%dma_start3A_73 : memref<16x128xf32, #tpu.memory_space<vmem>>) offsets(%dma_start3A_74 : memref<16xi32, #tpu.memory_space<vmem>>) semaphore(%arg20 : memref<!tpu.dma_semaphore, #tpu.memory_space<semaphore_mem>>)
    %mul3A_78 = arith.constant 10000 : i32
    %mul3A_79 = arith.muli %add3A, %mul3A_78 : i32
    %add3A_80 = arith.constant 48 : i32
    %add3A_81 = arith.addi %mul3A_79, %add3A_80 : i32
    %multiple_of3A_82 = tpu.assume_multiple %add3A_81, 8 : i32
    %dma_start3A_83 = arith.constant 0 : i32
    %dma_start3A_84 = tpu.memref_slice %arg3[%multiple_of3A_82, %dma_start3A_83] : memref<320000x64xi32, #tpu.memory_space<hbm>> -> memref<16x64xi32, #tpu.memory_space<hbm>>
    %dma_start3A_85 = arith.constant 0 : i32
    %dma_start3A_86 = tpu.memref_slice %arg3[%multiple_of3A_82, %dma_start3A_85] : memref<320000x64xi32, #tpu.memory_space<hbm>> -> memref<16x64xi32, #tpu.memory_space<hbm>>
    tpu.enqueue_dma source(%dma_start3A_86 : memref<16x64xi32, #tpu.memory_space<hbm>>) target(%arg14 : memref<16x64xi32, #tpu.memory_space<vmem>>) target_semaphore(%arg25 : memref<!tpu.dma_semaphore, #tpu.memory_space<semaphore_mem>>)
    %scan3A = arith.constant 0 : i32
    %scan3A_87 = arith.constant 0 : i32
    %scan3A_88 = arith.constant 125 : i32
    %scan3A_89 = arith.addi %scan3A_87, %scan3A_88 : i32
    %scan3A_90 = arith.constant 1 : i32
    scf.for %scan3A_108 = %scan3A_87 to %scan3A_89 step %scan3A_90  : i32 {
      %mul3A_109 = arith.constant 5 : i32
      %mul3A_110 = arith.muli %scan3A_108, %mul3A_109 : i32
      %add3A_111 = arith.constant 0 : i32
      %add3A_112 = arith.addi %mul3A_110, %add3A_111 : i32
      %dma_wait3A_113 = arith.constant 0 : i32
      %dma_wait3A_114 = arith.constant 0 : i32
      %dma_wait3A_115 = arith.constant 0 : i32
      %dma_wait3A_116 = tpu.memref_slice %arg10[%dma_wait3A_113, %dma_wait3A_114, %dma_wait3A_115] : memref<5x16x128xf32, #tpu.memory_space<vmem>> -> memref<1x16x128xf32, #tpu.memory_space<vmem>>
      %dma_wait3A_117 = tpu.memref_squeeze %dma_wait3A_116 : memref<1x16x128xf32, #tpu.memory_space<vmem>> -> memref<16x128xf32, #tpu.memory_space<vmem>>
      %dma_wait3A_118 = arith.constant 0 : i32
      %dma_wait3A_119 = tpu.memref_slice %arg8[%dma_wait3A_118] : memref<10000xi32, #tpu.memory_space<vmem>> -> memref<16xi32, #tpu.memory_space<vmem>>
      %dma_wait3A_120 = arith.constant 0 : i32
      %dma_wait3A_121 = arith.constant 0 : i32
      %dma_wait3A_122 = tpu.memref_slice %arg2[%dma_wait3A_120, %dma_wait3A_121] : memref<10000x128xf32, #tpu.memory_space<hbm>> -> memref<10000x128xf32, #tpu.memory_space<hbm>>
      tpu.wait_indirect_dma semaphore(%arg17 : memref<!tpu.dma_semaphore, #tpu.memory_space<semaphore_mem>>) src(%dma_wait3A_122 : memref<10000x128xf32, #tpu.memory_space<hbm>>) dst(%dma_wait3A_117 : memref<16x128xf32, #tpu.memory_space<vmem>>)
      %dma_wait3A_123 = arith.constant 0 : i32
      %dma_wait3A_124 = arith.constant 0 : i32
      %dma_wait3A_125 = tpu.memref_slice %arg3[%dma_wait3A_123, %dma_wait3A_124] : memref<320000x64xi32, #tpu.memory_space<hbm>> -> memref<16x64xi32, #tpu.memory_space<hbm>>
      %dma_wait3A_126 = arith.constant 0 : i32
      %dma_wait3A_127 = arith.constant 0 : i32
      %dma_wait3A_128 = tpu.memref_slice %arg3[%dma_wait3A_126, %dma_wait3A_127] : memref<320000x64xi32, #tpu.memory_space<hbm>> -> memref<16x64xi32, #tpu.memory_space<hbm>>
      tpu.wait_dma2 semaphore(%arg22 : memref<!tpu.dma_semaphore, #tpu.memory_space<semaphore_mem>>) src(%dma_wait3A_128 : memref<16x64xi32, #tpu.memory_space<hbm>>) dst(%arg11 : memref<16x64xi32, #tpu.memory_space<vmem>>)
      %scan3A_129 = arith.constant 0 : i32
      %scan3A_130 = arith.constant 0 : i32
      %scan3A_131 = arith.constant 16 : i32
      %scan3A_132 = arith.addi %scan3A_130, %scan3A_131 : i32
      %scan3A_133 = arith.constant 1 : i32
      scf.for %scan3A_390 = %scan3A_130 to %scan3A_132 step %scan3A_133  : i32 {
        %get3A = arith.index_cast %scan3A_390 : i32 to index
        %get3A_391 = arith.constant 0 : index
        %get3A_392 = tpu.vector_load %arg11[%get3A, %get3A_391] {strides = array<i32>} : memref<16x64xi32, #tpu.memory_space<vmem>>, vector<16xi32>,
        %shift_left3A = arith.constant 16 : i32
        %shift_left3A_393 = vector.broadcast %shift_left3A : i32 to vector<16xi32>
        %shift_left3A_394 = arith.shli %get3A_392, %shift_left3A_393 : vector<16xi32>
        %bitcast3A = vector.bitcast %shift_left3A_394 : vector<16xi32> to vector<16xf32>
        %and3A = arith.constant -65536 : i32
        %and3A_395 = vector.broadcast %and3A : i32 to vector<16xi32>
        %and3A_396 = arith.andi %get3A_392, %and3A_395 : vector<16xi32>
        %bitcast3A_397 = vector.bitcast %and3A_396 : vector<16xi32> to vector<16xf32>
        %get3A_398 = arith.constant 0 : i32
        %get3A_399 = arith.index_cast %get3A_398 : i32 to index
        %get3A_400 = arith.index_cast %scan3A_390 : i32 to index
        %get3A_401 = arith.constant 0 : index
        %get3A_402 = tpu.vector_load %arg10[%get3A_399, %get3A_400, %get3A_401] {strides = array<i32>} : memref<5x16x128xf32, #tpu.memory_space<vmem>>, vector<16xf32>,
        %add3A_403 = arith.addf %get3A_402, %bitcast3A : vector<16xf32>
        %max3A = arith.constant 0.000000e+00 : f32
        %max3A_404 = vector.broadcast %max3A : f32 to vector<16xf32>
        %max3A_405 = arith.maximumf %add3A_403, %max3A_404 : vector<16xf32>
        %swap3A = arith.constant 0 : i32
        %swap3A_406 = arith.index_cast %swap3A : i32 to index
        %swap3A_407 = arith.index_cast %scan3A_390 : i32 to index
        %swap3A_408 = arith.constant 0 : index
        %swap3A_409 = tpu.vector_load %arg10[%swap3A_406, %swap3A_407, %swap3A_408] {strides = array<i32>} : memref<5x16x128xf32, #tpu.memory_space<vmem>>, vector<16xf32>,
        tpu.vector_store %arg10[%swap3A_406, %swap3A_407, %swap3A_408], %max3A_405 {strides = array<i32>} : memref<5x16x128xf32, #tpu.memory_space<vmem>>, vector<16xf32>,
        %get3A_410 = arith.constant 0 : i32
        %get3A_411 = arith.index_cast %get3A_410 : i32 to index
        %get3A_412 = arith.index_cast %scan3A_390 : i32 to index
        %get3A_413 = arith.constant 16 : index
        %get3A_414 = tpu.vector_load %arg10[%get3A_411, %get3A_412, %get3A_413] {strides = array<i32>} : memref<5x16x128xf32, #tpu.memory_space<vmem>>, vector<16xf32>,
        %add3A_415 = arith.addf %get3A_414, %bitcast3A_397 : vector<16xf32>
        %max3A_416 = arith.constant 0.000000e+00 : f32
        %max3A_417 = vector.broadcast %max3A_416 : f32 to vector<16xf32>
        %max3A_418 = arith.maximumf %add3A_415, %max3A_417 : vector<16xf32>
        %swap3A_419 = arith.constant 0 : i32
        %swap3A_420 = arith.index_cast %swap3A_419 : i32 to index
        %swap3A_421 = arith.index_cast %scan3A_390 : i32 to index
        %swap3A_422 = arith.constant 16 : index
        %swap3A_423 = tpu.vector_load %arg10[%swap3A_420, %swap3A_421, %swap3A_422] {strides = array<i32>} : memref<5x16x128xf32, #tpu.memory_space<vmem>>, vector<16xf32>,
        tpu.vector_store %arg10[%swap3A_420, %swap3A_421, %swap3A_422], %max3A_418 {strides = array<i32>} : memref<5x16x128xf32, #tpu.memory_space<vmem>>, vector<16xf32>,
        %get3A_424 = arith.index_cast %scan3A_390 : i32 to index
        %get3A_425 = arith.constant 16 : index
        %get3A_426 = tpu.vector_load %arg11[%get3A_424, %get3A_425] {strides = array<i32>} : memref<16x64xi32, #tpu.memory_space<vmem>>, vector<16xi32>,
        %shift_left3A_427 = arith.constant 16 : i32
        %shift_left3A_428 = vector.broadcast %shift_left3A_427 : i32 to vector<16xi32>
        %shift_left3A_429 = arith.shli %get3A_426, %shift_left3A_428 : vector<16xi32>
        %bitcast3A_430 = vector.bitcast %shift_left3A_429 : vector<16xi32> to vector<16xf32>
        %and3A_431 = arith.constant -65536 : i32
        %and3A_432 = vector.broadcast %and3A_431 : i32 to vector<16xi32>
        %and3A_433 = arith.andi %get3A_426, %and3A_432 : vector<16xi32>
        %bitcast3A_434 = vector.bitcast %and3A_433 : vector<16xi32> to vector<16xf32>
        %get3A_435 = arith.constant 0 : i32
        %get3A_436 = arith.index_cast %get3A_435 : i32 to index
        %get3A_437 = arith.index_cast %scan3A_390 : i32 to index
        %get3A_438 = arith.constant 32 : index
        %get3A_439 = tpu.vector_load %arg10[%get3A_436, %get3A_437, %get3A_438] {strides = array<i32>} : memref<5x16x128xf32, #tpu.memory_space<vmem>>, vector<16xf32>,
        %add3A_440 = arith.addf %get3A_439, %bitcast3A_430 : vector<16xf32>
        %max3A_441 = arith.constant 0.000000e+00 : f32
        %max3A_442 = vector.broadcast %max3A_441 : f32 to vector<16xf32>
        %max3A_443 = arith.maximumf %add3A_440, %max3A_442 : vector<16xf32>
        %swap3A_444 = arith.constant 0 : i32
        %swap3A_445 = arith.index_cast %swap3A_444 : i32 to index
        %swap3A_446 = arith.index_cast %scan3A_390 : i32 to index
        %swap3A_447 = arith.constant 32 : index
        %swap3A_448 = tpu.vector_load %arg10[%swap3A_445, %swap3A_446, %swap3A_447] {strides = array<i32>} : memref<5x16x128xf32, #tpu.memory_space<vmem>>, vector<16xf32>,
        tpu.vector_store %arg10[%swap3A_445, %swap3A_446, %swap3A_447], %max3A_443 {strides = array<i32>} : memref<5x16x128xf32, #tpu.memory_space<vmem>>, vector<16xf32>,
        %get3A_449 = arith.constant 0 : i32
        %get3A_450 = arith.index_cast %get3A_449 : i32 to index
        %get3A_451 = arith.index_cast %scan3A_390 : i32 to index
        %get3A_452 = arith.constant 48 : index
        %get3A_453 = tpu.vector_load %arg10[%get3A_450, %get3A_451, %get3A_452] {strides = array<i32>} : memref<5x16x128xf32, #tpu.memory_space<vmem>>, vector<16xf32>,
        %add3A_454 = arith.addf %get3A_453, %bitcast3A_434 : vector<16xf32>
        %max3A_455 = arith.constant 0.000000e+00 : f32
        %max3A_456 = vector.broadcast %max3A_455 : f32 to vector<16xf32>
        %max3A_457 = arith.maximumf %add3A_454, %max3A_456 : vector<16xf32>
        %swap3A_458 = arith.constant 0 : i32
        %swap3A_459 = arith.index_cast %swap3A_458 : i32 to index
        %swap3A_460 = arith.index_cast %scan3A_390 : i32 to index
        %swap3A_461 = arith.constant 48 : index
        %swap3A_462 = tpu.vector_load %arg10[%swap3A_459, %swap3A_460, %swap3A_461] {strides = array<i32>} : memref<5x16x128xf32, #tpu.memory_space<vmem>>, vector<16xf32>,
        tpu.vector_store %arg10[%swap3A_459, %swap3A_460, %swap3A_461], %max3A_457 {strides = array<i32>} : memref<5x16x128xf32, #tpu.memory_space<vmem>>, vector<16xf32>,
        %get3A_463 = arith.index_cast %scan3A_390 : i32 to index
        %get3A_464 = arith.constant 32 : index
        %get3A_465 = tpu.vector_load %arg11[%get3A_463, %get3A_464] {strides = array<i32>} : memref<16x64xi32, #tpu.memory_space<vmem>>, vector<16xi32>,
        %shift_left3A_466 = arith.constant 16 : i32
        %shift_left3A_467 = vector.broadcast %shift_left3A_466 : i32 to vector<16xi32>
        %shift_left3A_468 = arith.shli %get3A_465, %shift_left3A_467 : vector<16xi32>
        %bitcast3A_469 = vector.bitcast %shift_left3A_468 : vector<16xi32> to vector<16xf32>
        %and3A_470 = arith.constant -65536 : i32
        %and3A_471 = vector.broadcast %and3A_470 : i32 to vector<16xi32>
        %and3A_472 = arith.andi %get3A_465, %and3A_471 : vector<16xi32>
        %bitcast3A_473 = vector.bitcast %and3A_472 : vector<16xi32> to vector<16xf32>
        %get3A_474 = arith.constant 0 : i32
        %get3A_475 = arith.index_cast %get3A_474 : i32 to index
        %get3A_476 = arith.index_cast %scan3A_390 : i32 to index
        %get3A_477 = arith.constant 64 : index
        %get3A_478 = tpu.vector_load %arg10[%get3A_475, %get3A_476, %get3A_477] {strides = array<i32>} : memref<5x16x128xf32, #tpu.memory_space<vmem>>, vector<16xf32>,
        %add3A_479 = arith.addf %get3A_478, %bitcast3A_469 : vector<16xf32>
        %max3A_480 = arith.constant 0.000000e+00 : f32
        %max3A_481 = vector.broadcast %max3A_480 : f32 to vector<16xf32>
        %max3A_482 = arith.maximumf %add3A_479, %max3A_481 : vector<16xf32>
        %swap3A_483 = arith.constant 0 : i32
        %swap3A_484 = arith.index_cast %swap3A_483 : i32 to index
        %swap3A_485 = arith.index_cast %scan3A_390 : i32 to index
        %swap3A_486 = arith.constant 64 : index
        %swap3A_487 = tpu.vector_load %arg10[%swap3A_484, %swap3A_485, %swap3A_486] {strides = array<i32>} : memref<5x16x128xf32, #tpu.memory_space<vmem>>, vector<16xf32>,
        tpu.vector_store %arg10[%swap3A_484, %swap3A_485, %swap3A_486], %max3A_482 {strides = array<i32>} : memref<5x16x128xf32, #tpu.memory_space<vmem>>, vector<16xf32>,
        %get3A_488 = arith.constant 0 : i32
        %get3A_489 = arith.index_cast %get3A_488 : i32 to index
        %get3A_490 = arith.index_cast %scan3A_390 : i32 to index
        %get3A_491 = arith.constant 80 : index
        %get3A_492 = tpu.vector_load %arg10[%get3A_489, %get3A_490, %get3A_491] {strides = array<i32>} : memref<5x16x128xf32, #tpu.memory_space<vmem>>, vector<16xf32>,
        %add3A_493 = arith.addf %get3A_492, %bitcast3A_473 : vector<16xf32>
        %max3A_494 = arith.constant 0.000000e+00 : f32
        %max3A_495 = vector.broadcast %max3A_494 : f32 to vector<16xf32>
        %max3A_496 = arith.maximumf %add3A_493, %max3A_495 : vector<16xf32>
        %swap3A_497 = arith.constant 0 : i32
        %swap3A_498 = arith.index_cast %swap3A_497 : i32 to index
        %swap3A_499 = arith.index_cast %scan3A_390 : i32 to index
        %swap3A_500 = arith.constant 80 : index
        %swap3A_501 = tpu.vector_load %arg10[%swap3A_498, %swap3A_499, %swap3A_500] {strides = array<i32>} : memref<5x16x128xf32, #tpu.memory_space<vmem>>, vector<16xf32>,
        tpu.vector_store %arg10[%swap3A_498, %swap3A_499, %swap3A_500], %max3A_496 {strides = array<i32>} : memref<5x16x128xf32, #tpu.memory_space<vmem>>, vector<16xf32>,
        %get3A_502 = arith.index_cast %scan3A_390 : i32 to index
        %get3A_503 = arith.constant 48 : index
        %get3A_504 = tpu.vector_load %arg11[%get3A_502, %get3A_503] {strides = array<i32>} : memref<16x64xi32, #tpu.memory_space<vmem>>, vector<16xi32>,
        %shift_left3A_505 = arith.constant 16 : i32
        %shift_left3A_506 = vector.broadcast %shift_left3A_505 : i32 to vector<16xi32>
        %shift_left3A_507 = arith.shli %get3A_504, %shift_left3A_506 : vector<16xi32>
        %bitcast3A_508 = vector.bitcast %shift_left3A_507 : vector<16xi32> to vector<16xf32>
        %and3A_509 = arith.constant -65536 : i32
        %and3A_510 = vector.broadcast %and3A_509 : i32 to vector<16xi32>
        %and3A_511 = arith.andi %get3A_504, %and3A_510 : vector<16xi32>
        %bitcast3A_512 = vector.bitcast %and3A_511 : vector<16xi32> to vector<16xf32>
        %get3A_513 = arith.constant 0 : i32
        %get3A_514 = arith.index_cast %get3A_513 : i32 to index
        %get3A_515 = arith.index_cast %scan3A_390 : i32 to index
        %get3A_516 = arith.constant 96 : index
        %get3A_517 = tpu.vector_load %arg10[%get3A_514, %get3A_515, %get3A_516] {strides = array<i32>} : memref<5x16x128xf32, #tpu.memory_space<vmem>>, vector<16xf32>,
        %add3A_518 = arith.addf %get3A_517, %bitcast3A_508 : vector<16xf32>
        %max3A_519 = arith.constant 0.000000e+00 : f32
        %max3A_520 = vector.broadcast %max3A_519 : f32 to vector<16xf32>
        %max3A_521 = arith.maximumf %add3A_518, %max3A_520 : vector<16xf32>
        %swap3A_522 = arith.constant 0 : i32
        %swap3A_523 = arith.index_cast %swap3A_522 : i32 to index
        %swap3A_524 = arith.index_cast %scan3A_390 : i32 to index
        %swap3A_525 = arith.constant 96 : index
        %swap3A_526 = tpu.vector_load %arg10[%swap3A_523, %swap3A_524, %swap3A_525] {strides = array<i32>} : memref<5x16x128xf32, #tpu.memory_space<vmem>>, vector<16xf32>,
        tpu.vector_store %arg10[%swap3A_523, %swap3A_524, %swap3A_525], %max3A_521 {strides = array<i32>} : memref<5x16x128xf32, #tpu.memory_space<vmem>>, vector<16xf32>,
        %get3A_527 = arith.constant 0 : i32
        %get3A_528 = arith.index_cast %get3A_527 : i32 to index
        %get3A_529 = arith.index_cast %scan3A_390 : i32 to index
        %get3A_530 = arith.constant 112 : index
        %get3A_531 = tpu.vector_load %arg10[%get3A_528, %get3A_529, %get3A_530] {strides = array<i32>} : memref<5x16x128xf32, #tpu.memory_space<vmem>>, vector<16xf32>,
        %add3A_532 = arith.addf %get3A_531, %bitcast3A_512 : vector<16xf32>
        %max3A_533 = arith.constant 0.000000e+00 : f32
        %max3A_534 = vector.broadcast %max3A_533 : f32 to vector<16xf32>
        %max3A_535 = arith.maximumf %add3A_532, %max3A_534 : vector<16xf32>
        %swap3A_536 = arith.constant 0 : i32
        %swap3A_537 = arith.index_cast %swap3A_536 : i32 to index
        %swap3A_538 = arith.index_cast %scan3A_390 : i32 to index
        %swap3A_539 = arith.constant 112 : index
        %swap3A_540 = tpu.vector_load %arg10[%swap3A_537, %swap3A_538, %swap3A_539] {strides = array<i32>} : memref<5x16x128xf32, #tpu.memory_space<vmem>>, vector<16xf32>,
        tpu.vector_store %arg10[%swap3A_537, %swap3A_538, %swap3A_539], %max3A_535 {strides = array<i32>} : memref<5x16x128xf32, #tpu.memory_space<vmem>>, vector<16xf32>,
      }
      %scan3A_134 = arith.constant 16 : i32
      %mul3A_135 = arith.constant 16 : i32
      %mul3A_136 = arith.muli %add3A_112, %mul3A_135 : i32
      %multiple_of3A_137 = tpu.assume_multiple %mul3A_136, 8 : i32
      %dma_start3A_138 = arith.constant 0 : i32
      %dma_start3A_139 = arith.constant 0 : i32
      %dma_start3A_140 = arith.constant 0 : i32
      %dma_start3A_141 = tpu.memref_slice %arg10[%dma_start3A_138, %dma_start3A_139, %dma_start3A_140] : memref<5x16x128xf32, #tpu.memory_space<vmem>> -> memref<1x16x128xf32, #tpu.memory_space<vmem>>
      %dma_start3A_142 = tpu.memref_squeeze %dma_start3A_141 : memref<1x16x128xf32, #tpu.memory_space<vmem>> -> memref<16x128xf32, #tpu.memory_space<vmem>>
      %dma_start3A_143 = tpu.memref_slice %arg9[%multiple_of3A_137] : memref<10000xi32, #tpu.memory_space<vmem>> -> memref<16xi32, #tpu.memory_space<vmem>>
      %dma_start3A_144 = arith.constant 0 : i32
      %dma_start3A_145 = arith.constant 0 : i32
      %dma_start3A_146 = tpu.memref_slice %arg16[%dma_start3A_144, %dma_start3A_145] : memref<10000x128xf32, #tpu.memory_space<vmem_shared>> -> memref<10000x128xf32, #tpu.memory_space<vmem_shared>>
      tpu.enqueue_indirect_dma source(%dma_start3A_142 : memref<16x128xf32, #tpu.memory_space<vmem>>) target(%dma_start3A_146 : memref<10000x128xf32, #tpu.memory_space<vmem_shared>>) offsets(%dma_start3A_143 : memref<16xi32, #tpu.memory_space<vmem>>) semaphore(%arg27 : memref<!tpu.dma_semaphore, #tpu.memory_space<semaphore_mem>>) {add = true}
      %gt3A = arith.constant 0 : i32
      %gt3A_147 = arith.cmpi sgt, %scan3A_108, %gt3A : i32
      %convert_element_type3A_148 = arith.extui %gt3A_147 : i1 to i32
      %cond3A_149 = arith.constant 0 : i32
      %cond3A_150 = arith.cmpi ne, %convert_element_type3A_148, %cond3A_149 : i32
      scf.if %cond3A_150 {
        %multiple_of3A_390 = arith.constant 0 : i32
        %multiple_of3A_391 = tpu.assume_multiple %multiple_of3A_390, 8 : i32
        %dma_wait3A_392 = arith.constant 4 : i32
        %dma_wait3A_393 = arith.constant 0 : i32
        %dma_wait3A_394 = arith.constant 0 : i32
        %dma_wait3A_395 = tpu.memref_slice %arg10[%dma_wait3A_392, %dma_wait3A_393, %dma_wait3A_394] : memref<5x16x128xf32, #tpu.memory_space<vmem>> -> memref<1x16x128xf32, #tpu.memory_space<vmem>>
        %dma_wait3A_396 = tpu.memref_squeeze %dma_wait3A_395 : memref<1x16x128xf32, #tpu.memory_space<vmem>> -> memref<16x128xf32, #tpu.memory_space<vmem>>
        %dma_wait3A_397 = tpu.memref_slice %arg9[%multiple_of3A_391] : memref<10000xi32, #tpu.memory_space<vmem>> -> memref<16xi32, #tpu.memory_space<vmem>>
        %dma_wait3A_398 = arith.constant 0 : i32
        %dma_wait3A_399 = arith.constant 0 : i32
        %dma_wait3A_400 = tpu.memref_slice %arg16[%dma_wait3A_398, %dma_wait3A_399] : memref<10000x128xf32, #tpu.memory_space<vmem_shared>> -> memref<10000x128xf32, #tpu.memory_space<vmem_shared>>
        tpu.wait_indirect_dma semaphore(%arg31 : memref<!tpu.dma_semaphore, #tpu.memory_space<semaphore_mem>>) src(%dma_wait3A_396 : memref<16x128xf32, #tpu.memory_space<vmem>>) dst(%dma_wait3A_400 : memref<10000x128xf32, #tpu.memory_space<vmem_shared>>)
      } else {
      }
      %add3A_151 = arith.constant 4 : i32
      %add3A_152 = arith.addi %add3A_112, %add3A_151 : i32
      %mul3A_153 = arith.constant 16 : i32
      %mul3A_154 = arith.muli %add3A_152, %mul3A_153 : i32
      %multiple_of3A_155 = tpu.assume_multiple %mul3A_154, 8 : i32
      %dma_start3A_156 = arith.constant 4 : i32
      %dma_start3A_157 = arith.constant 0 : i32
      %dma_start3A_158 = arith.constant 0 : i32
      %dma_start3A_159 = tpu.memref_slice %arg10[%dma_start3A_156, %dma_start3A_157, %dma_start3A_158] : memref<5x16x128xf32, #tpu.memory_space<vmem>> -> memref<1x16x128xf32, #tpu.memory_space<vmem>>
      %dma_start3A_160 = tpu.memref_squeeze %dma_start3A_159 : memref<1x16x128xf32, #tpu.memory_space<vmem>> -> memref<16x128xf32, #tpu.memory_space<vmem>>
      %dma_start3A_161 = tpu.memref_slice %arg8[%multiple_of3A_155] : memref<10000xi32, #tpu.memory_space<vmem>> -> memref<16xi32, #tpu.memory_space<vmem>>
      %dma_start3A_162 = arith.constant 0 : i32
      %dma_start3A_163 = arith.constant 0 : i32
      %dma_start3A_164 = tpu.memref_slice %arg2[%dma_start3A_162, %dma_start3A_163] : memref<10000x128xf32, #tpu.memory_space<hbm>> -> memref<10000x128xf32, #tpu.memory_space<hbm>>
      tpu.enqueue_indirect_dma source(%dma_start3A_164 : memref<10000x128xf32, #tpu.memory_space<hbm>>) target(%dma_start3A_160 : memref<16x128xf32, #tpu.memory_space<vmem>>) offsets(%dma_start3A_161 : memref<16xi32, #tpu.memory_space<vmem>>) semaphore(%arg21 : memref<!tpu.dma_semaphore, #tpu.memory_space<semaphore_mem>>)
      %mul3A_165 = arith.constant 10000 : i32
      %mul3A_166 = arith.muli %add3A, %mul3A_165 : i32
      %mul3A_167 = arith.constant 16 : i32
      %mul3A_168 = arith.muli %add3A_152, %mul3A_167 : i32
      %add3A_169 = arith.addi %mul3A_166, %mul3A_168 : i32
      %multiple_of3A_170 = tpu.assume_multiple %add3A_169, 8 : i32
      %dma_start3A_171 = arith.constant 0 : i32
      %dma_start3A_172 = tpu.memref_slice %arg3[%multiple_of3A_170, %dma_start3A_171] : memref<320000x64xi32, #tpu.memory_space<hbm>> -> memref<16x64xi32, #tpu.memory_space<hbm>>
      %dma_start3A_173 = arith.constant 0 : i32
      %dma_start3A_174 = tpu.memref_slice %arg3[%multiple_of3A_170, %dma_start3A_173] : memref<320000x64xi32, #tpu.memory_space<hbm>> -> memref<16x64xi32, #tpu.memory_space<hbm>>
      tpu.enqueue_dma source(%dma_start3A_174 : memref<16x64xi32, #tpu.memory_space<hbm>>) target(%arg15 : memref<16x64xi32, #tpu.memory_space<vmem>>) target_semaphore(%arg26 : memref<!tpu.dma_semaphore, #tpu.memory_space<semaphore_mem>>)
      %mul3A_175 = arith.constant 5 : i32
      %mul3A_176 = arith.muli %scan3A_108, %mul3A_175 : i32
      %add3A_177 = arith.constant 1 : i32
      %add3A_178 = arith.addi %mul3A_176, %add3A_177 : i32
      %dma_wait3A_179 = arith.constant 1 : i32
      %dma_wait3A_180 = arith.constant 0 : i32
      %dma_wait3A_181 = arith.constant 0 : i32
      %dma_wait3A_182 = tpu.memref_slice %arg10[%dma_wait3A_179, %dma_wait3A_180, %dma_wait3A_181] : memref<5x16x128xf32, #tpu.memory_space<vmem>> -> memref<1x16x128xf32, #tpu.memory_space<vmem>>
      %dma_wait3A_183 = tpu.memref_squeeze %dma_wait3A_182 : memref<1x16x128xf32, #tpu.memory_space<vmem>> -> memref<16x128xf32, #tpu.memory_space<vmem>>
      %dma_wait3A_184 = arith.constant 0 : i32
      %dma_wait3A_185 = tpu.memref_slice %arg8[%dma_wait3A_184] : memref<10000xi32, #tpu.memory_space<vmem>> -> memref<16xi32, #tpu.memory_space<vmem>>
      %dma_wait3A_186 = arith.constant 0 : i32
      %dma_wait3A_187 = arith.constant 0 : i32
      %dma_wait3A_188 = tpu.memref_slice %arg2[%dma_wait3A_186, %dma_wait3A_187] : memref<10000x128xf32, #tpu.memory_space<hbm>> -> memref<10000x128xf32, #tpu.memory_space<hbm>>
      tpu.wait_indirect_dma semaphore(%arg18 : memref<!tpu.dma_semaphore, #tpu.memory_space<semaphore_mem>>) src(%dma_wait3A_188 : memref<10000x128xf32, #tpu.memory_space<hbm>>) dst(%dma_wait3A_183 : memref<16x128xf32, #tpu.memory_space<vmem>>)
      %dma_wait3A_189 = arith.constant 0 : i32
      %dma_wait3A_190 = arith.constant 0 : i32
      %dma_wait3A_191 = tpu.memref_slice %arg3[%dma_wait3A_189, %dma_wait3A_190] : memref<320000x64xi32, #tpu.memory_space<hbm>> -> memref<16x64xi32, #tpu.memory_space<hbm>>
      %dma_wait3A_192 = arith.constant 0 : i32
      %dma_wait3A_193 = arith.constant 0 : i32
      %dma_wait3A_194 = tpu.memref_slice %arg3[%dma_wait3A_192, %dma_wait3A_193] : memref<320000x64xi32, #tpu.memory_space<hbm>> -> memref<16x64xi32, #tpu.memory_space<hbm>>
      tpu.wait_dma2 semaphore(%arg23 : memref<!tpu.dma_semaphore, #tpu.memory_space<semaphore_mem>>) src(%dma_wait3A_194 : memref<16x64xi32, #tpu.memory_space<hbm>>) dst(%arg12 : memref<16x64xi32, #tpu.memory_space<vmem>>)
      %scan3A_195 = arith.constant 0 : i32
      %scan3A_196 = arith.constant 0 : i32
      %scan3A_197 = arith.constant 16 : i32
      %scan3A_198 = arith.addi %scan3A_196, %scan3A_197 : i32
      %scan3A_199 = arith.constant 1 : i32
      scf.for %scan3A_390 = %scan3A_196 to %scan3A_198 step %scan3A_199  : i32 {
        %get3A = arith.index_cast %scan3A_390 : i32 to index
        %get3A_391 = arith.constant 0 : index
        %get3A_392 = tpu.vector_load %arg12[%get3A, %get3A_391] {strides = array<i32>} : memref<16x64xi32, #tpu.memory_space<vmem>>, vector<16xi32>,
        %shift_left3A = arith.constant 16 : i32
        %shift_left3A_393 = vector.broadcast %shift_left3A : i32 to vector<16xi32>
        %shift_left3A_394 = arith.shli %get3A_392, %shift_left3A_393 : vector<16xi32>
        %bitcast3A = vector.bitcast %shift_left3A_394 : vector<16xi32> to vector<16xf32>
        %and3A = arith.constant -65536 : i32
        %and3A_395 = vector.broadcast %and3A : i32 to vector<16xi32>
        %and3A_396 = arith.andi %get3A_392, %and3A_395 : vector<16xi32>
        %bitcast3A_397 = vector.bitcast %and3A_396 : vector<16xi32> to vector<16xf32>
        %get3A_398 = arith.constant 1 : i32
        %get3A_399 = arith.index_cast %get3A_398 : i32 to index
        %get3A_400 = arith.index_cast %scan3A_390 : i32 to index
        %get3A_401 = arith.constant 0 : index
        %get3A_402 = tpu.vector_load %arg10[%get3A_399, %get3A_400, %get3A_401] {strides = array<i32>} : memref<5x16x128xf32, #tpu.memory_space<vmem>>, vector<16xf32>,
        %add3A_403 = arith.addf %get3A_402, %bitcast3A : vector<16xf32>
        %max3A = arith.constant 0.000000e+00 : f32
        %max3A_404 = vector.broadcast %max3A : f32 to vector<16xf32>
        %max3A_405 = arith.maximumf %add3A_403, %max3A_404 : vector<16xf32>
        %swap3A = arith.constant 1 : i32
        %swap3A_406 = arith.index_cast %swap3A : i32 to index
        %swap3A_407 = arith.index_cast %scan3A_390 : i32 to index
        %swap3A_408 = arith.constant 0 : index
        %swap3A_409 = tpu.vector_load %arg10[%swap3A_406, %swap3A_407, %swap3A_408] {strides = array<i32>} : memref<5x16x128xf32, #tpu.memory_space<vmem>>, vector<16xf32>,
        tpu.vector_store %arg10[%swap3A_406, %swap3A_407, %swap3A_408], %max3A_405 {strides = array<i32>} : memref<5x16x128xf32, #tpu.memory_space<vmem>>, vector<16xf32>,
        %get3A_410 = arith.constant 1 : i32
        %get3A_411 = arith.index_cast %get3A_410 : i32 to index
        %get3A_412 = arith.index_cast %scan3A_390 : i32 to index
        %get3A_413 = arith.constant 16 : index
        %get3A_414 = tpu.vector_load %arg10[%get3A_411, %get3A_412, %get3A_413] {strides = array<i32>} : memref<5x16x128xf32, #tpu.memory_space<vmem>>, vector<16xf32>,
        %add3A_415 = arith.addf %get3A_414, %bitcast3A_397 : vector<16xf32>
        %max3A_416 = arith.constant 0.000000e+00 : f32
        %max3A_417 = vector.broadcast %max3A_416 : f32 to vector<16xf32>
        %max3A_418 = arith.maximumf %add3A_415, %max3A_417 : vector<16xf32>
        %swap3A_419 = arith.constant 1 : i32
        %swap3A_420 = arith.index_cast %swap3A_419 : i32 to index
        %swap3A_421 = arith.index_cast %scan3A_390 : i32 to index
        %swap3A_422 = arith.constant 16 : index
        %swap3A_423 = tpu.vector_load %arg10[%swap3A_420, %swap3A_421, %swap3A_422] {strides = array<i32>} : memref<5x16x128xf32, #tpu.memory_space<vmem>>, vector<16xf32>,
        tpu.vector_store %arg10[%swap3A_420, %swap3A_421, %swap3A_422], %max3A_418 {strides = array<i32>} : memref<5x16x128xf32, #tpu.memory_space<vmem>>, vector<16xf32>,
        %get3A_424 = arith.index_cast %scan3A_390 : i32 to index
        %get3A_425 = arith.constant 16 : index
        %get3A_426 = tpu.vector_load %arg12[%get3A_424, %get3A_425] {strides = array<i32>} : memref<16x64xi32, #tpu.memory_space<vmem>>, vector<16xi32>,
        %shift_left3A_427 = arith.constant 16 : i32
        %shift_left3A_428 = vector.broadcast %shift_left3A_427 : i32 to vector<16xi32>
        %shift_left3A_429 = arith.shli %get3A_426, %shift_left3A_428 : vector<16xi32>
        %bitcast3A_430 = vector.bitcast %shift_left3A_429 : vector<16xi32> to vector<16xf32>
        %and3A_431 = arith.constant -65536 : i32
        %and3A_432 = vector.broadcast %and3A_431 : i32 to vector<16xi32>
        %and3A_433 = arith.andi %get3A_426, %and3A_432 : vector<16xi32>
        %bitcast3A_434 = vector.bitcast %and3A_433 : vector<16xi32> to vector<16xf32>
        %get3A_435 = arith.constant 1 : i32
        %get3A_436 = arith.index_cast %get3A_435 : i32 to index
        %get3A_437 = arith.index_cast %scan3A_390 : i32 to index
        %get3A_438 = arith.constant 32 : index
        %get3A_439 = tpu.vector_load %arg10[%get3A_436, %get3A_437, %get3A_438] {strides = array<i32>} : memref<5x16x128xf32, #tpu.memory_space<vmem>>, vector<16xf32>,
        %add3A_440 = arith.addf %get3A_439, %bitcast3A_430 : vector<16xf32>
        %max3A_441 = arith.constant 0.000000e+00 : f32
        %max3A_442 = vector.broadcast %max3A_441 : f32 to vector<16xf32>
        %max3A_443 = arith.maximumf %add3A_440, %max3A_442 : vector<16xf32>
        %swap3A_444 = arith.constant 1 : i32
        %swap3A_445 = arith.index_cast %swap3A_444 : i32 to index
        %swap3A_446 = arith.index_cast %scan3A_390 : i32 to index
        %swap3A_447 = arith.constant 32 : index
        %swap3A_448 = tpu.vector_load %arg10[%swap3A_445, %swap3A_446, %swap3A_447] {strides = array<i32>} : memref<5x16x128xf32, #tpu.memory_space<vmem>>, vector<16xf32>,
        tpu.vector_store %arg10[%swap3A_445, %swap3A_446, %swap3A_447], %max3A_443 {strides = array<i32>} : memref<5x16x128xf32, #tpu.memory_space<vmem>>, vector<16xf32>,
        %get3A_449 = arith.constant 1 : i32
        %get3A_450 = arith.index_cast %get3A_449 : i32 to index
        %get3A_451 = arith.index_cast %scan3A_390 : i32 to index
        %get3A_452 = arith.constant 48 : index
        %get3A_453 = tpu.vector_load %arg10[%get3A_450, %get3A_451, %get3A_452] {strides = array<i32>} : memref<5x16x128xf32, #tpu.memory_space<vmem>>, vector<16xf32>,
        %add3A_454 = arith.addf %get3A_453, %bitcast3A_434 : vector<16xf32>
        %max3A_455 = arith.constant 0.000000e+00 : f32
        %max3A_456 = vector.broadcast %max3A_455 : f32 to vector<16xf32>
        %max3A_457 = arith.maximumf %add3A_454, %max3A_456 : vector<16xf32>
        %swap3A_458 = arith.constant 1 : i32
        %swap3A_459 = arith.index_cast %swap3A_458 : i32 to index
        %swap3A_460 = arith.index_cast %scan3A_390 : i32 to index
        %swap3A_461 = arith.constant 48 : index
        %swap3A_462 = tpu.vector_load %arg10[%swap3A_459, %swap3A_460, %swap3A_461] {strides = array<i32>} : memref<5x16x128xf32, #tpu.memory_space<vmem>>, vector<16xf32>,
        tpu.vector_store %arg10[%swap3A_459, %swap3A_460, %swap3A_461], %max3A_457 {strides = array<i32>} : memref<5x16x128xf32, #tpu.memory_space<vmem>>, vector<16xf32>,
        %get3A_463 = arith.index_cast %scan3A_390 : i32 to index
        %get3A_464 = arith.constant 32 : index
        %get3A_465 = tpu.vector_load %arg12[%get3A_463, %get3A_464] {strides = array<i32>} : memref<16x64xi32, #tpu.memory_space<vmem>>, vector<16xi32>,
        %shift_left3A_466 = arith.constant 16 : i32
        %shift_left3A_467 = vector.broadcast %shift_left3A_466 : i32 to vector<16xi32>
        %shift_left3A_468 = arith.shli %get3A_465, %shift_left3A_467 : vector<16xi32>
        %bitcast3A_469 = vector.bitcast %shift_left3A_468 : vector<16xi32> to vector<16xf32>
        %and3A_470 = arith.constant -65536 : i32
        %and3A_471 = vector.broadcast %and3A_470 : i32 to vector<16xi32>
        %and3A_472 = arith.andi %get3A_465, %and3A_471 : vector<16xi32>
        %bitcast3A_473 = vector.bitcast %and3A_472 : vector<16xi32> to vector<16xf32>
        %get3A_474 = arith.constant 1 : i32
        %get3A_475 = arith.index_cast %get3A_474 : i32 to index
        %get3A_476 = arith.index_cast %scan3A_390 : i32 to index
        %get3A_477 = arith.constant 64 : index
        %get3A_478 = tpu.vector_load %arg10[%get3A_475, %get3A_476, %get3A_477] {strides = array<i32>} : memref<5x16x128xf32, #tpu.memory_space<vmem>>, vector<16xf32>,
        %add3A_479 = arith.addf %get3A_478, %bitcast3A_469 : vector<16xf32>
        %max3A_480 = arith.constant 0.000000e+00 : f32
        %max3A_481 = vector.broadcast %max3A_480 : f32 to vector<16xf32>
        %max3A_482 = arith.maximumf %add3A_479, %max3A_481 : vector<16xf32>
        %swap3A_483 = arith.constant 1 : i32
        %swap3A_484 = arith.index_cast %swap3A_483 : i32 to index
        %swap3A_485 = arith.index_cast %scan3A_390 : i32 to index
        %swap3A_486 = arith.constant 64 : index
        %swap3A_487 = tpu.vector_load %arg10[%swap3A_484, %swap3A_485, %swap3A_486] {strides = array<i32>} : memref<5x16x128xf32, #tpu.memory_space<vmem>>, vector<16xf32>,
        tpu.vector_store %arg10[%swap3A_484, %swap3A_485, %swap3A_486], %max3A_482 {strides = array<i32>} : memref<5x16x128xf32, #tpu.memory_space<vmem>>, vector<16xf32>,
        %get3A_488 = arith.constant 1 : i32
        %get3A_489 = arith.index_cast %get3A_488 : i32 to index
        %get3A_490 = arith.index_cast %scan3A_390 : i32 to index
        %get3A_491 = arith.constant 80 : index
        %get3A_492 = tpu.vector_load %arg10[%get3A_489, %get3A_490, %get3A_491] {strides = array<i32>} : memref<5x16x128xf32, #tpu.memory_space<vmem>>, vector<16xf32>,
        %add3A_493 = arith.addf %get3A_492, %bitcast3A_473 : vector<16xf32>
        %max3A_494 = arith.constant 0.000000e+00 : f32
        %max3A_495 = vector.broadcast %max3A_494 : f32 to vector<16xf32>
        %max3A_496 = arith.maximumf %add3A_493, %max3A_495 : vector<16xf32>
        %swap3A_497 = arith.constant 1 : i32
        %swap3A_498 = arith.index_cast %swap3A_497 : i32 to index
        %swap3A_499 = arith.index_cast %scan3A_390 : i32 to index
        %swap3A_500 = arith.constant 80 : index
        %swap3A_501 = tpu.vector_load %arg10[%swap3A_498, %swap3A_499, %swap3A_500] {strides = array<i32>} : memref<5x16x128xf32, #tpu.memory_space<vmem>>, vector<16xf32>,
        tpu.vector_store %arg10[%swap3A_498, %swap3A_499, %swap3A_500], %max3A_496 {strides = array<i32>} : memref<5x16x128xf32, #tpu.memory_space<vmem>>, vector<16xf32>,
        %get3A_502 = arith.index_cast %scan3A_390 : i32 to index
        %get3A_503 = arith.constant 48 : index
        %get3A_504 = tpu.vector_load %arg12[%get3A_502, %get3A_503] {strides = array<i32>} : memref<16x64xi32, #tpu.memory_space<vmem>>, vector<16xi32>,
        %shift_left3A_505 = arith.constant 16 : i32
        %shift_left3A_506 = vector.broadcast %shift_left3A_505 : i32 to vector<16xi32>
        %shift_left3A_507 = arith.shli %get3A_504, %shift_left3A_506 : vector<16xi32>
        %bitcast3A_508 = vector.bitcast %shift_left3A_507 : vector<16xi32> to vector<16xf32>
        %and3A_509 = arith.constant -65536 : i32
        %and3A_510 = vector.broadcast %and3A_509 : i32 to vector<16xi32>
        %and3A_511 = arith.andi %get3A_504, %and3A_510 : vector<16xi32>
        %bitcast3A_512 = vector.bitcast %and3A_511 : vector<16xi32> to vector<16xf32>
        %get3A_513 = arith.constant 1 : i32
        %get3A_514 = arith.index_cast %get3A_513 : i32 to index
        %get3A_515 = arith.index_cast %scan3A_390 : i32 to index
        %get3A_516 = arith.constant 96 : index
        %get3A_517 = tpu.vector_load %arg10[%get3A_514, %get3A_515, %get3A_516] {strides = array<i32>} : memref<5x16x128xf32, #tpu.memory_space<vmem>>, vector<16xf32>,
        %add3A_518 = arith.addf %get3A_517, %bitcast3A_508 : vector<16xf32>
        %max3A_519 = arith.constant 0.000000e+00 : f32
        %max3A_520 = vector.broadcast %max3A_519 : f32 to vector<16xf32>
        %max3A_521 = arith.maximumf %add3A_518, %max3A_520 : vector<16xf32>
        %swap3A_522 = arith.constant 1 : i32
        %swap3A_523 = arith.index_cast %swap3A_522 : i32 to index
        %swap3A_524 = arith.index_cast %scan3A_390 : i32 to index
        %swap3A_525 = arith.constant 96 : index
        %swap3A_526 = tpu.vector_load %arg10[%swap3A_523, %swap3A_524, %swap3A_525] {strides = array<i32>} : memref<5x16x128xf32, #tpu.memory_space<vmem>>, vector<16xf32>,
        tpu.vector_store %arg10[%swap3A_523, %swap3A_524, %swap3A_525], %max3A_521 {strides = array<i32>} : memref<5x16x128xf32, #tpu.memory_space<vmem>>, vector<16xf32>,
        %get3A_527 = arith.constant 1 : i32
        %get3A_528 = arith.index_cast %get3A_527 : i32 to index
        %get3A_529 = arith.index_cast %scan3A_390 : i32 to index
        %get3A_530 = arith.constant 112 : index
        %get3A_531 = tpu.vector_load %arg10[%get3A_528, %get3A_529, %get3A_530] {strides = array<i32>} : memref<5x16x128xf32, #tpu.memory_space<vmem>>, vector<16xf32>,
        %add3A_532 = arith.addf %get3A_531, %bitcast3A_512 : vector<16xf32>
        %max3A_533 = arith.constant 0.000000e+00 : f32
        %max3A_534 = vector.broadcast %max3A_533 : f32 to vector<16xf32>
        %max3A_535 = arith.maximumf %add3A_532, %max3A_534 : vector<16xf32>
        %swap3A_536 = arith.constant 1 : i32
        %swap3A_537 = arith.index_cast %swap3A_536 : i32 to index
        %swap3A_538 = arith.index_cast %scan3A_390 : i32 to index
        %swap3A_539 = arith.constant 112 : index
        %swap3A_540 = tpu.vector_load %arg10[%swap3A_537, %swap3A_538, %swap3A_539] {strides = array<i32>} : memref<5x16x128xf32, #tpu.memory_space<vmem>>, vector<16xf32>,
        tpu.vector_store %arg10[%swap3A_537, %swap3A_538, %swap3A_539], %max3A_535 {strides = array<i32>} : memref<5x16x128xf32, #tpu.memory_space<vmem>>, vector<16xf32>,
      }
      %scan3A_200 = arith.constant 16 : i32
      %mul3A_201 = arith.constant 16 : i32
      %mul3A_202 = arith.muli %add3A_178, %mul3A_201 : i32
      %multiple_of3A_203 = tpu.assume_multiple %mul3A_202, 8 : i32
      %dma_start3A_204 = arith.constant 1 : i32
      %dma_start3A_205 = arith.constant 0 : i32
      %dma_start3A_206 = arith.constant 0 : i32
      %dma_start3A_207 = tpu.memref_slice %arg10[%dma_start3A_204, %dma_start3A_205, %dma_start3A_206] : memref<5x16x128xf32, #tpu.memory_space<vmem>> -> memref<1x16x128xf32, #tpu.memory_space<vmem>>
      %dma_start3A_208 = tpu.memref_squeeze %dma_start3A_207 : memref<1x16x128xf32, #tpu.memory_space<vmem>> -> memref<16x128xf32, #tpu.memory_space<vmem>>
      %dma_start3A_209 = tpu.memref_slice %arg9[%multiple_of3A_203] : memref<10000xi32, #tpu.memory_space<vmem>> -> memref<16xi32, #tpu.memory_space<vmem>>
      %dma_start3A_210 = arith.constant 0 : i32
      %dma_start3A_211 = arith.constant 0 : i32
      %dma_start3A_212 = tpu.memref_slice %arg16[%dma_start3A_210, %dma_start3A_211] : memref<10000x128xf32, #tpu.memory_space<vmem_shared>> -> memref<10000x128xf32, #tpu.memory_space<vmem_shared>>
      tpu.enqueue_indirect_dma source(%dma_start3A_208 : memref<16x128xf32, #tpu.memory_space<vmem>>) target(%dma_start3A_212 : memref<10000x128xf32, #tpu.memory_space<vmem_shared>>) offsets(%dma_start3A_209 : memref<16xi32, #tpu.memory_space<vmem>>) semaphore(%arg28 : memref<!tpu.dma_semaphore, #tpu.memory_space<semaphore_mem>>) {add = true}
      %multiple_of3A_213 = arith.constant 0 : i32
      %multiple_of3A_214 = tpu.assume_multiple %multiple_of3A_213, 8 : i32
      %dma_wait3A_215 = arith.constant 0 : i32
      %dma_wait3A_216 = arith.constant 0 : i32
      %dma_wait3A_217 = arith.constant 0 : i32
      %dma_wait3A_218 = tpu.memref_slice %arg10[%dma_wait3A_215, %dma_wait3A_216, %dma_wait3A_217] : memref<5x16x128xf32, #tpu.memory_space<vmem>> -> memref<1x16x128xf32, #tpu.memory_space<vmem>>
      %dma_wait3A_219 = tpu.memref_squeeze %dma_wait3A_218 : memref<1x16x128xf32, #tpu.memory_space<vmem>> -> memref<16x128xf32, #tpu.memory_space<vmem>>
      %dma_wait3A_220 = tpu.memref_slice %arg9[%multiple_of3A_214] : memref<10000xi32, #tpu.memory_space<vmem>> -> memref<16xi32, #tpu.memory_space<vmem>>
      %dma_wait3A_221 = arith.constant 0 : i32
      %dma_wait3A_222 = arith.constant 0 : i32
      %dma_wait3A_223 = tpu.memref_slice %arg16[%dma_wait3A_221, %dma_wait3A_222] : memref<10000x128xf32, #tpu.memory_space<vmem_shared>> -> memref<10000x128xf32, #tpu.memory_space<vmem_shared>>
      tpu.wait_indirect_dma semaphore(%arg27 : memref<!tpu.dma_semaphore, #tpu.memory_space<semaphore_mem>>) src(%dma_wait3A_219 : memref<16x128xf32, #tpu.memory_space<vmem>>) dst(%dma_wait3A_223 : memref<10000x128xf32, #tpu.memory_space<vmem_shared>>)
      %lt3A = arith.constant 124 : i32
      %lt3A_224 = arith.cmpi slt, %scan3A_108, %lt3A : i32
      %convert_element_type3A_225 = arith.extui %lt3A_224 : i1 to i32
      %cond3A_226 = arith.constant 0 : i32
      %cond3A_227 = arith.cmpi ne, %convert_element_type3A_225, %cond3A_226 : i32
      scf.if %cond3A_227 {
        %add3A_390 = arith.constant 4 : i32
        %add3A_391 = arith.addi %add3A_178, %add3A_390 : i32
        %mul3A_392 = arith.constant 16 : i32
        %mul3A_393 = arith.muli %add3A_391, %mul3A_392 : i32
        %multiple_of3A_394 = tpu.assume_multiple %mul3A_393, 8 : i32
        %dma_start3A_395 = arith.constant 0 : i32
        %dma_start3A_396 = arith.constant 0 : i32
        %dma_start3A_397 = arith.constant 0 : i32
        %dma_start3A_398 = tpu.memref_slice %arg10[%dma_start3A_395, %dma_start3A_396, %dma_start3A_397] : memref<5x16x128xf32, #tpu.memory_space<vmem>> -> memref<1x16x128xf32, #tpu.memory_space<vmem>>
        %dma_start3A_399 = tpu.memref_squeeze %dma_start3A_398 : memref<1x16x128xf32, #tpu.memory_space<vmem>> -> memref<16x128xf32, #tpu.memory_space<vmem>>
        %dma_start3A_400 = tpu.memref_slice %arg8[%multiple_of3A_394] : memref<10000xi32, #tpu.memory_space<vmem>> -> memref<16xi32, #tpu.memory_space<vmem>>
        %dma_start3A_401 = arith.constant 0 : i32
        %dma_start3A_402 = arith.constant 0 : i32
        %dma_start3A_403 = tpu.memref_slice %arg2[%dma_start3A_401, %dma_start3A_402] : memref<10000x128xf32, #tpu.memory_space<hbm>> -> memref<10000x128xf32, #tpu.memory_space<hbm>>
        tpu.enqueue_indirect_dma source(%dma_start3A_403 : memref<10000x128xf32, #tpu.memory_space<hbm>>) target(%dma_start3A_399 : memref<16x128xf32, #tpu.memory_space<vmem>>) offsets(%dma_start3A_400 : memref<16xi32, #tpu.memory_space<vmem>>) semaphore(%arg17 : memref<!tpu.dma_semaphore, #tpu.memory_space<semaphore_mem>>)
        %mul3A_404 = arith.constant 10000 : i32
        %mul3A_405 = arith.muli %add3A, %mul3A_404 : i32
        %mul3A_406 = arith.constant 16 : i32
        %mul3A_407 = arith.muli %add3A_391, %mul3A_406 : i32
        %add3A_408 = arith.addi %mul3A_405, %mul3A_407 : i32
        %multiple_of3A_409 = tpu.assume_multiple %add3A_408, 8 : i32
        %dma_start3A_410 = arith.constant 0 : i32
        %dma_start3A_411 = tpu.memref_slice %arg3[%multiple_of3A_409, %dma_start3A_410] : memref<320000x64xi32, #tpu.memory_space<hbm>> -> memref<16x64xi32, #tpu.memory_space<hbm>>
        %dma_start3A_412 = arith.constant 0 : i32
        %dma_start3A_413 = tpu.memref_slice %arg3[%multiple_of3A_409, %dma_start3A_412] : memref<320000x64xi32, #tpu.memory_space<hbm>> -> memref<16x64xi32, #tpu.memory_space<hbm>>
        tpu.enqueue_dma source(%dma_start3A_413 : memref<16x64xi32, #tpu.memory_space<hbm>>) target(%arg11 : memref<16x64xi32, #tpu.memory_space<vmem>>) target_semaphore(%arg22 : memref<!tpu.dma_semaphore, #tpu.memory_space<semaphore_mem>>)
      } else {
      }
      %mul3A_228 = arith.constant 5 : i32
      %mul3A_229 = arith.muli %scan3A_108, %mul3A_228 : i32
      %add3A_230 = arith.constant 2 : i32
      %add3A_231 = arith.addi %mul3A_229, %add3A_230 : i32
      %dma_wait3A_232 = arith.constant 2 : i32
      %dma_wait3A_233 = arith.constant 0 : i32
      %dma_wait3A_234 = arith.constant 0 : i32
      %dma_wait3A_235 = tpu.memref_slice %arg10[%dma_wait3A_232, %dma_wait3A_233, %dma_wait3A_234] : memref<5x16x128xf32, #tpu.memory_space<vmem>> -> memref<1x16x128xf32, #tpu.memory_space<vmem>>
      %dma_wait3A_236 = tpu.memref_squeeze %dma_wait3A_235 : memref<1x16x128xf32, #tpu.memory_space<vmem>> -> memref<16x128xf32, #tpu.memory_space<vmem>>
      %dma_wait3A_237 = arith.constant 0 : i32
      %dma_wait3A_238 = tpu.memref_slice %arg8[%dma_wait3A_237] : memref<10000xi32, #tpu.memory_space<vmem>> -> memref<16xi32, #tpu.memory_space<vmem>>
      %dma_wait3A_239 = arith.constant 0 : i32
      %dma_wait3A_240 = arith.constant 0 : i32
      %dma_wait3A_241 = tpu.memref_slice %arg2[%dma_wait3A_239, %dma_wait3A_240] : memref<10000x128xf32, #tpu.memory_space<hbm>> -> memref<10000x128xf32, #tpu.memory_space<hbm>>
      tpu.wait_indirect_dma semaphore(%arg19 : memref<!tpu.dma_semaphore, #tpu.memory_space<semaphore_mem>>) src(%dma_wait3A_241 : memref<10000x128xf32, #tpu.memory_space<hbm>>) dst(%dma_wait3A_236 : memref<16x128xf32, #tpu.memory_space<vmem>>)
      %dma_wait3A_242 = arith.constant 0 : i32
      %dma_wait3A_243 = arith.constant 0 : i32
      %dma_wait3A_244 = tpu.memref_slice %arg3[%dma_wait3A_242, %dma_wait3A_243] : memref<320000x64xi32, #tpu.memory_space<hbm>> -> memref<16x64xi32, #tpu.memory_space<hbm>>
      %dma_wait3A_245 = arith.constant 0 : i32
      %dma_wait3A_246 = arith.constant 0 : i32
      %dma_wait3A_247 = tpu.memref_slice %arg3[%dma_wait3A_245, %dma_wait3A_246] : memref<320000x64xi32, #tpu.memory_space<hbm>> -> memref<16x64xi32, #tpu.memory_space<hbm>>
      tpu.wait_dma2 semaphore(%arg24 : memref<!tpu.dma_semaphore, #tpu.memory_space<semaphore_mem>>) src(%dma_wait3A_247 : memref<16x64xi32, #tpu.memory_space<hbm>>) dst(%arg13 : memref<16x64xi32, #tpu.memory_space<vmem>>)
      %scan3A_248 = arith.constant 0 : i32
      %scan3A_249 = arith.constant 0 : i32
      %scan3A_250 = arith.constant 16 : i32
      %scan3A_251 = arith.addi %scan3A_249, %scan3A_250 : i32
      %scan3A_252 = arith.constant 1 : i32
      scf.for %scan3A_390 = %scan3A_249 to %scan3A_251 step %scan3A_252  : i32 {
        %get3A = arith.index_cast %scan3A_390 : i32 to index
        %get3A_391 = arith.constant 0 : index
        %get3A_392 = tpu.vector_load %arg13[%get3A, %get3A_391] {strides = array<i32>} : memref<16x64xi32, #tpu.memory_space<vmem>>, vector<16xi32>,
        %shift_left3A = arith.constant 16 : i32
        %shift_left3A_393 = vector.broadcast %shift_left3A : i32 to vector<16xi32>
        %shift_left3A_394 = arith.shli %get3A_392, %shift_left3A_393 : vector<16xi32>
        %bitcast3A = vector.bitcast %shift_left3A_394 : vector<16xi32> to vector<16xf32>
        %and3A = arith.constant -65536 : i32
        %and3A_395 = vector.broadcast %and3A : i32 to vector<16xi32>
        %and3A_396 = arith.andi %get3A_392, %and3A_395 : vector<16xi32>
        %bitcast3A_397 = vector.bitcast %and3A_396 : vector<16xi32> to vector<16xf32>
        %get3A_398 = arith.constant 2 : i32
        %get3A_399 = arith.index_cast %get3A_398 : i32 to index
        %get3A_400 = arith.index_cast %scan3A_390 : i32 to index
        %get3A_401 = arith.constant 0 : index
        %get3A_402 = tpu.vector_load %arg10[%get3A_399, %get3A_400, %get3A_401] {strides = array<i32>} : memref<5x16x128xf32, #tpu.memory_space<vmem>>, vector<16xf32>,
        %add3A_403 = arith.addf %get3A_402, %bitcast3A : vector<16xf32>
        %max3A = arith.constant 0.000000e+00 : f32
        %max3A_404 = vector.broadcast %max3A : f32 to vector<16xf32>
        %max3A_405 = arith.maximumf %add3A_403, %max3A_404 : vector<16xf32>
        %swap3A = arith.constant 2 : i32
        %swap3A_406 = arith.index_cast %swap3A : i32 to index
        %swap3A_407 = arith.index_cast %scan3A_390 : i32 to index
        %swap3A_408 = arith.constant 0 : index
        %swap3A_409 = tpu.vector_load %arg10[%swap3A_406, %swap3A_407, %swap3A_408] {strides = array<i32>} : memref<5x16x128xf32, #tpu.memory_space<vmem>>, vector<16xf32>,
        tpu.vector_store %arg10[%swap3A_406, %swap3A_407, %swap3A_408], %max3A_405 {strides = array<i32>} : memref<5x16x128xf32, #tpu.memory_space<vmem>>, vector<16xf32>,
        %get3A_410 = arith.constant 2 : i32
        %get3A_411 = arith.index_cast %get3A_410 : i32 to index
        %get3A_412 = arith.index_cast %scan3A_390 : i32 to index
        %get3A_413 = arith.constant 16 : index
        %get3A_414 = tpu.vector_load %arg10[%get3A_411, %get3A_412, %get3A_413] {strides = array<i32>} : memref<5x16x128xf32, #tpu.memory_space<vmem>>, vector<16xf32>,
        %add3A_415 = arith.addf %get3A_414, %bitcast3A_397 : vector<16xf32>
        %max3A_416 = arith.constant 0.000000e+00 : f32
        %max3A_417 = vector.broadcast %max3A_416 : f32 to vector<16xf32>
        %max3A_418 = arith.maximumf %add3A_415, %max3A_417 : vector<16xf32>
        %swap3A_419 = arith.constant 2 : i32
        %swap3A_420 = arith.index_cast %swap3A_419 : i32 to index
        %swap3A_421 = arith.index_cast %scan3A_390 : i32 to index
        %swap3A_422 = arith.constant 16 : index
        %swap3A_423 = tpu.vector_load %arg10[%swap3A_420, %swap3A_421, %swap3A_422] {strides = array<i32>} : memref<5x16x128xf32, #tpu.memory_space<vmem>>, vector<16xf32>,
        tpu.vector_store %arg10[%swap3A_420, %swap3A_421, %swap3A_422], %max3A_418 {strides = array<i32>} : memref<5x16x128xf32, #tpu.memory_space<vmem>>, vector<16xf32>,
        %get3A_424 = arith.index_cast %scan3A_390 : i32 to index
        %get3A_425 = arith.constant 16 : index
        %get3A_426 = tpu.vector_load %arg13[%get3A_424, %get3A_425] {strides = array<i32>} : memref<16x64xi32, #tpu.memory_space<vmem>>, vector<16xi32>,
        %shift_left3A_427 = arith.constant 16 : i32
        %shift_left3A_428 = vector.broadcast %shift_left3A_427 : i32 to vector<16xi32>
        %shift_left3A_429 = arith.shli %get3A_426, %shift_left3A_428 : vector<16xi32>
        %bitcast3A_430 = vector.bitcast %shift_left3A_429 : vector<16xi32> to vector<16xf32>
        %and3A_431 = arith.constant -65536 : i32
        %and3A_432 = vector.broadcast %and3A_431 : i32 to vector<16xi32>
        %and3A_433 = arith.andi %get3A_426, %and3A_432 : vector<16xi32>
        %bitcast3A_434 = vector.bitcast %and3A_433 : vector<16xi32> to vector<16xf32>
        %get3A_435 = arith.constant 2 : i32
        %get3A_436 = arith.index_cast %get3A_435 : i32 to index
        %get3A_437 = arith.index_cast %scan3A_390 : i32 to index
        %get3A_438 = arith.constant 32 : index
        %get3A_439 = tpu.vector_load %arg10[%get3A_436, %get3A_437, %get3A_438] {strides = array<i32>} : memref<5x16x128xf32, #tpu.memory_space<vmem>>, vector<16xf32>,
        %add3A_440 = arith.addf %get3A_439, %bitcast3A_430 : vector<16xf32>
        %max3A_441 = arith.constant 0.000000e+00 : f32
        %max3A_442 = vector.broadcast %max3A_441 : f32 to vector<16xf32>
        %max3A_443 = arith.maximumf %add3A_440, %max3A_442 : vector<16xf32>
        %swap3A_444 = arith.constant 2 : i32
        %swap3A_445 = arith.index_cast %swap3A_444 : i32 to index
        %swap3A_446 = arith.index_cast %scan3A_390 : i32 to index
        %swap3A_447 = arith.constant 32 : index
        %swap3A_448 = tpu.vector_load %arg10[%swap3A_445, %swap3A_446, %swap3A_447] {strides = array<i32>} : memref<5x16x128xf32, #tpu.memory_space<vmem>>, vector<16xf32>,
        tpu.vector_store %arg10[%swap3A_445, %swap3A_446, %swap3A_447], %max3A_443 {strides = array<i32>} : memref<5x16x128xf32, #tpu.memory_space<vmem>>, vector<16xf32>,
        %get3A_449 = arith.constant 2 : i32
        %get3A_450 = arith.index_cast %get3A_449 : i32 to index
        %get3A_451 = arith.index_cast %scan3A_390 : i32 to index
        %get3A_452 = arith.constant 48 : index
        %get3A_453 = tpu.vector_load %arg10[%get3A_450, %get3A_451, %get3A_452] {strides = array<i32>} : memref<5x16x128xf32, #tpu.memory_space<vmem>>, vector<16xf32>,
        %add3A_454 = arith.addf %get3A_453, %bitcast3A_434 : vector<16xf32>
        %max3A_455 = arith.constant 0.000000e+00 : f32
        %max3A_456 = vector.broadcast %max3A_455 : f32 to vector<16xf32>
        %max3A_457 = arith.maximumf %add3A_454, %max3A_456 : vector<16xf32>
        %swap3A_458 = arith.constant 2 : i32
        %swap3A_459 = arith.index_cast %swap3A_458 : i32 to index
        %swap3A_460 = arith.index_cast %scan3A_390 : i32 to index
        %swap3A_461 = arith.constant 48 : index
        %swap3A_462 = tpu.vector_load %arg10[%swap3A_459, %swap3A_460, %swap3A_461] {strides = array<i32>} : memref<5x16x128xf32, #tpu.memory_space<vmem>>, vector<16xf32>,
        tpu.vector_store %arg10[%swap3A_459, %swap3A_460, %swap3A_461], %max3A_457 {strides = array<i32>} : memref<5x16x128xf32, #tpu.memory_space<vmem>>, vector<16xf32>,
        %get3A_463 = arith.index_cast %scan3A_390 : i32 to index
        %get3A_464 = arith.constant 32 : index
        %get3A_465 = tpu.vector_load %arg13[%get3A_463, %get3A_464] {strides = array<i32>} : memref<16x64xi32, #tpu.memory_space<vmem>>, vector<16xi32>,
        %shift_left3A_466 = arith.constant 16 : i32
        %shift_left3A_467 = vector.broadcast %shift_left3A_466 : i32 to vector<16xi32>
        %shift_left3A_468 = arith.shli %get3A_465, %shift_left3A_467 : vector<16xi32>
        %bitcast3A_469 = vector.bitcast %shift_left3A_468 : vector<16xi32> to vector<16xf32>
        %and3A_470 = arith.constant -65536 : i32
        %and3A_471 = vector.broadcast %and3A_470 : i32 to vector<16xi32>
        %and3A_472 = arith.andi %get3A_465, %and3A_471 : vector<16xi32>
        %bitcast3A_473 = vector.bitcast %and3A_472 : vector<16xi32> to vector<16xf32>
        %get3A_474 = arith.constant 2 : i32
        %get3A_475 = arith.index_cast %get3A_474 : i32 to index
        %get3A_476 = arith.index_cast %scan3A_390 : i32 to index
        %get3A_477 = arith.constant 64 : index
        %get3A_478 = tpu.vector_load %arg10[%get3A_475, %get3A_476, %get3A_477] {strides = array<i32>} : memref<5x16x128xf32, #tpu.memory_space<vmem>>, vector<16xf32>,
        %add3A_479 = arith.addf %get3A_478, %bitcast3A_469 : vector<16xf32>
        %max3A_480 = arith.constant 0.000000e+00 : f32
        %max3A_481 = vector.broadcast %max3A_480 : f32 to vector<16xf32>
        %max3A_482 = arith.maximumf %add3A_479, %max3A_481 : vector<16xf32>
        %swap3A_483 = arith.constant 2 : i32
        %swap3A_484 = arith.index_cast %swap3A_483 : i32 to index
        %swap3A_485 = arith.index_cast %scan3A_390 : i32 to index
        %swap3A_486 = arith.constant 64 : index
        %swap3A_487 = tpu.vector_load %arg10[%swap3A_484, %swap3A_485, %swap3A_486] {strides = array<i32>} : memref<5x16x128xf32, #tpu.memory_space<vmem>>, vector<16xf32>,
        tpu.vector_store %arg10[%swap3A_484, %swap3A_485, %swap3A_486], %max3A_482 {strides = array<i32>} : memref<5x16x128xf32, #tpu.memory_space<vmem>>, vector<16xf32>,
        %get3A_488 = arith.constant 2 : i32
        %get3A_489 = arith.index_cast %get3A_488 : i32 to index
        %get3A_490 = arith.index_cast %scan3A_390 : i32 to index
        %get3A_491 = arith.constant 80 : index
        %get3A_492 = tpu.vector_load %arg10[%get3A_489, %get3A_490, %get3A_491] {strides = array<i32>} : memref<5x16x128xf32, #tpu.memory_space<vmem>>, vector<16xf32>,
        %add3A_493 = arith.addf %get3A_492, %bitcast3A_473 : vector<16xf32>
        %max3A_494 = arith.constant 0.000000e+00 : f32
        %max3A_495 = vector.broadcast %max3A_494 : f32 to vector<16xf32>
        %max3A_496 = arith.maximumf %add3A_493, %max3A_495 : vector<16xf32>
        %swap3A_497 = arith.constant 2 : i32
        %swap3A_498 = arith.index_cast %swap3A_497 : i32 to index
        %swap3A_499 = arith.index_cast %scan3A_390 : i32 to index
        %swap3A_500 = arith.constant 80 : index
        %swap3A_501 = tpu.vector_load %arg10[%swap3A_498, %swap3A_499, %swap3A_500] {strides = array<i32>} : memref<5x16x128xf32, #tpu.memory_space<vmem>>, vector<16xf32>,
        tpu.vector_store %arg10[%swap3A_498, %swap3A_499, %swap3A_500], %max3A_496 {strides = array<i32>} : memref<5x16x128xf32, #tpu.memory_space<vmem>>, vector<16xf32>,
        %get3A_502 = arith.index_cast %scan3A_390 : i32 to index
        %get3A_503 = arith.constant 48 : index
        %get3A_504 = tpu.vector_load %arg13[%get3A_502, %get3A_503] {strides = array<i32>} : memref<16x64xi32, #tpu.memory_space<vmem>>, vector<16xi32>,
        %shift_left3A_505 = arith.constant 16 : i32
        %shift_left3A_506 = vector.broadcast %shift_left3A_505 : i32 to vector<16xi32>
        %shift_left3A_507 = arith.shli %get3A_504, %shift_left3A_506 : vector<16xi32>
        %bitcast3A_508 = vector.bitcast %shift_left3A_507 : vector<16xi32> to vector<16xf32>
        %and3A_509 = arith.constant -65536 : i32
        %and3A_510 = vector.broadcast %and3A_509 : i32 to vector<16xi32>
        %and3A_511 = arith.andi %get3A_504, %and3A_510 : vector<16xi32>
        %bitcast3A_512 = vector.bitcast %and3A_511 : vector<16xi32> to vector<16xf32>
        %get3A_513 = arith.constant 2 : i32
        %get3A_514 = arith.index_cast %get3A_513 : i32 to index
        %get3A_515 = arith.index_cast %scan3A_390 : i32 to index
        %get3A_516 = arith.constant 96 : index
        %get3A_517 = tpu.vector_load %arg10[%get3A_514, %get3A_515, %get3A_516] {strides = array<i32>} : memref<5x16x128xf32, #tpu.memory_space<vmem>>, vector<16xf32>,
        %add3A_518 = arith.addf %get3A_517, %bitcast3A_508 : vector<16xf32>
        %max3A_519 = arith.constant 0.000000e+00 : f32
        %max3A_520 = vector.broadcast %max3A_519 : f32 to vector<16xf32>
        %max3A_521 = arith.maximumf %add3A_518, %max3A_520 : vector<16xf32>
        %swap3A_522 = arith.constant 2 : i32
        %swap3A_523 = arith.index_cast %swap3A_522 : i32 to index
        %swap3A_524 = arith.index_cast %scan3A_390 : i32 to index
        %swap3A_525 = arith.constant 96 : index
        %swap3A_526 = tpu.vector_load %arg10[%swap3A_523, %swap3A_524, %swap3A_525] {strides = array<i32>} : memref<5x16x128xf32, #tpu.memory_space<vmem>>, vector<16xf32>,
        tpu.vector_store %arg10[%swap3A_523, %swap3A_524, %swap3A_525], %max3A_521 {strides = array<i32>} : memref<5x16x128xf32, #tpu.memory_space<vmem>>, vector<16xf32>,
        %get3A_527 = arith.constant 2 : i32
        %get3A_528 = arith.index_cast %get3A_527 : i32 to index
        %get3A_529 = arith.index_cast %scan3A_390 : i32 to index
        %get3A_530 = arith.constant 112 : index
        %get3A_531 = tpu.vector_load %arg10[%get3A_528, %get3A_529, %get3A_530] {strides = array<i32>} : memref<5x16x128xf32, #tpu.memory_space<vmem>>, vector<16xf32>,
        %add3A_532 = arith.addf %get3A_531, %bitcast3A_512 : vector<16xf32>
        %max3A_533 = arith.constant 0.000000e+00 : f32
        %max3A_534 = vector.broadcast %max3A_533 : f32 to vector<16xf32>
        %max3A_535 = arith.maximumf %add3A_532, %max3A_534 : vector<16xf32>
        %swap3A_536 = arith.constant 2 : i32
        %swap3A_537 = arith.index_cast %swap3A_536 : i32 to index
        %swap3A_538 = arith.index_cast %scan3A_390 : i32 to index
        %swap3A_539 = arith.constant 112 : index
        %swap3A_540 = tpu.vector_load %arg10[%swap3A_537, %swap3A_538, %swap3A_539] {strides = array<i32>} : memref<5x16x128xf32, #tpu.memory_space<vmem>>, vector<16xf32>,
        tpu.vector_store %arg10[%swap3A_537, %swap3A_538, %swap3A_539], %max3A_535 {strides = array<i32>} : memref<5x16x128xf32, #tpu.memory_space<vmem>>, vector<16xf32>,
      }
      %scan3A_253 = arith.constant 16 : i32
      %mul3A_254 = arith.constant 16 : i32
      %mul3A_255 = arith.muli %add3A_231, %mul3A_254 : i32
      %multiple_of3A_256 = tpu.assume_multiple %mul3A_255, 8 : i32
      %dma_start3A_257 = arith.constant 2 : i32
      %dma_start3A_258 = arith.constant 0 : i32
      %dma_start3A_259 = arith.constant 0 : i32
      %dma_start3A_260 = tpu.memref_slice %arg10[%dma_start3A_257, %dma_start3A_258, %dma_start3A_259] : memref<5x16x128xf32, #tpu.memory_space<vmem>> -> memref<1x16x128xf32, #tpu.memory_space<vmem>>
      %dma_start3A_261 = tpu.memref_squeeze %dma_start3A_260 : memref<1x16x128xf32, #tpu.memory_space<vmem>> -> memref<16x128xf32, #tpu.memory_space<vmem>>
      %dma_start3A_262 = tpu.memref_slice %arg9[%multiple_of3A_256] : memref<10000xi32, #tpu.memory_space<vmem>> -> memref<16xi32, #tpu.memory_space<vmem>>
      %dma_start3A_263 = arith.constant 0 : i32
      %dma_start3A_264 = arith.constant 0 : i32
      %dma_start3A_265 = tpu.memref_slice %arg16[%dma_start3A_263, %dma_start3A_264] : memref<10000x128xf32, #tpu.memory_space<vmem_shared>> -> memref<10000x128xf32, #tpu.memory_space<vmem_shared>>
      tpu.enqueue_indirect_dma source(%dma_start3A_261 : memref<16x128xf32, #tpu.memory_space<vmem>>) target(%dma_start3A_265 : memref<10000x128xf32, #tpu.memory_space<vmem_shared>>) offsets(%dma_start3A_262 : memref<16xi32, #tpu.memory_space<vmem>>) semaphore(%arg29 : memref<!tpu.dma_semaphore, #tpu.memory_space<semaphore_mem>>) {add = true}
      %multiple_of3A_266 = arith.constant 0 : i32
      %multiple_of3A_267 = tpu.assume_multiple %multiple_of3A_266, 8 : i32
      %dma_wait3A_268 = arith.constant 1 : i32
      %dma_wait3A_269 = arith.constant 0 : i32
      %dma_wait3A_270 = arith.constant 0 : i32
      %dma_wait3A_271 = tpu.memref_slice %arg10[%dma_wait3A_268, %dma_wait3A_269, %dma_wait3A_270] : memref<5x16x128xf32, #tpu.memory_space<vmem>> -> memref<1x16x128xf32, #tpu.memory_space<vmem>>
      %dma_wait3A_272 = tpu.memref_squeeze %dma_wait3A_271 : memref<1x16x128xf32, #tpu.memory_space<vmem>> -> memref<16x128xf32, #tpu.memory_space<vmem>>
      %dma_wait3A_273 = tpu.memref_slice %arg9[%multiple_of3A_267] : memref<10000xi32, #tpu.memory_space<vmem>> -> memref<16xi32, #tpu.memory_space<vmem>>
      %dma_wait3A_274 = arith.constant 0 : i32
      %dma_wait3A_275 = arith.constant 0 : i32
      %dma_wait3A_276 = tpu.memref_slice %arg16[%dma_wait3A_274, %dma_wait3A_275] : memref<10000x128xf32, #tpu.memory_space<vmem_shared>> -> memref<10000x128xf32, #tpu.memory_space<vmem_shared>>
      tpu.wait_indirect_dma semaphore(%arg28 : memref<!tpu.dma_semaphore, #tpu.memory_space<semaphore_mem>>) src(%dma_wait3A_272 : memref<16x128xf32, #tpu.memory_space<vmem>>) dst(%dma_wait3A_276 : memref<10000x128xf32, #tpu.memory_space<vmem_shared>>)
      %lt3A_277 = arith.constant 124 : i32
      %lt3A_278 = arith.cmpi slt, %scan3A_108, %lt3A_277 : i32
      %convert_element_type3A_279 = arith.extui %lt3A_278 : i1 to i32
      %cond3A_280 = arith.constant 0 : i32
      %cond3A_281 = arith.cmpi ne, %convert_element_type3A_279, %cond3A_280 : i32
      scf.if %cond3A_281 {
        %add3A_390 = arith.constant 4 : i32
        %add3A_391 = arith.addi %add3A_231, %add3A_390 : i32
        %mul3A_392 = arith.constant 16 : i32
        %mul3A_393 = arith.muli %add3A_391, %mul3A_392 : i32
        %multiple_of3A_394 = tpu.assume_multiple %mul3A_393, 8 : i32
        %dma_start3A_395 = arith.constant 1 : i32
        %dma_start3A_396 = arith.constant 0 : i32
        %dma_start3A_397 = arith.constant 0 : i32
        %dma_start3A_398 = tpu.memref_slice %arg10[%dma_start3A_395, %dma_start3A_396, %dma_start3A_397] : memref<5x16x128xf32, #tpu.memory_space<vmem>> -> memref<1x16x128xf32, #tpu.memory_space<vmem>>
        %dma_start3A_399 = tpu.memref_squeeze %dma_start3A_398 : memref<1x16x128xf32, #tpu.memory_space<vmem>> -> memref<16x128xf32, #tpu.memory_space<vmem>>
        %dma_start3A_400 = tpu.memref_slice %arg8[%multiple_of3A_394] : memref<10000xi32, #tpu.memory_space<vmem>> -> memref<16xi32, #tpu.memory_space<vmem>>
        %dma_start3A_401 = arith.constant 0 : i32
        %dma_start3A_402 = arith.constant 0 : i32
        %dma_start3A_403 = tpu.memref_slice %arg2[%dma_start3A_401, %dma_start3A_402] : memref<10000x128xf32, #tpu.memory_space<hbm>> -> memref<10000x128xf32, #tpu.memory_space<hbm>>
        tpu.enqueue_indirect_dma source(%dma_start3A_403 : memref<10000x128xf32, #tpu.memory_space<hbm>>) target(%dma_start3A_399 : memref<16x128xf32, #tpu.memory_space<vmem>>) offsets(%dma_start3A_400 : memref<16xi32, #tpu.memory_space<vmem>>) semaphore(%arg18 : memref<!tpu.dma_semaphore, #tpu.memory_space<semaphore_mem>>)
        %mul3A_404 = arith.constant 10000 : i32
        %mul3A_405 = arith.muli %add3A, %mul3A_404 : i32
        %mul3A_406 = arith.constant 16 : i32
        %mul3A_407 = arith.muli %add3A_391, %mul3A_406 : i32
        %add3A_408 = arith.addi %mul3A_405, %mul3A_407 : i32
        %multiple_of3A_409 = tpu.assume_multiple %add3A_408, 8 : i32
        %dma_start3A_410 = arith.constant 0 : i32
        %dma_start3A_411 = tpu.memref_slice %arg3[%multiple_of3A_409, %dma_start3A_410] : memref<320000x64xi32, #tpu.memory_space<hbm>> -> memref<16x64xi32, #tpu.memory_space<hbm>>
        %dma_start3A_412 = arith.constant 0 : i32
        %dma_start3A_413 = tpu.memref_slice %arg3[%multiple_of3A_409, %dma_start3A_412] : memref<320000x64xi32, #tpu.memory_space<hbm>> -> memref<16x64xi32, #tpu.memory_space<hbm>>
        tpu.enqueue_dma source(%dma_start3A_413 : memref<16x64xi32, #tpu.memory_space<hbm>>) target(%arg12 : memref<16x64xi32, #tpu.memory_space<vmem>>) target_semaphore(%arg23 : memref<!tpu.dma_semaphore, #tpu.memory_space<semaphore_mem>>)
      } else {
      }
      %mul3A_282 = arith.constant 5 : i32
      %mul3A_283 = arith.muli %scan3A_108, %mul3A_282 : i32
      %add3A_284 = arith.constant 3 : i32
      %add3A_285 = arith.addi %mul3A_283, %add3A_284 : i32
      %dma_wait3A_286 = arith.constant 3 : i32
      %dma_wait3A_287 = arith.constant 0 : i32
      %dma_wait3A_288 = arith.constant 0 : i32
      %dma_wait3A_289 = tpu.memref_slice %arg10[%dma_wait3A_286, %dma_wait3A_287, %dma_wait3A_288] : memref<5x16x128xf32, #tpu.memory_space<vmem>> -> memref<1x16x128xf32, #tpu.memory_space<vmem>>
      %dma_wait3A_290 = tpu.memref_squeeze %dma_wait3A_289 : memref<1x16x128xf32, #tpu.memory_space<vmem>> -> memref<16x128xf32, #tpu.memory_space<vmem>>
      %dma_wait3A_291 = arith.constant 0 : i32
      %dma_wait3A_292 = tpu.memref_slice %arg8[%dma_wait3A_291] : memref<10000xi32, #tpu.memory_space<vmem>> -> memref<16xi32, #tpu.memory_space<vmem>>
      %dma_wait3A_293 = arith.constant 0 : i32
      %dma_wait3A_294 = arith.constant 0 : i32
      %dma_wait3A_295 = tpu.memref_slice %arg2[%dma_wait3A_293, %dma_wait3A_294] : memref<10000x128xf32, #tpu.memory_space<hbm>> -> memref<10000x128xf32, #tpu.memory_space<hbm>>
      tpu.wait_indirect_dma semaphore(%arg20 : memref<!tpu.dma_semaphore, #tpu.memory_space<semaphore_mem>>) src(%dma_wait3A_295 : memref<10000x128xf32, #tpu.memory_space<hbm>>) dst(%dma_wait3A_290 : memref<16x128xf32, #tpu.memory_space<vmem>>)
      %dma_wait3A_296 = arith.constant 0 : i32
      %dma_wait3A_297 = arith.constant 0 : i32
      %dma_wait3A_298 = tpu.memref_slice %arg3[%dma_wait3A_296, %dma_wait3A_297] : memref<320000x64xi32, #tpu.memory_space<hbm>> -> memref<16x64xi32, #tpu.memory_space<hbm>>
      %dma_wait3A_299 = arith.constant 0 : i32
      %dma_wait3A_300 = arith.constant 0 : i32
      %dma_wait3A_301 = tpu.memref_slice %arg3[%dma_wait3A_299, %dma_wait3A_300] : memref<320000x64xi32, #tpu.memory_space<hbm>> -> memref<16x64xi32, #tpu.memory_space<hbm>>
      tpu.wait_dma2 semaphore(%arg25 : memref<!tpu.dma_semaphore, #tpu.memory_space<semaphore_mem>>) src(%dma_wait3A_301 : memref<16x64xi32, #tpu.memory_space<hbm>>) dst(%arg14 : memref<16x64xi32, #tpu.memory_space<vmem>>)
      %scan3A_302 = arith.constant 0 : i32
      %scan3A_303 = arith.constant 0 : i32
      %scan3A_304 = arith.constant 16 : i32
      %scan3A_305 = arith.addi %scan3A_303, %scan3A_304 : i32
      %scan3A_306 = arith.constant 1 : i32
      scf.for %scan3A_390 = %scan3A_303 to %scan3A_305 step %scan3A_306  : i32 {
        %get3A = arith.index_cast %scan3A_390 : i32 to index
        %get3A_391 = arith.constant 0 : index
        %get3A_392 = tpu.vector_load %arg14[%get3A, %get3A_391] {strides = array<i32>} : memref<16x64xi32, #tpu.memory_space<vmem>>, vector<16xi32>,
        %shift_left3A = arith.constant 16 : i32
        %shift_left3A_393 = vector.broadcast %shift_left3A : i32 to vector<16xi32>
        %shift_left3A_394 = arith.shli %get3A_392, %shift_left3A_393 : vector<16xi32>
        %bitcast3A = vector.bitcast %shift_left3A_394 : vector<16xi32> to vector<16xf32>
        %and3A = arith.constant -65536 : i32
        %and3A_395 = vector.broadcast %and3A : i32 to vector<16xi32>
        %and3A_396 = arith.andi %get3A_392, %and3A_395 : vector<16xi32>
        %bitcast3A_397 = vector.bitcast %and3A_396 : vector<16xi32> to vector<16xf32>
        %get3A_398 = arith.constant 3 : i32
        %get3A_399 = arith.index_cast %get3A_398 : i32 to index
        %get3A_400 = arith.index_cast %scan3A_390 : i32 to index
        %get3A_401 = arith.constant 0 : index
        %get3A_402 = tpu.vector_load %arg10[%get3A_399, %get3A_400, %get3A_401] {strides = array<i32>} : memref<5x16x128xf32, #tpu.memory_space<vmem>>, vector<16xf32>,
        %add3A_403 = arith.addf %get3A_402, %bitcast3A : vector<16xf32>
        %max3A = arith.constant 0.000000e+00 : f32
        %max3A_404 = vector.broadcast %max3A : f32 to vector<16xf32>
        %max3A_405 = arith.maximumf %add3A_403, %max3A_404 : vector<16xf32>
        %swap3A = arith.constant 3 : i32
        %swap3A_406 = arith.index_cast %swap3A : i32 to index
        %swap3A_407 = arith.index_cast %scan3A_390 : i32 to index
        %swap3A_408 = arith.constant 0 : index
        %swap3A_409 = tpu.vector_load %arg10[%swap3A_406, %swap3A_407, %swap3A_408] {strides = array<i32>} : memref<5x16x128xf32, #tpu.memory_space<vmem>>, vector<16xf32>,
        tpu.vector_store %arg10[%swap3A_406, %swap3A_407, %swap3A_408], %max3A_405 {strides = array<i32>} : memref<5x16x128xf32, #tpu.memory_space<vmem>>, vector<16xf32>,
        %get3A_410 = arith.constant 3 : i32
        %get3A_411 = arith.index_cast %get3A_410 : i32 to index
        %get3A_412 = arith.index_cast %scan3A_390 : i32 to index
        %get3A_413 = arith.constant 16 : index
        %get3A_414 = tpu.vector_load %arg10[%get3A_411, %get3A_412, %get3A_413] {strides = array<i32>} : memref<5x16x128xf32, #tpu.memory_space<vmem>>, vector<16xf32>,
        %add3A_415 = arith.addf %get3A_414, %bitcast3A_397 : vector<16xf32>
        %max3A_416 = arith.constant 0.000000e+00 : f32
        %max3A_417 = vector.broadcast %max3A_416 : f32 to vector<16xf32>
        %max3A_418 = arith.maximumf %add3A_415, %max3A_417 : vector<16xf32>
        %swap3A_419 = arith.constant 3 : i32
        %swap3A_420 = arith.index_cast %swap3A_419 : i32 to index
        %swap3A_421 = arith.index_cast %scan3A_390 : i32 to index
        %swap3A_422 = arith.constant 16 : index
        %swap3A_423 = tpu.vector_load %arg10[%swap3A_420, %swap3A_421, %swap3A_422] {strides = array<i32>} : memref<5x16x128xf32, #tpu.memory_space<vmem>>, vector<16xf32>,
        tpu.vector_store %arg10[%swap3A_420, %swap3A_421, %swap3A_422], %max3A_418 {strides = array<i32>} : memref<5x16x128xf32, #tpu.memory_space<vmem>>, vector<16xf32>,
        %get3A_424 = arith.index_cast %scan3A_390 : i32 to index
        %get3A_425 = arith.constant 16 : index
        %get3A_426 = tpu.vector_load %arg14[%get3A_424, %get3A_425] {strides = array<i32>} : memref<16x64xi32, #tpu.memory_space<vmem>>, vector<16xi32>,
        %shift_left3A_427 = arith.constant 16 : i32
        %shift_left3A_428 = vector.broadcast %shift_left3A_427 : i32 to vector<16xi32>
        %shift_left3A_429 = arith.shli %get3A_426, %shift_left3A_428 : vector<16xi32>
        %bitcast3A_430 = vector.bitcast %shift_left3A_429 : vector<16xi32> to vector<16xf32>
        %and3A_431 = arith.constant -65536 : i32
        %and3A_432 = vector.broadcast %and3A_431 : i32 to vector<16xi32>
        %and3A_433 = arith.andi %get3A_426, %and3A_432 : vector<16xi32>
        %bitcast3A_434 = vector.bitcast %and3A_433 : vector<16xi32> to vector<16xf32>
        %get3A_435 = arith.constant 3 : i32
        %get3A_436 = arith.index_cast %get3A_435 : i32 to index
        %get3A_437 = arith.index_cast %scan3A_390 : i32 to index
        %get3A_438 = arith.constant 32 : index
        %get3A_439 = tpu.vector_load %arg10[%get3A_436, %get3A_437, %get3A_438] {strides = array<i32>} : memref<5x16x128xf32, #tpu.memory_space<vmem>>, vector<16xf32>,
        %add3A_440 = arith.addf %get3A_439, %bitcast3A_430 : vector<16xf32>
        %max3A_441 = arith.constant 0.000000e+00 : f32
        %max3A_442 = vector.broadcast %max3A_441 : f32 to vector<16xf32>
        %max3A_443 = arith.maximumf %add3A_440, %max3A_442 : vector<16xf32>
        %swap3A_444 = arith.constant 3 : i32
        %swap3A_445 = arith.index_cast %swap3A_444 : i32 to index
        %swap3A_446 = arith.index_cast %scan3A_390 : i32 to index
        %swap3A_447 = arith.constant 32 : index
        %swap3A_448 = tpu.vector_load %arg10[%swap3A_445, %swap3A_446, %swap3A_447] {strides = array<i32>} : memref<5x16x128xf32, #tpu.memory_space<vmem>>, vector<16xf32>,
        tpu.vector_store %arg10[%swap3A_445, %swap3A_446, %swap3A_447], %max3A_443 {strides = array<i32>} : memref<5x16x128xf32, #tpu.memory_space<vmem>>, vector<16xf32>,
        %get3A_449 = arith.constant 3 : i32
        %get3A_450 = arith.index_cast %get3A_449 : i32 to index
        %get3A_451 = arith.index_cast %scan3A_390 : i32 to index
        %get3A_452 = arith.constant 48 : index
        %get3A_453 = tpu.vector_load %arg10[%get3A_450, %get3A_451, %get3A_452] {strides = array<i32>} : memref<5x16x128xf32, #tpu.memory_space<vmem>>, vector<16xf32>,
        %add3A_454 = arith.addf %get3A_453, %bitcast3A_434 : vector<16xf32>
        %max3A_455 = arith.constant 0.000000e+00 : f32
        %max3A_456 = vector.broadcast %max3A_455 : f32 to vector<16xf32>
        %max3A_457 = arith.maximumf %add3A_454, %max3A_456 : vector<16xf32>
        %swap3A_458 = arith.constant 3 : i32
        %swap3A_459 = arith.index_cast %swap3A_458 : i32 to index
        %swap3A_460 = arith.index_cast %scan3A_390 : i32 to index
        %swap3A_461 = arith.constant 48 : index
        %swap3A_462 = tpu.vector_load %arg10[%swap3A_459, %swap3A_460, %swap3A_461] {strides = array<i32>} : memref<5x16x128xf32, #tpu.memory_space<vmem>>, vector<16xf32>,
        tpu.vector_store %arg10[%swap3A_459, %swap3A_460, %swap3A_461], %max3A_457 {strides = array<i32>} : memref<5x16x128xf32, #tpu.memory_space<vmem>>, vector<16xf32>,
        %get3A_463 = arith.index_cast %scan3A_390 : i32 to index
        %get3A_464 = arith.constant 32 : index
        %get3A_465 = tpu.vector_load %arg14[%get3A_463, %get3A_464] {strides = array<i32>} : memref<16x64xi32, #tpu.memory_space<vmem>>, vector<16xi32>,
        %shift_left3A_466 = arith.constant 16 : i32
        %shift_left3A_467 = vector.broadcast %shift_left3A_466 : i32 to vector<16xi32>
        %shift_left3A_468 = arith.shli %get3A_465, %shift_left3A_467 : vector<16xi32>
        %bitcast3A_469 = vector.bitcast %shift_left3A_468 : vector<16xi32> to vector<16xf32>
        %and3A_470 = arith.constant -65536 : i32
        %and3A_471 = vector.broadcast %and3A_470 : i32 to vector<16xi32>
        %and3A_472 = arith.andi %get3A_465, %and3A_471 : vector<16xi32>
        %bitcast3A_473 = vector.bitcast %and3A_472 : vector<16xi32> to vector<16xf32>
        %get3A_474 = arith.constant 3 : i32
        %get3A_475 = arith.index_cast %get3A_474 : i32 to index
        %get3A_476 = arith.index_cast %scan3A_390 : i32 to index
        %get3A_477 = arith.constant 64 : index
        %get3A_478 = tpu.vector_load %arg10[%get3A_475, %get3A_476, %get3A_477] {strides = array<i32>} : memref<5x16x128xf32, #tpu.memory_space<vmem>>, vector<16xf32>,
        %add3A_479 = arith.addf %get3A_478, %bitcast3A_469 : vector<16xf32>
        %max3A_480 = arith.constant 0.000000e+00 : f32
        %max3A_481 = vector.broadcast %max3A_480 : f32 to vector<16xf32>
        %max3A_482 = arith.maximumf %add3A_479, %max3A_481 : vector<16xf32>
        %swap3A_483 = arith.constant 3 : i32
        %swap3A_484 = arith.index_cast %swap3A_483 : i32 to index
        %swap3A_485 = arith.index_cast %scan3A_390 : i32 to index
        %swap3A_486 = arith.constant 64 : index
        %swap3A_487 = tpu.vector_load %arg10[%swap3A_484, %swap3A_485, %swap3A_486] {strides = array<i32>} : memref<5x16x128xf32, #tpu.memory_space<vmem>>, vector<16xf32>,
        tpu.vector_store %arg10[%swap3A_484, %swap3A_485, %swap3A_486], %max3A_482 {strides = array<i32>} : memref<5x16x128xf32, #tpu.memory_space<vmem>>, vector<16xf32>,
        %get3A_488 = arith.constant 3 : i32
        %get3A_489 = arith.index_cast %get3A_488 : i32 to index
        %get3A_490 = arith.index_cast %scan3A_390 : i32 to index
        %get3A_491 = arith.constant 80 : index
        %get3A_492 = tpu.vector_load %arg10[%get3A_489, %get3A_490, %get3A_491] {strides = array<i32>} : memref<5x16x128xf32, #tpu.memory_space<vmem>>, vector<16xf32>,
        %add3A_493 = arith.addf %get3A_492, %bitcast3A_473 : vector<16xf32>
        %max3A_494 = arith.constant 0.000000e+00 : f32
        %max3A_495 = vector.broadcast %max3A_494 : f32 to vector<16xf32>
        %max3A_496 = arith.maximumf %add3A_493, %max3A_495 : vector<16xf32>
        %swap3A_497 = arith.constant 3 : i32
        %swap3A_498 = arith.index_cast %swap3A_497 : i32 to index
        %swap3A_499 = arith.index_cast %scan3A_390 : i32 to index
        %swap3A_500 = arith.constant 80 : index
        %swap3A_501 = tpu.vector_load %arg10[%swap3A_498, %swap3A_499, %swap3A_500] {strides = array<i32>} : memref<5x16x128xf32, #tpu.memory_space<vmem>>, vector<16xf32>,
        tpu.vector_store %arg10[%swap3A_498, %swap3A_499, %swap3A_500], %max3A_496 {strides = array<i32>} : memref<5x16x128xf32, #tpu.memory_space<vmem>>, vector<16xf32>,
        %get3A_502 = arith.index_cast %scan3A_390 : i32 to index
        %get3A_503 = arith.constant 48 : index
        %get3A_504 = tpu.vector_load %arg14[%get3A_502, %get3A_503] {strides = array<i32>} : memref<16x64xi32, #tpu.memory_space<vmem>>, vector<16xi32>,
        %shift_left3A_505 = arith.constant 16 : i32
        %shift_left3A_506 = vector.broadcast %shift_left3A_505 : i32 to vector<16xi32>
        %shift_left3A_507 = arith.shli %get3A_504, %shift_left3A_506 : vector<16xi32>
        %bitcast3A_508 = vector.bitcast %shift_left3A_507 : vector<16xi32> to vector<16xf32>
        %and3A_509 = arith.constant -65536 : i32
        %and3A_510 = vector.broadcast %and3A_509 : i32 to vector<16xi32>
        %and3A_511 = arith.andi %get3A_504, %and3A_510 : vector<16xi32>
        %bitcast3A_512 = vector.bitcast %and3A_511 : vector<16xi32> to vector<16xf32>
        %get3A_513 = arith.constant 3 : i32
        %get3A_514 = arith.index_cast %get3A_513 : i32 to index
        %get3A_515 = arith.index_cast %scan3A_390 : i32 to index
        %get3A_516 = arith.constant 96 : index
        %get3A_517 = tpu.vector_load %arg10[%get3A_514, %get3A_515, %get3A_516] {strides = array<i32>} : memref<5x16x128xf32, #tpu.memory_space<vmem>>, vector<16xf32>,
        %add3A_518 = arith.addf %get3A_517, %bitcast3A_508 : vector<16xf32>
        %max3A_519 = arith.constant 0.000000e+00 : f32
        %max3A_520 = vector.broadcast %max3A_519 : f32 to vector<16xf32>
        %max3A_521 = arith.maximumf %add3A_518, %max3A_520 : vector<16xf32>
        %swap3A_522 = arith.constant 3 : i32
        %swap3A_523 = arith.index_cast %swap3A_522 : i32 to index
        %swap3A_524 = arith.index_cast %scan3A_390 : i32 to index
        %swap3A_525 = arith.constant 96 : index
        %swap3A_526 = tpu.vector_load %arg10[%swap3A_523, %swap3A_524, %swap3A_525] {strides = array<i32>} : memref<5x16x128xf32, #tpu.memory_space<vmem>>, vector<16xf32>,
        tpu.vector_store %arg10[%swap3A_523, %swap3A_524, %swap3A_525], %max3A_521 {strides = array<i32>} : memref<5x16x128xf32, #tpu.memory_space<vmem>>, vector<16xf32>,
        %get3A_527 = arith.constant 3 : i32
        %get3A_528 = arith.index_cast %get3A_527 : i32 to index
        %get3A_529 = arith.index_cast %scan3A_390 : i32 to index
        %get3A_530 = arith.constant 112 : index
        %get3A_531 = tpu.vector_load %arg10[%get3A_528, %get3A_529, %get3A_530] {strides = array<i32>} : memref<5x16x128xf32, #tpu.memory_space<vmem>>, vector<16xf32>,
        %add3A_532 = arith.addf %get3A_531, %bitcast3A_512 : vector<16xf32>
        %max3A_533 = arith.constant 0.000000e+00 : f32
        %max3A_534 = vector.broadcast %max3A_533 : f32 to vector<16xf32>
        %max3A_535 = arith.maximumf %add3A_532, %max3A_534 : vector<16xf32>
        %swap3A_536 = arith.constant 3 : i32
        %swap3A_537 = arith.index_cast %swap3A_536 : i32 to index
        %swap3A_538 = arith.index_cast %scan3A_390 : i32 to index
        %swap3A_539 = arith.constant 112 : index
        %swap3A_540 = tpu.vector_load %arg10[%swap3A_537, %swap3A_538, %swap3A_539] {strides = array<i32>} : memref<5x16x128xf32, #tpu.memory_space<vmem>>, vector<16xf32>,
        tpu.vector_store %arg10[%swap3A_537, %swap3A_538, %swap3A_539], %max3A_535 {strides = array<i32>} : memref<5x16x128xf32, #tpu.memory_space<vmem>>, vector<16xf32>,
      }
      %scan3A_307 = arith.constant 16 : i32
      %mul3A_308 = arith.constant 16 : i32
      %mul3A_309 = arith.muli %add3A_285, %mul3A_308 : i32
      %multiple_of3A_310 = tpu.assume_multiple %mul3A_309, 8 : i32
      %dma_start3A_311 = arith.constant 3 : i32
      %dma_start3A_312 = arith.constant 0 : i32
      %dma_start3A_313 = arith.constant 0 : i32
      %dma_start3A_314 = tpu.memref_slice %arg10[%dma_start3A_311, %dma_start3A_312, %dma_start3A_313] : memref<5x16x128xf32, #tpu.memory_space<vmem>> -> memref<1x16x128xf32, #tpu.memory_space<vmem>>
      %dma_start3A_315 = tpu.memref_squeeze %dma_start3A_314 : memref<1x16x128xf32, #tpu.memory_space<vmem>> -> memref<16x128xf32, #tpu.memory_space<vmem>>
      %dma_start3A_316 = tpu.memref_slice %arg9[%multiple_of3A_310] : memref<10000xi32, #tpu.memory_space<vmem>> -> memref<16xi32, #tpu.memory_space<vmem>>
      %dma_start3A_317 = arith.constant 0 : i32
      %dma_start3A_318 = arith.constant 0 : i32
      %dma_start3A_319 = tpu.memref_slice %arg16[%dma_start3A_317, %dma_start3A_318] : memref<10000x128xf32, #tpu.memory_space<vmem_shared>> -> memref<10000x128xf32, #tpu.memory_space<vmem_shared>>
      tpu.enqueue_indirect_dma source(%dma_start3A_315 : memref<16x128xf32, #tpu.memory_space<vmem>>) target(%dma_start3A_319 : memref<10000x128xf32, #tpu.memory_space<vmem_shared>>) offsets(%dma_start3A_316 : memref<16xi32, #tpu.memory_space<vmem>>) semaphore(%arg30 : memref<!tpu.dma_semaphore, #tpu.memory_space<semaphore_mem>>) {add = true}
      %multiple_of3A_320 = arith.constant 0 : i32
      %multiple_of3A_321 = tpu.assume_multiple %multiple_of3A_320, 8 : i32
      %dma_wait3A_322 = arith.constant 2 : i32
      %dma_wait3A_323 = arith.constant 0 : i32
      %dma_wait3A_324 = arith.constant 0 : i32
      %dma_wait3A_325 = tpu.memref_slice %arg10[%dma_wait3A_322, %dma_wait3A_323, %dma_wait3A_324] : memref<5x16x128xf32, #tpu.memory_space<vmem>> -> memref<1x16x128xf32, #tpu.memory_space<vmem>>
      %dma_wait3A_326 = tpu.memref_squeeze %dma_wait3A_325 : memref<1x16x128xf32, #tpu.memory_space<vmem>> -> memref<16x128xf32, #tpu.memory_space<vmem>>
      %dma_wait3A_327 = tpu.memref_slice %arg9[%multiple_of3A_321] : memref<10000xi32, #tpu.memory_space<vmem>> -> memref<16xi32, #tpu.memory_space<vmem>>
      %dma_wait3A_328 = arith.constant 0 : i32
      %dma_wait3A_329 = arith.constant 0 : i32
      %dma_wait3A_330 = tpu.memref_slice %arg16[%dma_wait3A_328, %dma_wait3A_329] : memref<10000x128xf32, #tpu.memory_space<vmem_shared>> -> memref<10000x128xf32, #tpu.memory_space<vmem_shared>>
      tpu.wait_indirect_dma semaphore(%arg29 : memref<!tpu.dma_semaphore, #tpu.memory_space<semaphore_mem>>) src(%dma_wait3A_326 : memref<16x128xf32, #tpu.memory_space<vmem>>) dst(%dma_wait3A_330 : memref<10000x128xf32, #tpu.memory_space<vmem_shared>>)
      %lt3A_331 = arith.constant 124 : i32
      %lt3A_332 = arith.cmpi slt, %scan3A_108, %lt3A_331 : i32
      %convert_element_type3A_333 = arith.extui %lt3A_332 : i1 to i32
      %cond3A_334 = arith.constant 0 : i32
      %cond3A_335 = arith.cmpi ne, %convert_element_type3A_333, %cond3A_334 : i32
      scf.if %cond3A_335 {
        %add3A_390 = arith.constant 4 : i32
        %add3A_391 = arith.addi %add3A_285, %add3A_390 : i32
        %mul3A_392 = arith.constant 16 : i32
        %mul3A_393 = arith.muli %add3A_391, %mul3A_392 : i32
        %multiple_of3A_394 = tpu.assume_multiple %mul3A_393, 8 : i32
        %dma_start3A_395 = arith.constant 2 : i32
        %dma_start3A_396 = arith.constant 0 : i32
        %dma_start3A_397 = arith.constant 0 : i32
        %dma_start3A_398 = tpu.memref_slice %arg10[%dma_start3A_395, %dma_start3A_396, %dma_start3A_397] : memref<5x16x128xf32, #tpu.memory_space<vmem>> -> memref<1x16x128xf32, #tpu.memory_space<vmem>>
        %dma_start3A_399 = tpu.memref_squeeze %dma_start3A_398 : memref<1x16x128xf32, #tpu.memory_space<vmem>> -> memref<16x128xf32, #tpu.memory_space<vmem>>
        %dma_start3A_400 = tpu.memref_slice %arg8[%multiple_of3A_394] : memref<10000xi32, #tpu.memory_space<vmem>> -> memref<16xi32, #tpu.memory_space<vmem>>
        %dma_start3A_401 = arith.constant 0 : i32
        %dma_start3A_402 = arith.constant 0 : i32
        %dma_start3A_403 = tpu.memref_slice %arg2[%dma_start3A_401, %dma_start3A_402] : memref<10000x128xf32, #tpu.memory_space<hbm>> -> memref<10000x128xf32, #tpu.memory_space<hbm>>
        tpu.enqueue_indirect_dma source(%dma_start3A_403 : memref<10000x128xf32, #tpu.memory_space<hbm>>) target(%dma_start3A_399 : memref<16x128xf32, #tpu.memory_space<vmem>>) offsets(%dma_start3A_400 : memref<16xi32, #tpu.memory_space<vmem>>) semaphore(%arg19 : memref<!tpu.dma_semaphore, #tpu.memory_space<semaphore_mem>>)
        %mul3A_404 = arith.constant 10000 : i32
        %mul3A_405 = arith.muli %add3A, %mul3A_404 : i32
        %mul3A_406 = arith.constant 16 : i32
        %mul3A_407 = arith.muli %add3A_391, %mul3A_406 : i32
        %add3A_408 = arith.addi %mul3A_405, %mul3A_407 : i32
        %multiple_of3A_409 = tpu.assume_multiple %add3A_408, 8 : i32
        %dma_start3A_410 = arith.constant 0 : i32
        %dma_start3A_411 = tpu.memref_slice %arg3[%multiple_of3A_409, %dma_start3A_410] : memref<320000x64xi32, #tpu.memory_space<hbm>> -> memref<16x64xi32, #tpu.memory_space<hbm>>
        %dma_start3A_412 = arith.constant 0 : i32
        %dma_start3A_413 = tpu.memref_slice %arg3[%multiple_of3A_409, %dma_start3A_412] : memref<320000x64xi32, #tpu.memory_space<hbm>> -> memref<16x64xi32, #tpu.memory_space<hbm>>
        tpu.enqueue_dma source(%dma_start3A_413 : memref<16x64xi32, #tpu.memory_space<hbm>>) target(%arg13 : memref<16x64xi32, #tpu.memory_space<vmem>>) target_semaphore(%arg24 : memref<!tpu.dma_semaphore, #tpu.memory_space<semaphore_mem>>)
      } else {
      }
      %mul3A_336 = arith.constant 5 : i32
      %mul3A_337 = arith.muli %scan3A_108, %mul3A_336 : i32
      %add3A_338 = arith.constant 4 : i32
      %add3A_339 = arith.addi %mul3A_337, %add3A_338 : i32
      %dma_wait3A_340 = arith.constant 4 : i32
      %dma_wait3A_341 = arith.constant 0 : i32
      %dma_wait3A_342 = arith.constant 0 : i32
      %dma_wait3A_343 = tpu.memref_slice %arg10[%dma_wait3A_340, %dma_wait3A_341, %dma_wait3A_342] : memref<5x16x128xf32, #tpu.memory_space<vmem>> -> memref<1x16x128xf32, #tpu.memory_space<vmem>>
      %dma_wait3A_344 = tpu.memref_squeeze %dma_wait3A_343 : memref<1x16x128xf32, #tpu.memory_space<vmem>> -> memref<16x128xf32, #tpu.memory_space<vmem>>
      %dma_wait3A_345 = arith.constant 0 : i32
      %dma_wait3A_346 = tpu.memref_slice %arg8[%dma_wait3A_345] : memref<10000xi32, #tpu.memory_space<vmem>> -> memref<16xi32, #tpu.memory_space<vmem>>
      %dma_wait3A_347 = arith.constant 0 : i32
      %dma_wait3A_348 = arith.constant 0 : i32
      %dma_wait3A_349 = tpu.memref_slice %arg2[%dma_wait3A_347, %dma_wait3A_348] : memref<10000x128xf32, #tpu.memory_space<hbm>> -> memref<10000x128xf32, #tpu.memory_space<hbm>>
      tpu.wait_indirect_dma semaphore(%arg21 : memref<!tpu.dma_semaphore, #tpu.memory_space<semaphore_mem>>) src(%dma_wait3A_349 : memref<10000x128xf32, #tpu.memory_space<hbm>>) dst(%dma_wait3A_344 : memref<16x128xf32, #tpu.memory_space<vmem>>)
      %dma_wait3A_350 = arith.constant 0 : i32
      %dma_wait3A_351 = arith.constant 0 : i32
      %dma_wait3A_352 = tpu.memref_slice %arg3[%dma_wait3A_350, %dma_wait3A_351] : memref<320000x64xi32, #tpu.memory_space<hbm>> -> memref<16x64xi32, #tpu.memory_space<hbm>>
      %dma_wait3A_353 = arith.constant 0 : i32
      %dma_wait3A_354 = arith.constant 0 : i32
      %dma_wait3A_355 = tpu.memref_slice %arg3[%dma_wait3A_353, %dma_wait3A_354] : memref<320000x64xi32, #tpu.memory_space<hbm>> -> memref<16x64xi32, #tpu.memory_space<hbm>>
      tpu.wait_dma2 semaphore(%arg26 : memref<!tpu.dma_semaphore, #tpu.memory_space<semaphore_mem>>) src(%dma_wait3A_355 : memref<16x64xi32, #tpu.memory_space<hbm>>) dst(%arg15 : memref<16x64xi32, #tpu.memory_space<vmem>>)
      %scan3A_356 = arith.constant 0 : i32
      %scan3A_357 = arith.constant 0 : i32
      %scan3A_358 = arith.constant 16 : i32
      %scan3A_359 = arith.addi %scan3A_357, %scan3A_358 : i32
      %scan3A_360 = arith.constant 1 : i32
      scf.for %scan3A_390 = %scan3A_357 to %scan3A_359 step %scan3A_360  : i32 {
        %get3A = arith.index_cast %scan3A_390 : i32 to index
        %get3A_391 = arith.constant 0 : index
        %get3A_392 = tpu.vector_load %arg15[%get3A, %get3A_391] {strides = array<i32>} : memref<16x64xi32, #tpu.memory_space<vmem>>, vector<16xi32>,
        %shift_left3A = arith.constant 16 : i32
        %shift_left3A_393 = vector.broadcast %shift_left3A : i32 to vector<16xi32>
        %shift_left3A_394 = arith.shli %get3A_392, %shift_left3A_393 : vector<16xi32>
        %bitcast3A = vector.bitcast %shift_left3A_394 : vector<16xi32> to vector<16xf32>
        %and3A = arith.constant -65536 : i32
        %and3A_395 = vector.broadcast %and3A : i32 to vector<16xi32>
        %and3A_396 = arith.andi %get3A_392, %and3A_395 : vector<16xi32>
        %bitcast3A_397 = vector.bitcast %and3A_396 : vector<16xi32> to vector<16xf32>
        %get3A_398 = arith.constant 4 : i32
        %get3A_399 = arith.index_cast %get3A_398 : i32 to index
        %get3A_400 = arith.index_cast %scan3A_390 : i32 to index
        %get3A_401 = arith.constant 0 : index
        %get3A_402 = tpu.vector_load %arg10[%get3A_399, %get3A_400, %get3A_401] {strides = array<i32>} : memref<5x16x128xf32, #tpu.memory_space<vmem>>, vector<16xf32>,
        %add3A_403 = arith.addf %get3A_402, %bitcast3A : vector<16xf32>
        %max3A = arith.constant 0.000000e+00 : f32
        %max3A_404 = vector.broadcast %max3A : f32 to vector<16xf32>
        %max3A_405 = arith.maximumf %add3A_403, %max3A_404 : vector<16xf32>
        %swap3A = arith.constant 4 : i32
        %swap3A_406 = arith.index_cast %swap3A : i32 to index
        %swap3A_407 = arith.index_cast %scan3A_390 : i32 to index
        %swap3A_408 = arith.constant 0 : index
        %swap3A_409 = tpu.vector_load %arg10[%swap3A_406, %swap3A_407, %swap3A_408] {strides = array<i32>} : memref<5x16x128xf32, #tpu.memory_space<vmem>>, vector<16xf32>,
        tpu.vector_store %arg10[%swap3A_406, %swap3A_407, %swap3A_408], %max3A_405 {strides = array<i32>} : memref<5x16x128xf32, #tpu.memory_space<vmem>>, vector<16xf32>,
        %get3A_410 = arith.constant 4 : i32
        %get3A_411 = arith.index_cast %get3A_410 : i32 to index
        %get3A_412 = arith.index_cast %scan3A_390 : i32 to index
        %get3A_413 = arith.constant 16 : index
        %get3A_414 = tpu.vector_load %arg10[%get3A_411, %get3A_412, %get3A_413] {strides = array<i32>} : memref<5x16x128xf32, #tpu.memory_space<vmem>>, vector<16xf32>,
        %add3A_415 = arith.addf %get3A_414, %bitcast3A_397 : vector<16xf32>
        %max3A_416 = arith.constant 0.000000e+00 : f32
        %max3A_417 = vector.broadcast %max3A_416 : f32 to vector<16xf32>
        %max3A_418 = arith.maximumf %add3A_415, %max3A_417 : vector<16xf32>
        %swap3A_419 = arith.constant 4 : i32
        %swap3A_420 = arith.index_cast %swap3A_419 : i32 to index
        %swap3A_421 = arith.index_cast %scan3A_390 : i32 to index
        %swap3A_422 = arith.constant 16 : index
        %swap3A_423 = tpu.vector_load %arg10[%swap3A_420, %swap3A_421, %swap3A_422] {strides = array<i32>} : memref<5x16x128xf32, #tpu.memory_space<vmem>>, vector<16xf32>,
        tpu.vector_store %arg10[%swap3A_420, %swap3A_421, %swap3A_422], %max3A_418 {strides = array<i32>} : memref<5x16x128xf32, #tpu.memory_space<vmem>>, vector<16xf32>,
        %get3A_424 = arith.index_cast %scan3A_390 : i32 to index
        %get3A_425 = arith.constant 16 : index
        %get3A_426 = tpu.vector_load %arg15[%get3A_424, %get3A_425] {strides = array<i32>} : memref<16x64xi32, #tpu.memory_space<vmem>>, vector<16xi32>,
        %shift_left3A_427 = arith.constant 16 : i32
        %shift_left3A_428 = vector.broadcast %shift_left3A_427 : i32 to vector<16xi32>
        %shift_left3A_429 = arith.shli %get3A_426, %shift_left3A_428 : vector<16xi32>
        %bitcast3A_430 = vector.bitcast %shift_left3A_429 : vector<16xi32> to vector<16xf32>
        %and3A_431 = arith.constant -65536 : i32
        %and3A_432 = vector.broadcast %and3A_431 : i32 to vector<16xi32>
        %and3A_433 = arith.andi %get3A_426, %and3A_432 : vector<16xi32>
        %bitcast3A_434 = vector.bitcast %and3A_433 : vector<16xi32> to vector<16xf32>
        %get3A_435 = arith.constant 4 : i32
        %get3A_436 = arith.index_cast %get3A_435 : i32 to index
        %get3A_437 = arith.index_cast %scan3A_390 : i32 to index
        %get3A_438 = arith.constant 32 : index
        %get3A_439 = tpu.vector_load %arg10[%get3A_436, %get3A_437, %get3A_438] {strides = array<i32>} : memref<5x16x128xf32, #tpu.memory_space<vmem>>, vector<16xf32>,
        %add3A_440 = arith.addf %get3A_439, %bitcast3A_430 : vector<16xf32>
        %max3A_441 = arith.constant 0.000000e+00 : f32
        %max3A_442 = vector.broadcast %max3A_441 : f32 to vector<16xf32>
        %max3A_443 = arith.maximumf %add3A_440, %max3A_442 : vector<16xf32>
        %swap3A_444 = arith.constant 4 : i32
        %swap3A_445 = arith.index_cast %swap3A_444 : i32 to index
        %swap3A_446 = arith.index_cast %scan3A_390 : i32 to index
        %swap3A_447 = arith.constant 32 : index
        %swap3A_448 = tpu.vector_load %arg10[%swap3A_445, %swap3A_446, %swap3A_447] {strides = array<i32>} : memref<5x16x128xf32, #tpu.memory_space<vmem>>, vector<16xf32>,
        tpu.vector_store %arg10[%swap3A_445, %swap3A_446, %swap3A_447], %max3A_443 {strides = array<i32>} : memref<5x16x128xf32, #tpu.memory_space<vmem>>, vector<16xf32>,
        %get3A_449 = arith.constant 4 : i32
        %get3A_450 = arith.index_cast %get3A_449 : i32 to index
        %get3A_451 = arith.index_cast %scan3A_390 : i32 to index
        %get3A_452 = arith.constant 48 : index
        %get3A_453 = tpu.vector_load %arg10[%get3A_450, %get3A_451, %get3A_452] {strides = array<i32>} : memref<5x16x128xf32, #tpu.memory_space<vmem>>, vector<16xf32>,
        %add3A_454 = arith.addf %get3A_453, %bitcast3A_434 : vector<16xf32>
        %max3A_455 = arith.constant 0.000000e+00 : f32
        %max3A_456 = vector.broadcast %max3A_455 : f32 to vector<16xf32>
        %max3A_457 = arith.maximumf %add3A_454, %max3A_456 : vector<16xf32>
        %swap3A_458 = arith.constant 4 : i32
        %swap3A_459 = arith.index_cast %swap3A_458 : i32 to index
        %swap3A_460 = arith.index_cast %scan3A_390 : i32 to index
        %swap3A_461 = arith.constant 48 : index
        %swap3A_462 = tpu.vector_load %arg10[%swap3A_459, %swap3A_460, %swap3A_461] {strides = array<i32>} : memref<5x16x128xf32, #tpu.memory_space<vmem>>, vector<16xf32>,
        tpu.vector_store %arg10[%swap3A_459, %swap3A_460, %swap3A_461], %max3A_457 {strides = array<i32>} : memref<5x16x128xf32, #tpu.memory_space<vmem>>, vector<16xf32>,
        %get3A_463 = arith.index_cast %scan3A_390 : i32 to index
        %get3A_464 = arith.constant 32 : index
        %get3A_465 = tpu.vector_load %arg15[%get3A_463, %get3A_464] {strides = array<i32>} : memref<16x64xi32, #tpu.memory_space<vmem>>, vector<16xi32>,
        %shift_left3A_466 = arith.constant 16 : i32
        %shift_left3A_467 = vector.broadcast %shift_left3A_466 : i32 to vector<16xi32>
        %shift_left3A_468 = arith.shli %get3A_465, %shift_left3A_467 : vector<16xi32>
        %bitcast3A_469 = vector.bitcast %shift_left3A_468 : vector<16xi32> to vector<16xf32>
        %and3A_470 = arith.constant -65536 : i32
        %and3A_471 = vector.broadcast %and3A_470 : i32 to vector<16xi32>
        %and3A_472 = arith.andi %get3A_465, %and3A_471 : vector<16xi32>
        %bitcast3A_473 = vector.bitcast %and3A_472 : vector<16xi32> to vector<16xf32>
        %get3A_474 = arith.constant 4 : i32
        %get3A_475 = arith.index_cast %get3A_474 : i32 to index
        %get3A_476 = arith.index_cast %scan3A_390 : i32 to index
        %get3A_477 = arith.constant 64 : index
        %get3A_478 = tpu.vector_load %arg10[%get3A_475, %get3A_476, %get3A_477] {strides = array<i32>} : memref<5x16x128xf32, #tpu.memory_space<vmem>>, vector<16xf32>,
        %add3A_479 = arith.addf %get3A_478, %bitcast3A_469 : vector<16xf32>
        %max3A_480 = arith.constant 0.000000e+00 : f32
        %max3A_481 = vector.broadcast %max3A_480 : f32 to vector<16xf32>
        %max3A_482 = arith.maximumf %add3A_479, %max3A_481 : vector<16xf32>
        %swap3A_483 = arith.constant 4 : i32
        %swap3A_484 = arith.index_cast %swap3A_483 : i32 to index
        %swap3A_485 = arith.index_cast %scan3A_390 : i32 to index
        %swap3A_486 = arith.constant 64 : index
        %swap3A_487 = tpu.vector_load %arg10[%swap3A_484, %swap3A_485, %swap3A_486] {strides = array<i32>} : memref<5x16x128xf32, #tpu.memory_space<vmem>>, vector<16xf32>,
        tpu.vector_store %arg10[%swap3A_484, %swap3A_485, %swap3A_486], %max3A_482 {strides = array<i32>} : memref<5x16x128xf32, #tpu.memory_space<vmem>>, vector<16xf32>,
        %get3A_488 = arith.constant 4 : i32
        %get3A_489 = arith.index_cast %get3A_488 : i32 to index
        %get3A_490 = arith.index_cast %scan3A_390 : i32 to index
        %get3A_491 = arith.constant 80 : index
        %get3A_492 = tpu.vector_load %arg10[%get3A_489, %get3A_490, %get3A_491] {strides = array<i32>} : memref<5x16x128xf32, #tpu.memory_space<vmem>>, vector<16xf32>,
        %add3A_493 = arith.addf %get3A_492, %bitcast3A_473 : vector<16xf32>
        %max3A_494 = arith.constant 0.000000e+00 : f32
        %max3A_495 = vector.broadcast %max3A_494 : f32 to vector<16xf32>
        %max3A_496 = arith.maximumf %add3A_493, %max3A_495 : vector<16xf32>
        %swap3A_497 = arith.constant 4 : i32
        %swap3A_498 = arith.index_cast %swap3A_497 : i32 to index
        %swap3A_499 = arith.index_cast %scan3A_390 : i32 to index
        %swap3A_500 = arith.constant 80 : index
        %swap3A_501 = tpu.vector_load %arg10[%swap3A_498, %swap3A_499, %swap3A_500] {strides = array<i32>} : memref<5x16x128xf32, #tpu.memory_space<vmem>>, vector<16xf32>,
        tpu.vector_store %arg10[%swap3A_498, %swap3A_499, %swap3A_500], %max3A_496 {strides = array<i32>} : memref<5x16x128xf32, #tpu.memory_space<vmem>>, vector<16xf32>,
        %get3A_502 = arith.index_cast %scan3A_390 : i32 to index
        %get3A_503 = arith.constant 48 : index
        %get3A_504 = tpu.vector_load %arg15[%get3A_502, %get3A_503] {strides = array<i32>} : memref<16x64xi32, #tpu.memory_space<vmem>>, vector<16xi32>,
        %shift_left3A_505 = arith.constant 16 : i32
        %shift_left3A_506 = vector.broadcast %shift_left3A_505 : i32 to vector<16xi32>
        %shift_left3A_507 = arith.shli %get3A_504, %shift_left3A_506 : vector<16xi32>
        %bitcast3A_508 = vector.bitcast %shift_left3A_507 : vector<16xi32> to vector<16xf32>
        %and3A_509 = arith.constant -65536 : i32
        %and3A_510 = vector.broadcast %and3A_509 : i32 to vector<16xi32>
        %and3A_511 = arith.andi %get3A_504, %and3A_510 : vector<16xi32>
        %bitcast3A_512 = vector.bitcast %and3A_511 : vector<16xi32> to vector<16xf32>
        %get3A_513 = arith.constant 4 : i32
        %get3A_514 = arith.index_cast %get3A_513 : i32 to index
        %get3A_515 = arith.index_cast %scan3A_390 : i32 to index
        %get3A_516 = arith.constant 96 : index
        %get3A_517 = tpu.vector_load %arg10[%get3A_514, %get3A_515, %get3A_516] {strides = array<i32>} : memref<5x16x128xf32, #tpu.memory_space<vmem>>, vector<16xf32>,
        %add3A_518 = arith.addf %get3A_517, %bitcast3A_508 : vector<16xf32>
        %max3A_519 = arith.constant 0.000000e+00 : f32
        %max3A_520 = vector.broadcast %max3A_519 : f32 to vector<16xf32>
        %max3A_521 = arith.maximumf %add3A_518, %max3A_520 : vector<16xf32>
        %swap3A_522 = arith.constant 4 : i32
        %swap3A_523 = arith.index_cast %swap3A_522 : i32 to index
        %swap3A_524 = arith.index_cast %scan3A_390 : i32 to index
        %swap3A_525 = arith.constant 96 : index
        %swap3A_526 = tpu.vector_load %arg10[%swap3A_523, %swap3A_524, %swap3A_525] {strides = array<i32>} : memref<5x16x128xf32, #tpu.memory_space<vmem>>, vector<16xf32>,
        tpu.vector_store %arg10[%swap3A_523, %swap3A_524, %swap3A_525], %max3A_521 {strides = array<i32>} : memref<5x16x128xf32, #tpu.memory_space<vmem>>, vector<16xf32>,
        %get3A_527 = arith.constant 4 : i32
        %get3A_528 = arith.index_cast %get3A_527 : i32 to index
        %get3A_529 = arith.index_cast %scan3A_390 : i32 to index
        %get3A_530 = arith.constant 112 : index
        %get3A_531 = tpu.vector_load %arg10[%get3A_528, %get3A_529, %get3A_530] {strides = array<i32>} : memref<5x16x128xf32, #tpu.memory_space<vmem>>, vector<16xf32>,
        %add3A_532 = arith.addf %get3A_531, %bitcast3A_512 : vector<16xf32>
        %max3A_533 = arith.constant 0.000000e+00 : f32
        %max3A_534 = vector.broadcast %max3A_533 : f32 to vector<16xf32>
        %max3A_535 = arith.maximumf %add3A_532, %max3A_534 : vector<16xf32>
        %swap3A_536 = arith.constant 4 : i32
        %swap3A_537 = arith.index_cast %swap3A_536 : i32 to index
        %swap3A_538 = arith.index_cast %scan3A_390 : i32 to index
        %swap3A_539 = arith.constant 112 : index
        %swap3A_540 = tpu.vector_load %arg10[%swap3A_537, %swap3A_538, %swap3A_539] {strides = array<i32>} : memref<5x16x128xf32, #tpu.memory_space<vmem>>, vector<16xf32>,
        tpu.vector_store %arg10[%swap3A_537, %swap3A_538, %swap3A_539], %max3A_535 {strides = array<i32>} : memref<5x16x128xf32, #tpu.memory_space<vmem>>, vector<16xf32>,
      }
      %scan3A_361 = arith.constant 16 : i32
      %mul3A_362 = arith.constant 16 : i32
      %mul3A_363 = arith.muli %add3A_339, %mul3A_362 : i32
      %multiple_of3A_364 = tpu.assume_multiple %mul3A_363, 8 : i32
      %dma_start3A_365 = arith.constant 4 : i32
      %dma_start3A_366 = arith.constant 0 : i32
      %dma_start3A_367 = arith.constant 0 : i32
      %dma_start3A_368 = tpu.memref_slice %arg10[%dma_start3A_365, %dma_start3A_366, %dma_start3A_367] : memref<5x16x128xf32, #tpu.memory_space<vmem>> -> memref<1x16x128xf32, #tpu.memory_space<vmem>>
      %dma_start3A_369 = tpu.memref_squeeze %dma_start3A_368 : memref<1x16x128xf32, #tpu.memory_space<vmem>> -> memref<16x128xf32, #tpu.memory_space<vmem>>
      %dma_start3A_370 = tpu.memref_slice %arg9[%multiple_of3A_364] : memref<10000xi32, #tpu.memory_space<vmem>> -> memref<16xi32, #tpu.memory_space<vmem>>
      %dma_start3A_371 = arith.constant 0 : i32
      %dma_start3A_372 = arith.constant 0 : i32
      %dma_start3A_373 = tpu.memref_slice %arg16[%dma_start3A_371, %dma_start3A_372] : memref<10000x128xf32, #tpu.memory_space<vmem_shared>> -> memref<10000x128xf32, #tpu.memory_space<vmem_shared>>
      tpu.enqueue_indirect_dma source(%dma_start3A_369 : memref<16x128xf32, #tpu.memory_space<vmem>>) target(%dma_start3A_373 : memref<10000x128xf32, #tpu.memory_space<vmem_shared>>) offsets(%dma_start3A_370 : memref<16xi32, #tpu.memory_space<vmem>>) semaphore(%arg31 : memref<!tpu.dma_semaphore, #tpu.memory_space<semaphore_mem>>) {add = true}
      %multiple_of3A_374 = arith.constant 0 : i32
      %multiple_of3A_375 = tpu.assume_multiple %multiple_of3A_374, 8 : i32
      %dma_wait3A_376 = arith.constant 3 : i32
      %dma_wait3A_377 = arith.constant 0 : i32
      %dma_wait3A_378 = arith.constant 0 : i32
      %dma_wait3A_379 = tpu.memref_slice %arg10[%dma_wait3A_376, %dma_wait3A_377, %dma_wait3A_378] : memref<5x16x128xf32, #tpu.memory_space<vmem>> -> memref<1x16x128xf32, #tpu.memory_space<vmem>>
      %dma_wait3A_380 = tpu.memref_squeeze %dma_wait3A_379 : memref<1x16x128xf32, #tpu.memory_space<vmem>> -> memref<16x128xf32, #tpu.memory_space<vmem>>
      %dma_wait3A_381 = tpu.memref_slice %arg9[%multiple_of3A_375] : memref<10000xi32, #tpu.memory_space<vmem>> -> memref<16xi32, #tpu.memory_space<vmem>>
      %dma_wait3A_382 = arith.constant 0 : i32
      %dma_wait3A_383 = arith.constant 0 : i32
      %dma_wait3A_384 = tpu.memref_slice %arg16[%dma_wait3A_382, %dma_wait3A_383] : memref<10000x128xf32, #tpu.memory_space<vmem_shared>> -> memref<10000x128xf32, #tpu.memory_space<vmem_shared>>
      tpu.wait_indirect_dma semaphore(%arg30 : memref<!tpu.dma_semaphore, #tpu.memory_space<semaphore_mem>>) src(%dma_wait3A_380 : memref<16x128xf32, #tpu.memory_space<vmem>>) dst(%dma_wait3A_384 : memref<10000x128xf32, #tpu.memory_space<vmem_shared>>)
      %lt3A_385 = arith.constant 124 : i32
      %lt3A_386 = arith.cmpi slt, %scan3A_108, %lt3A_385 : i32
      %convert_element_type3A_387 = arith.extui %lt3A_386 : i1 to i32
      %cond3A_388 = arith.constant 0 : i32
      %cond3A_389 = arith.cmpi ne, %convert_element_type3A_387, %cond3A_388 : i32
      scf.if %cond3A_389 {
        %add3A_390 = arith.constant 4 : i32
        %add3A_391 = arith.addi %add3A_339, %add3A_390 : i32
        %mul3A_392 = arith.constant 16 : i32
        %mul3A_393 = arith.muli %add3A_391, %mul3A_392 : i32
        %multiple_of3A_394 = tpu.assume_multiple %mul3A_393, 8 : i32
        %dma_start3A_395 = arith.constant 3 : i32
        %dma_start3A_396 = arith.constant 0 : i32
        %dma_start3A_397 = arith.constant 0 : i32
        %dma_start3A_398 = tpu.memref_slice %arg10[%dma_start3A_395, %dma_start3A_396, %dma_start3A_397] : memref<5x16x128xf32, #tpu.memory_space<vmem>> -> memref<1x16x128xf32, #tpu.memory_space<vmem>>
        %dma_start3A_399 = tpu.memref_squeeze %dma_start3A_398 : memref<1x16x128xf32, #tpu.memory_space<vmem>> -> memref<16x128xf32, #tpu.memory_space<vmem>>
        %dma_start3A_400 = tpu.memref_slice %arg8[%multiple_of3A_394] : memref<10000xi32, #tpu.memory_space<vmem>> -> memref<16xi32, #tpu.memory_space<vmem>>
        %dma_start3A_401 = arith.constant 0 : i32
        %dma_start3A_402 = arith.constant 0 : i32
        %dma_start3A_403 = tpu.memref_slice %arg2[%dma_start3A_401, %dma_start3A_402] : memref<10000x128xf32, #tpu.memory_space<hbm>> -> memref<10000x128xf32, #tpu.memory_space<hbm>>
        tpu.enqueue_indirect_dma source(%dma_start3A_403 : memref<10000x128xf32, #tpu.memory_space<hbm>>) target(%dma_start3A_399 : memref<16x128xf32, #tpu.memory_space<vmem>>) offsets(%dma_start3A_400 : memref<16xi32, #tpu.memory_space<vmem>>) semaphore(%arg20 : memref<!tpu.dma_semaphore, #tpu.memory_space<semaphore_mem>>)
        %mul3A_404 = arith.constant 10000 : i32
        %mul3A_405 = arith.muli %add3A, %mul3A_404 : i32
        %mul3A_406 = arith.constant 16 : i32
        %mul3A_407 = arith.muli %add3A_391, %mul3A_406 : i32
        %add3A_408 = arith.addi %mul3A_405, %mul3A_407 : i32
        %multiple_of3A_409 = tpu.assume_multiple %add3A_408, 8 : i32
        %dma_start3A_410 = arith.constant 0 : i32
        %dma_start3A_411 = tpu.memref_slice %arg3[%multiple_of3A_409, %dma_start3A_410] : memref<320000x64xi32, #tpu.memory_space<hbm>> -> memref<16x64xi32, #tpu.memory_space<hbm>>
        %dma_start3A_412 = arith.constant 0 : i32
        %dma_start3A_413 = tpu.memref_slice %arg3[%multiple_of3A_409, %dma_start3A_412] : memref<320000x64xi32, #tpu.memory_space<hbm>> -> memref<16x64xi32, #tpu.memory_space<hbm>>
        tpu.enqueue_dma source(%dma_start3A_413 : memref<16x64xi32, #tpu.memory_space<hbm>>) target(%arg14 : memref<16x64xi32, #tpu.memory_space<vmem>>) target_semaphore(%arg25 : memref<!tpu.dma_semaphore, #tpu.memory_space<semaphore_mem>>)
      } else {
      }
    }
    %scan3A_91 = arith.constant 125 : i32
    %multiple_of3A_92 = arith.constant 0 : i32
    %multiple_of3A_93 = tpu.assume_multiple %multiple_of3A_92, 8 : i32
    %dma_wait3A = arith.constant 4 : i32
    %dma_wait3A_94 = arith.constant 0 : i32
    %dma_wait3A_95 = arith.constant 0 : i32
    %dma_wait3A_96 = tpu.memref_slice %arg10[%dma_wait3A, %dma_wait3A_94, %dma_wait3A_95] : memref<5x16x128xf32, #tpu.memory_space<vmem>> -> memref<1x16x128xf32, #tpu.memory_space<vmem>>
    %dma_wait3A_97 = tpu.memref_squeeze %dma_wait3A_96 : memref<1x16x128xf32, #tpu.memory_space<vmem>> -> memref<16x128xf32, #tpu.memory_space<vmem>>
    %dma_wait3A_98 = tpu.memref_slice %arg9[%multiple_of3A_93] : memref<10000xi32, #tpu.memory_space<vmem>> -> memref<16xi32, #tpu.memory_space<vmem>>
    %dma_wait3A_99 = arith.constant 0 : i32
    %dma_wait3A_100 = arith.constant 0 : i32
    %dma_wait3A_101 = tpu.memref_slice %arg16[%dma_wait3A_99, %dma_wait3A_100] : memref<10000x128xf32, #tpu.memory_space<vmem_shared>> -> memref<10000x128xf32, #tpu.memory_space<vmem_shared>>
    tpu.wait_indirect_dma semaphore(%arg31 : memref<!tpu.dma_semaphore, #tpu.memory_space<semaphore_mem>>) src(%dma_wait3A_97 : memref<16x128xf32, #tpu.memory_space<vmem>>) dst(%dma_wait3A_101 : memref<10000x128xf32, #tpu.memory_space<vmem_shared>>)
    %barrier3A_102 = arith.constant 0 : index
    tpu.barrier barrier_id(%barrier3A_102)
    "tpu.region"() ({
      %run_scoped3A = tpu.sem_alloc : memref<!tpu.dma_semaphore, #tpu.memory_space<semaphore_mem>>
      %dma_start3A_108 = arith.constant 0 : i32
      %dma_start3A_109 = tpu.memref_slice %arg7[%arg0, %multiple_of3A, %dma_start3A_108] : memref<2x10000x128xf32, #tpu.memory_space<hbm>> -> memref<1x624x128xf32, #tpu.memory_space<hbm>>
      %dma_start3A_110 = tpu.memref_squeeze %dma_start3A_109 : memref<1x624x128xf32, #tpu.memory_space<hbm>> -> memref<624x128xf32, #tpu.memory_space<hbm>>
      %dma_start3A_111 = arith.constant 0 : i32
      %dma_start3A_112 = tpu.memref_slice %arg16[%multiple_of3A, %dma_start3A_111] : memref<10000x128xf32, #tpu.memory_space<vmem_shared>> -> memref<624x128xf32, #tpu.memory_space<vmem_shared>>
      tpu.enqueue_dma source(%dma_start3A_112 : memref<624x128xf32, #tpu.memory_space<vmem_shared>>) target(%dma_start3A_110 : memref<624x128xf32, #tpu.memory_space<hbm>>) target_semaphore(%run_scoped3A : memref<!tpu.dma_semaphore, #tpu.memory_space<semaphore_mem>>)
      %dma_wait3A_113 = arith.constant 0 : i32
      %dma_wait3A_114 = tpu.memref_slice %arg7[%arg0, %multiple_of3A, %dma_wait3A_113] : memref<2x10000x128xf32, #tpu.memory_space<hbm>> -> memref<1x624x128xf32, #tpu.memory_space<hbm>>
      %dma_wait3A_115 = tpu.memref_squeeze %dma_wait3A_114 : memref<1x624x128xf32, #tpu.memory_space<hbm>> -> memref<624x128xf32, #tpu.memory_space<hbm>>
      %dma_wait3A_116 = arith.constant 0 : i32
      %dma_wait3A_117 = tpu.memref_slice %arg16[%multiple_of3A, %dma_wait3A_116] : memref<10000x128xf32, #tpu.memory_space<vmem_shared>> -> memref<624x128xf32, #tpu.memory_space<vmem_shared>>
      tpu.wait_dma2 semaphore(%run_scoped3A : memref<!tpu.dma_semaphore, #tpu.memory_space<semaphore_mem>>) src(%dma_wait3A_117 : memref<624x128xf32, #tpu.memory_space<vmem_shared>>) dst(%dma_wait3A_115 : memref<624x128xf32, #tpu.memory_space<hbm>>)
      tpu.yield
    }) : () -> ()
    %eq3A_103 = arith.constant 15 : i32
    %eq3A_104 = arith.cmpi eq, %arg1, %eq3A_103 : i32
    %convert_element_type3A_105 = arith.extui %eq3A_104 : i1 to i32
    %cond3A_106 = arith.constant 0 : i32
    %cond3A_107 = arith.cmpi ne, %convert_element_type3A_105, %cond3A_106 : i32
    scf.if %cond3A_107 {
      "tpu.region"() ({
        %run_scoped3A = tpu.sem_alloc : memref<!tpu.dma_semaphore, #tpu.memory_space<semaphore_mem>>
        %dma_start3A_108 = arith.constant 9984 : i32
        %dma_start3A_109 = arith.constant 0 : i32
        %dma_start3A_110 = tpu.memref_slice %arg7[%arg0, %dma_start3A_108, %dma_start3A_109] : memref<2x10000x128xf32, #tpu.memory_space<hbm>> -> memref<1x16x128xf32, #tpu.memory_space<hbm>>
        %dma_start3A_111 = tpu.memref_squeeze %dma_start3A_110 : memref<1x16x128xf32, #tpu.memory_space<hbm>> -> memref<16x128xf32, #tpu.memory_space<hbm>>
        %dma_start3A_112 = arith.constant 9984 : i32
        %dma_start3A_113 = arith.constant 0 : i32
        %dma_start3A_114 = tpu.memref_slice %arg16[%dma_start3A_112, %dma_start3A_113] : memref<10000x128xf32, #tpu.memory_space<vmem_shared>> -> memref<16x128xf32, #tpu.memory_space<vmem_shared>>
        tpu.enqueue_dma source(%dma_start3A_114 : memref<16x128xf32, #tpu.memory_space<vmem_shared>>) target(%dma_start3A_111 : memref<16x128xf32, #tpu.memory_space<hbm>>) target_semaphore(%run_scoped3A : memref<!tpu.dma_semaphore, #tpu.memory_space<semaphore_mem>>)
        %dma_wait3A_115 = arith.constant 9984 : i32
        %dma_wait3A_116 = arith.constant 0 : i32
        %dma_wait3A_117 = tpu.memref_slice %arg7[%arg0, %dma_wait3A_115, %dma_wait3A_116] : memref<2x10000x128xf32, #tpu.memory_space<hbm>> -> memref<1x16x128xf32, #tpu.memory_space<hbm>>
        %dma_wait3A_118 = tpu.memref_squeeze %dma_wait3A_117 : memref<1x16x128xf32, #tpu.memory_space<hbm>> -> memref<16x128xf32, #tpu.memory_space<hbm>>
        %dma_wait3A_119 = arith.constant 9984 : i32
        %dma_wait3A_120 = arith.constant 0 : i32
        %dma_wait3A_121 = tpu.memref_slice %arg16[%dma_wait3A_119, %dma_wait3A_120] : memref<10000x128xf32, #tpu.memory_space<vmem_shared>> -> memref<16x128xf32, #tpu.memory_space<vmem_shared>>
        tpu.wait_dma2 semaphore(%run_scoped3A : memref<!tpu.dma_semaphore, #tpu.memory_space<semaphore_mem>>) src(%dma_wait3A_121 : memref<16x128xf32, #tpu.memory_space<vmem_shared>>) dst(%dma_wait3A_118 : memref<16x128xf32, #tpu.memory_space<hbm>>)
        tpu.yield
      }) : () -> ()
    } else {
    }
    return
  }
}

module attributes {stable_mosaic.version = 14 : i64} {
  func.func @_lin_body(%arg0: i32, %arg1: memref<2000x128xf32, #tpu.memory_space<vmem>>, %arg2: memref<128x128xf32, #tpu.memory_space<vmem>>, %arg3: memref<1x128xf32, #tpu.memory_space<vmem>>, %arg4: memref<2000x128xf32, #tpu.memory_space<vmem>>) attributes {dimension_semantics = [#tpu.dimension_semantics<arbitrary>], iteration_bounds = array<i64: 5>, scalar_prefetch = 0 : i64, scratch_operands = 0 : i64, tpu.core_type = #tpu.core_type<tc>, window_params = [{transform_indices = @transform_0, window_bounds = array<i64: 2000, 128>}, {pipeline_mode = #tpu.pipeline_mode<synchronous>, transform_indices = @transform_1, window_bounds = array<i64: 128, 128>}, {pipeline_mode = #tpu.pipeline_mode<synchronous>, transform_indices = @transform_2, window_bounds = array<i64: 1, 128>}, {transform_indices = @transform_3, window_bounds = array<i64: 2000, 128>}]} {
    %get3A = arith.constant 0 : index
    %get3A_0 = arith.constant 0 : index
    %get3A_1 = vector.load %arg1[%get3A, %get3A_0] : memref<2000x128xf32, #tpu.memory_space<vmem>>, vector<2000x128xf32>
    %get3A_2 = arith.constant 0 : index
    %get3A_3 = arith.constant 0 : index
    %get3A_4 = vector.load %arg2[%get3A_2, %get3A_3] : memref<128x128xf32, #tpu.memory_space<vmem>>, vector<128x128xf32>
    %dot_general3A = arith.constant dense<0.000000e+00> : vector<2000x128xf32>
    %dot_general3A_5 = tpu.matmul %get3A_1, %get3A_4, %dot_general3A {dimension_numbers = #tpu.dot_dimension_numbers<[1], [0], [0], [1], [0, 0, 1, 1], [], []>, transpose_lhs_hint = false} : vector<2000x128xf32>, vector<128x128xf32>, vector<2000x128xf32> -> vector<2000x128xf32>
    %get3A_6 = arith.constant 0 : index
    %get3A_7 = arith.constant 0 : index
    %get3A_8 = vector.load %arg3[%get3A_6, %get3A_7] : memref<1x128xf32, #tpu.memory_space<vmem>>, vector<1x128xf32>
    %add3A = vector.broadcast %get3A_8 : vector<1x128xf32> to vector<2000x128xf32>
    %add3A_9 = arith.addf %dot_general3A_5, %add3A : vector<2000x128xf32>
    %max3A = arith.constant 0.000000e+00 : f32
    %max3A_10 = vector.broadcast %max3A : f32 to vector<2000x128xf32>
    %max3A_11 = arith.maximumf %add3A_9, %max3A_10 : vector<2000x128xf32>
    %swap3A = arith.constant 0 : index
    %swap3A_12 = arith.constant 0 : index
    %swap3A_13 = vector.load %arg4[%swap3A, %swap3A_12] : memref<2000x128xf32, #tpu.memory_space<vmem>>, vector<2000x128xf32>
    tpu.vector_store %arg4[%swap3A, %swap3A_12], %max3A_11 {strides = array<i32>} : memref<2000x128xf32, #tpu.memory_space<vmem>>, vector<2000x128xf32>,
    return
  }
  func.func @transform_0(%arg0: i32) -> (i32, i32) {
    %c0_i32 = arith.constant 0 : i32
    %c0_i32_0 = arith.constant 0 : i32
    return %arg0, %c0_i32 : i32, i32
  }
  func.func @transform_1(%arg0: i32) -> (i32, i32) {
    %c0_i32 = arith.constant 0 : i32
    %c0_i32_0 = arith.constant 0 : i32
    %c0_i32_1 = arith.constant 0 : i32
    return %c0_i32, %c0_i32_0 : i32, i32
  }
  func.func @transform_2(%arg0: i32) -> (i32, i32) {
    %c0_i32 = arith.constant 0 : i32
    %c0_i32_0 = arith.constant 0 : i32
    %c0_i32_1 = arith.constant 0 : i32
    return %c0_i32, %c0_i32_0 : i32, i32
  }
  func.func @transform_3(%arg0: i32) -> (i32, i32) {
    %c0_i32 = arith.constant 0 : i32
    %c0_i32_0 = arith.constant 0 : i32
    return %arg0, %c0_i32 : i32, i32
  }
}

module attributes {stable_mosaic.version = 14 : i64} {
  func.func @_lin_body(%arg0: i32, %arg1: memref<4000x16xf32, #tpu.memory_space<vmem>>, %arg2: memref<16x128xf32, #tpu.memory_space<vmem>>, %arg3: memref<1x128xf32, #tpu.memory_space<vmem>>, %arg4: memref<4000x64xi32, #tpu.memory_space<vmem>>) attributes {dimension_semantics = [#tpu.dimension_semantics<arbitrary>], iteration_bounds = array<i64: 80>, scalar_prefetch = 0 : i64, scratch_operands = 0 : i64, tpu.core_type = #tpu.core_type<tc>, window_params = [{transform_indices = @transform_0, window_bounds = array<i64: 4000, 16>}, {pipeline_mode = #tpu.pipeline_mode<synchronous>, transform_indices = @transform_1, window_bounds = array<i64: 16, 128>}, {pipeline_mode = #tpu.pipeline_mode<synchronous>, transform_indices = @transform_2, window_bounds = array<i64: 1, 128>}, {transform_indices = @transform_3, window_bounds = array<i64: 4000, 64>}]} {
    %get3A = arith.constant 0 : index
    %get3A_0 = arith.constant 0 : index
    %get3A_1 = vector.load %arg1[%get3A, %get3A_0] : memref<4000x16xf32, #tpu.memory_space<vmem>>, vector<4000x16xf32>
    %get3A_2 = arith.constant 0 : index
    %get3A_3 = arith.constant 0 : index
    %get3A_4 = vector.load %arg2[%get3A_2, %get3A_3] : memref<16x128xf32, #tpu.memory_space<vmem>>, vector<16x128xf32>
    %dot_general3A = arith.constant dense<0.000000e+00> : vector<4000x128xf32>
    %dot_general3A_5 = tpu.matmul %get3A_1, %get3A_4, %dot_general3A {dimension_numbers = #tpu.dot_dimension_numbers<[1], [0], [0], [1], [0, 0, 1, 1], [], []>, transpose_lhs_hint = false} : vector<4000x16xf32>, vector<16x128xf32>, vector<4000x128xf32> -> vector<4000x128xf32>
    %get3A_6 = arith.constant 0 : index
    %get3A_7 = arith.constant 0 : index
    %get3A_8 = vector.load %arg3[%get3A_6, %get3A_7] : memref<1x128xf32, #tpu.memory_space<vmem>>, vector<1x128xf32>
    %add3A = vector.broadcast %get3A_8 : vector<1x128xf32> to vector<4000x128xf32>
    %add3A_9 = arith.addf %dot_general3A_5, %add3A : vector<4000x128xf32>
    %bitcast_convert_type3A = tpu.bitcast %add3A_9 : vector<4000x128xf32> -> vector<4000x128xi32>
    %add3A_10 = arith.constant 32767 : i32
    %add3A_11 = vector.broadcast %add3A_10 : i32 to vector<4000x128xi32>
    %add3A_12 = arith.addi %bitcast_convert_type3A, %add3A_11 : vector<4000x128xi32>
    %shift_right_logical3A = arith.constant 16 : i32
    %shift_right_logical3A_13 = vector.broadcast %shift_right_logical3A : i32 to vector<4000x128xi32>
    %shift_right_logical3A_14 = arith.shrui %bitcast_convert_type3A, %shift_right_logical3A_13 : vector<4000x128xi32>
    %and3A = arith.constant 1 : i32
    %and3A_15 = vector.broadcast %and3A : i32 to vector<4000x128xi32>
    %and3A_16 = arith.andi %shift_right_logical3A_14, %and3A_15 : vector<4000x128xi32>
    %add3A_17 = arith.addi %add3A_12, %and3A_16 : vector<4000x128xi32>
    %shift_right_logical3A_18 = arith.constant 16 : i32
    %shift_right_logical3A_19 = vector.broadcast %shift_right_logical3A_18 : i32 to vector<4000x128xi32>
    %shift_right_logical3A_20 = arith.shrui %add3A_17, %shift_right_logical3A_19 : vector<4000x128xi32>
    %slice3A = vector.extract_strided_slice %shift_right_logical3A_20 {offsets = [0, 0], sizes = [4000, 64], strides = [1, 1]} : vector<4000x128xi32> to vector<4000x64xi32>
    %and3A_21 = arith.constant 65535 : i32
    %and3A_22 = vector.broadcast %and3A_21 : i32 to vector<4000x64xi32>
    %and3A_23 = arith.andi %slice3A, %and3A_22 : vector<4000x64xi32>
    %slice3A_24 = vector.extract_strided_slice %shift_right_logical3A_20 {offsets = [0, 64], sizes = [4000, 64], strides = [1, 1]} : vector<4000x128xi32> to vector<4000x64xi32>
    %shift_left3A = arith.constant 16 : i32
    %shift_left3A_25 = vector.broadcast %shift_left3A : i32 to vector<4000x64xi32>
    %shift_left3A_26 = arith.shli %slice3A_24, %shift_left3A_25 : vector<4000x64xi32>
    %or3A = arith.ori %and3A_23, %shift_left3A_26 : vector<4000x64xi32>
    %bitcast_convert_type3A_27 = tpu.bitcast %or3A : vector<4000x64xi32> -> vector<4000x64xi32>
    %swap3A = arith.constant 0 : index
    %swap3A_28 = arith.constant 0 : index
    %swap3A_29 = vector.load %arg4[%swap3A, %swap3A_28] : memref<4000x64xi32, #tpu.memory_space<vmem>>, vector<4000x64xi32>
    tpu.vector_store %arg4[%swap3A, %swap3A_28], %bitcast_convert_type3A_27 {strides = array<i32>} : memref<4000x64xi32, #tpu.memory_space<vmem>>, vector<4000x64xi32>,
    return
  }
  func.func @transform_0(%arg0: i32) -> (i32, i32) {
    %c0_i32 = arith.constant 0 : i32
    %c0_i32_0 = arith.constant 0 : i32
    return %arg0, %c0_i32 : i32, i32
  }
  func.func @transform_1(%arg0: i32) -> (i32, i32) {
    %c0_i32 = arith.constant 0 : i32
    %c0_i32_0 = arith.constant 0 : i32
    %c0_i32_1 = arith.constant 0 : i32
    return %c0_i32, %c0_i32_0 : i32, i32
  }
  func.func @transform_2(%arg0: i32) -> (i32, i32) {
    %c0_i32 = arith.constant 0 : i32
    %c0_i32_0 = arith.constant 0 : i32
    %c0_i32_1 = arith.constant 0 : i32
    return %c0_i32, %c0_i32_0 : i32, i32
  }
  func.func @transform_3(%arg0: i32) -> (i32, i32) {
    %c0_i32 = arith.constant 0 : i32
    %c0_i32_0 = arith.constant 0 : i32
    return %arg0, %c0_i32 : i32, i32
  }
}

module attributes {stable_mosaic.version = 14 : i64} {
  func.func @_mlp_body(%arg0: i32, %arg1: memref<1x1xf32, #tpu.memory_space<smem>>, %arg2: memref<2000x128xf32, #tpu.memory_space<vmem>>, %arg3: memref<2x2000x128xf32, #tpu.memory_space<vmem>>, %arg4: memref<128x128xf32, #tpu.memory_space<vmem>>, %arg5: memref<1x128xf32, #tpu.memory_space<vmem>>, %arg6: memref<128x128xf32, #tpu.memory_space<vmem>>, %arg7: memref<1x128xf32, #tpu.memory_space<vmem>>, %arg8: memref<2000x128xf32, #tpu.memory_space<vmem>>) attributes {dimension_semantics = [#tpu.dimension_semantics<arbitrary>], iteration_bounds = array<i64: 5>, scalar_prefetch = 0 : i64, scratch_operands = 0 : i64, tpu.core_type = #tpu.core_type<tc>, window_params = [{transform_indices = @transform_0, window_bounds = array<i64: 1, 1>}, {transform_indices = @transform_1, window_bounds = array<i64: 2000, 128>}, {transform_indices = @transform_2, window_bounds = array<i64: 2, 2000, 128>}, {pipeline_mode = #tpu.pipeline_mode<synchronous>, transform_indices = @transform_3, window_bounds = array<i64: 128, 128>}, {pipeline_mode = #tpu.pipeline_mode<synchronous>, transform_indices = @transform_4, window_bounds = array<i64: 1, 128>}, {pipeline_mode = #tpu.pipeline_mode<synchronous>, transform_indices = @transform_5, window_bounds = array<i64: 128, 128>}, {pipeline_mode = #tpu.pipeline_mode<synchronous>, transform_indices = @transform_6, window_bounds = array<i64: 1, 128>}, {transform_indices = @transform_7, window_bounds = array<i64: 2000, 128>}]} {
    %get3A = arith.constant 0 : index
    %get3A_0 = arith.constant 0 : index
    %get3A_1 = memref.load %arg1[%get3A, %get3A_0] : memref<1x1xf32, #tpu.memory_space<smem>>
    %get3A_2 = arith.constant 0 : index
    %get3A_3 = arith.constant 0 : index
    %get3A_4 = vector.load %arg2[%get3A_2, %get3A_3] : memref<2000x128xf32, #tpu.memory_space<vmem>>, vector<2000x128xf32>
    %mul3A = vector.broadcast %get3A_1 : f32 to vector<2000x128xf32>
    %mul3A_5 = arith.mulf %mul3A, %get3A_4 : vector<2000x128xf32>
    %get3A_6 = arith.constant 0 : index
    %get3A_7 = arith.constant 0 : index
    %get3A_8 = arith.constant 0 : index
    %get3A_9 = vector.load %arg3[%get3A_6, %get3A_7, %get3A_8] : memref<2x2000x128xf32, #tpu.memory_space<vmem>>, vector<1x2000x128xf32>
    %get3A_10 = vector.shape_cast %get3A_9 : vector<1x2000x128xf32> to vector<2000x128xf32>
    %add3A = arith.addf %mul3A_5, %get3A_10 : vector<2000x128xf32>
    %get3A_11 = arith.constant 1 : index
    %get3A_12 = arith.constant 0 : index
    %get3A_13 = arith.constant 0 : index
    %get3A_14 = vector.load %arg3[%get3A_11, %get3A_12, %get3A_13] : memref<2x2000x128xf32, #tpu.memory_space<vmem>>, vector<1x2000x128xf32>
    %get3A_15 = vector.shape_cast %get3A_14 : vector<1x2000x128xf32> to vector<2000x128xf32>
    %add3A_16 = arith.addf %add3A, %get3A_15 : vector<2000x128xf32>
    %get3A_17 = arith.constant 0 : index
    %get3A_18 = arith.constant 0 : index
    %get3A_19 = vector.load %arg4[%get3A_17, %get3A_18] : memref<128x128xf32, #tpu.memory_space<vmem>>, vector<128x128xf32>
    %dot_general3A = arith.constant dense<0.000000e+00> : vector<2000x128xf32>
    %dot_general3A_20 = tpu.matmul %add3A_16, %get3A_19, %dot_general3A {dimension_numbers = #tpu.dot_dimension_numbers<[1], [0], [0], [1], [0, 0, 1, 1], [], []>, transpose_lhs_hint = false} : vector<2000x128xf32>, vector<128x128xf32>, vector<2000x128xf32> -> vector<2000x128xf32>
    %get3A_21 = arith.constant 0 : index
    %get3A_22 = arith.constant 0 : index
    %get3A_23 = vector.load %arg5[%get3A_21, %get3A_22] : memref<1x128xf32, #tpu.memory_space<vmem>>, vector<1x128xf32>
    %add3A_24 = vector.broadcast %get3A_23 : vector<1x128xf32> to vector<2000x128xf32>
    %add3A_25 = arith.addf %dot_general3A_20, %add3A_24 : vector<2000x128xf32>
    %max3A = arith.constant 0.000000e+00 : f32
    %max3A_26 = vector.broadcast %max3A : f32 to vector<2000x128xf32>
    %max3A_27 = arith.maximumf %add3A_25, %max3A_26 : vector<2000x128xf32>
    %get3A_28 = arith.constant 0 : index
    %get3A_29 = arith.constant 0 : index
    %get3A_30 = vector.load %arg6[%get3A_28, %get3A_29] : memref<128x128xf32, #tpu.memory_space<vmem>>, vector<128x128xf32>
    %dot_general3A_31 = arith.constant dense<0.000000e+00> : vector<2000x128xf32>
    %dot_general3A_32 = tpu.matmul %max3A_27, %get3A_30, %dot_general3A_31 {dimension_numbers = #tpu.dot_dimension_numbers<[1], [0], [0], [1], [0, 0, 1, 1], [], []>, transpose_lhs_hint = false} : vector<2000x128xf32>, vector<128x128xf32>, vector<2000x128xf32> -> vector<2000x128xf32>
    %get3A_33 = arith.constant 0 : index
    %get3A_34 = arith.constant 0 : index
    %get3A_35 = vector.load %arg7[%get3A_33, %get3A_34] : memref<1x128xf32, #tpu.memory_space<vmem>>, vector<1x128xf32>
    %add3A_36 = vector.broadcast %get3A_35 : vector<1x128xf32> to vector<2000x128xf32>
    %add3A_37 = arith.addf %dot_general3A_32, %add3A_36 : vector<2000x128xf32>
    %ge3A = arith.constant 0.000000e+00 : f32
    %ge3A_38 = vector.broadcast %ge3A : f32 to vector<2000x128xf32>
    %ge3A_39 = arith.cmpf oge, %add3A_37, %ge3A_38 : vector<2000x128xf32>
    %mul3A_40 = arith.constant 0.00999999977 : f32
    %mul3A_41 = vector.broadcast %mul3A_40 : f32 to vector<2000x128xf32>
    %mul3A_42 = arith.mulf %mul3A_41, %add3A_37 : vector<2000x128xf32>
    %select_n3A = arith.select %ge3A_39, %add3A_37, %mul3A_42 : vector<2000x128xi1>, vector<2000x128xf32>
    %swap3A = arith.constant 0 : index
    %swap3A_43 = arith.constant 0 : index
    %swap3A_44 = vector.load %arg8[%swap3A, %swap3A_43] : memref<2000x128xf32, #tpu.memory_space<vmem>>, vector<2000x128xf32>
    tpu.vector_store %arg8[%swap3A, %swap3A_43], %select_n3A {strides = array<i32>} : memref<2000x128xf32, #tpu.memory_space<vmem>>, vector<2000x128xf32>,
    return
  }
  func.func @transform_0(%arg0: i32) -> (i32, i32) {
    %c0_i32 = arith.constant 0 : i32
    %c0_i32_0 = arith.constant 0 : i32
    %c0_i32_1 = arith.constant 0 : i32
    return %c0_i32, %c0_i32_0 : i32, i32
  }
  func.func @transform_1(%arg0: i32) -> (i32, i32) {
    %c0_i32 = arith.constant 0 : i32
    %c0_i32_0 = arith.constant 0 : i32
    return %arg0, %c0_i32 : i32, i32
  }
  func.func @transform_2(%arg0: i32) -> (i32, i32, i32) {
    %c0_i32 = arith.constant 0 : i32
    %c0_i32_0 = arith.constant 0 : i32
    %c0_i32_1 = arith.constant 0 : i32
    return %c0_i32, %arg0, %c0_i32_0 : i32, i32, i32
  }
  func.func @transform_3(%arg0: i32) -> (i32, i32) {
    %c0_i32 = arith.constant 0 : i32
    %c0_i32_0 = arith.constant 0 : i32
    %c0_i32_1 = arith.constant 0 : i32
    return %c0_i32, %c0_i32_0 : i32, i32
  }
  func.func @transform_4(%arg0: i32) -> (i32, i32) {
    %c0_i32 = arith.constant 0 : i32
    %c0_i32_0 = arith.constant 0 : i32
    %c0_i32_1 = arith.constant 0 : i32
    return %c0_i32, %c0_i32_0 : i32, i32
  }
  func.func @transform_5(%arg0: i32) -> (i32, i32) {
    %c0_i32 = arith.constant 0 : i32
    %c0_i32_0 = arith.constant 0 : i32
    %c0_i32_1 = arith.constant 0 : i32
    return %c0_i32, %c0_i32_0 : i32, i32
  }
  func.func @transform_6(%arg0: i32) -> (i32, i32) {
    %c0_i32 = arith.constant 0 : i32
    %c0_i32_0 = arith.constant 0 : i32
    %c0_i32_1 = arith.constant 0 : i32
    return %c0_i32, %c0_i32_0 : i32, i32
  }
  func.func @transform_7(%arg0: i32) -> (i32, i32) {
    %c0_i32 = arith.constant 0 : i32
    %c0_i32_0 = arith.constant 0 : i32
    return %arg0, %c0_i32 : i32, i32
  }
}

module attributes {stable_mosaic.version = 14 : i64} {
  func.func @_final_body(%arg0: i32, %arg1: memref<1x1xf32, #tpu.memory_space<smem>>, %arg2: memref<2000x128xf32, #tpu.memory_space<vmem>>, %arg3: memref<2x2000x128xf32, #tpu.memory_space<vmem>>, %arg4: memref<128x128xf32, #tpu.memory_space<vmem>>, %arg5: memref<1x128xf32, #tpu.memory_space<vmem>>, %arg6: memref<128x128xf32, #tpu.memory_space<vmem>>, %arg7: memref<1x128xf32, #tpu.memory_space<vmem>>, %arg8: memref<128x128xf32, #tpu.memory_space<vmem>>, %arg9: memref<1x128xf32, #tpu.memory_space<vmem>>, %arg10: memref<128x128xf32, #tpu.memory_space<vmem>>, %arg11: memref<1x128xf32, #tpu.memory_space<vmem>>, %arg12: memref<2000x128xf32, #tpu.memory_space<vmem>>, %arg13: memref<2000x128xf32, #tpu.memory_space<vmem>>) attributes {dimension_semantics = [#tpu.dimension_semantics<arbitrary>], iteration_bounds = array<i64: 5>, scalar_prefetch = 0 : i64, scratch_operands = 0 : i64, tpu.core_type = #tpu.core_type<tc>, window_params = [{transform_indices = @transform_0, window_bounds = array<i64: 1, 1>}, {transform_indices = @transform_1, window_bounds = array<i64: 2000, 128>}, {transform_indices = @transform_2, window_bounds = array<i64: 2, 2000, 128>}, {pipeline_mode = #tpu.pipeline_mode<synchronous>, transform_indices = @transform_3, window_bounds = array<i64: 128, 128>}, {pipeline_mode = #tpu.pipeline_mode<synchronous>, transform_indices = @transform_4, window_bounds = array<i64: 1, 128>}, {pipeline_mode = #tpu.pipeline_mode<synchronous>, transform_indices = @transform_5, window_bounds = array<i64: 128, 128>}, {pipeline_mode = #tpu.pipeline_mode<synchronous>, transform_indices = @transform_6, window_bounds = array<i64: 1, 128>}, {pipeline_mode = #tpu.pipeline_mode<synchronous>, transform_indices = @transform_7, window_bounds = array<i64: 128, 128>}, {pipeline_mode = #tpu.pipeline_mode<synchronous>, transform_indices = @transform_8, window_bounds = array<i64: 1, 128>}, {pipeline_mode = #tpu.pipeline_mode<synchronous>, transform_indices = @transform_9, window_bounds = array<i64: 128, 128>}, {pipeline_mode = #tpu.pipeline_mode<synchronous>, transform_indices = @transform_10, window_bounds = array<i64: 1, 128>}, {transform_indices = @transform_11, window_bounds = array<i64: 2000, 128>}, {transform_indices = @transform_12, window_bounds = array<i64: 2000, 128>}]} {
    %get3A = arith.constant 0 : index
    %get3A_0 = arith.constant 0 : index
    %get3A_1 = memref.load %arg1[%get3A, %get3A_0] : memref<1x1xf32, #tpu.memory_space<smem>>
    %get3A_2 = arith.constant 0 : index
    %get3A_3 = arith.constant 0 : index
    %get3A_4 = vector.load %arg2[%get3A_2, %get3A_3] : memref<2000x128xf32, #tpu.memory_space<vmem>>, vector<2000x128xf32>
    %mul3A = vector.broadcast %get3A_1 : f32 to vector<2000x128xf32>
    %mul3A_5 = arith.mulf %mul3A, %get3A_4 : vector<2000x128xf32>
    %get3A_6 = arith.constant 0 : index
    %get3A_7 = arith.constant 0 : index
    %get3A_8 = arith.constant 0 : index
    %get3A_9 = vector.load %arg3[%get3A_6, %get3A_7, %get3A_8] : memref<2x2000x128xf32, #tpu.memory_space<vmem>>, vector<1x2000x128xf32>
    %get3A_10 = vector.shape_cast %get3A_9 : vector<1x2000x128xf32> to vector<2000x128xf32>
    %add3A = arith.addf %mul3A_5, %get3A_10 : vector<2000x128xf32>
    %get3A_11 = arith.constant 1 : index
    %get3A_12 = arith.constant 0 : index
    %get3A_13 = arith.constant 0 : index
    %get3A_14 = vector.load %arg3[%get3A_11, %get3A_12, %get3A_13] : memref<2x2000x128xf32, #tpu.memory_space<vmem>>, vector<1x2000x128xf32>
    %get3A_15 = vector.shape_cast %get3A_14 : vector<1x2000x128xf32> to vector<2000x128xf32>
    %add3A_16 = arith.addf %add3A, %get3A_15 : vector<2000x128xf32>
    %get3A_17 = arith.constant 0 : index
    %get3A_18 = arith.constant 0 : index
    %get3A_19 = vector.load %arg4[%get3A_17, %get3A_18] : memref<128x128xf32, #tpu.memory_space<vmem>>, vector<128x128xf32>
    %dot_general3A = arith.constant dense<0.000000e+00> : vector<2000x128xf32>
    %dot_general3A_20 = tpu.matmul %add3A_16, %get3A_19, %dot_general3A {dimension_numbers = #tpu.dot_dimension_numbers<[1], [0], [0], [1], [0, 0, 1, 1], [], []>, transpose_lhs_hint = false} : vector<2000x128xf32>, vector<128x128xf32>, vector<2000x128xf32> -> vector<2000x128xf32>
    %get3A_21 = arith.constant 0 : index
    %get3A_22 = arith.constant 0 : index
    %get3A_23 = vector.load %arg5[%get3A_21, %get3A_22] : memref<1x128xf32, #tpu.memory_space<vmem>>, vector<1x128xf32>
    %add3A_24 = vector.broadcast %get3A_23 : vector<1x128xf32> to vector<2000x128xf32>
    %add3A_25 = arith.addf %dot_general3A_20, %add3A_24 : vector<2000x128xf32>
    %max3A = arith.constant 0.000000e+00 : f32
    %max3A_26 = vector.broadcast %max3A : f32 to vector<2000x128xf32>
    %max3A_27 = arith.maximumf %add3A_25, %max3A_26 : vector<2000x128xf32>
    %get3A_28 = arith.constant 0 : index
    %get3A_29 = arith.constant 0 : index
    %get3A_30 = vector.load %arg6[%get3A_28, %get3A_29] : memref<128x128xf32, #tpu.memory_space<vmem>>, vector<128x128xf32>
    %dot_general3A_31 = arith.constant dense<0.000000e+00> : vector<2000x128xf32>
    %dot_general3A_32 = tpu.matmul %max3A_27, %get3A_30, %dot_general3A_31 {dimension_numbers = #tpu.dot_dimension_numbers<[1], [0], [0], [1], [0, 0, 1, 1], [], []>, transpose_lhs_hint = false} : vector<2000x128xf32>, vector<128x128xf32>, vector<2000x128xf32> -> vector<2000x128xf32>
    %get3A_33 = arith.constant 0 : index
    %get3A_34 = arith.constant 0 : index
    %get3A_35 = vector.load %arg7[%get3A_33, %get3A_34] : memref<1x128xf32, #tpu.memory_space<vmem>>, vector<1x128xf32>
    %add3A_36 = vector.broadcast %get3A_35 : vector<1x128xf32> to vector<2000x128xf32>
    %add3A_37 = arith.addf %dot_general3A_32, %add3A_36 : vector<2000x128xf32>
    %swap3A = arith.constant 0 : index
    %swap3A_38 = arith.constant 0 : index
    %swap3A_39 = vector.load %arg12[%swap3A, %swap3A_38] : memref<2000x128xf32, #tpu.memory_space<vmem>>, vector<2000x128xf32>
    tpu.vector_store %arg12[%swap3A, %swap3A_38], %add3A_37 {strides = array<i32>} : memref<2000x128xf32, #tpu.memory_space<vmem>>, vector<2000x128xf32>,
    %get3A_40 = arith.constant 0 : index
    %get3A_41 = arith.constant 0 : index
    %get3A_42 = vector.load %arg8[%get3A_40, %get3A_41] : memref<128x128xf32, #tpu.memory_space<vmem>>, vector<128x128xf32>
    %dot_general3A_43 = arith.constant dense<0.000000e+00> : vector<2000x128xf32>
    %dot_general3A_44 = tpu.matmul %add3A_37, %get3A_42, %dot_general3A_43 {dimension_numbers = #tpu.dot_dimension_numbers<[1], [0], [0], [1], [0, 0, 1, 1], [], []>, transpose_lhs_hint = false} : vector<2000x128xf32>, vector<128x128xf32>, vector<2000x128xf32> -> vector<2000x128xf32>
    %get3A_45 = arith.constant 0 : index
    %get3A_46 = arith.constant 0 : index
    %get3A_47 = vector.load %arg9[%get3A_45, %get3A_46] : memref<1x128xf32, #tpu.memory_space<vmem>>, vector<1x128xf32>
    %add3A_48 = vector.broadcast %get3A_47 : vector<1x128xf32> to vector<2000x128xf32>
    %add3A_49 = arith.addf %dot_general3A_44, %add3A_48 : vector<2000x128xf32>
    %max3A_50 = arith.constant 0.000000e+00 : f32
    %max3A_51 = vector.broadcast %max3A_50 : f32 to vector<2000x128xf32>
    %max3A_52 = arith.maximumf %add3A_49, %max3A_51 : vector<2000x128xf32>
    %get3A_53 = arith.constant 0 : index
    %get3A_54 = arith.constant 0 : index
    %get3A_55 = vector.load %arg10[%get3A_53, %get3A_54] : memref<128x128xf32, #tpu.memory_space<vmem>>, vector<128x128xf32>
    %dot_general3A_56 = arith.constant dense<0.000000e+00> : vector<2000x128xf32>
    %dot_general3A_57 = tpu.matmul %max3A_52, %get3A_55, %dot_general3A_56 {dimension_numbers = #tpu.dot_dimension_numbers<[1], [0], [0], [1], [0, 0, 1, 1], [], []>, transpose_lhs_hint = false} : vector<2000x128xf32>, vector<128x128xf32>, vector<2000x128xf32> -> vector<2000x128xf32>
    %get3A_58 = arith.constant 0 : index
    %get3A_59 = arith.constant 0 : index
    %get3A_60 = vector.load %arg11[%get3A_58, %get3A_59] : memref<1x128xf32, #tpu.memory_space<vmem>>, vector<1x128xf32>
    %add3A_61 = vector.broadcast %get3A_60 : vector<1x128xf32> to vector<2000x128xf32>
    %add3A_62 = arith.addf %dot_general3A_57, %add3A_61 : vector<2000x128xf32>
    %swap3A_63 = arith.constant 0 : index
    %swap3A_64 = arith.constant 0 : index
    %swap3A_65 = vector.load %arg13[%swap3A_63, %swap3A_64] : memref<2000x128xf32, #tpu.memory_space<vmem>>, vector<2000x128xf32>
    tpu.vector_store %arg13[%swap3A_63, %swap3A_64], %add3A_62 {strides = array<i32>} : memref<2000x128xf32, #tpu.memory_space<vmem>>, vector<2000x128xf32>,
    return
  }
  func.func @transform_0(%arg0: i32) -> (i32, i32) {
    %c0_i32 = arith.constant 0 : i32
    %c0_i32_0 = arith.constant 0 : i32
    %c0_i32_1 = arith.constant 0 : i32
    return %c0_i32, %c0_i32_0 : i32, i32
  }
  func.func @transform_1(%arg0: i32) -> (i32, i32) {
    %c0_i32 = arith.constant 0 : i32
    %c0_i32_0 = arith.constant 0 : i32
    return %arg0, %c0_i32 : i32, i32
  }
  func.func @transform_2(%arg0: i32) -> (i32, i32, i32) {
    %c0_i32 = arith.constant 0 : i32
    %c0_i32_0 = arith.constant 0 : i32
    %c0_i32_1 = arith.constant 0 : i32
    return %c0_i32, %arg0, %c0_i32_0 : i32, i32, i32
  }
  func.func @transform_3(%arg0: i32) -> (i32, i32) {
    %c0_i32 = arith.constant 0 : i32
    %c0_i32_0 = arith.constant 0 : i32
    %c0_i32_1 = arith.constant 0 : i32
    return %c0_i32, %c0_i32_0 : i32, i32
  }
  func.func @transform_4(%arg0: i32) -> (i32, i32) {
    %c0_i32 = arith.constant 0 : i32
    %c0_i32_0 = arith.constant 0 : i32
    %c0_i32_1 = arith.constant 0 : i32
    return %c0_i32, %c0_i32_0 : i32, i32
  }
  func.func @transform_5(%arg0: i32) -> (i32, i32) {
    %c0_i32 = arith.constant 0 : i32
    %c0_i32_0 = arith.constant 0 : i32
    %c0_i32_1 = arith.constant 0 : i32
    return %c0_i32, %c0_i32_0 : i32, i32
  }
  func.func @transform_6(%arg0: i32) -> (i32, i32) {
    %c0_i32 = arith.constant 0 : i32
    %c0_i32_0 = arith.constant 0 : i32
    %c0_i32_1 = arith.constant 0 : i32
    return %c0_i32, %c0_i32_0 : i32, i32
  }
  func.func @transform_7(%arg0: i32) -> (i32, i32) {
    %c0_i32 = arith.constant 0 : i32
    %c0_i32_0 = arith.constant 0 : i32
    %c0_i32_1 = arith.constant 0 : i32
    return %c0_i32, %c0_i32_0 : i32, i32
  }
  func.func @transform_8(%arg0: i32) -> (i32, i32) {
    %c0_i32 = arith.constant 0 : i32
    %c0_i32_0 = arith.constant 0 : i32
    %c0_i32_1 = arith.constant 0 : i32
    return %c0_i32, %c0_i32_0 : i32, i32
  }
  func.func @transform_9(%arg0: i32) -> (i32, i32) {
    %c0_i32 = arith.constant 0 : i32
    %c0_i32_0 = arith.constant 0 : i32
    %c0_i32_1 = arith.constant 0 : i32
    return %c0_i32, %c0_i32_0 : i32, i32
  }
  func.func @transform_10(%arg0: i32) -> (i32, i32) {
    %c0_i32 = arith.constant 0 : i32
    %c0_i32_0 = arith.constant 0 : i32
    %c0_i32_1 = arith.constant 0 : i32
    return %c0_i32, %c0_i32_0 : i32, i32
  }
  func.func @transform_11(%arg0: i32) -> (i32, i32) {
    %c0_i32 = arith.constant 0 : i32
    %c0_i32_0 = arith.constant 0 : i32
    return %arg0, %c0_i32 : i32, i32
  }
  func.func @transform_12(%arg0: i32) -> (i32, i32) {
    %c0_i32 = arith.constant 0 : i32
    %c0_i32_0 = arith.constant 0 : i32
    return %arg0, %c0_i32 : i32, i32
  }
}

</mosaic_0001>

<sc_bundles>
// kernel: kernel.12.cloned.1.call-start
scs
__scs_entry_jumppad:
0x0: {  	(pc) =	sbr.rel $0x88, $3  }
0x1: {  	(tag) =	ssettag $0x0;
	lr =	simm.s32 $0x1  }
0x2: {  	[smem:$0x3F88] =	sst lr;
	_ =	strace $0xD0000000  }
0x3: {  	_ = 	snop  }
0x4: {  	_ = 	snop  }
0x5: {  	_ = 	snop  }
0x6: {  	_ = 	snop  }
0x7: {  	_ = 	snop  }
__scs_overlays_trampoline_lowered:
0x8: {  	[smem:$0x3F97] =	sst s0  }
0x9: {  	[smem:$0x3F98] =	sst s1  }
0xa: {  	[smem:$0x3F99] =	sst s2  }
0xb: {  	[smem:$0x3F9A] =	sst s3  }
0xc: {  	[smem:$0x3F9B] =	sst s4  }
0xd: {  	[smem:$0x3F9C] =	sst s5  }
0xe: {  	[smem:$0x3F9D] =	sst s6  }
0xf: {  	[smem:$0x3F9E] =	sst s7  }
0x10: {  	[smem:$0x3F9F] =	sst s8  }
0x11: {  	[smem:$0x3FA0] =	sst s9;
	s0 =	simm.s32 @!p0 $0x0  }
0x12: {  	s1 =	sld [smem:$0x3F86];
	s0 =	simm.s32 @p0 $0x1  }
0x13: {  	[smem:$0x3FA1] =	sst s0;
	s0 =	simm.s32 @!p1 $0x0  }
0x14: {  	s2 =	sld [smem:$0x3F85];
	s0 =	simm.s32 @p1 $0x1  }
0x15: {  	[smem:$0x3FA2] =	sst s0;
	s0 =	simm.s32 @!p2 $0x0  }
0x16: {  	s3 =	sld [smem:$0x3FDB];
	s0 =	simm.s32 @p2 $0x1  }
0x17: {  	s4 =	simm.s32 $0x1BF5;
	[smem:$0x3FA4] =	sst s0  }
0x18: {  	s0 =	sld [smem:$0x3F87];
	_ =	swait.ge [sflag:s4], $0x0  }
0x19: {  	s7 =	sld [smem:$0x3F88]  }
0x1a: {  	s8 =	sadd.s32 $0xFFFFE003, lr  }
0x1b: {  	s9 =	sadd.s32 $0xFFFFFEF7, lr;
	s5 =	simm.s32 $0xFFFFFFFF;
	p2 =	slt.u32 s8, $0xFFFFF086  }
0x1c: {  	p1 =	slt.u32 s9, $0xF7A;
	s5 =	simm.s32 @!p2 $0x0  }
0x1d: {  	s5 =	simm.s32 @p1 $0x1;
	p0 =	seq.s32 s7, s2  }
0x1e: {  	s7 =	smul.u32 @!p0 $0xF7A, s2;
	p2 =	seq.s32 @!p0 s5, $0x0  }
0x1f: {  	s9 =	smul.u32 $0xF7A, s1;
	s8 =	simm.s32 @!p0 $0x1BF5;
	p2 =	por !p2, p0  }
0x20: {  	[sflag:s8] =	ssyncset.s32 @!p0 $0xFFFFF086;
	s6 =	sadd.s32 @!p0 s3, s7;
	s7 =	simm.s32 @!p0 $0x108  }
0x21: {  	s3 =	sadd.s32 s3, s9;
	s6 =	sadd.s32 @!p0 $0x88, s6;
	s7 =	simm.s32 @p2 $0x1082  }
0x22: {  	[simem:s7], [sflag:s8] =	dma.local @!p0 [hbm:s6], $0xF7A  }
0x23: {  	s9 =	sor.u32 $0xD0000000, s2;
	s6 =	simm.s32 $0x108;
	_ =	swait.ge @!p0 [sflag:s8], $0x0  }
0x24: {  	s3 =	sadd.s32 $0x88, s3;
	s6 =	simm.s32 @!p1 $0x1082;
	[sflag:s4] =	ssyncset.s32 $0xFFFFF086  }
0x25: {  	[simem:s6], [sflag:s4] =	dma.local [hbm:s3], $0xF7A  }
0x26: {  	[smem:$0x3F88] =	sst s1;
	(tag) =	ssettag s2;
	_ =	strace s9  }
0x27: {  	s1 =	sld [smem:$0x3F98]  }
0x28: {  	s2 =	sld [smem:$0x3F99]  }
0x29: {  	s4 =	sld [smem:$0x3F9B]  }
0x2a: {  	p0 =	seq.s32 s5, $0x0;
	s5 =	sld [smem:$0x3F9C]  }
0x2b: {  	s6 =	sld [smem:$0x3F9D]  }
0x2c: {  	s7 =	sld [smem:$0x3F9E]  }
0x2d: {  	s3 =	simm.s32 $0x108;
	s8 =	sld [smem:$0x3F9F]  }
0x2e: {  	s3 =	simm.s32 @!p0 $0x1082;
	s9 =	sld [smem:$0x3FA0]  }
0x2f: {  	lr =	sadd.s32 s0, s3;
	s0 =	sld [smem:$0x3F97]  }
0x30: {  	s3 =	sld [smem:$0x3F9A]  }
0x31: {  	[smem:$0x3FA3] =	sst s10  }
0x32: {  	s10 =	sld [smem:$0x3FA1];
	_ =	sdelay $0x3  }
0x33: {  	p0 =	seq.s32 s10, $0x1;
	s10 =	sld [smem:$0x3FA3];
	_ =	sdelay $0x3  }
0x34: {  	[smem:$0x3FA3] =	sst s10  }
0x35: {  	s10 =	sld [smem:$0x3FA2];
	_ =	sdelay $0x3  }
0x36: {  	p1 =	seq.s32 s10, $0x1;
	s10 =	sld [smem:$0x3FA3];
	_ =	sdelay $0x3  }
0x37: {  	[smem:$0x3FA3] =	sst s10  }
0x38: {  	s10 =	sld [smem:$0x3FA4]  }
0x39: {  	_ = 	snop;
	(pc) =	sbr.ind lr, $3  }
0x3a: {  	_ = 	snop  }
0x3b: {  	_ = 	snop  }
0x3c: {  	p2 =	seq.s32 s10, $0x1;
	s10 =	sld [smem:$0x3FA3]  }
0x3d: {  	_ =	shalt  }
0x3e: {  	_ =	shalt  }
0x3f: {  	_ =	shalt  }
0x40: {  	_ =	shalt  }
0x41: {  	_ =	shalt  }
0x42: {  	_ =	shalt  }
0x43: {  	_ =	shalt  }
0x44: {  	_ =	shalt  }
0x45: {  	_ =	shalt  }
0x46: {  	_ =	shalt  }
0x47: {  	_ =	shalt  }
0x48: {  	_ =	shalt  }
0x49: {  	_ =	shalt  }
0x4a: {  	_ =	shalt  }
0x4b: {  	_ =	shalt  }
0x4c: {  	_ =	shalt  }
0x4d: {  	_ =	shalt  }
0x4e: {  	_ =	shalt  }
0x4f: {  	_ =	shalt  }
0x50: {  	_ =	shalt  }
0x51: {  	_ =	shalt  }
0x52: {  	_ =	shalt  }
0x53: {  	_ =	shalt  }
0x54: {  	_ =	shalt  }
0x55: {  	_ =	shalt  }
0x56: {  	_ =	shalt  }
0x57: {  	_ =	shalt  }
0x58: {  	_ =	shalt  }
0x59: {  	_ =	shalt  }
0x5a: {  	_ =	shalt  }
0x5b: {  	_ =	shalt  }
0x5c: {  	_ =	shalt  }
0x5d: {  	_ =	shalt  }
0x5e: {  	_ =	shalt  }
0x5f: {  	_ =	shalt  }
0x60: {  	_ =	shalt  }
0x61: {  	_ =	shalt  }
0x62: {  	_ =	shalt  }
0x63: {  	_ =	shalt  }
0x64: {  	_ =	shalt  }
0x65: {  	_ =	shalt  }
0x66: {  	_ =	shalt  }
0x67: {  	_ =	shalt  }
0x68: {  	_ =	shalt  }
0x69: {  	_ =	shalt  }
0x6a: {  	_ =	shalt  }
0x6b: {  	_ =	shalt  }
0x6c: {  	_ =	shalt  }
0x6d: {  	_ =	shalt  }
0x6e: {  	_ =	shalt  }
0x6f: {  	_ =	shalt  }
0x70: {  	_ =	shalt  }
0x71: {  	_ =	shalt  }
0x72: {  	_ =	shalt  }
0x73: {  	_ =	shalt  }
0x74: {  	_ =	shalt  }
0x75: {  	_ =	shalt  }
0x76: {  	_ =	shalt  }
0x77: {  	_ =	shalt  }
0x78: {  	_ =	shalt  }
0x79: {  	_ =	shalt  }
0x7a: {  	_ =	shalt  }
0x7b: {  	_ =	shalt  }
0x7c: {  	_ =	shalt  }
0x7d: {  	_ =	shalt  }
0x7e: {  	_ =	shalt  }
0x7f: {  	_ =	shalt  }
0x80: {  	_ =	shalt  }
0x81: {  	_ =	shalt  }
0x82: {  	_ =	shalt  }
0x83: {  	_ =	shalt  }
0x84: {  	_ =	shalt  }
0x85: {  	_ =	shalt  }
0x86: {  	_ =	shalt  }
0x87: {  	_ =	shalt  }
.Lfunc_end0:
.L_simem_size_0:
called_computation.1_lowered:
.L_overlay_start_0:
0x88: {  	s2 =	sld [smem:$0x3FD9]  }
0x89: {  	s3 =	sld [smem:$0x3FFE];
	_ =	sdelay $0x1  }
0x8a: {  	s1 =	srdreg.scid  }
0x8b: {  	s0 =	sand.u32 $0x1, s1  }
0x8c: {  	s14 =	sshll.u32 s0, $0xA;
	s2 =	sadd.s32 s3, s2  }
0x8d: {  	s2 =	sadd.s32 s2, s14  }
0x8e: {  	[smem:$0x3FAF] =	sst s2  }
0x8f: {  	_ = 	snop  }
0x90: {  	s2 =	sld [smem:$0x3FD0];
	_ =	sdelay $0x2  }
0x91: {  	s15 =	simm.s32 $0xA;
	s4 =	simm.s32 $0x10  }
0x92: {  	[smem:s4], [sflag:s15] =	dma.local [hbm:s2], $0x1  }
0x93: {  	_ =	swait.eq [sflag:s15], $0x1  }
0x94: {  	[sflag:s15] =	ssyncset.done $0x0  }
0x95: {  	s16 =	sld [smem:$0x10];
	[sflag:s15] =	ssyncadd.s32 $0xFFFFFFFF  }
0x96: {  	s17 =	sld [smem:$0x11];
	(tm) =	ssettm $0x1  }
0x97: {  	s18 =	sld [smem:$0x3FFB];
	_ =	sdelay $0x3  }
0x98: {  	_ =	strace s18  }
0x99: {  	s4 =	sld [smem:$0x3FFC];
	_ =	sdelay $0x3  }
0x9a: {  	_ =	strace s4  }
0x9b: {  	s4 =	sld [smem:$0x3FFD];
	_ =	sdelay $0x3  }
0x9c: {  	_ =	strace s4  }
0x9d: {  	_ =	strace $0x8FFFFFFF  }
0x9e: {  	s19 =	sld [smem:$0x3FDB];
	_ =	sdelay $0x1  }
0x9f: {  	s5 =	simm.s32 $_scs_section_size  }
0xa0: {  	s6 =	simm.s32 $_size__tile_overlayer_lowered;
	s7 =	simm.s32 $_tile_overlayer_lowered  }
0xa1: {  	s22 =	simm.s32 $0x1BFF;
	s21 =	sshll.u32 s7, $0x1;
	s4 =	sadd.s32 s5, s19  }
0xa2: {  	s8 =	simm.s32 $0x0;
	s20 =	sshll.u32 s6, $0x1;
	s6 =	sadd.s32 s21, s4  }
0xa3: {  	[timem:s8], [sflag:s22] =	dma.local [hbm:s6], s20  }
0xa4: {  	_ =	swait.ge [sflag:s22], s20  }
0xa5: {  	s5 =	ssub.s32 $0x0, s20;
	[sflag:s22] =	ssyncset.done $0x0  }
0xa6: {  	[sflag:s22] =	ssyncadd.s32 s5;
	_ =	sdelay $0x1  }
0xa7: {  	s23 =	simm.s32 $0x1B8B  }
0xa8: {  	_ =	swait.ge [sflag:s23], $0x1  }
0xa9: {  	[sflag:s23] =	ssyncset.done $0x0  }
0xaa: {  	s25 =	simm.s32 $0x1B8E;
	s24 =	sld [smem:$0x3FFE];
	[sflag:s23] =	ssyncadd.s32 $0xFFFFFFFF  }
0xab: {  	s26 =	simm.s32 $execute0_lowered;
	[smem:$0x3FD2] =	sst s25  }
0xac: {  	s6 =	sshll.u32 s26, $0x1;
	_ =	strace $0x80000049;
	[dreg:$0x1] =	wrdreg $0xFFFFFFFF  }
0xad: {  	s28 =	simm.s32 $_size_execute0_lowered;
	s4 =	sadd.s32 s4, s6;
	[dreg:$0x0] =	wrdreg $0x0  }
0xae: {  	s6 =	sshll.u32 s28, $0x1;
	[dreg:$0x2] =	wrdreg s4  }
0xaf: {  	[dreg:$0x3] =	wrdreg s6  }
0xb0: {  	[dreg:$0x4] =	wrdreg $0xC0  }
0xb1: {  	_ =	task [dreg:s8], $0x5FFFF  }
0xb2: {  	[dreg:$0x1] =	wrdreg $0xFFFFFFFF  }
0xb3: {  	[dreg:$0x0] =	wrdreg $0x60  }
0xb4: {  	[dreg:$0x2] =	wrdreg s17  }
0xb5: {  	[dreg:$0x3] =	wrdreg s24  }
0xb6: {  	[dreg:$0x4] =	wrdreg s16  }
0xb7: {  	[dreg:$0x5] =	wrdreg $0x9F000  }
0xb8: {  	[dreg:$0x6] =	wrdreg $0x9  }
0xb9: {  	_ =	task.clear_ibuf [dreg:s8], $0x7FFFF;
	_ =	strace $0x90000049  }
0xba: {  	s29 =	simm.s32 $0x9;
	_ =	strace $0x8000004B  }
0xbb: {  	_ =	swait.ge [sflag:s29], $0x1  }
0xbc: {  	[sflag:s29] =	ssyncadd.s32 $0xFFFFFFFF  }
0xbd: {  	_ =	strace $0x9000004B  }
0xbe: {  	_ =	sfence  }
0xbf: {  	s30 =	sld [smem:$0x0];
	_ =	sdelay $0x2  }
0xc0: {  	s31 =	sshll.u32 s1, $0xD;
	s1 =	sshrl.u32 s1, $0x2  }
0xc1: {  	s3 =	sand.u32 $0x4000, s31;
	s1 =	sadd.s32 s1, s30  }
0xc2: {  	s0 =	sor.u32 s3, s0;
	s1 =	sshll.u32 s1, $0x11  }
0xc3: {  	s0 =	sor.u32 s1, s0  }
0xc4: {  	s0 =	sadd.s32 $0x8F2B, s0  }
0xc5: {  	[sflag:s0] =	ssyncadd.remote.s32 $0x1  }
0xc6: {  	_ =	sfence.sel $0xFFFF  }
0xc7: {  	[dreg:$0x0] =	wrdreg $0xFFFFFFFF;
	(pc) =	sbr.abs _section_cstart, $3  }
0xc8: {  	[dreg:$0x1] =	wrdreg $0xFFFFFFFF  }
0xc9: {  	_ =	task.clear_ibuf [dreg:s8], $0x2FFFF;
	_ =	strace $0x9FFFFFFF  }
0xca: {  	(tm) =	ssettm $0x7FFFFFFF  }
0xcb: {  	_ =	shalt  }
tec
execute0_lowered:
.L_overlay_start_1:
0x0: {  	(tag) =	ssettag $0x1  }
0x1: {  	s1 =	rddreg [dreg:$0x0]  }
0x2: {  	s0 =	rddreg [dreg:$0x1]  }
0x3: {  	s2 =	rddreg [dreg:$0x2];
	s4 =	srdreg.scid  }
0x4: {  	s14 =	stileid.u32;
	s3 =	rddreg [dreg:$0x3]  }
0x5: {  	s29 =	simm.s32 $0x5F00;
	s30 =	simm.s32 $0x2;
	s31 =	simm.s32 $0x7  }
0x6: {  	s15 =	simm.s32 $0x5;
	s16 =	simm.s32 $0xA;
	s7 =	sand.u32 $0x1, s4  }
0x7: {  	s5 =	sshll.u32 s14, $0x1;
	s4 =	simm.s32 $0x0;
	s10 =	smul.u32 $0x4E000, s14  }
0x8: {  	s6 =	sadd.s32 $0xEBD600, s0;
	s12 =	smul.u32 $0x13800, s14;
	s18 =	sshll.u32 s14, $0x6  }
0x9: {  	s20 =	sadd.s32 $0x138000, s3;
	p0 =	sne.s32 s14, $0xF;
	s14 =	simm.s32 $0xD  }
0xa: {  	s8 =	sor.u32 s7, s5;
	s11 =	ssub.s32 $0x2, s7;
	s7 =	smul.u32 $0x138800, s7  }
0xb: {  	[smem:$0x7FF] =	sst s4;
	s18 =	sor.u32 $0x1C10, s18;
	s5 =	smul.u32 $0x2710, s8  }
0xc: {  	_ =	strace $0x8000004A;
	s13 =	sshrl.u32 s11, $0x1;
	s10 =	sshrl.u32 s10, $0x2  }
0xd: {  	s17 =	sshrl.u32 s12, $0x3;
	s19 =	smul.u32 $0x138800, s8;
	[dreg:$0x8] =	wrdreg s20  }
0xe: {  	s8 =	smul.u32 $0x27100, s8;
	[dreg:$0x7] =	wrdreg s18;
	s11 =	ssub.s32 s11, s13  }
0xf: {  	s10 =	sadd.s32 s10, s3;
	s24 =	sadd.s32 s12, s7;
	s7 =	sshrl.u32 s7, $0x3  }
0x10: {  	s12 =	simm.s32 $0x4;
	s13 =	simm.s32 $0x9;
	s9 =	sshrl.u32 s5, $0x3  }
0x11: {  	[dreg:$0x5] =	wrdreg s10;
	s10 =	sadd.s32 s2, s17;
	s2 =	sadd.s32 $0x27000, s2  }
0x12: {  	s21 =	sshrl.u32 s19, $0x3;
	s8 =	sadd.s32 s6, s8;
	s28 =	smax.u32 s11, $0x1  }
0x13: {  	s11 =	simm.s32 $0xC;
	s17 =	simm.s32 $0xE;
	[dreg:$0x6] =	wrdreg s10  }
0x14: {  	s19 =	simm.s32 $0x0;
	s9 =	sadd.s32 s9, s0;
	[dreg:$0x9] =	wrdreg s2  }
0x15: {  	s0 =	sadd.s32 $0x3A00, s0;
	s2 =	sadd.s32 s6, s21;
	[dreg:$0xc] =	wrdreg s8  }
0x16: {  	s8 =	sshrl.u32 s24, $0x3;
	[dreg:$0x12] =	wrdreg s28;
	s22 =	sadd.s32 $0x5BC00, s9  }
0x17: {  	s21 =	simm.s32 $0x10;
	s9 =	sadd.s32 $0x51E00, s9;
	[dreg:$0xa] =	wrdreg s22  }
0x18: {  	s24 =	simm.s32 $0x6;
	s23 =	sadd.s32 $0x100, s2;
	[dreg:$0xb] =	wrdreg s9  }
0x19: {  	s10 =	simm.s32 $0x8;
	s25 =	sadd.s32 $0x200, s2;
	[dreg:$0xd] =	wrdreg s23  }
.Ltmp0:
0x1a: {  	s2 =	sadd.s32 $0x300, s2;
	[dreg:$0xe] =	wrdreg s25;
	(pc) =	sbr.rel .LBB2_1-.Ltmp0, $4  }
0x1b: {  	s26 =	sadd.s32 s0, s8;
	s0 =	sadd.s32 s0, s7;
	[dreg:$0xf] =	wrdreg s2  }
0x1c: {  	s7 =	simm.s32 $0xB;
	s8 =	simm.s32 $0x3;
	[dreg:$0x10] =	wrdreg s26  }
0x1d: {  	s0 =	sadd.s32 $0x27000, s0;
	s25 =	simm.s32 $0x5700;
	s2 =	simm.s32 $0x6700  }
0x1e: {  	s22 =	simm.s32 $0x1;
	s26 =	simm.s32 $0x6F00;
	[dreg:$0x11] =	wrdreg s0  }
.LBB2_14:
0x1f: {  	s0 =	simm.s32 $0xF  }
0x20: {  	_ =	swait.ge [sflag:s0], $0x800  }
0x21: {  	[sflag:s0] =	ssyncset.done $0x0  }
0x22: {  	[sflag:s0] =	ssyncadd.s32 $0xFFFFF800  }
0x23: {  	[bflag:$0x0] =	sbarrier.arrive $0xFFFF  }
0x24: {  	s18 =	rddreg [dreg:$0x7]  }
0x25: {  	s23 =	rddreg [dreg:$0x10]  }
0x26: {  	s9 =	rddreg [dreg:$0x14]  }
0x27: {  	[hbm:s23], [sflag:s18] =	dma.local [spmem:s9], $0x2700  }
0x28: {  	_ =	swait.ge [sflag:s21], $0x2700  }
0x29: {  	[sflag:s21] =	ssyncset.done $0x0;
	s0 =	rddreg [dreg:$0x11]  }
0x2a: {  	s9 =	rddreg [dreg:$0x15];
	[sflag:s21] =	ssyncadd.s32 $0xFFFFD900  }
0x2b: {  	[hbm:s0], [sflag:s18] =	dma.local @!p0 [spmem:s9], $0x100  }
0x2c: {  	s0 =	simm.s32 @!p0 $0x10  }
0x2d: {  	_ =	swait.ge @!p0 [sflag:s0], $0x100  }
0x2e: {  	s19 =	rddreg [dreg:$0x13]  }
0x2f: {  	s28 =	rddreg [dreg:$0x12];
	s19 =	sadd.s32 $0x1, s19  }
0x30: {  	p1 =	sne.s32 s19, s28  }
.Ltmp1:
0x31: {  	_ = 	snop;
	(pc) =	sbr.rel @!p1 .LBB2_15-.Ltmp1, $3  }
0x32: {  	_ =	sdelay $0x1  }
0x33: {  	[sflag:s0] =	ssyncset.done @!p0 $0x0  }
0x34: {  	[sflag:s0] =	ssyncadd.s32 @!p0 $0xFFFFFF00  }
.LBB2_1:
0x35: {  	[dreg:$0x13] =	wrdreg s19  }
0x36: {  	s0 =	rddreg [dreg:$0x5]  }
0x37: {  	s19 =	rddreg [dreg:$0x6];
	s9 =	sshrl.u32 s0, $0x3  }
0x38: {  	[dreg:$0x14] =	wrdreg s9  }
0x39: {  	[spmem:s9], [sflag:s18] =	dma.local [hbm:s19], $0x2700  }
0x3a: {  	_ =	swait.ge [sflag:s21], $0x2700  }
0x3b: {  	s0 =	rddreg [dreg:$0x8]  }
0x3c: {  	[sflag:s21] =	ssyncset.done $0x0;
	s9 =	sshrl.u32 @!p0 s0, $0x3;
	s0 =	rddreg [dreg:$0x9]  }
0x3d: {  	[sflag:s21] =	ssyncadd.s32 $0xFFFFD900;
	[dreg:$0x15] =	wrdreg s9  }
0x3e: {  	[spmem:s9], [sflag:s18] =	dma.local @!p0 [hbm:s0], $0x100  }
0x3f: {  	s0 =	simm.s32 @!p0 $0x10  }
0x40: {  	_ =	swait.ge @!p0 [sflag:s0], $0x100  }
0x41: {  	[sflag:s0] =	ssyncset.done @!p0 $0x0  }
0x42: {  	s20 =	rddreg [dreg:$0xa];
	[sflag:s0] =	ssyncadd.s32 @!p0 $0xFFFFFF00  }
0x43: {  	[tilespmem:s4], [sflag:$0x10] =	stream.linear.gather [hbm4b:s20+s4], $0x2710, $0x38;
	[tilespmem:$0x1D780] =	vst v63  }
0x44: {  	_ =	swait.ge [sflag:s21], $0x2710  }
0x45: {  	[sflag:s21] =	ssyncset.done $0x0  }
0x46: {  	s28 =	simm.s32 $0x2780;
	s23 =	rddreg [dreg:$0xb];
	[sflag:s21] =	ssyncadd.s32 $0xFFFFD8F0  }
0x47: {  	[tilespmem:s28], [sflag:$0x10] =	stream.linear.gather [hbm4b:s23+s4], $0x2710, $0x38;
	[tilespmem:$0x1D780] =	vst v63  }
0x48: {  	_ =	swait.ge [sflag:s21], $0x2710  }
0x49: {  	[sflag:s21] =	ssyncset.done $0x0  }
0x4a: {  	[sflag:s21] =	ssyncadd.s32 $0xFFFFD8F0  }
0x4b: {  	s18 =	simm.s32 $0x4F00;
	[bflag:$0x0] =	sbarrier.arrive $0xFFFF  }
0x4c: {  	[tilespmem:s18], [sflag:$0x1] =	stream.indirect.gather [hbm4b:s1+s21], $0x80, s4, s21, $0xb8;
	[tilespmem:$0x1D780] =	vst v63  }
0x4d: {  	s20 =	simm.s32 $0x7700;
	s19 =	rddreg [dreg:$0xc]  }
0x4e: {  	[tilespmem:s20], [sflag:$0x6] =	stream.linear.gather [hbm4b:s19+s4], $0x800, $0x38;
	[tilespmem:$0x1D780] =	vst v63  }
0x4f: {  	_ = 	snop  }
0x50: {  	[tilespmem:s25], [sflag:$0x2] =	stream.indirect.gather [hbm4b:s1+s21], $0x80, s21, s21, $0xb8;
	[tilespmem:$0x1D780] =	vst v63  }
0x51: {  	s28 =	simm.s32 $0x7F00;
	s23 =	rddreg [dreg:$0xd]  }
0x52: {  	[tilespmem:s28], [sflag:$0x7] =	stream.linear.gather [hbm4b:s23+s4], $0x800, $0x38;
	[tilespmem:$0x1D780] =	vst v63  }
0x53: {  	s9 =	simm.s32 $0x20  }
0x54: {  	[tilespmem:s29], [sflag:$0x3] =	stream.indirect.gather [hbm4b:s1+s21], $0x80, s9, s21, $0xb8;
	[tilespmem:$0x1D780] =	vst v63  }
0x55: {  	s18 =	rddreg [dreg:$0xe];
	s19 =	simm.s32 $0x8700  }
0x56: {  	[tilespmem:s19], [sflag:$0x8] =	stream.linear.gather [hbm4b:s18+s4], $0x800, $0x38;
	[tilespmem:$0x1D780] =	vst v63  }
0x57: {  	s20 =	simm.s32 $0x30  }
0x58: {  	[tilespmem:s2], [sflag:$0x4] =	stream.indirect.gather [hbm4b:s1+s21], $0x80, s20, s21, $0xb8;
	[tilespmem:$0x1D780] =	vst v63  }
0x59: {  	s23 =	rddreg [dreg:$0xf];
	s28 =	simm.s32 $0x8F00;
	s20 =	simm.s32 $0x0  }
0x5a: {  	[tilespmem:s28], [sflag:$0x9] =	stream.linear.gather [hbm4b:s23+s4], $0x800, $0x38;
	[tilespmem:$0x1D780] =	vst v63  }
.LBB2_2:
0x5b: {  	_ =	swait.ge [sflag:s22], $0x800  }
0x5c: {  	[sflag:s22] =	ssyncset.done $0x0  }
0x5d: {  	[sflag:s22] =	ssyncadd.s32 $0xFFFFF800  }
0x5e: {  	_ =	swait.ge [sflag:s24], $0x800  }
0x5f: {  	[sflag:s24] =	ssyncset.done $0x0  }
0x60: {  	s9 =	simm.s32 $0x0;
	[sflag:s24] =	ssyncadd.s32 $0xFFFFF800  }
0x61: {  	v3 =	vld [tilespmem:s9+$0x7700]  }
0x62: {  	v2 =	vld [tilespmem:s9+$0x7710]  }
0x63: {  	v1 =	vld [tilespmem:s9+$0x7720]  }
0x64: {  	v0 =	vld [tilespmem:s9+$0x7730]  }
0x65: {  	v8 =	vld [tilespmem:s9+$0x4F00]  }
0x66: {  	v7 =	vld [tilespmem:s9+$0x4F10]  }
0x67: {  	v6 =	vld [tilespmem:s9+$0x4F20]  }
0x68: {  	v5 =	vld [tilespmem:s9+$0x4F30]  }
0x69: {  	v4 =	vld [tilespmem:s9+$0x4F40];
	v10 =	vshll.u32 v3, $0x10  }
0x6a: {  	s0 =	simm.s32 $0x200;
	v9 =	vand.u32 $0xFFFF0000, v3;
	v3 =	vld [tilespmem:s9+$0x4F50];
	v8 =	vadd.f32 v10, v8  }
.LBB2_3:
0x6b: {  	p1 =	sne.s32 s0, $0x1E00;
	v7 =	vadd.f32 v9, v7;
	v9 =	vshll.u32 v2, $0x10;
	v10 =	vld [tilespmem:s9+$0x4F60]  }
0x6c: {  	s18 =	sshra.s32 s0, $0x2;
	v2 =	vand.u32 $0xFFFF0000, v2;
	v8 =	vmax.f32 v8, $0.0e+00;
	v6 =	vadd.f32 v9, v6;
	v9 =	vld [tilespmem:s9+$0x4F70]  }
0x6d: {  	v11 =	vld [tilespmem:s18+$0x7700];
	[tilespmem:s9+$0x4F00] =	vst v8;
	v7 =	vmax.f32 v7, $0.0e+00;
	v5 =	vadd.f32 v2, v5;
	v8 =	vshll.u32 v1, $0x10  }
0x6e: {  	v2 =	vld [tilespmem:s18+$0x7710];
	[tilespmem:s9+$0x4F10] =	vst v7;
	v6 =	vmax.f32 v6, $0.0e+00;
	v7 =	vand.u32 $0xFFFF0000, v1;
	v4 =	vadd.f32 v8, v4  }
0x6f: {  	v1 =	vld [tilespmem:s18+$0x7720];
	[tilespmem:s9+$0x4F20] =	vst v6;
	v5 =	vmax.f32 v5, $0.0e+00;
	v3 =	vadd.f32 v7, v3;
	v6 =	vshll.u32 v0, $0x10  }
0x70: {  	[tilespmem:s9+$0x4F30] =	vst v5;
	v4 =	vmax.f32 v4, $0.0e+00;
	v5 =	vand.u32 $0xFFFF0000, v0;
	v0 =	vld [tilespmem:s18+$0x7730];
	v6 =	vadd.f32 v6, v10  }
0x71: {  	v8 =	vld [tilespmem:s18+$0x4F00];
	[tilespmem:s9+$0x4F40] =	vst v4;
	v3 =	vmax.f32 v3, $0.0e+00;
	v4 =	vadd.f32 v5, v9  }
.Ltmp2:
0x72: {  	v7 =	vld [tilespmem:s18+$0x4F10];
	[tilespmem:s9+$0x4F50] =	vst v3;
	v3 =	vmax.f32 v6, $0.0e+00;
	(pc) =	sbr.rel @p1 .LBB2_3-.Ltmp2, $4  }
0x73: {  	v6 =	vld [tilespmem:s18+$0x4F20];
	[tilespmem:s9+$0x4F60] =	vst v3;
	v3 =	vmax.f32 v4, $0.0e+00  }
0x74: {  	v5 =	vld [tilespmem:s18+$0x4F30];
	[tilespmem:s9+$0x4F70] =	vst v3;
	s9 =	smov.u32 s18  }
0x75: {  	v3 =	vshll.u32 v11, $0x10;
	v4 =	vld [tilespmem:s9+$0x4F40]  }
0x76: {  	s0 =	sadd.s32 $0x200, s0;
	v9 =	vand.u32 $0xFFFF0000, v11;
	v8 =	vadd.f32 v3, v8;
	v3 =	vld [tilespmem:s9+$0x4F50]  }
0x77: {  	v7 =	vadd.f32 v9, v7;
	v9 =	vshll.u32 v2, $0x10;
	v10 =	vld [tilespmem:s9+$0x4F60]  }
0x78: {  	v2 =	vand.u32 $0xFFFF0000, v2;
	v8 =	vmax.f32 v8, $0.0e+00;
	v6 =	vadd.f32 v9, v6;
	v9 =	vld [tilespmem:s9+$0x4F70]  }
0x79: {  	[tilespmem:s9+$0x4F00] =	vst v8;
	v7 =	vmax.f32 v7, $0.0e+00;
	v2 =	vadd.f32 v2, v5;
	v5 =	vshll.u32 v1, $0x10  }
0x7a: {  	v1 =	vand.u32 $0xFFFF0000, v1;
	[tilespmem:s9+$0x4F10] =	vst v7;
	v6 =	vmax.f32 v6, $0.0e+00;
	v4 =	vadd.f32 v5, v4  }
0x7b: {  	[tilespmem:s9+$0x4F20] =	vst v6;
	v2 =	vmax.f32 v2, $0.0e+00;
	v1 =	vadd.f32 v1, v3;
	v3 =	vshll.u32 v0, $0x10  }
0x7c: {  	v0 =	vand.u32 $0xFFFF0000, v0;
	[tilespmem:s9+$0x4F30] =	vst v2;
	v2 =	vmax.f32 v4, $0.0e+00;
	v3 =	vadd.f32 v3, v10  }
0x7d: {  	s0 =	smul.u32 $0x140, s20;
	[tilespmem:s9+$0x4F40] =	vst v2;
	v1 =	vmax.f32 v1, $0.0e+00;
	v0 =	vadd.f32 v0, v9  }
0x7e: {  	[tilespmem:s9+$0x4F50] =	vst v1;
	v1 =	vmax.f32 v3, $0.0e+00  }
0x7f: {  	s19 =	sshra.s32 s0, $0x2;
	[tilespmem:s9+$0x4F60] =	vst v1;
	v0 =	vmax.f32 v0, $0.0e+00  }
0x80: {  	s18 =	simm.s32 $0x4F00;
	p1 =	seq.s32 s20, $0x0;
	s0 =	sadd.s32 $0x2780, s19;
	[tilespmem:s9+$0x4F70] =	vst v0  }
0x81: {  	[spmem:s3] =	stream.indirect.scatter.add.f32 [tilespmem:s18], [sflag:$0xB], $0x80, s0, s21, $0xb8;
	[tilespmem:$0x1D780] =	vst v63  }
0x82: {  	s0 =	simm.s32 @!p1 $0xF;
	s18 =	smul.u32 $0x50, s20  }
0x83: {  	_ =	swait.ge @!p1 [sflag:s0], $0x800  }
0x84: {  	[sflag:s0] =	ssyncset.done @!p1 $0x0;
	s9 =	sadd.s32 $0x40, s18  }
0x85: {  	[sflag:s0] =	ssyncadd.s32 @!p1 $0xFFFFF800;
	s23 =	sadd.s32 s5, s9  }
0x86: {  	[tilespmem:s26], [sflag:$0x5] =	stream.indirect.gather [hbm4b:s1+s21], $0x80, s9, s21, $0xb8;
	[tilespmem:$0x1D780] =	vst v63  }
0x87: {  	s0 =	sshll.u32 s23, $0x4  }
0x88: {  	s28 =	simm.s32 $0x0;
	s23 =	simm.s32 $0x9700;
	s0 =	sadd.s32 s6, s0  }
0x89: {  	[tilespmem:s23], [sflag:$0xA] =	stream.linear.gather [hbm4b:s0+s28], $0x800, $0x38;
	[tilespmem:$0x1D780] =	vst v63  }
0x8a: {  	_ =	swait.ge [sflag:s30], $0x800  }
0x8b: {  	[sflag:s30] =	ssyncset.done $0x0  }
0x8c: {  	[sflag:s30] =	ssyncadd.s32 $0xFFFFF800  }
0x8d: {  	_ =	swait.ge [sflag:s31], $0x800  }
0x8e: {  	[sflag:s31] =	ssyncset.done $0x0  }
0x8f: {  	s0 =	simm.s32 $0x0;
	[sflag:s31] =	ssyncadd.s32 $0xFFFFF800  }
0x90: {  	v3 =	vld [tilespmem:s0+$0x7F00]  }
0x91: {  	v2 =	vld [tilespmem:s0+$0x7F10]  }
0x92: {  	v1 =	vld [tilespmem:s0+$0x7F20]  }
0x93: {  	v0 =	vld [tilespmem:s0+$0x7F30]  }
0x94: {  	v8 =	vld [tilespmem:s0+$0x5700]  }
0x95: {  	v7 =	vld [tilespmem:s0+$0x5710]  }
0x96: {  	v6 =	vld [tilespmem:s0+$0x5720]  }
0x97: {  	v5 =	vld [tilespmem:s0+$0x5730]  }
0x98: {  	v4 =	vld [tilespmem:s0+$0x5740];
	v10 =	vshll.u32 v3, $0x10  }
0x99: {  	s28 =	simm.s32 $0x200;
	v9 =	vand.u32 $0xFFFF0000, v3;
	v3 =	vld [tilespmem:s0+$0x5750];
	v8 =	vadd.f32 v10, v8  }
.LBB2_5:
0x9a: {  	p1 =	sne.s32 s28, $0x1E00;
	v7 =	vadd.f32 v9, v7;
	v9 =	vshll.u32 v2, $0x10;
	v10 =	vld [tilespmem:s0+$0x5760]  }
0x9b: {  	s23 =	sshra.s32 s28, $0x2;
	v2 =	vand.u32 $0xFFFF0000, v2;
	v8 =	vmax.f32 v8, $0.0e+00;
	v6 =	vadd.f32 v9, v6;
	v9 =	vld [tilespmem:s0+$0x5770]  }
0x9c: {  	v11 =	vld [tilespmem:s23+$0x7F00];
	[tilespmem:s0+$0x5700] =	vst v8;
	v7 =	vmax.f32 v7, $0.0e+00;
	v5 =	vadd.f32 v2, v5;
	v8 =	vshll.u32 v1, $0x10  }
0x9d: {  	v2 =	vld [tilespmem:s23+$0x7F10];
	[tilespmem:s0+$0x5710] =	vst v7;
	v6 =	vmax.f32 v6, $0.0e+00;
	v7 =	vand.u32 $0xFFFF0000, v1;
	v4 =	vadd.f32 v8, v4  }
0x9e: {  	v1 =	vld [tilespmem:s23+$0x7F20];
	[tilespmem:s0+$0x5720] =	vst v6;
	v5 =	vmax.f32 v5, $0.0e+00;
	v3 =	vadd.f32 v7, v3;
	v6 =	vshll.u32 v0, $0x10  }
0x9f: {  	[tilespmem:s0+$0x5730] =	vst v5;
	v4 =	vmax.f32 v4, $0.0e+00;
	v5 =	vand.u32 $0xFFFF0000, v0;
	v0 =	vld [tilespmem:s23+$0x7F30];
	v6 =	vadd.f32 v6, v10  }
0xa0: {  	v8 =	vld [tilespmem:s23+$0x5700];
	[tilespmem:s0+$0x5740] =	vst v4;
	v3 =	vmax.f32 v3, $0.0e+00;
	v4 =	vadd.f32 v5, v9  }
.Ltmp3:
0xa1: {  	v7 =	vld [tilespmem:s23+$0x5710];
	[tilespmem:s0+$0x5750] =	vst v3;
	v3 =	vmax.f32 v6, $0.0e+00;
	(pc) =	sbr.rel @p1 .LBB2_5-.Ltmp3, $4  }
0xa2: {  	v6 =	vld [tilespmem:s23+$0x5720];
	[tilespmem:s0+$0x5760] =	vst v3;
	v3 =	vmax.f32 v4, $0.0e+00  }
0xa3: {  	v5 =	vld [tilespmem:s23+$0x5730];
	[tilespmem:s0+$0x5770] =	vst v3;
	s0 =	smov.u32 s23  }
0xa4: {  	v3 =	vshll.u32 v11, $0x10;
	v4 =	vld [tilespmem:s0+$0x5740]  }
0xa5: {  	s28 =	sadd.s32 $0x200, s28;
	v9 =	vand.u32 $0xFFFF0000, v11;
	v8 =	vadd.f32 v3, v8;
	v3 =	vld [tilespmem:s0+$0x5750]  }
0xa6: {  	v7 =	vadd.f32 v9, v7;
	v9 =	vshll.u32 v2, $0x10;
	v10 =	vld [tilespmem:s0+$0x5760]  }
0xa7: {  	v2 =	vand.u32 $0xFFFF0000, v2;
	v8 =	vmax.f32 v8, $0.0e+00;
	v6 =	vadd.f32 v9, v6;
	v9 =	vld [tilespmem:s0+$0x5770]  }
0xa8: {  	[tilespmem:s0+$0x5700] =	vst v8;
	v7 =	vmax.f32 v7, $0.0e+00;
	v2 =	vadd.f32 v2, v5;
	v5 =	vshll.u32 v1, $0x10  }
0xa9: {  	v1 =	vand.u32 $0xFFFF0000, v1;
	[tilespmem:s0+$0x5710] =	vst v7;
	v6 =	vmax.f32 v6, $0.0e+00;
	v4 =	vadd.f32 v5, v4  }
0xaa: {  	[tilespmem:s0+$0x5720] =	vst v6;
	v2 =	vmax.f32 v2, $0.0e+00;
	v1 =	vadd.f32 v1, v3;
	v3 =	vshll.u32 v0, $0x10  }
0xab: {  	v0 =	vand.u32 $0xFFFF0000, v0;
	[tilespmem:s0+$0x5730] =	vst v2;
	v2 =	vmax.f32 v4, $0.0e+00;
	v3 =	vadd.f32 v3, v10  }
0xac: {  	[tilespmem:s0+$0x5740] =	vst v2;
	v1 =	vmax.f32 v1, $0.0e+00;
	v0 =	vadd.f32 v0, v9  }
0xad: {  	[tilespmem:s0+$0x5750] =	vst v1;
	v1 =	vmax.f32 v3, $0.0e+00  }
0xae: {  	[tilespmem:s0+$0x5760] =	vst v1;
	v0 =	vmax.f32 v0, $0.0e+00  }
0xaf: {  	s23 =	sadd.s32 $0x2790, s19;
	[tilespmem:s0+$0x5770] =	vst v0  }
0xb0: {  	[spmem:s3] =	stream.indirect.scatter.add.f32 [tilespmem:s25], [sflag:$0xC], $0x80, s23, s21, $0xb8;
	[tilespmem:$0x1D780] =	vst v63  }
0xb1: {  	p1 =	seq.s32 s20, $0x7C;
	_ =	swait.ge [sflag:s7], $0x800  }
0xb2: {  	s28 =	simm.s32 @!p1 $0x4F00;
	[sflag:s7] =	ssyncset.done $0x0  }
0xb3: {  	s0 =	sadd.s32 @!p1 $0x50, s18;
	s23 =	simm.s32 @!p1 $0x10;
	[sflag:s7] =	ssyncadd.s32 $0xFFFFF800  }
0xb4: {  	[tilespmem:s28], [sflag:$0x1] =	stream.indirect.gather @!p1 [hbm4b:s1+s23], $0x80, s0, s23, $0xb8;
	[tilespmem:$0x1D780] =	vst v63  }
0xb5: {  	s0 =	sadd.s32 @!p1 s5, s0  }
0xb6: {  	s0 =	sshll.u32 @!p1 s0, $0x4  }
0xb7: {  	s23 =	simm.s32 @!p1 $0x0;
	s28 =	simm.s32 @!p1 $0x7700;
	s0 =	sadd.s32 @!p1 s6, s0  }
0xb8: {  	[tilespmem:s28], [sflag:$0x6] =	stream.linear.gather @!p1 [hbm4b:s0+s23], $0x800, $0x38;
	[tilespmem:$0x1D780] =	vst v63  }
0xb9: {  	_ =	swait.ge [sflag:s8], $0x800  }
0xba: {  	[sflag:s8] =	ssyncset.done $0x0  }
0xbb: {  	[sflag:s8] =	ssyncadd.s32 $0xFFFFF800  }
0xbc: {  	_ =	swait.ge [sflag:s10], $0x800  }
0xbd: {  	[sflag:s10] =	ssyncset.done $0x0  }
0xbe: {  	s0 =	simm.s32 $0x0;
	[sflag:s10] =	ssyncadd.s32 $0xFFFFF800  }
0xbf: {  	v3 =	vld [tilespmem:s0+$0x8700]  }
0xc0: {  	v2 =	vld [tilespmem:s0+$0x8710]  }
0xc1: {  	v1 =	vld [tilespmem:s0+$0x8720]  }
0xc2: {  	v0 =	vld [tilespmem:s0+$0x8730]  }
0xc3: {  	v8 =	vld [tilespmem:s0+$0x5F00]  }
0xc4: {  	v7 =	vld [tilespmem:s0+$0x5F10]  }
0xc5: {  	v6 =	vld [tilespmem:s0+$0x5F20]  }
0xc6: {  	v5 =	vld [tilespmem:s0+$0x5F30]  }
0xc7: {  	v4 =	vld [tilespmem:s0+$0x5F40];
	v10 =	vshll.u32 v3, $0x10  }
0xc8: {  	s28 =	simm.s32 $0x200;
	v9 =	vand.u32 $0xFFFF0000, v3;
	v3 =	vld [tilespmem:s0+$0x5F50];
	v8 =	vadd.f32 v10, v8  }
.LBB2_7:
0xc9: {  	p2 =	sne.s32 s28, $0x1E00;
	v7 =	vadd.f32 v9, v7;
	v9 =	vshll.u32 v2, $0x10;
	v10 =	vld [tilespmem:s0+$0x5F60]  }
0xca: {  	s23 =	sshra.s32 s28, $0x2;
	v2 =	vand.u32 $0xFFFF0000, v2;
	v8 =	vmax.f32 v8, $0.0e+00;
	v6 =	vadd.f32 v9, v6;
	v9 =	vld [tilespmem:s0+$0x5F70]  }
0xcb: {  	v11 =	vld [tilespmem:s23+$0x8700];
	[tilespmem:s0+$0x5F00] =	vst v8;
	v7 =	vmax.f32 v7, $0.0e+00;
	v5 =	vadd.f32 v2, v5;
	v8 =	vshll.u32 v1, $0x10  }
0xcc: {  	v2 =	vld [tilespmem:s23+$0x8710];
	[tilespmem:s0+$0x5F10] =	vst v7;
	v6 =	vmax.f32 v6, $0.0e+00;
	v7 =	vand.u32 $0xFFFF0000, v1;
	v4 =	vadd.f32 v8, v4  }
0xcd: {  	v1 =	vld [tilespmem:s23+$0x8720];
	[tilespmem:s0+$0x5F20] =	vst v6;
	v5 =	vmax.f32 v5, $0.0e+00;
	v3 =	vadd.f32 v7, v3;
	v6 =	vshll.u32 v0, $0x10  }
0xce: {  	[tilespmem:s0+$0x5F30] =	vst v5;
	v4 =	vmax.f32 v4, $0.0e+00;
	v5 =	vand.u32 $0xFFFF0000, v0;
	v0 =	vld [tilespmem:s23+$0x8730];
	v6 =	vadd.f32 v6, v10  }
0xcf: {  	v8 =	vld [tilespmem:s23+$0x5F00];
	[tilespmem:s0+$0x5F40] =	vst v4;
	v3 =	vmax.f32 v3, $0.0e+00;
	v4 =	vadd.f32 v5, v9  }
.Ltmp4:
0xd0: {  	v7 =	vld [tilespmem:s23+$0x5F10];
	[tilespmem:s0+$0x5F50] =	vst v3;
	v3 =	vmax.f32 v6, $0.0e+00;
	(pc) =	sbr.rel @p2 .LBB2_7-.Ltmp4, $4  }
0xd1: {  	v6 =	vld [tilespmem:s23+$0x5F20];
	[tilespmem:s0+$0x5F60] =	vst v3;
	v3 =	vmax.f32 v4, $0.0e+00  }
0xd2: {  	v5 =	vld [tilespmem:s23+$0x5F30];
	[tilespmem:s0+$0x5F70] =	vst v3;
	s0 =	smov.u32 s23  }
0xd3: {  	v3 =	vshll.u32 v11, $0x10;
	v4 =	vld [tilespmem:s0+$0x5F40]  }
0xd4: {  	s28 =	sadd.s32 $0x200, s28;
	v9 =	vand.u32 $0xFFFF0000, v11;
	v8 =	vadd.f32 v3, v8;
	v3 =	vld [tilespmem:s0+$0x5F50]  }
0xd5: {  	v7 =	vadd.f32 v9, v7;
	v9 =	vshll.u32 v2, $0x10;
	v10 =	vld [tilespmem:s0+$0x5F60]  }
0xd6: {  	v2 =	vand.u32 $0xFFFF0000, v2;
	v8 =	vmax.f32 v8, $0.0e+00;
	v6 =	vadd.f32 v9, v6;
	v9 =	vld [tilespmem:s0+$0x5F70]  }
0xd7: {  	[tilespmem:s0+$0x5F00] =	vst v8;
	v7 =	vmax.f32 v7, $0.0e+00;
	v2 =	vadd.f32 v2, v5;
	v5 =	vshll.u32 v1, $0x10  }
0xd8: {  	v1 =	vand.u32 $0xFFFF0000, v1;
	[tilespmem:s0+$0x5F10] =	vst v7;
	v6 =	vmax.f32 v6, $0.0e+00;
	v4 =	vadd.f32 v5, v4  }
0xd9: {  	[tilespmem:s0+$0x5F20] =	vst v6;
	v2 =	vmax.f32 v2, $0.0e+00;
	v1 =	vadd.f32 v1, v3;
	v3 =	vshll.u32 v0, $0x10  }
0xda: {  	v0 =	vand.u32 $0xFFFF0000, v0;
	[tilespmem:s0+$0x5F30] =	vst v2;
	v2 =	vmax.f32 v4, $0.0e+00;
	v3 =	vadd.f32 v3, v10  }
0xdb: {  	[tilespmem:s0+$0x5F40] =	vst v2;
	v1 =	vmax.f32 v1, $0.0e+00;
	v0 =	vadd.f32 v0, v9  }
0xdc: {  	[tilespmem:s0+$0x5F50] =	vst v1;
	v1 =	vmax.f32 v3, $0.0e+00  }
0xdd: {  	[tilespmem:s0+$0x5F60] =	vst v1;
	v0 =	vmax.f32 v0, $0.0e+00  }
0xde: {  	s23 =	sadd.s32 $0x27A0, s19;
	[tilespmem:s0+$0x5F70] =	vst v0  }
0xdf: {  	[spmem:s3] =	stream.indirect.scatter.add.f32 [tilespmem:s29], [sflag:$0xD], $0x80, s23, s21, $0xb8;
	[tilespmem:$0x1D780] =	vst v63  }
0xe0: {  	_ =	swait.ge [sflag:s11], $0x800  }
0xe1: {  	s28 =	simm.s32 @!p1 $0x5700;
	[sflag:s11] =	ssyncset.done $0x0  }
0xe2: {  	s0 =	sadd.s32 @!p1 $0x60, s18;
	s23 =	simm.s32 @!p1 $0x10;
	[sflag:s11] =	ssyncadd.s32 $0xFFFFF800  }
0xe3: {  	[tilespmem:s28], [sflag:$0x2] =	stream.indirect.gather @!p1 [hbm4b:s1+s23], $0x80, s0, s23, $0xb8;
	[tilespmem:$0x1D780] =	vst v63  }
0xe4: {  	s0 =	sadd.s32 @!p1 s5, s0  }
0xe5: {  	s0 =	sshll.u32 @!p1 s0, $0x4  }
0xe6: {  	s23 =	simm.s32 @!p1 $0x0;
	s28 =	simm.s32 @!p1 $0x7F00;
	s0 =	sadd.s32 @!p1 s6, s0  }
0xe7: {  	[tilespmem:s28], [sflag:$0x7] =	stream.linear.gather @!p1 [hbm4b:s0+s23], $0x800, $0x38;
	[tilespmem:$0x1D780] =	vst v63  }
0xe8: {  	_ =	swait.ge [sflag:s12], $0x800  }
0xe9: {  	[sflag:s12] =	ssyncset.done $0x0  }
0xea: {  	[sflag:s12] =	ssyncadd.s32 $0xFFFFF800  }
0xeb: {  	_ =	swait.ge [sflag:s13], $0x800  }
0xec: {  	[sflag:s13] =	ssyncset.done $0x0  }
0xed: {  	s0 =	simm.s32 $0x0;
	[sflag:s13] =	ssyncadd.s32 $0xFFFFF800  }
0xee: {  	v3 =	vld [tilespmem:s0+$0x8F00]  }
0xef: {  	v2 =	vld [tilespmem:s0+$0x8F10]  }
0xf0: {  	v1 =	vld [tilespmem:s0+$0x8F20]  }
0xf1: {  	v0 =	vld [tilespmem:s0+$0x8F30]  }
0xf2: {  	v8 =	vld [tilespmem:s0+$0x6700]  }
0xf3: {  	v7 =	vld [tilespmem:s0+$0x6710]  }
0xf4: {  	v6 =	vld [tilespmem:s0+$0x6720]  }
0xf5: {  	v5 =	vld [tilespmem:s0+$0x6730]  }
0xf6: {  	v4 =	vld [tilespmem:s0+$0x6740];
	v10 =	vshll.u32 v3, $0x10  }
0xf7: {  	s28 =	simm.s32 $0x200;
	v9 =	vand.u32 $0xFFFF0000, v3;
	v3 =	vld [tilespmem:s0+$0x6750];
	v8 =	vadd.f32 v10, v8  }
.LBB2_9:
0xf8: {  	p2 =	sne.s32 s28, $0x1E00;
	v7 =	vadd.f32 v9, v7;
	v9 =	vshll.u32 v2, $0x10;
	v10 =	vld [tilespmem:s0+$0x6760]  }
0xf9: {  	s23 =	sshra.s32 s28, $0x2;
	v2 =	vand.u32 $0xFFFF0000, v2;
	v8 =	vmax.f32 v8, $0.0e+00;
	v6 =	vadd.f32 v9, v6;
	v9 =	vld [tilespmem:s0+$0x6770]  }
0xfa: {  	v11 =	vld [tilespmem:s23+$0x8F00];
	[tilespmem:s0+$0x6700] =	vst v8;
	v7 =	vmax.f32 v7, $0.0e+00;
	v5 =	vadd.f32 v2, v5;
	v8 =	vshll.u32 v1, $0x10  }
0xfb: {  	v2 =	vld [tilespmem:s23+$0x8F10];
	[tilespmem:s0+$0x6710] =	vst v7;
	v6 =	vmax.f32 v6, $0.0e+00;
	v7 =	vand.u32 $0xFFFF0000, v1;
	v4 =	vadd.f32 v8, v4  }
0xfc: {  	v1 =	vld [tilespmem:s23+$0x8F20];
	[tilespmem:s0+$0x6720] =	vst v6;
	v5 =	vmax.f32 v5, $0.0e+00;
	v3 =	vadd.f32 v7, v3;
	v6 =	vshll.u32 v0, $0x10  }
0xfd: {  	[tilespmem:s0+$0x6730] =	vst v5;
	v4 =	vmax.f32 v4, $0.0e+00;
	v5 =	vand.u32 $0xFFFF0000, v0;
	v0 =	vld [tilespmem:s23+$0x8F30];
	v6 =	vadd.f32 v6, v10  }
0xfe: {  	v8 =	vld [tilespmem:s23+$0x6700];
	[tilespmem:s0+$0x6740] =	vst v4;
	v3 =	vmax.f32 v3, $0.0e+00;
	v4 =	vadd.f32 v5, v9  }
.Ltmp5:
0xff: {  	v7 =	vld [tilespmem:s23+$0x6710];
	[tilespmem:s0+$0x6750] =	vst v3;
	v3 =	vmax.f32 v6, $0.0e+00;
	(pc) =	sbr.rel @p2 .LBB2_9-.Ltmp5, $4  }
0x100: {  	v6 =	vld [tilespmem:s23+$0x6720];
	[tilespmem:s0+$0x6760] =	vst v3;
	v3 =	vmax.f32 v4, $0.0e+00  }
0x101: {  	v5 =	vld [tilespmem:s23+$0x6730];
	[tilespmem:s0+$0x6770] =	vst v3;
	s0 =	smov.u32 s23  }
0x102: {  	v3 =	vshll.u32 v11, $0x10;
	v4 =	vld [tilespmem:s0+$0x6740]  }
0x103: {  	s28 =	sadd.s32 $0x200, s28;
	v9 =	vand.u32 $0xFFFF0000, v11;
	v8 =	vadd.f32 v3, v8;
	v3 =	vld [tilespmem:s0+$0x6750]  }
0x104: {  	v7 =	vadd.f32 v9, v7;
	v9 =	vshll.u32 v2, $0x10;
	v10 =	vld [tilespmem:s0+$0x6760]  }
0x105: {  	v2 =	vand.u32 $0xFFFF0000, v2;
	v8 =	vmax.f32 v8, $0.0e+00;
	v6 =	vadd.f32 v9, v6;
	v9 =	vld [tilespmem:s0+$0x6770]  }
0x106: {  	[tilespmem:s0+$0x6700] =	vst v8;
	v7 =	vmax.f32 v7, $0.0e+00;
	v2 =	vadd.f32 v2, v5;
	v5 =	vshll.u32 v1, $0x10  }
0x107: {  	v1 =	vand.u32 $0xFFFF0000, v1;
	[tilespmem:s0+$0x6710] =	vst v7;
	v6 =	vmax.f32 v6, $0.0e+00;
	v4 =	vadd.f32 v5, v4  }
0x108: {  	[tilespmem:s0+$0x6720] =	vst v6;
	v2 =	vmax.f32 v2, $0.0e+00;
	v1 =	vadd.f32 v1, v3;
	v3 =	vshll.u32 v0, $0x10  }
0x109: {  	v0 =	vand.u32 $0xFFFF0000, v0;
	[tilespmem:s0+$0x6730] =	vst v2;
	v2 =	vmax.f32 v4, $0.0e+00;
	v3 =	vadd.f32 v3, v10  }
0x10a: {  	[tilespmem:s0+$0x6740] =	vst v2;
	v1 =	vmax.f32 v1, $0.0e+00;
	v0 =	vadd.f32 v0, v9  }
0x10b: {  	[tilespmem:s0+$0x6750] =	vst v1;
	v1 =	vmax.f32 v3, $0.0e+00  }
0x10c: {  	[tilespmem:s0+$0x6760] =	vst v1;
	v0 =	vmax.f32 v0, $0.0e+00  }
0x10d: {  	s28 =	sadd.s32 $0x27B0, s19;
	[tilespmem:s0+$0x6770] =	vst v0  }
0x10e: {  	[spmem:s3] =	stream.indirect.scatter.add.f32 [tilespmem:s2], [sflag:$0xE], $0x80, s28, s21, $0xb8;
	[tilespmem:$0x1D780] =	vst v63  }
0x10f: {  	_ =	swait.ge [sflag:s14], $0x800  }
0x110: {  	s19 =	simm.s32 @!p1 $0x10;
	[sflag:s14] =	ssyncset.done $0x0  }
0x111: {  	s23 =	simm.s32 @!p1 $0x5F00;
	s0 =	sadd.s32 @!p1 $0x70, s18;
	[sflag:s14] =	ssyncadd.s32 $0xFFFFF800  }
0x112: {  	[tilespmem:s23], [sflag:$0x3] =	stream.indirect.gather @!p1 [hbm4b:s1+s19], $0x80, s0, s19, $0xb8;
	[tilespmem:$0x1D780] =	vst v63  }
0x113: {  	s0 =	sadd.s32 @!p1 s5, s0  }
0x114: {  	s0 =	sshll.u32 @!p1 s0, $0x4  }
0x115: {  	s19 =	simm.s32 @!p1 $0x0;
	s23 =	simm.s32 @!p1 $0x8700;
	s0 =	sadd.s32 @!p1 s6, s0  }
0x116: {  	[tilespmem:s23], [sflag:$0x8] =	stream.linear.gather @!p1 [hbm4b:s0+s19], $0x800, $0x38;
	[tilespmem:$0x1D780] =	vst v63  }
0x117: {  	_ =	swait.ge [sflag:s15], $0x800  }
0x118: {  	[sflag:s15] =	ssyncset.done $0x0  }
0x119: {  	[sflag:s15] =	ssyncadd.s32 $0xFFFFF800  }
0x11a: {  	_ =	swait.ge [sflag:s16], $0x800  }
0x11b: {  	[sflag:s16] =	ssyncset.done $0x0  }
0x11c: {  	s0 =	simm.s32 $0x0;
	[sflag:s16] =	ssyncadd.s32 $0xFFFFF800  }
0x11d: {  	v3 =	vld [tilespmem:s0+$0x9700]  }
0x11e: {  	v2 =	vld [tilespmem:s0+$0x9710]  }
0x11f: {  	v1 =	vld [tilespmem:s0+$0x9720]  }
0x120: {  	v0 =	vld [tilespmem:s0+$0x9730]  }
0x121: {  	v8 =	vld [tilespmem:s0+$0x6F00]  }
0x122: {  	v7 =	vld [tilespmem:s0+$0x6F10]  }
0x123: {  	v6 =	vld [tilespmem:s0+$0x6F20]  }
0x124: {  	v5 =	vld [tilespmem:s0+$0x6F30]  }
0x125: {  	v4 =	vld [tilespmem:s0+$0x6F40];
	v10 =	vshll.u32 v3, $0x10  }
0x126: {  	s19 =	simm.s32 $0x200;
	v9 =	vand.u32 $0xFFFF0000, v3;
	v3 =	vld [tilespmem:s0+$0x6F50];
	v8 =	vadd.f32 v10, v8  }
.LBB2_11:
0x127: {  	p2 =	sne.s32 s19, $0x1E00;
	v7 =	vadd.f32 v9, v7;
	v9 =	vshll.u32 v2, $0x10;
	v10 =	vld [tilespmem:s0+$0x6F60]  }
0x128: {  	s23 =	sshra.s32 s19, $0x2;
	v2 =	vand.u32 $0xFFFF0000, v2;
	v8 =	vmax.f32 v8, $0.0e+00;
	v6 =	vadd.f32 v9, v6;
	v9 =	vld [tilespmem:s0+$0x6F70]  }
0x129: {  	v11 =	vld [tilespmem:s23+$0x9700];
	[tilespmem:s0+$0x6F00] =	vst v8;
	v7 =	vmax.f32 v7, $0.0e+00;
	v5 =	vadd.f32 v2, v5;
	v8 =	vshll.u32 v1, $0x10  }
0x12a: {  	v2 =	vld [tilespmem:s23+$0x9710];
	[tilespmem:s0+$0x6F10] =	vst v7;
	v6 =	vmax.f32 v6, $0.0e+00;
	v7 =	vand.u32 $0xFFFF0000, v1;
	v4 =	vadd.f32 v8, v4  }
0x12b: {  	v1 =	vld [tilespmem:s23+$0x9720];
	[tilespmem:s0+$0x6F20] =	vst v6;
	v5 =	vmax.f32 v5, $0.0e+00;
	v3 =	vadd.f32 v7, v3;
	v6 =	vshll.u32 v0, $0x10  }
0x12c: {  	[tilespmem:s0+$0x6F30] =	vst v5;
	v4 =	vmax.f32 v4, $0.0e+00;
	v5 =	vand.u32 $0xFFFF0000, v0;
	v0 =	vld [tilespmem:s23+$0x9730];
	v6 =	vadd.f32 v6, v10  }
0x12d: {  	v8 =	vld [tilespmem:s23+$0x6F00];
	[tilespmem:s0+$0x6F40] =	vst v4;
	v3 =	vmax.f32 v3, $0.0e+00;
	v4 =	vadd.f32 v5, v9  }
.Ltmp6:
0x12e: {  	v7 =	vld [tilespmem:s23+$0x6F10];
	[tilespmem:s0+$0x6F50] =	vst v3;
	v3 =	vmax.f32 v6, $0.0e+00;
	(pc) =	sbr.rel @p2 .LBB2_11-.Ltmp6, $4  }
0x12f: {  	v6 =	vld [tilespmem:s23+$0x6F20];
	[tilespmem:s0+$0x6F60] =	vst v3;
	v3 =	vmax.f32 v4, $0.0e+00  }
0x130: {  	v5 =	vld [tilespmem:s23+$0x6F30];
	[tilespmem:s0+$0x6F70] =	vst v3;
	s0 =	smov.u32 s23  }
0x131: {  	v3 =	vshll.u32 v11, $0x10;
	v4 =	vld [tilespmem:s0+$0x6F40]  }
0x132: {  	s19 =	sadd.s32 $0x200, s19;
	v9 =	vand.u32 $0xFFFF0000, v11;
	v8 =	vadd.f32 v3, v8;
	v3 =	vld [tilespmem:s0+$0x6F50]  }
0x133: {  	v7 =	vadd.f32 v9, v7;
	v55 =	vshll.u32 v2, $0x10;
	v10 =	vld [tilespmem:s0+$0x6F60]  }
0x134: {  	v56 =	vand.u32 $0xFFFF0000, v2;
	v57 =	vld [tilespmem:s0+$0x6F70];
	v8 =	vmax.f32 v8, $0.0e+00;
	v6 =	vadd.f32 v55, v6  }
0x135: {  	v58 =	vshll.u32 v1, $0x10;
	[tilespmem:s0+$0x6F00] =	vst v8;
	v7 =	vmax.f32 v7, $0.0e+00;
	v2 =	vadd.f32 v56, v5  }
0x136: {  	v59 =	vand.u32 $0xFFFF0000, v1;
	[tilespmem:s0+$0x6F10] =	vst v7;
	v6 =	vmax.f32 v6, $0.0e+00;
	v4 =	vadd.f32 v58, v4  }
0x137: {  	v60 =	vshll.u32 v0, $0x10;
	[tilespmem:s0+$0x6F20] =	vst v6;
	v2 =	vmax.f32 v2, $0.0e+00;
	v1 =	vadd.f32 v59, v3  }
0x138: {  	v62 =	vand.u32 $0xFFFF0000, v0;
	[tilespmem:s0+$0x6F30] =	vst v2;
	v61 =	vmax.f32 v4, $0.0e+00;
	v3 =	vadd.f32 v60, v10  }
0x139: {  	v0 =	vadd.f32 v62, v57;
	[tilespmem:s0+$0x6F40] =	vst v61;
	v1 =	vmax.f32 v1, $0.0e+00  }
0x13a: {  	[tilespmem:s0+$0x6F50] =	vst v1;
	v63 =	vmax.f32 v3, $0.0e+00  }
0x13b: {  	v0 =	vmax.f32 v0, $0.0e+00;
	[tilespmem:s0+$0x6F60] =	vst v63  }
.Ltmp7:
0x13c: {  	s28 =	sadd.s32 $0x2780, s9;
	[tilespmem:s0+$0x6F70] =	vst v0;
	(pc) =	sbr.rel @p1 .LBB2_14-.Ltmp7, $4  }
0x13d: {  	[spmem:s3] =	stream.indirect.scatter.add.f32 [tilespmem:s26], [sflag:$0xF], $0x80, s28, s21, $0xb8;
	[tilespmem:$0x1D780] =	vst v63  }
0x13e: {  	_ =	swait.ge [sflag:s17], $0x800  }
0x13f: {  	[sflag:s17] =	ssyncset.done $0x0  }
0x140: {  	[sflag:s17] =	ssyncadd.s32 $0xFFFFF800  }
0x141: {  	s0 =	sadd.s32 $0x80, s18  }
0x142: {  	[tilespmem:s2], [sflag:$0x4] =	stream.indirect.gather [hbm4b:s1+s21], $0x80, s0, s21, $0xb8;
	[tilespmem:$0x1D780] =	vst v63  }
.Ltmp8:
0x143: {  	_ = 	snop;
	(pc) =	sbr.rel .LBB2_2-.Ltmp8, $4  }
0x144: {  	s0 =	sadd.s32 s5, s0  }
0x145: {  	s0 =	sshll.u32 s0, $0x4  }
0x146: {  	s9 =	simm.s32 $0x8F00;
	s20 =	sadd.s32 $0x1, s20;
	s0 =	sadd.s32 s6, s0  }
0x147: {  	[tilespmem:s9], [sflag:$0x9] =	stream.linear.gather [hbm4b:s0+s4], $0x800, $0x38;
	[tilespmem:$0x1D780] =	vst v63  }
.LBB2_15:
0x148: {  	_ =	sfence.sel $0x180000  }
0x149: {  	[bflag:$0x0] =	sbarrier.arrive $0xFFFF  }
0x14a: {  	_ =	strace $0x9000004A  }
0x14b: {  	s0 =	stileid.u32;
	[bflag:$0x2] =	sbarrier.arrive $0xFFFF  }
0x14c: {  	p0 =	sne.s32 s0, $0x0;
	s0 =	rddreg [dreg:$0x4]  }
0x14d: {  	s0 =	sadd.s32 @!p0 $0x100000, s0  }
0x14e: {  	[sflag:s0] =	ssyncadd.tile.s32 @!p0 $0x1;
	_ =	shalt  }
.Lfunc_end2:
_tile_overlayer_lowered:
.L_overlay_start_2:
0x14f: {  	(tag) =	ssettag $0x2  }
0x150: {  	s0 =	rddreg [dreg:$0x0];
	s2 =	stileid.u32  }
0x151: {  	s1 =	rddreg [dreg:$0x1];
	p0 =	sne.s32 s2, $0x0  }
0x152: {  	s3 =	rddreg [dreg:$0x2];
	[bflag:$0x3] =	sbarrier.arrive $0xFFFF;
	s2 =	simm.s32 @!p0 $0x1C10  }
0x153: {  	[timem:s3], [sflag:s2] =	dma.local @!p0 [hbm:s0], s1  }
0x154: {  	s0 =	simm.s32 @!p0 $0x10  }
0x155: {  	_ =	swait.ge @!p0 [sflag:s0], s1  }
0x156: {  	s1 =	ssub.s32 @!p0 $0x0, s1;
	[sflag:s0] =	ssyncset.done @!p0 $0x0  }
0x157: {  	[sflag:s0] =	ssyncadd.s32 @!p0 s1  }
0x158: {  	[bflag:$0x3] =	sbarrier.arrive $0xFFFF  }
0x159: {  	_ =	shalt  }

// kernel: kernel.9.cloned.1.call-start
scs
__scs_entry_jumppad:
0x0: {  	(pc) =	sbr.rel $0x88, $3  }
0x1: {  	(tag) =	ssettag $0x0;
	lr =	simm.s32 $0x1  }
0x2: {  	[smem:$0x3F88] =	sst lr;
	_ =	strace $0xD0000000  }
0x3: {  	_ = 	snop  }
0x4: {  	_ = 	snop  }
0x5: {  	_ = 	snop  }
0x6: {  	_ = 	snop  }
0x7: {  	_ = 	snop  }
__scs_overlays_trampoline_lowered:
0x8: {  	[smem:$0x3F97] =	sst s0  }
0x9: {  	[smem:$0x3F98] =	sst s1  }
0xa: {  	[smem:$0x3F99] =	sst s2  }
0xb: {  	[smem:$0x3F9A] =	sst s3  }
0xc: {  	[smem:$0x3F9B] =	sst s4  }
0xd: {  	[smem:$0x3F9C] =	sst s5  }
0xe: {  	[smem:$0x3F9D] =	sst s6  }
0xf: {  	[smem:$0x3F9E] =	sst s7  }
0x10: {  	[smem:$0x3F9F] =	sst s8  }
0x11: {  	[smem:$0x3FA0] =	sst s9;
	s0 =	simm.s32 @!p0 $0x0  }
0x12: {  	s1 =	sld [smem:$0x3F86];
	s0 =	simm.s32 @p0 $0x1  }
0x13: {  	[smem:$0x3FA1] =	sst s0;
	s0 =	simm.s32 @!p1 $0x0  }
0x14: {  	s2 =	sld [smem:$0x3F85];
	s0 =	simm.s32 @p1 $0x1  }
0x15: {  	[smem:$0x3FA2] =	sst s0;
	s0 =	simm.s32 @!p2 $0x0  }
0x16: {  	s3 =	sld [smem:$0x3FDB];
	s0 =	simm.s32 @p2 $0x1  }
0x17: {  	s4 =	simm.s32 $0x1BF5;
	[smem:$0x3FA4] =	sst s0  }
0x18: {  	s0 =	sld [smem:$0x3F87];
	_ =	swait.ge [sflag:s4], $0x0  }
0x19: {  	s7 =	sld [smem:$0x3F88]  }
0x1a: {  	s8 =	sadd.s32 $0xFFFFE003, lr  }
0x1b: {  	s9 =	sadd.s32 $0xFFFFFEF7, lr;
	s5 =	simm.s32 $0xFFFFFFFF;
	p2 =	slt.u32 s8, $0xFFFFF086  }
0x1c: {  	p1 =	slt.u32 s9, $0xF7A;
	s5 =	simm.s32 @!p2 $0x0  }
0x1d: {  	s5 =	simm.s32 @p1 $0x1;
	p0 =	seq.s32 s7, s2  }
0x1e: {  	s7 =	smul.u32 @!p0 $0xF7A, s2;
	p2 =	seq.s32 @!p0 s5, $0x0  }
0x1f: {  	s9 =	smul.u32 $0xF7A, s1;
	s8 =	simm.s32 @!p0 $0x1BF5;
	p2 =	por !p2, p0  }
0x20: {  	[sflag:s8] =	ssyncset.s32 @!p0 $0xFFFFF086;
	s6 =	sadd.s32 @!p0 s3, s7;
	s7 =	simm.s32 @!p0 $0x108  }
0x21: {  	s3 =	sadd.s32 s3, s9;
	s6 =	sadd.s32 @!p0 $0x88, s6;
	s7 =	simm.s32 @p2 $0x1082  }
0x22: {  	[simem:s7], [sflag:s8] =	dma.local @!p0 [hbm:s6], $0xF7A  }
0x23: {  	s9 =	sor.u32 $0xD0000000, s2;
	s6 =	simm.s32 $0x108;
	_ =	swait.ge @!p0 [sflag:s8], $0x0  }
0x24: {  	s3 =	sadd.s32 $0x88, s3;
	s6 =	simm.s32 @!p1 $0x1082;
	[sflag:s4] =	ssyncset.s32 $0xFFFFF086  }
0x25: {  	[simem:s6], [sflag:s4] =	dma.local [hbm:s3], $0xF7A  }
0x26: {  	[smem:$0x3F88] =	sst s1;
	(tag) =	ssettag s2;
	_ =	strace s9  }
0x27: {  	s1 =	sld [smem:$0x3F98]  }
0x28: {  	s2 =	sld [smem:$0x3F99]  }
0x29: {  	s4 =	sld [smem:$0x3F9B]  }
0x2a: {  	p0 =	seq.s32 s5, $0x0;
	s5 =	sld [smem:$0x3F9C]  }
0x2b: {  	s6 =	sld [smem:$0x3F9D]  }
0x2c: {  	s7 =	sld [smem:$0x3F9E]  }
0x2d: {  	s3 =	simm.s32 $0x108;
	s8 =	sld [smem:$0x3F9F]  }
0x2e: {  	s3 =	simm.s32 @!p0 $0x1082;
	s9 =	sld [smem:$0x3FA0]  }
0x2f: {  	lr =	sadd.s32 s0, s3;
	s0 =	sld [smem:$0x3F97]  }
0x30: {  	s3 =	sld [smem:$0x3F9A]  }
0x31: {  	[smem:$0x3FA3] =	sst s10  }
0x32: {  	s10 =	sld [smem:$0x3FA1];
	_ =	sdelay $0x3  }
0x33: {  	p0 =	seq.s32 s10, $0x1;
	s10 =	sld [smem:$0x3FA3];
	_ =	sdelay $0x3  }
0x34: {  	[smem:$0x3FA3] =	sst s10  }
0x35: {  	s10 =	sld [smem:$0x3FA2];
	_ =	sdelay $0x3  }
0x36: {  	p1 =	seq.s32 s10, $0x1;
	s10 =	sld [smem:$0x3FA3];
	_ =	sdelay $0x3  }
0x37: {  	[smem:$0x3FA3] =	sst s10  }
0x38: {  	s10 =	sld [smem:$0x3FA4]  }
0x39: {  	_ = 	snop;
	(pc) =	sbr.ind lr, $3  }
0x3a: {  	_ = 	snop  }
0x3b: {  	_ = 	snop  }
0x3c: {  	p2 =	seq.s32 s10, $0x1;
	s10 =	sld [smem:$0x3FA3]  }
0x3d: {  	_ =	shalt  }
0x3e: {  	_ =	shalt  }
0x3f: {  	_ =	shalt  }
0x40: {  	_ =	shalt  }
0x41: {  	_ =	shalt  }
0x42: {  	_ =	shalt  }
0x43: {  	_ =	shalt  }
0x44: {  	_ =	shalt  }
0x45: {  	_ =	shalt  }
0x46: {  	_ =	shalt  }
0x47: {  	_ =	shalt  }
0x48: {  	_ =	shalt  }
0x49: {  	_ =	shalt  }
0x4a: {  	_ =	shalt  }
0x4b: {  	_ =	shalt  }
0x4c: {  	_ =	shalt  }
0x4d: {  	_ =	shalt  }
0x4e: {  	_ =	shalt  }
0x4f: {  	_ =	shalt  }
0x50: {  	_ =	shalt  }
0x51: {  	_ =	shalt  }
0x52: {  	_ =	shalt  }
0x53: {  	_ =	shalt  }
0x54: {  	_ =	shalt  }
0x55: {  	_ =	shalt  }
0x56: {  	_ =	shalt  }
0x57: {  	_ =	shalt  }
0x58: {  	_ =	shalt  }
0x59: {  	_ =	shalt  }
0x5a: {  	_ =	shalt  }
0x5b: {  	_ =	shalt  }
0x5c: {  	_ =	shalt  }
0x5d: {  	_ =	shalt  }
0x5e: {  	_ =	shalt  }
0x5f: {  	_ =	shalt  }
0x60: {  	_ =	shalt  }
0x61: {  	_ =	shalt  }
0x62: {  	_ =	shalt  }
0x63: {  	_ =	shalt  }
0x64: {  	_ =	shalt  }
0x65: {  	_ =	shalt  }
0x66: {  	_ =	shalt  }
0x67: {  	_ =	shalt  }
0x68: {  	_ =	shalt  }
0x69: {  	_ =	shalt  }
0x6a: {  	_ =	shalt  }
0x6b: {  	_ =	shalt  }
0x6c: {  	_ =	shalt  }
0x6d: {  	_ =	shalt  }
0x6e: {  	_ =	shalt  }
0x6f: {  	_ =	shalt  }
0x70: {  	_ =	shalt  }
0x71: {  	_ =	shalt  }
0x72: {  	_ =	shalt  }
0x73: {  	_ =	shalt  }
0x74: {  	_ =	shalt  }
0x75: {  	_ =	shalt  }
0x76: {  	_ =	shalt  }
0x77: {  	_ =	shalt  }
0x78: {  	_ =	shalt  }
0x79: {  	_ =	shalt  }
0x7a: {  	_ =	shalt  }
0x7b: {  	_ =	shalt  }
0x7c: {  	_ =	shalt  }
0x7d: {  	_ =	shalt  }
0x7e: {  	_ =	shalt  }
0x7f: {  	_ =	shalt  }
0x80: {  	_ =	shalt  }
0x81: {  	_ =	shalt  }
0x82: {  	_ =	shalt  }
0x83: {  	_ =	shalt  }
0x84: {  	_ =	shalt  }
0x85: {  	_ =	shalt  }
0x86: {  	_ =	shalt  }
0x87: {  	_ =	shalt  }
.Lfunc_end0:
.L_simem_size_0:
called_computation_lowered:
.L_overlay_start_0:
0x88: {  	s2 =	sld [smem:$0x3FD9]  }
0x89: {  	s3 =	sld [smem:$0x3FFE];
	_ =	sdelay $0x1  }
0x8a: {  	s1 =	srdreg.scid  }
0x8b: {  	s0 =	sand.u32 $0x1, s1  }
0x8c: {  	s14 =	sshll.u32 s0, $0xA;
	s2 =	sadd.s32 s3, s2  }
0x8d: {  	s2 =	sadd.s32 s2, s14  }
0x8e: {  	[smem:$0x3FAF] =	sst s2  }
0x8f: {  	_ = 	snop  }
0x90: {  	s2 =	sld [smem:$0x3FD0];
	_ =	sdelay $0x2  }
0x91: {  	s15 =	simm.s32 $0xA;
	s4 =	simm.s32 $0x10  }
0x92: {  	[smem:s4], [sflag:s15] =	dma.local [hbm:s2], $0x1  }
0x93: {  	_ =	swait.eq [sflag:s15], $0x1  }
0x94: {  	[sflag:s15] =	ssyncset.done $0x0  }
0x95: {  	s16 =	sld [smem:$0x10];
	[sflag:s15] =	ssyncadd.s32 $0xFFFFFFFF  }
0x96: {  	s17 =	sld [smem:$0x11];
	(tm) =	ssettm $0x1  }
0x97: {  	s18 =	sld [smem:$0x3FFB];
	_ =	sdelay $0x3  }
0x98: {  	_ =	strace s18  }
0x99: {  	s4 =	sld [smem:$0x3FFC];
	_ =	sdelay $0x3  }
0x9a: {  	_ =	strace s4  }
0x9b: {  	s4 =	sld [smem:$0x3FFD];
	_ =	sdelay $0x3  }
0x9c: {  	_ =	strace s4  }
0x9d: {  	_ =	strace $0x8FFFFFFF  }
0x9e: {  	s19 =	sld [smem:$0x3FDB];
	_ =	sdelay $0x1  }
0x9f: {  	s5 =	simm.s32 $_scs_section_size  }
0xa0: {  	s6 =	simm.s32 $_size__tile_overlayer_lowered;
	s7 =	simm.s32 $_tile_overlayer_lowered  }
0xa1: {  	s22 =	simm.s32 $0x1BFF;
	s21 =	sshll.u32 s7, $0x1;
	s4 =	sadd.s32 s5, s19  }
0xa2: {  	s8 =	simm.s32 $0x0;
	s20 =	sshll.u32 s6, $0x1;
	s6 =	sadd.s32 s21, s4  }
0xa3: {  	[timem:s8], [sflag:s22] =	dma.local [hbm:s6], s20  }
0xa4: {  	_ =	swait.ge [sflag:s22], s20  }
0xa5: {  	s5 =	ssub.s32 $0x0, s20;
	[sflag:s22] =	ssyncset.done $0x0  }
0xa6: {  	[sflag:s22] =	ssyncadd.s32 s5;
	_ =	sdelay $0x1  }
0xa7: {  	s23 =	simm.s32 $0x1B8B  }
0xa8: {  	_ =	swait.ge [sflag:s23], $0x1  }
0xa9: {  	[sflag:s23] =	ssyncset.done $0x0  }
0xaa: {  	s25 =	simm.s32 $0x1B8E;
	s24 =	sld [smem:$0x3FFE];
	[sflag:s23] =	ssyncadd.s32 $0xFFFFFFFF  }
0xab: {  	s26 =	simm.s32 $execute0_lowered;
	[smem:$0x3FD2] =	sst s25  }
0xac: {  	s6 =	sshll.u32 s26, $0x1;
	_ =	strace $0x80000046;
	[dreg:$0x1] =	wrdreg $0xFFFFFFFF  }
0xad: {  	s28 =	simm.s32 $_size_execute0_lowered;
	s4 =	sadd.s32 s4, s6;
	[dreg:$0x0] =	wrdreg $0x0  }
0xae: {  	s6 =	sshll.u32 s28, $0x1;
	[dreg:$0x2] =	wrdreg s4  }
0xaf: {  	[dreg:$0x3] =	wrdreg s6  }
0xb0: {  	[dreg:$0x4] =	wrdreg $0xC0  }
0xb1: {  	_ =	task [dreg:s8], $0x5FFFF  }
0xb2: {  	[dreg:$0x1] =	wrdreg $0xFFFFFFFF  }
0xb3: {  	[dreg:$0x0] =	wrdreg $0x60  }
0xb4: {  	[dreg:$0x2] =	wrdreg s17  }
0xb5: {  	[dreg:$0x3] =	wrdreg s24  }
0xb6: {  	[dreg:$0x4] =	wrdreg s16  }
0xb7: {  	[dreg:$0x5] =	wrdreg $0x9F000  }
0xb8: {  	[dreg:$0x6] =	wrdreg $0x9  }
0xb9: {  	_ =	task.clear_ibuf [dreg:s8], $0x7FFFF;
	_ =	strace $0x90000046  }
0xba: {  	s29 =	simm.s32 $0x9;
	_ =	strace $0x80000048  }
0xbb: {  	_ =	swait.ge [sflag:s29], $0x1  }
0xbc: {  	[sflag:s29] =	ssyncadd.s32 $0xFFFFFFFF  }
0xbd: {  	_ =	strace $0x90000048  }
0xbe: {  	_ =	sfence  }
0xbf: {  	s30 =	sld [smem:$0x0];
	_ =	sdelay $0x2  }
0xc0: {  	s31 =	sshll.u32 s1, $0xD;
	s1 =	sshrl.u32 s1, $0x2  }
0xc1: {  	s3 =	sand.u32 $0x4000, s31;
	s1 =	sadd.s32 s1, s30  }
0xc2: {  	s0 =	sor.u32 s3, s0;
	s1 =	sshll.u32 s1, $0x11  }
0xc3: {  	s0 =	sor.u32 s1, s0  }
0xc4: {  	s0 =	sadd.s32 $0x8F2B, s0  }
0xc5: {  	[sflag:s0] =	ssyncadd.remote.s32 $0x1  }
0xc6: {  	_ =	sfence.sel $0xFFFF  }
0xc7: {  	[dreg:$0x0] =	wrdreg $0xFFFFFFFF;
	(pc) =	sbr.abs _section_cstart, $3  }
0xc8: {  	[dreg:$0x1] =	wrdreg $0xFFFFFFFF  }
0xc9: {  	_ =	task.clear_ibuf [dreg:s8], $0x2FFFF;
	_ =	strace $0x9FFFFFFF  }
0xca: {  	(tm) =	ssettm $0x7FFFFFFF  }
0xcb: {  	_ =	shalt  }
tec
execute0_lowered:
.L_overlay_start_1:
0x0: {  	(tag) =	ssettag $0x1  }
0x1: {  	s1 =	rddreg [dreg:$0x0]  }
0x2: {  	s0 =	rddreg [dreg:$0x1]  }
0x3: {  	s2 =	rddreg [dreg:$0x2];
	s4 =	srdreg.scid  }
0x4: {  	s14 =	stileid.u32;
	s3 =	rddreg [dreg:$0x3]  }
0x5: {  	s29 =	simm.s32 $0x5F00;
	s30 =	simm.s32 $0x2;
	s31 =	simm.s32 $0x7  }
0x6: {  	s15 =	simm.s32 $0x5;
	s16 =	simm.s32 $0xA;
	s7 =	sand.u32 $0x1, s4  }
0x7: {  	s5 =	sshll.u32 s14, $0x1;
	s4 =	simm.s32 $0x0;
	s10 =	smul.u32 $0x4E000, s14  }
0x8: {  	s6 =	sadd.s32 $0x4F9600, s0;
	s12 =	smul.u32 $0x13800, s14;
	s18 =	sshll.u32 s14, $0x6  }
0x9: {  	s20 =	sadd.s32 $0x138000, s3;
	p0 =	sne.s32 s14, $0xF;
	s14 =	simm.s32 $0xD  }
0xa: {  	s8 =	sor.u32 s7, s5;
	s11 =	ssub.s32 $0x2, s7;
	s7 =	smul.u32 $0x138800, s7  }
0xb: {  	[smem:$0x7FF] =	sst s4;
	s18 =	sor.u32 $0x1C10, s18;
	s5 =	smul.u32 $0x2710, s8  }
0xc: {  	_ =	strace $0x80000047;
	s13 =	sshrl.u32 s11, $0x1;
	s10 =	sshrl.u32 s10, $0x2  }
0xd: {  	s17 =	sshrl.u32 s12, $0x3;
	s19 =	smul.u32 $0x138800, s8;
	[dreg:$0x8] =	wrdreg s20  }
0xe: {  	s8 =	smul.u32 $0x27100, s8;
	[dreg:$0x7] =	wrdreg s18;
	s11 =	ssub.s32 s11, s13  }
0xf: {  	s10 =	sadd.s32 s10, s3;
	s24 =	sadd.s32 s12, s7;
	s7 =	sshrl.u32 s7, $0x3  }
0x10: {  	s12 =	simm.s32 $0x4;
	s13 =	simm.s32 $0x9;
	s9 =	sshrl.u32 s5, $0x3  }
0x11: {  	[dreg:$0x5] =	wrdreg s10;
	s10 =	sadd.s32 s2, s17;
	s2 =	sadd.s32 $0x27000, s2  }
0x12: {  	s21 =	sshrl.u32 s19, $0x3;
	s8 =	sadd.s32 s6, s8;
	s28 =	smax.u32 s11, $0x1  }
0x13: {  	s11 =	simm.s32 $0xC;
	s17 =	simm.s32 $0xE;
	[dreg:$0x6] =	wrdreg s10  }
0x14: {  	s19 =	simm.s32 $0x0;
	s9 =	sadd.s32 s9, s0;
	[dreg:$0x9] =	wrdreg s2  }
0x15: {  	s0 =	sadd.s32 $0x3A00, s0;
	s2 =	sadd.s32 s6, s21;
	[dreg:$0xc] =	wrdreg s8  }
0x16: {  	s8 =	sshrl.u32 s24, $0x3;
	[dreg:$0x12] =	wrdreg s28;
	s22 =	sadd.s32 $0x4EF800, s9  }
0x17: {  	s21 =	simm.s32 $0x10;
	s9 =	sadd.s32 $0x4E5A00, s9;
	[dreg:$0xa] =	wrdreg s22  }
0x18: {  	s24 =	simm.s32 $0x6;
	s23 =	sadd.s32 $0x100, s2;
	[dreg:$0xb] =	wrdreg s9  }
0x19: {  	s10 =	simm.s32 $0x8;
	s25 =	sadd.s32 $0x200, s2;
	[dreg:$0xd] =	wrdreg s23  }
.Ltmp0:
0x1a: {  	s2 =	sadd.s32 $0x300, s2;
	[dreg:$0xe] =	wrdreg s25;
	(pc) =	sbr.rel .LBB2_1-.Ltmp0, $4  }
0x1b: {  	s26 =	sadd.s32 s0, s8;
	s0 =	sadd.s32 s0, s7;
	[dreg:$0xf] =	wrdreg s2  }
0x1c: {  	s7 =	simm.s32 $0xB;
	s8 =	simm.s32 $0x3;
	[dreg:$0x10] =	wrdreg s26  }
0x1d: {  	s0 =	sadd.s32 $0x27000, s0;
	s25 =	simm.s32 $0x5700;
	s2 =	simm.s32 $0x6700  }
0x1e: {  	s22 =	simm.s32 $0x1;
	s26 =	simm.s32 $0x6F00;
	[dreg:$0x11] =	wrdreg s0  }
.LBB2_14:
0x1f: {  	s0 =	simm.s32 $0xF  }
0x20: {  	_ =	swait.ge [sflag:s0], $0x800  }
0x21: {  	[sflag:s0] =	ssyncset.done $0x0  }
0x22: {  	[sflag:s0] =	ssyncadd.s32 $0xFFFFF800  }
0x23: {  	[bflag:$0x0] =	sbarrier.arrive $0xFFFF  }
0x24: {  	s18 =	rddreg [dreg:$0x7]  }
0x25: {  	s23 =	rddreg [dreg:$0x10]  }
0x26: {  	s9 =	rddreg [dreg:$0x14]  }
0x27: {  	[hbm:s23], [sflag:s18] =	dma.local [spmem:s9], $0x2700  }
0x28: {  	_ =	swait.ge [sflag:s21], $0x2700  }
0x29: {  	[sflag:s21] =	ssyncset.done $0x0;
	s0 =	rddreg [dreg:$0x11]  }
0x2a: {  	s9 =	rddreg [dreg:$0x15];
	[sflag:s21] =	ssyncadd.s32 $0xFFFFD900  }
0x2b: {  	[hbm:s0], [sflag:s18] =	dma.local @!p0 [spmem:s9], $0x100  }
0x2c: {  	s0 =	simm.s32 @!p0 $0x10  }
0x2d: {  	_ =	swait.ge @!p0 [sflag:s0], $0x100  }
0x2e: {  	s19 =	rddreg [dreg:$0x13]  }
0x2f: {  	s28 =	rddreg [dreg:$0x12];
	s19 =	sadd.s32 $0x1, s19  }
0x30: {  	p1 =	sne.s32 s19, s28  }
.Ltmp1:
0x31: {  	_ = 	snop;
	(pc) =	sbr.rel @!p1 .LBB2_15-.Ltmp1, $3  }
0x32: {  	_ =	sdelay $0x1  }
0x33: {  	[sflag:s0] =	ssyncset.done @!p0 $0x0  }
0x34: {  	[sflag:s0] =	ssyncadd.s32 @!p0 $0xFFFFFF00  }
.LBB2_1:
0x35: {  	[dreg:$0x13] =	wrdreg s19  }
0x36: {  	s0 =	rddreg [dreg:$0x5]  }
0x37: {  	s19 =	rddreg [dreg:$0x6];
	s9 =	sshrl.u32 s0, $0x3  }
0x38: {  	[dreg:$0x14] =	wrdreg s9  }
0x39: {  	[spmem:s9], [sflag:s18] =	dma.local [hbm:s19], $0x2700  }
0x3a: {  	_ =	swait.ge [sflag:s21], $0x2700  }
0x3b: {  	s0 =	rddreg [dreg:$0x8]  }
0x3c: {  	[sflag:s21] =	ssyncset.done $0x0;
	s9 =	sshrl.u32 @!p0 s0, $0x3;
	s0 =	rddreg [dreg:$0x9]  }
0x3d: {  	[sflag:s21] =	ssyncadd.s32 $0xFFFFD900;
	[dreg:$0x15] =	wrdreg s9  }
0x3e: {  	[spmem:s9], [sflag:s18] =	dma.local @!p0 [hbm:s0], $0x100  }
0x3f: {  	s0 =	simm.s32 @!p0 $0x10  }
0x40: {  	_ =	swait.ge @!p0 [sflag:s0], $0x100  }
0x41: {  	[sflag:s0] =	ssyncset.done @!p0 $0x0  }
0x42: {  	s20 =	rddreg [dreg:$0xa];
	[sflag:s0] =	ssyncadd.s32 @!p0 $0xFFFFFF00  }
0x43: {  	[tilespmem:s4], [sflag:$0x10] =	stream.linear.gather [hbm4b:s20+s4], $0x2710, $0x38;
	[tilespmem:$0x1D780] =	vst v63  }
0x44: {  	_ =	swait.ge [sflag:s21], $0x2710  }
0x45: {  	[sflag:s21] =	ssyncset.done $0x0  }
0x46: {  	s28 =	simm.s32 $0x2780;
	s23 =	rddreg [dreg:$0xb];
	[sflag:s21] =	ssyncadd.s32 $0xFFFFD8F0  }
0x47: {  	[tilespmem:s28], [sflag:$0x10] =	stream.linear.gather [hbm4b:s23+s4], $0x2710, $0x38;
	[tilespmem:$0x1D780] =	vst v63  }
0x48: {  	_ =	swait.ge [sflag:s21], $0x2710  }
0x49: {  	[sflag:s21] =	ssyncset.done $0x0  }
0x4a: {  	[sflag:s21] =	ssyncadd.s32 $0xFFFFD8F0  }
0x4b: {  	s18 =	simm.s32 $0x4F00;
	[bflag:$0x0] =	sbarrier.arrive $0xFFFF  }
0x4c: {  	[tilespmem:s18], [sflag:$0x1] =	stream.indirect.gather [hbm4b:s1+s21], $0x80, s4, s21, $0xb8;
	[tilespmem:$0x1D780] =	vst v63  }
0x4d: {  	s20 =	simm.s32 $0x7700;
	s19 =	rddreg [dreg:$0xc]  }
0x4e: {  	[tilespmem:s20], [sflag:$0x6] =	stream.linear.gather [hbm4b:s19+s4], $0x800, $0x38;
	[tilespmem:$0x1D780] =	vst v63  }
0x4f: {  	_ = 	snop  }
0x50: {  	[tilespmem:s25], [sflag:$0x2] =	stream.indirect.gather [hbm4b:s1+s21], $0x80, s21, s21, $0xb8;
	[tilespmem:$0x1D780] =	vst v63  }
0x51: {  	s28 =	simm.s32 $0x7F00;
	s23 =	rddreg [dreg:$0xd]  }
0x52: {  	[tilespmem:s28], [sflag:$0x7] =	stream.linear.gather [hbm4b:s23+s4], $0x800, $0x38;
	[tilespmem:$0x1D780] =	vst v63  }
0x53: {  	s9 =	simm.s32 $0x20  }
0x54: {  	[tilespmem:s29], [sflag:$0x3] =	stream.indirect.gather [hbm4b:s1+s21], $0x80, s9, s21, $0xb8;
	[tilespmem:$0x1D780] =	vst v63  }
0x55: {  	s18 =	rddreg [dreg:$0xe];
	s19 =	simm.s32 $0x8700  }
0x56: {  	[tilespmem:s19], [sflag:$0x8] =	stream.linear.gather [hbm4b:s18+s4], $0x800, $0x38;
	[tilespmem:$0x1D780] =	vst v63  }
0x57: {  	s20 =	simm.s32 $0x30  }
0x58: {  	[tilespmem:s2], [sflag:$0x4] =	stream.indirect.gather [hbm4b:s1+s21], $0x80, s20, s21, $0xb8;
	[tilespmem:$0x1D780] =	vst v63  }
0x59: {  	s23 =	rddreg [dreg:$0xf];
	s28 =	simm.s32 $0x8F00;
	s20 =	simm.s32 $0x0  }
0x5a: {  	[tilespmem:s28], [sflag:$0x9] =	stream.linear.gather [hbm4b:s23+s4], $0x800, $0x38;
	[tilespmem:$0x1D780] =	vst v63  }
.LBB2_2:
0x5b: {  	_ =	swait.ge [sflag:s22], $0x800  }
0x5c: {  	[sflag:s22] =	ssyncset.done $0x0  }
0x5d: {  	[sflag:s22] =	ssyncadd.s32 $0xFFFFF800  }
0x5e: {  	_ =	swait.ge [sflag:s24], $0x800  }
0x5f: {  	[sflag:s24] =	ssyncset.done $0x0  }
0x60: {  	s9 =	simm.s32 $0x0;
	[sflag:s24] =	ssyncadd.s32 $0xFFFFF800  }
0x61: {  	v3 =	vld [tilespmem:s9+$0x7700]  }
0x62: {  	v2 =	vld [tilespmem:s9+$0x7710]  }
0x63: {  	v1 =	vld [tilespmem:s9+$0x7720]  }
0x64: {  	v0 =	vld [tilespmem:s9+$0x7730]  }
0x65: {  	v8 =	vld [tilespmem:s9+$0x4F00]  }
0x66: {  	v7 =	vld [tilespmem:s9+$0x4F10]  }
0x67: {  	v6 =	vld [tilespmem:s9+$0x4F20]  }
0x68: {  	v5 =	vld [tilespmem:s9+$0x4F30]  }
0x69: {  	v4 =	vld [tilespmem:s9+$0x4F40];
	v10 =	vshll.u32 v3, $0x10  }
0x6a: {  	s0 =	simm.s32 $0x200;
	v9 =	vand.u32 $0xFFFF0000, v3;
	v3 =	vld [tilespmem:s9+$0x4F50];
	v8 =	vadd.f32 v10, v8  }
.LBB2_3:
0x6b: {  	p1 =	sne.s32 s0, $0x1E00;
	v7 =	vadd.f32 v9, v7;
	v9 =	vshll.u32 v2, $0x10;
	v10 =	vld [tilespmem:s9+$0x4F60]  }
0x6c: {  	s18 =	sshra.s32 s0, $0x2;
	v2 =	vand.u32 $0xFFFF0000, v2;
	v8 =	vmax.f32 v8, $0.0e+00;
	v6 =	vadd.f32 v9, v6;
	v9 =	vld [tilespmem:s9+$0x4F70]  }
0x6d: {  	v11 =	vld [tilespmem:s18+$0x7700];
	[tilespmem:s9+$0x4F00] =	vst v8;
	v7 =	vmax.f32 v7, $0.0e+00;
	v5 =	vadd.f32 v2, v5;
	v8 =	vshll.u32 v1, $0x10  }
0x6e: {  	v2 =	vld [tilespmem:s18+$0x7710];
	[tilespmem:s9+$0x4F10] =	vst v7;
	v6 =	vmax.f32 v6, $0.0e+00;
	v7 =	vand.u32 $0xFFFF0000, v1;
	v4 =	vadd.f32 v8, v4  }
0x6f: {  	v1 =	vld [tilespmem:s18+$0x7720];
	[tilespmem:s9+$0x4F20] =	vst v6;
	v5 =	vmax.f32 v5, $0.0e+00;
	v3 =	vadd.f32 v7, v3;
	v6 =	vshll.u32 v0, $0x10  }
0x70: {  	[tilespmem:s9+$0x4F30] =	vst v5;
	v4 =	vmax.f32 v4, $0.0e+00;
	v5 =	vand.u32 $0xFFFF0000, v0;
	v0 =	vld [tilespmem:s18+$0x7730];
	v6 =	vadd.f32 v6, v10  }
0x71: {  	v8 =	vld [tilespmem:s18+$0x4F00];
	[tilespmem:s9+$0x4F40] =	vst v4;
	v3 =	vmax.f32 v3, $0.0e+00;
	v4 =	vadd.f32 v5, v9  }
.Ltmp2:
0x72: {  	v7 =	vld [tilespmem:s18+$0x4F10];
	[tilespmem:s9+$0x4F50] =	vst v3;
	v3 =	vmax.f32 v6, $0.0e+00;
	(pc) =	sbr.rel @p1 .LBB2_3-.Ltmp2, $4  }
0x73: {  	v6 =	vld [tilespmem:s18+$0x4F20];
	[tilespmem:s9+$0x4F60] =	vst v3;
	v3 =	vmax.f32 v4, $0.0e+00  }
0x74: {  	v5 =	vld [tilespmem:s18+$0x4F30];
	[tilespmem:s9+$0x4F70] =	vst v3;
	s9 =	smov.u32 s18  }
0x75: {  	v3 =	vshll.u32 v11, $0x10;
	v4 =	vld [tilespmem:s9+$0x4F40]  }
0x76: {  	s0 =	sadd.s32 $0x200, s0;
	v9 =	vand.u32 $0xFFFF0000, v11;
	v8 =	vadd.f32 v3, v8;
	v3 =	vld [tilespmem:s9+$0x4F50]  }
0x77: {  	v7 =	vadd.f32 v9, v7;
	v9 =	vshll.u32 v2, $0x10;
	v10 =	vld [tilespmem:s9+$0x4F60]  }
0x78: {  	v2 =	vand.u32 $0xFFFF0000, v2;
	v8 =	vmax.f32 v8, $0.0e+00;
	v6 =	vadd.f32 v9, v6;
	v9 =	vld [tilespmem:s9+$0x4F70]  }
0x79: {  	[tilespmem:s9+$0x4F00] =	vst v8;
	v7 =	vmax.f32 v7, $0.0e+00;
	v2 =	vadd.f32 v2, v5;
	v5 =	vshll.u32 v1, $0x10  }
0x7a: {  	v1 =	vand.u32 $0xFFFF0000, v1;
	[tilespmem:s9+$0x4F10] =	vst v7;
	v6 =	vmax.f32 v6, $0.0e+00;
	v4 =	vadd.f32 v5, v4  }
0x7b: {  	[tilespmem:s9+$0x4F20] =	vst v6;
	v2 =	vmax.f32 v2, $0.0e+00;
	v1 =	vadd.f32 v1, v3;
	v3 =	vshll.u32 v0, $0x10  }
0x7c: {  	v0 =	vand.u32 $0xFFFF0000, v0;
	[tilespmem:s9+$0x4F30] =	vst v2;
	v2 =	vmax.f32 v4, $0.0e+00;
	v3 =	vadd.f32 v3, v10  }
0x7d: {  	s0 =	smul.u32 $0x140, s20;
	[tilespmem:s9+$0x4F40] =	vst v2;
	v1 =	vmax.f32 v1, $0.0e+00;
	v0 =	vadd.f32 v0, v9  }
0x7e: {  	[tilespmem:s9+$0x4F50] =	vst v1;
	v1 =	vmax.f32 v3, $0.0e+00  }
0x7f: {  	s19 =	sshra.s32 s0, $0x2;
	[tilespmem:s9+$0x4F60] =	vst v1;
	v0 =	vmax.f32 v0, $0.0e+00  }
0x80: {  	s18 =	simm.s32 $0x4F00;
	p1 =	seq.s32 s20, $0x0;
	s0 =	sadd.s32 $0x2780, s19;
	[tilespmem:s9+$0x4F70] =	vst v0  }
0x81: {  	[spmem:s3] =	stream.indirect.scatter.add.f32 [tilespmem:s18], [sflag:$0xB], $0x80, s0, s21, $0xb8;
	[tilespmem:$0x1D780] =	vst v63  }
0x82: {  	s0 =	simm.s32 @!p1 $0xF;
	s18 =	smul.u32 $0x50, s20  }
0x83: {  	_ =	swait.ge @!p1 [sflag:s0], $0x800  }
0x84: {  	[sflag:s0] =	ssyncset.done @!p1 $0x0;
	s9 =	sadd.s32 $0x40, s18  }
0x85: {  	[sflag:s0] =	ssyncadd.s32 @!p1 $0xFFFFF800;
	s23 =	sadd.s32 s5, s9  }
0x86: {  	[tilespmem:s26], [sflag:$0x5] =	stream.indirect.gather [hbm4b:s1+s21], $0x80, s9, s21, $0xb8;
	[tilespmem:$0x1D780] =	vst v63  }
0x87: {  	s0 =	sshll.u32 s23, $0x4  }
0x88: {  	s28 =	simm.s32 $0x0;
	s23 =	simm.s32 $0x9700;
	s0 =	sadd.s32 s6, s0  }
0x89: {  	[tilespmem:s23], [sflag:$0xA] =	stream.linear.gather [hbm4b:s0+s28], $0x800, $0x38;
	[tilespmem:$0x1D780] =	vst v63  }
0x8a: {  	_ =	swait.ge [sflag:s30], $0x800  }
0x8b: {  	[sflag:s30] =	ssyncset.done $0x0  }
0x8c: {  	[sflag:s30] =	ssyncadd.s32 $0xFFFFF800  }
0x8d: {  	_ =	swait.ge [sflag:s31], $0x800  }
0x8e: {  	[sflag:s31] =	ssyncset.done $0x0  }
0x8f: {  	s0 =	simm.s32 $0x0;
	[sflag:s31] =	ssyncadd.s32 $0xFFFFF800  }
0x90: {  	v3 =	vld [tilespmem:s0+$0x7F00]  }
0x91: {  	v2 =	vld [tilespmem:s0+$0x7F10]  }
0x92: {  	v1 =	vld [tilespmem:s0+$0x7F20]  }
0x93: {  	v0 =	vld [tilespmem:s0+$0x7F30]  }
0x94: {  	v8 =	vld [tilespmem:s0+$0x5700]  }
0x95: {  	v7 =	vld [tilespmem:s0+$0x5710]  }
0x96: {  	v6 =	vld [tilespmem:s0+$0x5720]  }
0x97: {  	v5 =	vld [tilespmem:s0+$0x5730]  }
0x98: {  	v4 =	vld [tilespmem:s0+$0x5740];
	v10 =	vshll.u32 v3, $0x10  }
0x99: {  	s28 =	simm.s32 $0x200;
	v9 =	vand.u32 $0xFFFF0000, v3;
	v3 =	vld [tilespmem:s0+$0x5750];
	v8 =	vadd.f32 v10, v8  }
.LBB2_5:
0x9a: {  	p1 =	sne.s32 s28, $0x1E00;
	v7 =	vadd.f32 v9, v7;
	v9 =	vshll.u32 v2, $0x10;
	v10 =	vld [tilespmem:s0+$0x5760]  }
0x9b: {  	s23 =	sshra.s32 s28, $0x2;
	v2 =	vand.u32 $0xFFFF0000, v2;
	v8 =	vmax.f32 v8, $0.0e+00;
	v6 =	vadd.f32 v9, v6;
	v9 =	vld [tilespmem:s0+$0x5770]  }
0x9c: {  	v11 =	vld [tilespmem:s23+$0x7F00];
	[tilespmem:s0+$0x5700] =	vst v8;
	v7 =	vmax.f32 v7, $0.0e+00;
	v5 =	vadd.f32 v2, v5;
	v8 =	vshll.u32 v1, $0x10  }
0x9d: {  	v2 =	vld [tilespmem:s23+$0x7F10];
	[tilespmem:s0+$0x5710] =	vst v7;
	v6 =	vmax.f32 v6, $0.0e+00;
	v7 =	vand.u32 $0xFFFF0000, v1;
	v4 =	vadd.f32 v8, v4  }
0x9e: {  	v1 =	vld [tilespmem:s23+$0x7F20];
	[tilespmem:s0+$0x5720] =	vst v6;
	v5 =	vmax.f32 v5, $0.0e+00;
	v3 =	vadd.f32 v7, v3;
	v6 =	vshll.u32 v0, $0x10  }
0x9f: {  	[tilespmem:s0+$0x5730] =	vst v5;
	v4 =	vmax.f32 v4, $0.0e+00;
	v5 =	vand.u32 $0xFFFF0000, v0;
	v0 =	vld [tilespmem:s23+$0x7F30];
	v6 =	vadd.f32 v6, v10  }
0xa0: {  	v8 =	vld [tilespmem:s23+$0x5700];
	[tilespmem:s0+$0x5740] =	vst v4;
	v3 =	vmax.f32 v3, $0.0e+00;
	v4 =	vadd.f32 v5, v9  }
.Ltmp3:
0xa1: {  	v7 =	vld [tilespmem:s23+$0x5710];
	[tilespmem:s0+$0x5750] =	vst v3;
	v3 =	vmax.f32 v6, $0.0e+00;
	(pc) =	sbr.rel @p1 .LBB2_5-.Ltmp3, $4  }
0xa2: {  	v6 =	vld [tilespmem:s23+$0x5720];
	[tilespmem:s0+$0x5760] =	vst v3;
	v3 =	vmax.f32 v4, $0.0e+00  }
0xa3: {  	v5 =	vld [tilespmem:s23+$0x5730];
	[tilespmem:s0+$0x5770] =	vst v3;
	s0 =	smov.u32 s23  }
0xa4: {  	v3 =	vshll.u32 v11, $0x10;
	v4 =	vld [tilespmem:s0+$0x5740]  }
0xa5: {  	s28 =	sadd.s32 $0x200, s28;
	v9 =	vand.u32 $0xFFFF0000, v11;
	v8 =	vadd.f32 v3, v8;
	v3 =	vld [tilespmem:s0+$0x5750]  }
0xa6: {  	v7 =	vadd.f32 v9, v7;
	v9 =	vshll.u32 v2, $0x10;
	v10 =	vld [tilespmem:s0+$0x5760]  }
0xa7: {  	v2 =	vand.u32 $0xFFFF0000, v2;
	v8 =	vmax.f32 v8, $0.0e+00;
	v6 =	vadd.f32 v9, v6;
	v9 =	vld [tilespmem:s0+$0x5770]  }
0xa8: {  	[tilespmem:s0+$0x5700] =	vst v8;
	v7 =	vmax.f32 v7, $0.0e+00;
	v2 =	vadd.f32 v2, v5;
	v5 =	vshll.u32 v1, $0x10  }
0xa9: {  	v1 =	vand.u32 $0xFFFF0000, v1;
	[tilespmem:s0+$0x5710] =	vst v7;
	v6 =	vmax.f32 v6, $0.0e+00;
	v4 =	vadd.f32 v5, v4  }
0xaa: {  	[tilespmem:s0+$0x5720] =	vst v6;
	v2 =	vmax.f32 v2, $0.0e+00;
	v1 =	vadd.f32 v1, v3;
	v3 =	vshll.u32 v0, $0x10  }
0xab: {  	v0 =	vand.u32 $0xFFFF0000, v0;
	[tilespmem:s0+$0x5730] =	vst v2;
	v2 =	vmax.f32 v4, $0.0e+00;
	v3 =	vadd.f32 v3, v10  }
0xac: {  	[tilespmem:s0+$0x5740] =	vst v2;
	v1 =	vmax.f32 v1, $0.0e+00;
	v0 =	vadd.f32 v0, v9  }
0xad: {  	[tilespmem:s0+$0x5750] =	vst v1;
	v1 =	vmax.f32 v3, $0.0e+00  }
0xae: {  	[tilespmem:s0+$0x5760] =	vst v1;
	v0 =	vmax.f32 v0, $0.0e+00  }
0xaf: {  	s23 =	sadd.s32 $0x2790, s19;
	[tilespmem:s0+$0x5770] =	vst v0  }
0xb0: {  	[spmem:s3] =	stream.indirect.scatter.add.f32 [tilespmem:s25], [sflag:$0xC], $0x80, s23, s21, $0xb8;
	[tilespmem:$0x1D780] =	vst v63  }
0xb1: {  	p1 =	seq.s32 s20, $0x7C;
	_ =	swait.ge [sflag:s7], $0x800  }
0xb2: {  	s28 =	simm.s32 @!p1 $0x4F00;
	[sflag:s7] =	ssyncset.done $0x0  }
0xb3: {  	s0 =	sadd.s32 @!p1 $0x50, s18;
	s23 =	simm.s32 @!p1 $0x10;
	[sflag:s7] =	ssyncadd.s32 $0xFFFFF800  }
0xb4: {  	[tilespmem:s28], [sflag:$0x1] =	stream.indirect.gather @!p1 [hbm4b:s1+s23], $0x80, s0, s23, $0xb8;
	[tilespmem:$0x1D780] =	vst v63  }
0xb5: {  	s0 =	sadd.s32 @!p1 s5, s0  }
0xb6: {  	s0 =	sshll.u32 @!p1 s0, $0x4  }
0xb7: {  	s23 =	simm.s32 @!p1 $0x0;
	s28 =	simm.s32 @!p1 $0x7700;
	s0 =	sadd.s32 @!p1 s6, s0  }
0xb8: {  	[tilespmem:s28], [sflag:$0x6] =	stream.linear.gather @!p1 [hbm4b:s0+s23], $0x800, $0x38;
	[tilespmem:$0x1D780] =	vst v63  }
0xb9: {  	_ =	swait.ge [sflag:s8], $0x800  }
0xba: {  	[sflag:s8] =	ssyncset.done $0x0  }
0xbb: {  	[sflag:s8] =	ssyncadd.s32 $0xFFFFF800  }
0xbc: {  	_ =	swait.ge [sflag:s10], $0x800  }
0xbd: {  	[sflag:s10] =	ssyncset.done $0x0  }
0xbe: {  	s0 =	simm.s32 $0x0;
	[sflag:s10] =	ssyncadd.s32 $0xFFFFF800  }
0xbf: {  	v3 =	vld [tilespmem:s0+$0x8700]  }
0xc0: {  	v2 =	vld [tilespmem:s0+$0x8710]  }
0xc1: {  	v1 =	vld [tilespmem:s0+$0x8720]  }
0xc2: {  	v0 =	vld [tilespmem:s0+$0x8730]  }
0xc3: {  	v8 =	vld [tilespmem:s0+$0x5F00]  }
0xc4: {  	v7 =	vld [tilespmem:s0+$0x5F10]  }
0xc5: {  	v6 =	vld [tilespmem:s0+$0x5F20]  }
0xc6: {  	v5 =	vld [tilespmem:s0+$0x5F30]  }
0xc7: {  	v4 =	vld [tilespmem:s0+$0x5F40];
	v10 =	vshll.u32 v3, $0x10  }
0xc8: {  	s28 =	simm.s32 $0x200;
	v9 =	vand.u32 $0xFFFF0000, v3;
	v3 =	vld [tilespmem:s0+$0x5F50];
	v8 =	vadd.f32 v10, v8  }
.LBB2_7:
0xc9: {  	p2 =	sne.s32 s28, $0x1E00;
	v7 =	vadd.f32 v9, v7;
	v9 =	vshll.u32 v2, $0x10;
	v10 =	vld [tilespmem:s0+$0x5F60]  }
0xca: {  	s23 =	sshra.s32 s28, $0x2;
	v2 =	vand.u32 $0xFFFF0000, v2;
	v8 =	vmax.f32 v8, $0.0e+00;
	v6 =	vadd.f32 v9, v6;
	v9 =	vld [tilespmem:s0+$0x5F70]  }
0xcb: {  	v11 =	vld [tilespmem:s23+$0x8700];
	[tilespmem:s0+$0x5F00] =	vst v8;
	v7 =	vmax.f32 v7, $0.0e+00;
	v5 =	vadd.f32 v2, v5;
	v8 =	vshll.u32 v1, $0x10  }
0xcc: {  	v2 =	vld [tilespmem:s23+$0x8710];
	[tilespmem:s0+$0x5F10] =	vst v7;
	v6 =	vmax.f32 v6, $0.0e+00;
	v7 =	vand.u32 $0xFFFF0000, v1;
	v4 =	vadd.f32 v8, v4  }
0xcd: {  	v1 =	vld [tilespmem:s23+$0x8720];
	[tilespmem:s0+$0x5F20] =	vst v6;
	v5 =	vmax.f32 v5, $0.0e+00;
	v3 =	vadd.f32 v7, v3;
	v6 =	vshll.u32 v0, $0x10  }
0xce: {  	[tilespmem:s0+$0x5F30] =	vst v5;
	v4 =	vmax.f32 v4, $0.0e+00;
	v5 =	vand.u32 $0xFFFF0000, v0;
	v0 =	vld [tilespmem:s23+$0x8730];
	v6 =	vadd.f32 v6, v10  }
0xcf: {  	v8 =	vld [tilespmem:s23+$0x5F00];
	[tilespmem:s0+$0x5F40] =	vst v4;
	v3 =	vmax.f32 v3, $0.0e+00;
	v4 =	vadd.f32 v5, v9  }
.Ltmp4:
0xd0: {  	v7 =	vld [tilespmem:s23+$0x5F10];
	[tilespmem:s0+$0x5F50] =	vst v3;
	v3 =	vmax.f32 v6, $0.0e+00;
	(pc) =	sbr.rel @p2 .LBB2_7-.Ltmp4, $4  }
0xd1: {  	v6 =	vld [tilespmem:s23+$0x5F20];
	[tilespmem:s0+$0x5F60] =	vst v3;
	v3 =	vmax.f32 v4, $0.0e+00  }
0xd2: {  	v5 =	vld [tilespmem:s23+$0x5F30];
	[tilespmem:s0+$0x5F70] =	vst v3;
	s0 =	smov.u32 s23  }
0xd3: {  	v3 =	vshll.u32 v11, $0x10;
	v4 =	vld [tilespmem:s0+$0x5F40]  }
0xd4: {  	s28 =	sadd.s32 $0x200, s28;
	v9 =	vand.u32 $0xFFFF0000, v11;
	v8 =	vadd.f32 v3, v8;
	v3 =	vld [tilespmem:s0+$0x5F50]  }
0xd5: {  	v7 =	vadd.f32 v9, v7;
	v9 =	vshll.u32 v2, $0x10;
	v10 =	vld [tilespmem:s0+$0x5F60]  }
0xd6: {  	v2 =	vand.u32 $0xFFFF0000, v2;
	v8 =	vmax.f32 v8, $0.0e+00;
	v6 =	vadd.f32 v9, v6;
	v9 =	vld [tilespmem:s0+$0x5F70]  }
0xd7: {  	[tilespmem:s0+$0x5F00] =	vst v8;
	v7 =	vmax.f32 v7, $0.0e+00;
	v2 =	vadd.f32 v2, v5;
	v5 =	vshll.u32 v1, $0x10  }
0xd8: {  	v1 =	vand.u32 $0xFFFF0000, v1;
	[tilespmem:s0+$0x5F10] =	vst v7;
	v6 =	vmax.f32 v6, $0.0e+00;
	v4 =	vadd.f32 v5, v4  }
0xd9: {  	[tilespmem:s0+$0x5F20] =	vst v6;
	v2 =	vmax.f32 v2, $0.0e+00;
	v1 =	vadd.f32 v1, v3;
	v3 =	vshll.u32 v0, $0x10  }
0xda: {  	v0 =	vand.u32 $0xFFFF0000, v0;
	[tilespmem:s0+$0x5F30] =	vst v2;
	v2 =	vmax.f32 v4, $0.0e+00;
	v3 =	vadd.f32 v3, v10  }
0xdb: {  	[tilespmem:s0+$0x5F40] =	vst v2;
	v1 =	vmax.f32 v1, $0.0e+00;
	v0 =	vadd.f32 v0, v9  }
0xdc: {  	[tilespmem:s0+$0x5F50] =	vst v1;
	v1 =	vmax.f32 v3, $0.0e+00  }
0xdd: {  	[tilespmem:s0+$0x5F60] =	vst v1;
	v0 =	vmax.f32 v0, $0.0e+00  }
0xde: {  	s23 =	sadd.s32 $0x27A0, s19;
	[tilespmem:s0+$0x5F70] =	vst v0  }
0xdf: {  	[spmem:s3] =	stream.indirect.scatter.add.f32 [tilespmem:s29], [sflag:$0xD], $0x80, s23, s21, $0xb8;
	[tilespmem:$0x1D780] =	vst v63  }
0xe0: {  	_ =	swait.ge [sflag:s11], $0x800  }
0xe1: {  	s28 =	simm.s32 @!p1 $0x5700;
	[sflag:s11] =	ssyncset.done $0x0  }
0xe2: {  	s0 =	sadd.s32 @!p1 $0x60, s18;
	s23 =	simm.s32 @!p1 $0x10;
	[sflag:s11] =	ssyncadd.s32 $0xFFFFF800  }
0xe3: {  	[tilespmem:s28], [sflag:$0x2] =	stream.indirect.gather @!p1 [hbm4b:s1+s23], $0x80, s0, s23, $0xb8;
	[tilespmem:$0x1D780] =	vst v63  }
0xe4: {  	s0 =	sadd.s32 @!p1 s5, s0  }
0xe5: {  	s0 =	sshll.u32 @!p1 s0, $0x4  }
0xe6: {  	s23 =	simm.s32 @!p1 $0x0;
	s28 =	simm.s32 @!p1 $0x7F00;
	s0 =	sadd.s32 @!p1 s6, s0  }
0xe7: {  	[tilespmem:s28], [sflag:$0x7] =	stream.linear.gather @!p1 [hbm4b:s0+s23], $0x800, $0x38;
	[tilespmem:$0x1D780] =	vst v63  }
0xe8: {  	_ =	swait.ge [sflag:s12], $0x800  }
0xe9: {  	[sflag:s12] =	ssyncset.done $0x0  }
0xea: {  	[sflag:s12] =	ssyncadd.s32 $0xFFFFF800  }
0xeb: {  	_ =	swait.ge [sflag:s13], $0x800  }
0xec: {  	[sflag:s13] =	ssyncset.done $0x0  }
0xed: {  	s0 =	simm.s32 $0x0;
	[sflag:s13] =	ssyncadd.s32 $0xFFFFF800  }
0xee: {  	v3 =	vld [tilespmem:s0+$0x8F00]  }
0xef: {  	v2 =	vld [tilespmem:s0+$0x8F10]  }
0xf0: {  	v1 =	vld [tilespmem:s0+$0x8F20]  }
0xf1: {  	v0 =	vld [tilespmem:s0+$0x8F30]  }
0xf2: {  	v8 =	vld [tilespmem:s0+$0x6700]  }
0xf3: {  	v7 =	vld [tilespmem:s0+$0x6710]  }
0xf4: {  	v6 =	vld [tilespmem:s0+$0x6720]  }
0xf5: {  	v5 =	vld [tilespmem:s0+$0x6730]  }
0xf6: {  	v4 =	vld [tilespmem:s0+$0x6740];
	v10 =	vshll.u32 v3, $0x10  }
0xf7: {  	s28 =	simm.s32 $0x200;
	v9 =	vand.u32 $0xFFFF0000, v3;
	v3 =	vld [tilespmem:s0+$0x6750];
	v8 =	vadd.f32 v10, v8  }
.LBB2_9:
0xf8: {  	p2 =	sne.s32 s28, $0x1E00;
	v7 =	vadd.f32 v9, v7;
	v9 =	vshll.u32 v2, $0x10;
	v10 =	vld [tilespmem:s0+$0x6760]  }
0xf9: {  	s23 =	sshra.s32 s28, $0x2;
	v2 =	vand.u32 $0xFFFF0000, v2;
	v8 =	vmax.f32 v8, $0.0e+00;
	v6 =	vadd.f32 v9, v6;
	v9 =	vld [tilespmem:s0+$0x6770]  }
0xfa: {  	v11 =	vld [tilespmem:s23+$0x8F00];
	[tilespmem:s0+$0x6700] =	vst v8;
	v7 =	vmax.f32 v7, $0.0e+00;
	v5 =	vadd.f32 v2, v5;
	v8 =	vshll.u32 v1, $0x10  }
0xfb: {  	v2 =	vld [tilespmem:s23+$0x8F10];
	[tilespmem:s0+$0x6710] =	vst v7;
	v6 =	vmax.f32 v6, $0.0e+00;
	v7 =	vand.u32 $0xFFFF0000, v1;
	v4 =	vadd.f32 v8, v4  }
0xfc: {  	v1 =	vld [tilespmem:s23+$0x8F20];
	[tilespmem:s0+$0x6720] =	vst v6;
	v5 =	vmax.f32 v5, $0.0e+00;
	v3 =	vadd.f32 v7, v3;
	v6 =	vshll.u32 v0, $0x10  }
0xfd: {  	[tilespmem:s0+$0x6730] =	vst v5;
	v4 =	vmax.f32 v4, $0.0e+00;
	v5 =	vand.u32 $0xFFFF0000, v0;
	v0 =	vld [tilespmem:s23+$0x8F30];
	v6 =	vadd.f32 v6, v10  }
0xfe: {  	v8 =	vld [tilespmem:s23+$0x6700];
	[tilespmem:s0+$0x6740] =	vst v4;
	v3 =	vmax.f32 v3, $0.0e+00;
	v4 =	vadd.f32 v5, v9  }
.Ltmp5:
0xff: {  	v7 =	vld [tilespmem:s23+$0x6710];
	[tilespmem:s0+$0x6750] =	vst v3;
	v3 =	vmax.f32 v6, $0.0e+00;
	(pc) =	sbr.rel @p2 .LBB2_9-.Ltmp5, $4  }
0x100: {  	v6 =	vld [tilespmem:s23+$0x6720];
	[tilespmem:s0+$0x6760] =	vst v3;
	v3 =	vmax.f32 v4, $0.0e+00  }
0x101: {  	v5 =	vld [tilespmem:s23+$0x6730];
	[tilespmem:s0+$0x6770] =	vst v3;
	s0 =	smov.u32 s23  }
0x102: {  	v3 =	vshll.u32 v11, $0x10;
	v4 =	vld [tilespmem:s0+$0x6740]  }
0x103: {  	s28 =	sadd.s32 $0x200, s28;
	v9 =	vand.u32 $0xFFFF0000, v11;
	v8 =	vadd.f32 v3, v8;
	v3 =	vld [tilespmem:s0+$0x6750]  }
0x104: {  	v7 =	vadd.f32 v9, v7;
	v9 =	vshll.u32 v2, $0x10;
	v10 =	vld [tilespmem:s0+$0x6760]  }
0x105: {  	v2 =	vand.u32 $0xFFFF0000, v2;
	v8 =	vmax.f32 v8, $0.0e+00;
	v6 =	vadd.f32 v9, v6;
	v9 =	vld [tilespmem:s0+$0x6770]  }
0x106: {  	[tilespmem:s0+$0x6700] =	vst v8;
	v7 =	vmax.f32 v7, $0.0e+00;
	v2 =	vadd.f32 v2, v5;
	v5 =	vshll.u32 v1, $0x10  }
0x107: {  	v1 =	vand.u32 $0xFFFF0000, v1;
	[tilespmem:s0+$0x6710] =	vst v7;
	v6 =	vmax.f32 v6, $0.0e+00;
	v4 =	vadd.f32 v5, v4  }
0x108: {  	[tilespmem:s0+$0x6720] =	vst v6;
	v2 =	vmax.f32 v2, $0.0e+00;
	v1 =	vadd.f32 v1, v3;
	v3 =	vshll.u32 v0, $0x10  }
0x109: {  	v0 =	vand.u32 $0xFFFF0000, v0;
	[tilespmem:s0+$0x6730] =	vst v2;
	v2 =	vmax.f32 v4, $0.0e+00;
	v3 =	vadd.f32 v3, v10  }
0x10a: {  	[tilespmem:s0+$0x6740] =	vst v2;
	v1 =	vmax.f32 v1, $0.0e+00;
	v0 =	vadd.f32 v0, v9  }
0x10b: {  	[tilespmem:s0+$0x6750] =	vst v1;
	v1 =	vmax.f32 v3, $0.0e+00  }
0x10c: {  	[tilespmem:s0+$0x6760] =	vst v1;
	v0 =	vmax.f32 v0, $0.0e+00  }
0x10d: {  	s28 =	sadd.s32 $0x27B0, s19;
	[tilespmem:s0+$0x6770] =	vst v0  }
0x10e: {  	[spmem:s3] =	stream.indirect.scatter.add.f32 [tilespmem:s2], [sflag:$0xE], $0x80, s28, s21, $0xb8;
	[tilespmem:$0x1D780] =	vst v63  }
0x10f: {  	_ =	swait.ge [sflag:s14], $0x800  }
0x110: {  	s19 =	simm.s32 @!p1 $0x10;
	[sflag:s14] =	ssyncset.done $0x0  }
0x111: {  	s23 =	simm.s32 @!p1 $0x5F00;
	s0 =	sadd.s32 @!p1 $0x70, s18;
	[sflag:s14] =	ssyncadd.s32 $0xFFFFF800  }
0x112: {  	[tilespmem:s23], [sflag:$0x3] =	stream.indirect.gather @!p1 [hbm4b:s1+s19], $0x80, s0, s19, $0xb8;
	[tilespmem:$0x1D780] =	vst v63  }
0x113: {  	s0 =	sadd.s32 @!p1 s5, s0  }
0x114: {  	s0 =	sshll.u32 @!p1 s0, $0x4  }
0x115: {  	s19 =	simm.s32 @!p1 $0x0;
	s23 =	simm.s32 @!p1 $0x8700;
	s0 =	sadd.s32 @!p1 s6, s0  }
0x116: {  	[tilespmem:s23], [sflag:$0x8] =	stream.linear.gather @!p1 [hbm4b:s0+s19], $0x800, $0x38;
	[tilespmem:$0x1D780] =	vst v63  }
0x117: {  	_ =	swait.ge [sflag:s15], $0x800  }
0x118: {  	[sflag:s15] =	ssyncset.done $0x0  }
0x119: {  	[sflag:s15] =	ssyncadd.s32 $0xFFFFF800  }
0x11a: {  	_ =	swait.ge [sflag:s16], $0x800  }
0x11b: {  	[sflag:s16] =	ssyncset.done $0x0  }
0x11c: {  	s0 =	simm.s32 $0x0;
	[sflag:s16] =	ssyncadd.s32 $0xFFFFF800  }
0x11d: {  	v3 =	vld [tilespmem:s0+$0x9700]  }
0x11e: {  	v2 =	vld [tilespmem:s0+$0x9710]  }
0x11f: {  	v1 =	vld [tilespmem:s0+$0x9720]  }
0x120: {  	v0 =	vld [tilespmem:s0+$0x9730]  }
0x121: {  	v8 =	vld [tilespmem:s0+$0x6F00]  }
0x122: {  	v7 =	vld [tilespmem:s0+$0x6F10]  }
0x123: {  	v6 =	vld [tilespmem:s0+$0x6F20]  }
0x124: {  	v5 =	vld [tilespmem:s0+$0x6F30]  }
0x125: {  	v4 =	vld [tilespmem:s0+$0x6F40];
	v10 =	vshll.u32 v3, $0x10  }
0x126: {  	s19 =	simm.s32 $0x200;
	v9 =	vand.u32 $0xFFFF0000, v3;
	v3 =	vld [tilespmem:s0+$0x6F50];
	v8 =	vadd.f32 v10, v8  }
.LBB2_11:
0x127: {  	p2 =	sne.s32 s19, $0x1E00;
	v7 =	vadd.f32 v9, v7;
	v9 =	vshll.u32 v2, $0x10;
	v10 =	vld [tilespmem:s0+$0x6F60]  }
0x128: {  	s23 =	sshra.s32 s19, $0x2;
	v2 =	vand.u32 $0xFFFF0000, v2;
	v8 =	vmax.f32 v8, $0.0e+00;
	v6 =	vadd.f32 v9, v6;
	v9 =	vld [tilespmem:s0+$0x6F70]  }
0x129: {  	v11 =	vld [tilespmem:s23+$0x9700];
	[tilespmem:s0+$0x6F00] =	vst v8;
	v7 =	vmax.f32 v7, $0.0e+00;
	v5 =	vadd.f32 v2, v5;
	v8 =	vshll.u32 v1, $0x10  }
0x12a: {  	v2 =	vld [tilespmem:s23+$0x9710];
	[tilespmem:s0+$0x6F10] =	vst v7;
	v6 =	vmax.f32 v6, $0.0e+00;
	v7 =	vand.u32 $0xFFFF0000, v1;
	v4 =	vadd.f32 v8, v4  }
0x12b: {  	v1 =	vld [tilespmem:s23+$0x9720];
	[tilespmem:s0+$0x6F20] =	vst v6;
	v5 =	vmax.f32 v5, $0.0e+00;
	v3 =	vadd.f32 v7, v3;
	v6 =	vshll.u32 v0, $0x10  }
0x12c: {  	[tilespmem:s0+$0x6F30] =	vst v5;
	v4 =	vmax.f32 v4, $0.0e+00;
	v5 =	vand.u32 $0xFFFF0000, v0;
	v0 =	vld [tilespmem:s23+$0x9730];
	v6 =	vadd.f32 v6, v10  }
0x12d: {  	v8 =	vld [tilespmem:s23+$0x6F00];
	[tilespmem:s0+$0x6F40] =	vst v4;
	v3 =	vmax.f32 v3, $0.0e+00;
	v4 =	vadd.f32 v5, v9  }
.Ltmp6:
0x12e: {  	v7 =	vld [tilespmem:s23+$0x6F10];
	[tilespmem:s0+$0x6F50] =	vst v3;
	v3 =	vmax.f32 v6, $0.0e+00;
	(pc) =	sbr.rel @p2 .LBB2_11-.Ltmp6, $4  }
0x12f: {  	v6 =	vld [tilespmem:s23+$0x6F20];
	[tilespmem:s0+$0x6F60] =	vst v3;
	v3 =	vmax.f32 v4, $0.0e+00  }
0x130: {  	v5 =	vld [tilespmem:s23+$0x6F30];
	[tilespmem:s0+$0x6F70] =	vst v3;
	s0 =	smov.u32 s23  }
0x131: {  	v3 =	vshll.u32 v11, $0x10;
	v4 =	vld [tilespmem:s0+$0x6F40]  }
0x132: {  	s19 =	sadd.s32 $0x200, s19;
	v9 =	vand.u32 $0xFFFF0000, v11;
	v8 =	vadd.f32 v3, v8;
	v3 =	vld [tilespmem:s0+$0x6F50]  }
0x133: {  	v7 =	vadd.f32 v9, v7;
	v55 =	vshll.u32 v2, $0x10;
	v10 =	vld [tilespmem:s0+$0x6F60]  }
0x134: {  	v56 =	vand.u32 $0xFFFF0000, v2;
	v57 =	vld [tilespmem:s0+$0x6F70];
	v8 =	vmax.f32 v8, $0.0e+00;
	v6 =	vadd.f32 v55, v6  }
0x135: {  	v58 =	vshll.u32 v1, $0x10;
	[tilespmem:s0+$0x6F00] =	vst v8;
	v7 =	vmax.f32 v7, $0.0e+00;
	v2 =	vadd.f32 v56, v5  }
0x136: {  	v59 =	vand.u32 $0xFFFF0000, v1;
	[tilespmem:s0+$0x6F10] =	vst v7;
	v6 =	vmax.f32 v6, $0.0e+00;
	v4 =	vadd.f32 v58, v4  }
0x137: {  	v60 =	vshll.u32 v0, $0x10;
	[tilespmem:s0+$0x6F20] =	vst v6;
	v2 =	vmax.f32 v2, $0.0e+00;
	v1 =	vadd.f32 v59, v3  }
0x138: {  	v62 =	vand.u32 $0xFFFF0000, v0;
	[tilespmem:s0+$0x6F30] =	vst v2;
	v61 =	vmax.f32 v4, $0.0e+00;
	v3 =	vadd.f32 v60, v10  }
0x139: {  	v0 =	vadd.f32 v62, v57;
	[tilespmem:s0+$0x6F40] =	vst v61;
	v1 =	vmax.f32 v1, $0.0e+00  }
0x13a: {  	[tilespmem:s0+$0x6F50] =	vst v1;
	v63 =	vmax.f32 v3, $0.0e+00  }
0x13b: {  	v0 =	vmax.f32 v0, $0.0e+00;
	[tilespmem:s0+$0x6F60] =	vst v63  }
.Ltmp7:
0x13c: {  	s28 =	sadd.s32 $0x2780, s9;
	[tilespmem:s0+$0x6F70] =	vst v0;
	(pc) =	sbr.rel @p1 .LBB2_14-.Ltmp7, $4  }
0x13d: {  	[spmem:s3] =	stream.indirect.scatter.add.f32 [tilespmem:s26], [sflag:$0xF], $0x80, s28, s21, $0xb8;
	[tilespmem:$0x1D780] =	vst v63  }
0x13e: {  	_ =	swait.ge [sflag:s17], $0x800  }
0x13f: {  	[sflag:s17] =	ssyncset.done $0x0  }
0x140: {  	[sflag:s17] =	ssyncadd.s32 $0xFFFFF800  }
0x141: {  	s0 =	sadd.s32 $0x80, s18  }
0x142: {  	[tilespmem:s2], [sflag:$0x4] =	stream.indirect.gather [hbm4b:s1+s21], $0x80, s0, s21, $0xb8;
	[tilespmem:$0x1D780] =	vst v63  }
.Ltmp8:
0x143: {  	_ = 	snop;
	(pc) =	sbr.rel .LBB2_2-.Ltmp8, $4  }
0x144: {  	s0 =	sadd.s32 s5, s0  }
0x145: {  	s0 =	sshll.u32 s0, $0x4  }
0x146: {  	s9 =	simm.s32 $0x8F00;
	s20 =	sadd.s32 $0x1, s20;
	s0 =	sadd.s32 s6, s0  }
0x147: {  	[tilespmem:s9], [sflag:$0x9] =	stream.linear.gather [hbm4b:s0+s4], $0x800, $0x38;
	[tilespmem:$0x1D780] =	vst v63  }
.LBB2_15:
0x148: {  	_ =	sfence.sel $0x180000  }
0x149: {  	[bflag:$0x0] =	sbarrier.arrive $0xFFFF  }
0x14a: {  	_ =	strace $0x90000047  }
0x14b: {  	s0 =	stileid.u32;
	[bflag:$0x2] =	sbarrier.arrive $0xFFFF  }
0x14c: {  	p0 =	sne.s32 s0, $0x0;
	s0 =	rddreg [dreg:$0x4]  }
0x14d: {  	s0 =	sadd.s32 @!p0 $0x100000, s0  }
0x14e: {  	[sflag:s0] =	ssyncadd.tile.s32 @!p0 $0x1;
	_ =	shalt  }
.Lfunc_end2:
_tile_overlayer_lowered:
.L_overlay_start_2:
0x14f: {  	(tag) =	ssettag $0x2  }
0x150: {  	s0 =	rddreg [dreg:$0x0];
	s2 =	stileid.u32  }
0x151: {  	s1 =	rddreg [dreg:$0x1];
	p0 =	sne.s32 s2, $0x0  }
0x152: {  	s3 =	rddreg [dreg:$0x2];
	[bflag:$0x3] =	sbarrier.arrive $0xFFFF;
	s2 =	simm.s32 @!p0 $0x1C10  }
0x153: {  	[timem:s3], [sflag:s2] =	dma.local @!p0 [hbm:s0], s1  }
0x154: {  	s0 =	simm.s32 @!p0 $0x10  }
0x155: {  	_ =	swait.ge @!p0 [sflag:s0], s1  }
0x156: {  	s1 =	ssub.s32 @!p0 $0x0, s1;
	[sflag:s0] =	ssyncset.done @!p0 $0x0  }
0x157: {  	[sflag:s0] =	ssyncadd.s32 @!p0 s1  }
0x158: {  	[bflag:$0x3] =	sbarrier.arrive $0xFFFF  }
0x159: {  	_ =	shalt  }

</sc_bundles>
